<compile_context>
chip_gen: v7x
topology: tpu7x:2x2x1
jax: 0.10.2.dev20260603
libtpu: 0.0.44.dev20260713+nightly
codegen_flags: <defaults>
</compile_context>

<pallas_src>
import functools
import jax
import jax.numpy as jnp
from jax import lax
from jax.experimental import pallas as pl
from jax.experimental.pallas import tpu as pltpu
from jax.experimental.pallas import tpu_sc as plsc

_N = 10000
_E = 320000
_D = 128
_H = _D // 2

_NC = 2
_NS = 16
_NW = _NC * _NS
_CHUNK = 128
_EPW = 10240
_EPAD = _NW * _EPW
_NCHUNK = _EPW // _CHUNK
_TOTCH = _EPAD // _CHUNK
_CPS = _TOTCH // _NS
_NPAD = 10240
_RPT = _NPAD // _NS
_SRT = _N // _NS
_DEGW = 16

_R = 2000

_mesh = plsc.VectorSubcoreMesh(core_axis_name="c", subcore_axis_name="s")
_untiled = pltpu.CompilerParams(use_tc_tiling_on_sc=False)



def _deg_body(dst_hbm, ones_hbm, zero_hbm, out_hbm, dsts_v, ones_v, acc_sh, sem):
    c = lax.axis_index("c")
    s = lax.axis_index("s")
    wid = c * _NS + s
    pltpu.sync_copy(zero_hbm, acc_sh.at[pl.ds(s * _RPT, _RPT)])
    pltpu.sync_copy(ones_hbm, ones_v)
    pltpu.sync_copy(dst_hbm.at[wid], dsts_v)
    plsc.subcore_barrier()

    def body(j, carry):
        pltpu.sync_copy(ones_v, acc_sh.at[dsts_v.at[j]], add=True)
        return carry

    lax.fori_loop(0, _NCHUNK, body, 0)
    plsc.subcore_barrier()
    pltpu.sync_copy(acc_sh.at[pl.ds(s * _RPT, _RPT)],
                    out_hbm.at[c, pl.ds(s * _RPT, _RPT)])


_deg_call = functools.partial(
    pl.kernel,
    out_type=jax.ShapeDtypeStruct((_NC, _NPAD, _DEGW), jnp.float32),
    mesh=_mesh,
    scratch_types=[
        pltpu.VMEM((_NCHUNK, _CHUNK), jnp.int32),
        pltpu.VMEM((_CHUNK, _DEGW), jnp.float32),
        pltpu.VMEM_SHARED((_NPAD, _DEGW), jnp.float32),
        pltpu.SemaphoreType.DMA,
    ],
    compiler_params=_untiled,
)(_deg_body)


def _agg_body(zh_hbm, src_hbm, dst_hbm, zero_hbm, out_hbm,
              sd_a, sd_b, sd_c, sd_d, rows_a, rows_b, rows_c, rows_d,
              rep_sh, acc_sh,
              iA, iB, iC, iD, gA, gB, gC, gD, sA, sB, sC, sD):
    c = lax.axis_index("c")
    s = lax.axis_index("s")
    base = s * _CPS
    pltpu.sync_copy(zero_hbm, acc_sh.at[pl.ds(s * _RPT, _RPT)])
    pltpu.sync_copy(zh_hbm.at[c, pl.ds(s * _SRT, _SRT)],
                    rep_sh.at[pl.ds(s * _SRT, _SRT)])
    plsc.subcore_barrier()

    sds = (sd_a, sd_b, sd_c, sd_d)
    rows = (rows_a, rows_b, rows_c, rows_d)
    gsem = (gA, gB, gC, gD)
    isem = (iA, iB, iC, iD)
    ssem = (sA, sB, sC, sD)

    def idx_load(k, j):
        pltpu.async_copy(src_hbm.at[pl.ds(j * _CHUNK, _CHUNK)],
                         sds[k].at[0], isem[k])
        pltpu.async_copy(dst_hbm.at[pl.ds(j * _CHUNK, _CHUNK)],
                         sds[k].at[1], isem[k])

    def idx_wait(k):
        pltpu.make_async_copy(src_hbm.at[pl.ds(0, _CHUNK)],
                              sds[k].at[0], isem[k]).wait()
        pltpu.make_async_copy(src_hbm.at[pl.ds(0, _CHUNK)],
                              sds[k].at[1], isem[k]).wait()

    def gather(k):
        return pltpu.async_copy(rep_sh.at[sds[k].at[0]], rows[k], gsem[k])

    def gather_wait(k):
        pltpu.make_async_copy(rep_sh.at[sds[k].at[0]], rows[k],
                              gsem[k]).wait()

    def scat(k):
        return pltpu.async_copy(rows[k], acc_sh.at[sds[k].at[1]], ssem[k],
                                add=True)

    def scat_wait(k):
        pltpu.make_async_copy(rows[k], acc_sh.at[pl.ds(0, _CHUNK)],
                              ssem[k]).wait()

    for k in range(4):
        idx_load(k, base + k)
    for k in range(3):
        idx_wait(k)
        gather(k)

    def body(i, carry):
        j = 4 * i

        def nxt(k):
            return base + jnp.minimum(j + 4 + k, _CPS - 1)

        gather_wait(0); scat(0)
        idx_wait(3);    gather(3)
        gather_wait(1); scat(1)
        scat_wait(0);   idx_load(0, nxt(0))
        gather_wait(2); scat(2)
        scat_wait(1);   idx_load(1, nxt(1))
        gather_wait(3); scat(3)
        scat_wait(2);   idx_load(2, nxt(2))
        idx_wait(0);    gather(0)
        scat_wait(3);   idx_load(3, nxt(3))
        idx_wait(1);    gather(1)
        idx_wait(2);    gather(2)
        return carry

    lax.fori_loop(0, _CPS // 4, body, 0)
    gather_wait(0)
    gather_wait(1)
    gather_wait(2)
    idx_wait(3)
    plsc.subcore_barrier()
    pltpu.sync_copy(acc_sh.at[pl.ds(s * _RPT, _RPT)],
                    out_hbm.at[c, pl.ds(s * _RPT, _RPT)])


_agg_call = functools.partial(
    pl.kernel,
    out_type=jax.ShapeDtypeStruct((_NC, _NPAD, _H), jnp.float32),
    mesh=_mesh,
    scratch_types=(
        [pltpu.VMEM((2, _CHUNK), jnp.int32)] * 4
        + [pltpu.VMEM((_CHUNK, _H), jnp.float32)] * 4
        + [pltpu.VMEM_SHARED((_N, _H), jnp.float32)]
        + [pltpu.VMEM_SHARED((_NPAD, _H), jnp.float32)]
        + [pltpu.SemaphoreType.DMA] * 12
    ),
    compiler_params=_untiled,
)(_agg_body)



def _b0_body(deg_ref, x_ref, w_ref, dinv_ref, zh_ref):
    deg = jnp.sum(deg_ref[...], axis=(0, 2)) + 1.0
    dinv = lax.rsqrt(deg)
    dinv_ref[...] = dinv[:, None]
    z = dinv[:, None] * jnp.dot(
        x_ref[...], w_ref[...], preferred_element_type=jnp.float32)
    zh_ref[0] = z[:, :_H]
    zh_ref[1] = z[:, _H:]


_b0_call = pl.pallas_call(
    _b0_body,
    grid=(_N // _R,),
    in_specs=[
        pl.BlockSpec((_NC, _R, _DEGW), lambda i: (0, i, 0)),
        pl.BlockSpec((_R, _D), lambda i: (i, 0)),
        pl.BlockSpec((_D, _D), lambda i: (0, 0)),
    ],
    out_specs=[
        pl.BlockSpec((_R, 1), lambda i: (i, 0)),
        pl.BlockSpec((_NC, _R, _H), lambda i: (0, i, 0)),
    ],
    out_shape=[
        jax.ShapeDtypeStruct((_N, 1), jnp.float32),
        jax.ShapeDtypeStruct((_NC, _N, _H), jnp.float32),
    ],
)


def _mid_body(parts_ref, zh_ref, dinv_ref, b_ref, w_ref, out_ref):
    dinv = dinv_ref[...]
    acc = jnp.concatenate([parts_ref[0], parts_ref[1]], axis=1)
    zp = jnp.concatenate([zh_ref[0], zh_ref[1]], axis=1)
    y = dinv * (acc + zp) + b_ref[...]
    z = dinv * jnp.dot(y, w_ref[...], preferred_element_type=jnp.float32)
    out_ref[0] = z[:, :_H]
    out_ref[1] = z[:, _H:]


_mid_call = pl.pallas_call(
    _mid_body,
    grid=(_N // _R,),
    in_specs=[
        pl.BlockSpec((_NC, _R, _H), lambda i: (0, i, 0)),
        pl.BlockSpec((_NC, _R, _H), lambda i: (0, i, 0)),
        pl.BlockSpec((_R, 1), lambda i: (i, 0)),
        pl.BlockSpec((1, _D), lambda i: (0, 0)),
        pl.BlockSpec((_D, _D), lambda i: (0, 0)),
    ],
    out_specs=pl.BlockSpec((_NC, _R, _H), lambda i: (0, i, 0)),
    out_shape=jax.ShapeDtypeStruct((_NC, _N, _H), jnp.float32),
)


def _fin_body(parts_ref, zh_ref, dinv_ref, b_ref, out_ref):
    acc = jnp.concatenate([parts_ref[0], parts_ref[1]], axis=1)
    zp = jnp.concatenate([zh_ref[0], zh_ref[1]], axis=1)
    out_ref[...] = dinv_ref[...] * (acc + zp) + b_ref[...]


_fin_call = pl.pallas_call(
    _fin_body,
    grid=(_N // _R,),
    in_specs=[
        pl.BlockSpec((_NC, _R, _H), lambda i: (0, i, 0)),
        pl.BlockSpec((_NC, _R, _H), lambda i: (0, i, 0)),
        pl.BlockSpec((_R, 1), lambda i: (i, 0)),
        pl.BlockSpec((1, _D), lambda i: (0, 0)),
    ],
    out_specs=pl.BlockSpec((_R, _D), lambda i: (i, 0)),
    out_shape=jax.ShapeDtypeStruct((_N, _D), jnp.float32),
)



def kernel(x, edge_index, W1, b1, W2, b2, W3, b3):
    pad = _EPAD - _E
    src = jnp.concatenate(
        [edge_index[0].astype(jnp.int32), jnp.zeros((pad,), jnp.int32)])
    trash = _N + (jnp.arange(pad, dtype=jnp.int32) % (_NPAD - _N))
    dst = jnp.concatenate([edge_index[1].astype(jnp.int32), trash])

    ones_deg = jnp.full((_CHUNK, _DEGW), 1.0 / _DEGW, jnp.float32)
    zero_deg = jnp.zeros((_RPT, _DEGW), jnp.float32)
    zero_acc = jnp.zeros((_RPT, _H), jnp.float32)

    deg_parts = _deg_call(dst.reshape(_NW, _NCHUNK, _CHUNK), ones_deg, zero_deg)
    dinv, z1 = _b0_call(deg_parts, x, W1)
    p1 = _agg_call(z1, src, dst, zero_acc)
    z2 = _mid_call(p1, z1, dinv, b1.reshape(1, _D), W2)
    p2 = _agg_call(z2, src, dst, zero_acc)
    z3 = _mid_call(p2, z2, dinv, b2.reshape(1, _D), W3)
    p3 = _agg_call(z3, src, dst, zero_acc)
    return _fin_call(p3, z3, dinv, b3.reshape(1, _D))

# --- scband reference (transcript-rebuilt; emitter-appended) ---
"""Pipeline reference for scband-g-res-net-47313359733009 (READ-ONLY COPY).

The authoritative reference and input builder live on the scoring server;
editing this copy changes nothing except your own understanding.
"""

import jax, jax.numpy as jnp
import numpy as np

N = 10000
E = 320000
D = 128


def setup_inputs(seed: int = 0) -> dict:
    key = jax.random.key(seed)
    ks = jax.random.split(key, 8)
    x = jax.random.normal(ks[0], (N, D), dtype=jnp.float32)
    edge_index = jax.random.randint(ks[1], (2, E), 0, N)
    s = 1.0 / np.sqrt(D)
    W1 = jax.random.uniform(ks[2], (D, D), dtype=jnp.float32, minval=-s, maxval=s)
    b1 = jnp.zeros((D,), dtype=jnp.float32)
    W2 = jax.random.uniform(ks[3], (D, D), dtype=jnp.float32, minval=-s, maxval=s)
    b2 = jnp.zeros((D,), dtype=jnp.float32)
    W3 = jax.random.uniform(ks[4], (D, D), dtype=jnp.float32, minval=-s, maxval=s)
    b3 = jnp.zeros((D,), dtype=jnp.float32)
    return {"x": x, "edge_index": edge_index, "W1": W1, "b1": b1, "W2": W2, "b2": b2, "W3": W3, "b3": b3}


def _gcn_conv(h, src, dst, W, b):
    # GCNConv with added self-loops and symmetric normalization:
    # out = D^{-1/2} (A + I) D^{-1/2} (h @ W) + b
    deg = jax.ops.segment_sum(jnp.ones_like(src, dtype=h.dtype), dst, num_segments=N)
    dinv = jnp.where(deg > 0, 1.0 / jnp.sqrt(deg), 0.0)
    norm = dinv[src] * dinv[dst]
    hw = h @ W
    msg = hw[src] * norm[:, None]
    out = jax.ops.segment_sum(msg, dst, num_segments=N)
    return out + b


def reference(x, edge_index, W1, b1, W2, b2, W3, b3):
    # G_ResNet with empty adjacency dict: purely sequential GCNConv layers
    loop = jnp.arange(N)
    src = jnp.concatenate([edge_index[0], loop])
    dst = jnp.concatenate([edge_index[1], loop])
    y = x
    y = _gcn_conv(y, src, dst, W1, b1)
    y = _gcn_conv(y, src, dst, W2, b2)
    y = _gcn_conv(y, src, dst, W3, b3)
    return y

if __name__ == "__main__":
    import jax
    _d = setup_inputs()
    print(jax.jit(kernel)(*tuple(_d.values())))

</pallas_src>

<mosaic_0001>
#map = affine_map<(d0, d1) -> (0, 0, 0)>
#map1 = affine_map<(d0, d1) -> (0)>
#map2 = affine_map<(d0, d1) -> (0, 0)>
module attributes {stable_mosaic.version = 14 : i64} {
  func.func @_agg_body(%arg0: i32, %arg1: i32, %arg2: memref<2x10000x64xf32, #tpu.memory_space<hbm>>, %arg3: memref<327680xi32, #tpu.memory_space<hbm>>, %arg4: memref<327680xi32, #tpu.memory_space<hbm>>, %arg5: memref<640x64xf32, #tpu.memory_space<hbm>>, %arg6: memref<2x10240x64xf32, #tpu.memory_space<hbm>>, %arg7: memref<2x128xi32, #tpu.memory_space<vmem>>, %arg8: memref<2x128xi32, #tpu.memory_space<vmem>>, %arg9: memref<2x128xi32, #tpu.memory_space<vmem>>, %arg10: memref<2x128xi32, #tpu.memory_space<vmem>>, %arg11: memref<128x64xf32, #tpu.memory_space<vmem>>, %arg12: memref<128x64xf32, #tpu.memory_space<vmem>>, %arg13: memref<128x64xf32, #tpu.memory_space<vmem>>, %arg14: memref<128x64xf32, #tpu.memory_space<vmem>>, %arg15: memref<10000x64xf32, #tpu.memory_space<vmem_shared>>, %arg16: memref<10240x64xf32, #tpu.memory_space<vmem_shared>>, %arg17: memref<!tpu.dma_semaphore, #tpu.memory_space<semaphore_mem>>, %arg18: memref<!tpu.dma_semaphore, #tpu.memory_space<semaphore_mem>>, %arg19: memref<!tpu.dma_semaphore, #tpu.memory_space<semaphore_mem>>, %arg20: memref<!tpu.dma_semaphore, #tpu.memory_space<semaphore_mem>>, %arg21: memref<!tpu.dma_semaphore, #tpu.memory_space<semaphore_mem>>, %arg22: memref<!tpu.dma_semaphore, #tpu.memory_space<semaphore_mem>>, %arg23: memref<!tpu.dma_semaphore, #tpu.memory_space<semaphore_mem>>, %arg24: memref<!tpu.dma_semaphore, #tpu.memory_space<semaphore_mem>>, %arg25: memref<!tpu.dma_semaphore, #tpu.memory_space<semaphore_mem>>, %arg26: memref<!tpu.dma_semaphore, #tpu.memory_space<semaphore_mem>>, %arg27: memref<!tpu.dma_semaphore, #tpu.memory_space<semaphore_mem>>, %arg28: memref<!tpu.dma_semaphore, #tpu.memory_space<semaphore_mem>>) attributes {dimension_semantics = [#tpu.dimension_semantics<core_parallel>, #tpu.dimension_semantics<subcore_parallel>], iteration_bounds = array<i64: 2, 16>, scalar_prefetch = 0 : i64, scratch_operands = 22 : i64, tpu.core_type = #tpu.core_type<sc_vector_subcore>, window_params = [{transform_indices = #map}, {transform_indices = #map1}, {transform_indices = #map1}, {transform_indices = #map2}, {transform_indices = #map}]} {
    %mul3A = arith.constant 160 : i32
    %mul3A_0 = arith.muli %arg1, %mul3A : i32
    %mul3A_1 = arith.constant 640 : i32
    %mul3A_2 = arith.muli %arg1, %mul3A_1 : i32
    "tpu.region"() ({
      %run_scoped3A = tpu.sem_alloc : memref<!tpu.dma_semaphore, #tpu.memory_space<semaphore_mem>>
      %dma_start3A_240 = arith.constant 0 : i32
      %dma_start3A_241 = tpu.memref_slice %arg16[%mul3A_2, %dma_start3A_240] : memref<10240x64xf32, #tpu.memory_space<vmem_shared>> -> memref<640x64xf32, #tpu.memory_space<vmem_shared>>
      tpu.enqueue_dma source(%arg5 : memref<640x64xf32, #tpu.memory_space<hbm>>) target(%dma_start3A_241 : memref<640x64xf32, #tpu.memory_space<vmem_shared>>) target_semaphore(%run_scoped3A : memref<!tpu.dma_semaphore, #tpu.memory_space<semaphore_mem>>)
      %dma_wait3A_242 = arith.constant 0 : i32
      %dma_wait3A_243 = tpu.memref_slice %arg16[%mul3A_2, %dma_wait3A_242] : memref<10240x64xf32, #tpu.memory_space<vmem_shared>> -> memref<640x64xf32, #tpu.memory_space<vmem_shared>>
      tpu.wait_dma2 semaphore(%run_scoped3A : memref<!tpu.dma_semaphore, #tpu.memory_space<semaphore_mem>>) src(%arg5 : memref<640x64xf32, #tpu.memory_space<hbm>>) dst(%dma_wait3A_243 : memref<640x64xf32, #tpu.memory_space<vmem_shared>>)
      tpu.yield
    }) : () -> ()
    %mul3A_3 = arith.constant 625 : i32
    %mul3A_4 = arith.muli %arg1, %mul3A_3 : i32
    %mul3A_5 = arith.constant 625 : i32
    %mul3A_6 = arith.muli %arg1, %mul3A_5 : i32
    "tpu.region"() ({
      %run_scoped3A = tpu.sem_alloc : memref<!tpu.dma_semaphore, #tpu.memory_space<semaphore_mem>>
      %dma_start3A_240 = arith.constant 0 : i32
      %dma_start3A_241 = tpu.memref_slice %arg15[%mul3A_6, %dma_start3A_240] : memref<10000x64xf32, #tpu.memory_space<vmem_shared>> -> memref<625x64xf32, #tpu.memory_space<vmem_shared>>
      %dma_start3A_242 = arith.constant 0 : i32
      %dma_start3A_243 = tpu.memref_slice %arg2[%arg0, %mul3A_4, %dma_start3A_242] : memref<2x10000x64xf32, #tpu.memory_space<hbm>> -> memref<1x625x64xf32, #tpu.memory_space<hbm>>
      %dma_start3A_244 = tpu.memref_squeeze %dma_start3A_243 : memref<1x625x64xf32, #tpu.memory_space<hbm>> -> memref<625x64xf32, #tpu.memory_space<hbm>>
      tpu.enqueue_dma source(%dma_start3A_244 : memref<625x64xf32, #tpu.memory_space<hbm>>) target(%dma_start3A_241 : memref<625x64xf32, #tpu.memory_space<vmem_shared>>) target_semaphore(%run_scoped3A : memref<!tpu.dma_semaphore, #tpu.memory_space<semaphore_mem>>)
      %dma_wait3A_245 = arith.constant 0 : i32
      %dma_wait3A_246 = tpu.memref_slice %arg15[%mul3A_6, %dma_wait3A_245] : memref<10000x64xf32, #tpu.memory_space<vmem_shared>> -> memref<625x64xf32, #tpu.memory_space<vmem_shared>>
      %dma_wait3A_247 = arith.constant 0 : i32
      %dma_wait3A_248 = tpu.memref_slice %arg2[%arg0, %mul3A_4, %dma_wait3A_247] : memref<2x10000x64xf32, #tpu.memory_space<hbm>> -> memref<1x625x64xf32, #tpu.memory_space<hbm>>
      %dma_wait3A_249 = tpu.memref_squeeze %dma_wait3A_248 : memref<1x625x64xf32, #tpu.memory_space<hbm>> -> memref<625x64xf32, #tpu.memory_space<hbm>>
      tpu.wait_dma2 semaphore(%run_scoped3A : memref<!tpu.dma_semaphore, #tpu.memory_space<semaphore_mem>>) src(%dma_wait3A_249 : memref<625x64xf32, #tpu.memory_space<hbm>>) dst(%dma_wait3A_246 : memref<625x64xf32, #tpu.memory_space<vmem_shared>>)
      tpu.yield
    }) : () -> ()
    %barrier3A = arith.constant 0 : index
    tpu.barrier barrier_id(%barrier3A)
    %add3A = arith.constant 0 : i32
    %add3A_7 = arith.addi %mul3A_0, %add3A : i32
    %mul3A_8 = arith.constant 128 : i32
    %mul3A_9 = arith.muli %add3A_7, %mul3A_8 : i32
    %dma_start3A = arith.constant 0 : i32
    %dma_start3A_10 = arith.constant 0 : i32
    %dma_start3A_11 = tpu.memref_slice %arg7[%dma_start3A, %dma_start3A_10] : memref<2x128xi32, #tpu.memory_space<vmem>> -> memref<1x128xi32, #tpu.memory_space<vmem>>
    %dma_start3A_12 = tpu.memref_squeeze %dma_start3A_11 : memref<1x128xi32, #tpu.memory_space<vmem>> -> memref<128xi32, #tpu.memory_space<vmem>>
    %dma_start3A_13 = tpu.memref_slice %arg3[%mul3A_9] : memref<327680xi32, #tpu.memory_space<hbm>> -> memref<128xi32, #tpu.memory_space<hbm>>
    %dma_start3A_14 = arith.constant 0 : i32
    %dma_start3A_15 = tpu.memref_slice %arg7[%dma_start3A, %dma_start3A_14] : memref<2x128xi32, #tpu.memory_space<vmem>> -> memref<1x128xi32, #tpu.memory_space<vmem>>
    %dma_start3A_16 = tpu.memref_squeeze %dma_start3A_15 : memref<1x128xi32, #tpu.memory_space<vmem>> -> memref<128xi32, #tpu.memory_space<vmem>>
    %dma_start3A_17 = tpu.memref_slice %arg3[%mul3A_9] : memref<327680xi32, #tpu.memory_space<hbm>> -> memref<128xi32, #tpu.memory_space<hbm>>
    tpu.enqueue_dma source(%dma_start3A_17 : memref<128xi32, #tpu.memory_space<hbm>>) target(%dma_start3A_16 : memref<128xi32, #tpu.memory_space<vmem>>) target_semaphore(%arg17 : memref<!tpu.dma_semaphore, #tpu.memory_space<semaphore_mem>>)
    %mul3A_18 = arith.constant 128 : i32
    %mul3A_19 = arith.muli %add3A_7, %mul3A_18 : i32
    %dma_start3A_20 = arith.constant 1 : i32
    %dma_start3A_21 = arith.constant 0 : i32
    %dma_start3A_22 = tpu.memref_slice %arg7[%dma_start3A_20, %dma_start3A_21] : memref<2x128xi32, #tpu.memory_space<vmem>> -> memref<1x128xi32, #tpu.memory_space<vmem>>
    %dma_start3A_23 = tpu.memref_squeeze %dma_start3A_22 : memref<1x128xi32, #tpu.memory_space<vmem>> -> memref<128xi32, #tpu.memory_space<vmem>>
    %dma_start3A_24 = tpu.memref_slice %arg4[%mul3A_19] : memref<327680xi32, #tpu.memory_space<hbm>> -> memref<128xi32, #tpu.memory_space<hbm>>
    %dma_start3A_25 = arith.constant 0 : i32
    %dma_start3A_26 = tpu.memref_slice %arg7[%dma_start3A_20, %dma_start3A_25] : memref<2x128xi32, #tpu.memory_space<vmem>> -> memref<1x128xi32, #tpu.memory_space<vmem>>
    %dma_start3A_27 = tpu.memref_squeeze %dma_start3A_26 : memref<1x128xi32, #tpu.memory_space<vmem>> -> memref<128xi32, #tpu.memory_space<vmem>>
    %dma_start3A_28 = tpu.memref_slice %arg4[%mul3A_19] : memref<327680xi32, #tpu.memory_space<hbm>> -> memref<128xi32, #tpu.memory_space<hbm>>
    tpu.enqueue_dma source(%dma_start3A_28 : memref<128xi32, #tpu.memory_space<hbm>>) target(%dma_start3A_27 : memref<128xi32, #tpu.memory_space<vmem>>) target_semaphore(%arg17 : memref<!tpu.dma_semaphore, #tpu.memory_space<semaphore_mem>>)
    %add3A_29 = arith.constant 1 : i32
    %add3A_30 = arith.addi %mul3A_0, %add3A_29 : i32
    %mul3A_31 = arith.constant 128 : i32
    %mul3A_32 = arith.muli %add3A_30, %mul3A_31 : i32
    %dma_start3A_33 = arith.constant 0 : i32
    %dma_start3A_34 = arith.constant 0 : i32
    %dma_start3A_35 = tpu.memref_slice %arg8[%dma_start3A_33, %dma_start3A_34] : memref<2x128xi32, #tpu.memory_space<vmem>> -> memref<1x128xi32, #tpu.memory_space<vmem>>
    %dma_start3A_36 = tpu.memref_squeeze %dma_start3A_35 : memref<1x128xi32, #tpu.memory_space<vmem>> -> memref<128xi32, #tpu.memory_space<vmem>>
    %dma_start3A_37 = tpu.memref_slice %arg3[%mul3A_32] : memref<327680xi32, #tpu.memory_space<hbm>> -> memref<128xi32, #tpu.memory_space<hbm>>
    %dma_start3A_38 = arith.constant 0 : i32
    %dma_start3A_39 = tpu.memref_slice %arg8[%dma_start3A_33, %dma_start3A_38] : memref<2x128xi32, #tpu.memory_space<vmem>> -> memref<1x128xi32, #tpu.memory_space<vmem>>
    %dma_start3A_40 = tpu.memref_squeeze %dma_start3A_39 : memref<1x128xi32, #tpu.memory_space<vmem>> -> memref<128xi32, #tpu.memory_space<vmem>>
    %dma_start3A_41 = tpu.memref_slice %arg3[%mul3A_32] : memref<327680xi32, #tpu.memory_space<hbm>> -> memref<128xi32, #tpu.memory_space<hbm>>
    tpu.enqueue_dma source(%dma_start3A_41 : memref<128xi32, #tpu.memory_space<hbm>>) target(%dma_start3A_40 : memref<128xi32, #tpu.memory_space<vmem>>) target_semaphore(%arg18 : memref<!tpu.dma_semaphore, #tpu.memory_space<semaphore_mem>>)
    %mul3A_42 = arith.constant 128 : i32
    %mul3A_43 = arith.muli %add3A_30, %mul3A_42 : i32
    %dma_start3A_44 = arith.constant 1 : i32
    %dma_start3A_45 = arith.constant 0 : i32
    %dma_start3A_46 = tpu.memref_slice %arg8[%dma_start3A_44, %dma_start3A_45] : memref<2x128xi32, #tpu.memory_space<vmem>> -> memref<1x128xi32, #tpu.memory_space<vmem>>
    %dma_start3A_47 = tpu.memref_squeeze %dma_start3A_46 : memref<1x128xi32, #tpu.memory_space<vmem>> -> memref<128xi32, #tpu.memory_space<vmem>>
    %dma_start3A_48 = tpu.memref_slice %arg4[%mul3A_43] : memref<327680xi32, #tpu.memory_space<hbm>> -> memref<128xi32, #tpu.memory_space<hbm>>
    %dma_start3A_49 = arith.constant 0 : i32
    %dma_start3A_50 = tpu.memref_slice %arg8[%dma_start3A_44, %dma_start3A_49] : memref<2x128xi32, #tpu.memory_space<vmem>> -> memref<1x128xi32, #tpu.memory_space<vmem>>
    %dma_start3A_51 = tpu.memref_squeeze %dma_start3A_50 : memref<1x128xi32, #tpu.memory_space<vmem>> -> memref<128xi32, #tpu.memory_space<vmem>>
    %dma_start3A_52 = tpu.memref_slice %arg4[%mul3A_43] : memref<327680xi32, #tpu.memory_space<hbm>> -> memref<128xi32, #tpu.memory_space<hbm>>
    tpu.enqueue_dma source(%dma_start3A_52 : memref<128xi32, #tpu.memory_space<hbm>>) target(%dma_start3A_51 : memref<128xi32, #tpu.memory_space<vmem>>) target_semaphore(%arg18 : memref<!tpu.dma_semaphore, #tpu.memory_space<semaphore_mem>>)
    %add3A_53 = arith.constant 2 : i32
    %add3A_54 = arith.addi %mul3A_0, %add3A_53 : i32
    %mul3A_55 = arith.constant 128 : i32
    %mul3A_56 = arith.muli %add3A_54, %mul3A_55 : i32
    %dma_start3A_57 = arith.constant 0 : i32
    %dma_start3A_58 = arith.constant 0 : i32
    %dma_start3A_59 = tpu.memref_slice %arg9[%dma_start3A_57, %dma_start3A_58] : memref<2x128xi32, #tpu.memory_space<vmem>> -> memref<1x128xi32, #tpu.memory_space<vmem>>
    %dma_start3A_60 = tpu.memref_squeeze %dma_start3A_59 : memref<1x128xi32, #tpu.memory_space<vmem>> -> memref<128xi32, #tpu.memory_space<vmem>>
    %dma_start3A_61 = tpu.memref_slice %arg3[%mul3A_56] : memref<327680xi32, #tpu.memory_space<hbm>> -> memref<128xi32, #tpu.memory_space<hbm>>
    %dma_start3A_62 = arith.constant 0 : i32
    %dma_start3A_63 = tpu.memref_slice %arg9[%dma_start3A_57, %dma_start3A_62] : memref<2x128xi32, #tpu.memory_space<vmem>> -> memref<1x128xi32, #tpu.memory_space<vmem>>
    %dma_start3A_64 = tpu.memref_squeeze %dma_start3A_63 : memref<1x128xi32, #tpu.memory_space<vmem>> -> memref<128xi32, #tpu.memory_space<vmem>>
    %dma_start3A_65 = tpu.memref_slice %arg3[%mul3A_56] : memref<327680xi32, #tpu.memory_space<hbm>> -> memref<128xi32, #tpu.memory_space<hbm>>
    tpu.enqueue_dma source(%dma_start3A_65 : memref<128xi32, #tpu.memory_space<hbm>>) target(%dma_start3A_64 : memref<128xi32, #tpu.memory_space<vmem>>) target_semaphore(%arg19 : memref<!tpu.dma_semaphore, #tpu.memory_space<semaphore_mem>>)
    %mul3A_66 = arith.constant 128 : i32
    %mul3A_67 = arith.muli %add3A_54, %mul3A_66 : i32
    %dma_start3A_68 = arith.constant 1 : i32
    %dma_start3A_69 = arith.constant 0 : i32
    %dma_start3A_70 = tpu.memref_slice %arg9[%dma_start3A_68, %dma_start3A_69] : memref<2x128xi32, #tpu.memory_space<vmem>> -> memref<1x128xi32, #tpu.memory_space<vmem>>
    %dma_start3A_71 = tpu.memref_squeeze %dma_start3A_70 : memref<1x128xi32, #tpu.memory_space<vmem>> -> memref<128xi32, #tpu.memory_space<vmem>>
    %dma_start3A_72 = tpu.memref_slice %arg4[%mul3A_67] : memref<327680xi32, #tpu.memory_space<hbm>> -> memref<128xi32, #tpu.memory_space<hbm>>
    %dma_start3A_73 = arith.constant 0 : i32
    %dma_start3A_74 = tpu.memref_slice %arg9[%dma_start3A_68, %dma_start3A_73] : memref<2x128xi32, #tpu.memory_space<vmem>> -> memref<1x128xi32, #tpu.memory_space<vmem>>
    %dma_start3A_75 = tpu.memref_squeeze %dma_start3A_74 : memref<1x128xi32, #tpu.memory_space<vmem>> -> memref<128xi32, #tpu.memory_space<vmem>>
    %dma_start3A_76 = tpu.memref_slice %arg4[%mul3A_67] : memref<327680xi32, #tpu.memory_space<hbm>> -> memref<128xi32, #tpu.memory_space<hbm>>
    tpu.enqueue_dma source(%dma_start3A_76 : memref<128xi32, #tpu.memory_space<hbm>>) target(%dma_start3A_75 : memref<128xi32, #tpu.memory_space<vmem>>) target_semaphore(%arg19 : memref<!tpu.dma_semaphore, #tpu.memory_space<semaphore_mem>>)
    %add3A_77 = arith.constant 3 : i32
    %add3A_78 = arith.addi %mul3A_0, %add3A_77 : i32
    %mul3A_79 = arith.constant 128 : i32
    %mul3A_80 = arith.muli %add3A_78, %mul3A_79 : i32
    %dma_start3A_81 = arith.constant 0 : i32
    %dma_start3A_82 = arith.constant 0 : i32
    %dma_start3A_83 = tpu.memref_slice %arg10[%dma_start3A_81, %dma_start3A_82] : memref<2x128xi32, #tpu.memory_space<vmem>> -> memref<1x128xi32, #tpu.memory_space<vmem>>
    %dma_start3A_84 = tpu.memref_squeeze %dma_start3A_83 : memref<1x128xi32, #tpu.memory_space<vmem>> -> memref<128xi32, #tpu.memory_space<vmem>>
    %dma_start3A_85 = tpu.memref_slice %arg3[%mul3A_80] : memref<327680xi32, #tpu.memory_space<hbm>> -> memref<128xi32, #tpu.memory_space<hbm>>
    %dma_start3A_86 = arith.constant 0 : i32
    %dma_start3A_87 = tpu.memref_slice %arg10[%dma_start3A_81, %dma_start3A_86] : memref<2x128xi32, #tpu.memory_space<vmem>> -> memref<1x128xi32, #tpu.memory_space<vmem>>
    %dma_start3A_88 = tpu.memref_squeeze %dma_start3A_87 : memref<1x128xi32, #tpu.memory_space<vmem>> -> memref<128xi32, #tpu.memory_space<vmem>>
    %dma_start3A_89 = tpu.memref_slice %arg3[%mul3A_80] : memref<327680xi32, #tpu.memory_space<hbm>> -> memref<128xi32, #tpu.memory_space<hbm>>
    tpu.enqueue_dma source(%dma_start3A_89 : memref<128xi32, #tpu.memory_space<hbm>>) target(%dma_start3A_88 : memref<128xi32, #tpu.memory_space<vmem>>) target_semaphore(%arg20 : memref<!tpu.dma_semaphore, #tpu.memory_space<semaphore_mem>>)
    %mul3A_90 = arith.constant 128 : i32
    %mul3A_91 = arith.muli %add3A_78, %mul3A_90 : i32
    %dma_start3A_92 = arith.constant 1 : i32
    %dma_start3A_93 = arith.constant 0 : i32
    %dma_start3A_94 = tpu.memref_slice %arg10[%dma_start3A_92, %dma_start3A_93] : memref<2x128xi32, #tpu.memory_space<vmem>> -> memref<1x128xi32, #tpu.memory_space<vmem>>
    %dma_start3A_95 = tpu.memref_squeeze %dma_start3A_94 : memref<1x128xi32, #tpu.memory_space<vmem>> -> memref<128xi32, #tpu.memory_space<vmem>>
    %dma_start3A_96 = tpu.memref_slice %arg4[%mul3A_91] : memref<327680xi32, #tpu.memory_space<hbm>> -> memref<128xi32, #tpu.memory_space<hbm>>
    %dma_start3A_97 = arith.constant 0 : i32
    %dma_start3A_98 = tpu.memref_slice %arg10[%dma_start3A_92, %dma_start3A_97] : memref<2x128xi32, #tpu.memory_space<vmem>> -> memref<1x128xi32, #tpu.memory_space<vmem>>
    %dma_start3A_99 = tpu.memref_squeeze %dma_start3A_98 : memref<1x128xi32, #tpu.memory_space<vmem>> -> memref<128xi32, #tpu.memory_space<vmem>>
    %dma_start3A_100 = tpu.memref_slice %arg4[%mul3A_91] : memref<327680xi32, #tpu.memory_space<hbm>> -> memref<128xi32, #tpu.memory_space<hbm>>
    tpu.enqueue_dma source(%dma_start3A_100 : memref<128xi32, #tpu.memory_space<hbm>>) target(%dma_start3A_99 : memref<128xi32, #tpu.memory_space<vmem>>) target_semaphore(%arg20 : memref<!tpu.dma_semaphore, #tpu.memory_space<semaphore_mem>>)
    %dma_wait3A = arith.constant 0 : i32
    %dma_wait3A_101 = arith.constant 0 : i32
    %dma_wait3A_102 = tpu.memref_slice %arg7[%dma_wait3A, %dma_wait3A_101] : memref<2x128xi32, #tpu.memory_space<vmem>> -> memref<1x128xi32, #tpu.memory_space<vmem>>
    %dma_wait3A_103 = tpu.memref_squeeze %dma_wait3A_102 : memref<1x128xi32, #tpu.memory_space<vmem>> -> memref<128xi32, #tpu.memory_space<vmem>>
    %dma_wait3A_104 = arith.constant 0 : i32
    %dma_wait3A_105 = tpu.memref_slice %arg3[%dma_wait3A_104] : memref<327680xi32, #tpu.memory_space<hbm>> -> memref<128xi32, #tpu.memory_space<hbm>>
    %dma_wait3A_106 = arith.constant 0 : i32
    %dma_wait3A_107 = tpu.memref_slice %arg7[%dma_wait3A, %dma_wait3A_106] : memref<2x128xi32, #tpu.memory_space<vmem>> -> memref<1x128xi32, #tpu.memory_space<vmem>>
    %dma_wait3A_108 = tpu.memref_squeeze %dma_wait3A_107 : memref<1x128xi32, #tpu.memory_space<vmem>> -> memref<128xi32, #tpu.memory_space<vmem>>
    %dma_wait3A_109 = arith.constant 0 : i32
    %dma_wait3A_110 = tpu.memref_slice %arg3[%dma_wait3A_109] : memref<327680xi32, #tpu.memory_space<hbm>> -> memref<128xi32, #tpu.memory_space<hbm>>
    tpu.wait_dma2 semaphore(%arg17 : memref<!tpu.dma_semaphore, #tpu.memory_space<semaphore_mem>>) src(%dma_wait3A_110 : memref<128xi32, #tpu.memory_space<hbm>>) dst(%dma_wait3A_108 : memref<128xi32, #tpu.memory_space<vmem>>)
    %dma_wait3A_111 = arith.constant 1 : i32
    %dma_wait3A_112 = arith.constant 0 : i32
    %dma_wait3A_113 = tpu.memref_slice %arg7[%dma_wait3A_111, %dma_wait3A_112] : memref<2x128xi32, #tpu.memory_space<vmem>> -> memref<1x128xi32, #tpu.memory_space<vmem>>
    %dma_wait3A_114 = tpu.memref_squeeze %dma_wait3A_113 : memref<1x128xi32, #tpu.memory_space<vmem>> -> memref<128xi32, #tpu.memory_space<vmem>>
    %dma_wait3A_115 = arith.constant 0 : i32
    %dma_wait3A_116 = tpu.memref_slice %arg3[%dma_wait3A_115] : memref<327680xi32, #tpu.memory_space<hbm>> -> memref<128xi32, #tpu.memory_space<hbm>>
    %dma_wait3A_117 = arith.constant 0 : i32
    %dma_wait3A_118 = tpu.memref_slice %arg7[%dma_wait3A_111, %dma_wait3A_117] : memref<2x128xi32, #tpu.memory_space<vmem>> -> memref<1x128xi32, #tpu.memory_space<vmem>>
    %dma_wait3A_119 = tpu.memref_squeeze %dma_wait3A_118 : memref<1x128xi32, #tpu.memory_space<vmem>> -> memref<128xi32, #tpu.memory_space<vmem>>
    %dma_wait3A_120 = arith.constant 0 : i32
    %dma_wait3A_121 = tpu.memref_slice %arg3[%dma_wait3A_120] : memref<327680xi32, #tpu.memory_space<hbm>> -> memref<128xi32, #tpu.memory_space<hbm>>
    tpu.wait_dma2 semaphore(%arg17 : memref<!tpu.dma_semaphore, #tpu.memory_space<semaphore_mem>>) src(%dma_wait3A_121 : memref<128xi32, #tpu.memory_space<hbm>>) dst(%dma_wait3A_119 : memref<128xi32, #tpu.memory_space<vmem>>)
    %dma_start3A_122 = arith.constant 0 : i32
    %dma_start3A_123 = arith.constant 0 : i32
    %dma_start3A_124 = tpu.memref_slice %arg7[%dma_start3A_122, %dma_start3A_123] : memref<2x128xi32, #tpu.memory_space<vmem>> -> memref<1x128xi32, #tpu.memory_space<vmem>>
    %dma_start3A_125 = tpu.memref_squeeze %dma_start3A_124 : memref<1x128xi32, #tpu.memory_space<vmem>> -> memref<128xi32, #tpu.memory_space<vmem>>
    %dma_start3A_126 = arith.constant 0 : i32
    %dma_start3A_127 = arith.constant 0 : i32
    %dma_start3A_128 = tpu.memref_slice %arg15[%dma_start3A_126, %dma_start3A_127] : memref<10000x64xf32, #tpu.memory_space<vmem_shared>> -> memref<10000x64xf32, #tpu.memory_space<vmem_shared>>
    tpu.enqueue_indirect_dma source(%dma_start3A_128 : memref<10000x64xf32, #tpu.memory_space<vmem_shared>>) target(%arg11 : memref<128x64xf32, #tpu.memory_space<vmem>>) offsets(%dma_start3A_125 : memref<128xi32, #tpu.memory_space<vmem>>) semaphore(%arg21 : memref<!tpu.dma_semaphore, #tpu.memory_space<semaphore_mem>>)
    %dma_wait3A_129 = arith.constant 0 : i32
    %dma_wait3A_130 = arith.constant 0 : i32
    %dma_wait3A_131 = tpu.memref_slice %arg8[%dma_wait3A_129, %dma_wait3A_130] : memref<2x128xi32, #tpu.memory_space<vmem>> -> memref<1x128xi32, #tpu.memory_space<vmem>>
    %dma_wait3A_132 = tpu.memref_squeeze %dma_wait3A_131 : memref<1x128xi32, #tpu.memory_space<vmem>> -> memref<128xi32, #tpu.memory_space<vmem>>
    %dma_wait3A_133 = arith.constant 0 : i32
    %dma_wait3A_134 = tpu.memref_slice %arg3[%dma_wait3A_133] : memref<327680xi32, #tpu.memory_space<hbm>> -> memref<128xi32, #tpu.memory_space<hbm>>
    %dma_wait3A_135 = arith.constant 0 : i32
    %dma_wait3A_136 = tpu.memref_slice %arg8[%dma_wait3A_129, %dma_wait3A_135] : memref<2x128xi32, #tpu.memory_space<vmem>> -> memref<1x128xi32, #tpu.memory_space<vmem>>
    %dma_wait3A_137 = tpu.memref_squeeze %dma_wait3A_136 : memref<1x128xi32, #tpu.memory_space<vmem>> -> memref<128xi32, #tpu.memory_space<vmem>>
    %dma_wait3A_138 = arith.constant 0 : i32
    %dma_wait3A_139 = tpu.memref_slice %arg3[%dma_wait3A_138] : memref<327680xi32, #tpu.memory_space<hbm>> -> memref<128xi32, #tpu.memory_space<hbm>>
    tpu.wait_dma2 semaphore(%arg18 : memref<!tpu.dma_semaphore, #tpu.memory_space<semaphore_mem>>) src(%dma_wait3A_139 : memref<128xi32, #tpu.memory_space<hbm>>) dst(%dma_wait3A_137 : memref<128xi32, #tpu.memory_space<vmem>>)
    %dma_wait3A_140 = arith.constant 1 : i32
    %dma_wait3A_141 = arith.constant 0 : i32
    %dma_wait3A_142 = tpu.memref_slice %arg8[%dma_wait3A_140, %dma_wait3A_141] : memref<2x128xi32, #tpu.memory_space<vmem>> -> memref<1x128xi32, #tpu.memory_space<vmem>>
    %dma_wait3A_143 = tpu.memref_squeeze %dma_wait3A_142 : memref<1x128xi32, #tpu.memory_space<vmem>> -> memref<128xi32, #tpu.memory_space<vmem>>
    %dma_wait3A_144 = arith.constant 0 : i32
    %dma_wait3A_145 = tpu.memref_slice %arg3[%dma_wait3A_144] : memref<327680xi32, #tpu.memory_space<hbm>> -> memref<128xi32, #tpu.memory_space<hbm>>
    %dma_wait3A_146 = arith.constant 0 : i32
    %dma_wait3A_147 = tpu.memref_slice %arg8[%dma_wait3A_140, %dma_wait3A_146] : memref<2x128xi32, #tpu.memory_space<vmem>> -> memref<1x128xi32, #tpu.memory_space<vmem>>
    %dma_wait3A_148 = tpu.memref_squeeze %dma_wait3A_147 : memref<1x128xi32, #tpu.memory_space<vmem>> -> memref<128xi32, #tpu.memory_space<vmem>>
    %dma_wait3A_149 = arith.constant 0 : i32
    %dma_wait3A_150 = tpu.memref_slice %arg3[%dma_wait3A_149] : memref<327680xi32, #tpu.memory_space<hbm>> -> memref<128xi32, #tpu.memory_space<hbm>>
    tpu.wait_dma2 semaphore(%arg18 : memref<!tpu.dma_semaphore, #tpu.memory_space<semaphore_mem>>) src(%dma_wait3A_150 : memref<128xi32, #tpu.memory_space<hbm>>) dst(%dma_wait3A_148 : memref<128xi32, #tpu.memory_space<vmem>>)
    %dma_start3A_151 = arith.constant 0 : i32
    %dma_start3A_152 = arith.constant 0 : i32
    %dma_start3A_153 = tpu.memref_slice %arg8[%dma_start3A_151, %dma_start3A_152] : memref<2x128xi32, #tpu.memory_space<vmem>> -> memref<1x128xi32, #tpu.memory_space<vmem>>
    %dma_start3A_154 = tpu.memref_squeeze %dma_start3A_153 : memref<1x128xi32, #tpu.memory_space<vmem>> -> memref<128xi32, #tpu.memory_space<vmem>>
    %dma_start3A_155 = arith.constant 0 : i32
    %dma_start3A_156 = arith.constant 0 : i32
    %dma_start3A_157 = tpu.memref_slice %arg15[%dma_start3A_155, %dma_start3A_156] : memref<10000x64xf32, #tpu.memory_space<vmem_shared>> -> memref<10000x64xf32, #tpu.memory_space<vmem_shared>>
    tpu.enqueue_indirect_dma source(%dma_start3A_157 : memref<10000x64xf32, #tpu.memory_space<vmem_shared>>) target(%arg12 : memref<128x64xf32, #tpu.memory_space<vmem>>) offsets(%dma_start3A_154 : memref<128xi32, #tpu.memory_space<vmem>>) semaphore(%arg22 : memref<!tpu.dma_semaphore, #tpu.memory_space<semaphore_mem>>)
    %dma_wait3A_158 = arith.constant 0 : i32
    %dma_wait3A_159 = arith.constant 0 : i32
    %dma_wait3A_160 = tpu.memref_slice %arg9[%dma_wait3A_158, %dma_wait3A_159] : memref<2x128xi32, #tpu.memory_space<vmem>> -> memref<1x128xi32, #tpu.memory_space<vmem>>
    %dma_wait3A_161 = tpu.memref_squeeze %dma_wait3A_160 : memref<1x128xi32, #tpu.memory_space<vmem>> -> memref<128xi32, #tpu.memory_space<vmem>>
    %dma_wait3A_162 = arith.constant 0 : i32
    %dma_wait3A_163 = tpu.memref_slice %arg3[%dma_wait3A_162] : memref<327680xi32, #tpu.memory_space<hbm>> -> memref<128xi32, #tpu.memory_space<hbm>>
    %dma_wait3A_164 = arith.constant 0 : i32
    %dma_wait3A_165 = tpu.memref_slice %arg9[%dma_wait3A_158, %dma_wait3A_164] : memref<2x128xi32, #tpu.memory_space<vmem>> -> memref<1x128xi32, #tpu.memory_space<vmem>>
    %dma_wait3A_166 = tpu.memref_squeeze %dma_wait3A_165 : memref<1x128xi32, #tpu.memory_space<vmem>> -> memref<128xi32, #tpu.memory_space<vmem>>
    %dma_wait3A_167 = arith.constant 0 : i32
    %dma_wait3A_168 = tpu.memref_slice %arg3[%dma_wait3A_167] : memref<327680xi32, #tpu.memory_space<hbm>> -> memref<128xi32, #tpu.memory_space<hbm>>
    tpu.wait_dma2 semaphore(%arg19 : memref<!tpu.dma_semaphore, #tpu.memory_space<semaphore_mem>>) src(%dma_wait3A_168 : memref<128xi32, #tpu.memory_space<hbm>>) dst(%dma_wait3A_166 : memref<128xi32, #tpu.memory_space<vmem>>)
    %dma_wait3A_169 = arith.constant 1 : i32
    %dma_wait3A_170 = arith.constant 0 : i32
    %dma_wait3A_171 = tpu.memref_slice %arg9[%dma_wait3A_169, %dma_wait3A_170] : memref<2x128xi32, #tpu.memory_space<vmem>> -> memref<1x128xi32, #tpu.memory_space<vmem>>
    %dma_wait3A_172 = tpu.memref_squeeze %dma_wait3A_171 : memref<1x128xi32, #tpu.memory_space<vmem>> -> memref<128xi32, #tpu.memory_space<vmem>>
    %dma_wait3A_173 = arith.constant 0 : i32
    %dma_wait3A_174 = tpu.memref_slice %arg3[%dma_wait3A_173] : memref<327680xi32, #tpu.memory_space<hbm>> -> memref<128xi32, #tpu.memory_space<hbm>>
    %dma_wait3A_175 = arith.constant 0 : i32
    %dma_wait3A_176 = tpu.memref_slice %arg9[%dma_wait3A_169, %dma_wait3A_175] : memref<2x128xi32, #tpu.memory_space<vmem>> -> memref<1x128xi32, #tpu.memory_space<vmem>>
    %dma_wait3A_177 = tpu.memref_squeeze %dma_wait3A_176 : memref<1x128xi32, #tpu.memory_space<vmem>> -> memref<128xi32, #tpu.memory_space<vmem>>
    %dma_wait3A_178 = arith.constant 0 : i32
    %dma_wait3A_179 = tpu.memref_slice %arg3[%dma_wait3A_178] : memref<327680xi32, #tpu.memory_space<hbm>> -> memref<128xi32, #tpu.memory_space<hbm>>
    tpu.wait_dma2 semaphore(%arg19 : memref<!tpu.dma_semaphore, #tpu.memory_space<semaphore_mem>>) src(%dma_wait3A_179 : memref<128xi32, #tpu.memory_space<hbm>>) dst(%dma_wait3A_177 : memref<128xi32, #tpu.memory_space<vmem>>)
    %dma_start3A_180 = arith.constant 0 : i32
    %dma_start3A_181 = arith.constant 0 : i32
    %dma_start3A_182 = tpu.memref_slice %arg9[%dma_start3A_180, %dma_start3A_181] : memref<2x128xi32, #tpu.memory_space<vmem>> -> memref<1x128xi32, #tpu.memory_space<vmem>>
    %dma_start3A_183 = tpu.memref_squeeze %dma_start3A_182 : memref<1x128xi32, #tpu.memory_space<vmem>> -> memref<128xi32, #tpu.memory_space<vmem>>
    %dma_start3A_184 = arith.constant 0 : i32
    %dma_start3A_185 = arith.constant 0 : i32
    %dma_start3A_186 = tpu.memref_slice %arg15[%dma_start3A_184, %dma_start3A_185] : memref<10000x64xf32, #tpu.memory_space<vmem_shared>> -> memref<10000x64xf32, #tpu.memory_space<vmem_shared>>
    tpu.enqueue_indirect_dma source(%dma_start3A_186 : memref<10000x64xf32, #tpu.memory_space<vmem_shared>>) target(%arg13 : memref<128x64xf32, #tpu.memory_space<vmem>>) offsets(%dma_start3A_183 : memref<128xi32, #tpu.memory_space<vmem>>) semaphore(%arg23 : memref<!tpu.dma_semaphore, #tpu.memory_space<semaphore_mem>>)
    %scan3A = arith.constant 0 : i32
    %scan3A_187 = arith.constant 0 : i32
    %scan3A_188 = arith.constant 40 : i32
    %scan3A_189 = arith.addi %scan3A_187, %scan3A_188 : i32
    %scan3A_190 = arith.constant 1 : i32
    scf.for %scan3A_240 = %scan3A_187 to %scan3A_189 step %scan3A_190  : i32 {
      %mul3A_241 = arith.constant 4 : i32
      %mul3A_242 = arith.muli %mul3A_241, %scan3A_240 : i32
      %dma_wait3A_243 = arith.constant 0 : i32
      %dma_wait3A_244 = arith.constant 0 : i32
      %dma_wait3A_245 = tpu.memref_slice %arg7[%dma_wait3A_243, %dma_wait3A_244] : memref<2x128xi32, #tpu.memory_space<vmem>> -> memref<1x128xi32, #tpu.memory_space<vmem>>
      %dma_wait3A_246 = tpu.memref_squeeze %dma_wait3A_245 : memref<1x128xi32, #tpu.memory_space<vmem>> -> memref<128xi32, #tpu.memory_space<vmem>>
      %dma_wait3A_247 = arith.constant 0 : i32
      %dma_wait3A_248 = arith.constant 0 : i32
      %dma_wait3A_249 = tpu.memref_slice %arg15[%dma_wait3A_247, %dma_wait3A_248] : memref<10000x64xf32, #tpu.memory_space<vmem_shared>> -> memref<10000x64xf32, #tpu.memory_space<vmem_shared>>
      tpu.wait_indirect_dma semaphore(%arg21 : memref<!tpu.dma_semaphore, #tpu.memory_space<semaphore_mem>>) src(%dma_wait3A_249 : memref<10000x64xf32, #tpu.memory_space<vmem_shared>>) dst(%arg11 : memref<128x64xf32, #tpu.memory_space<vmem>>)
      %dma_start3A_250 = arith.constant 1 : i32
      %dma_start3A_251 = arith.constant 0 : i32
      %dma_start3A_252 = tpu.memref_slice %arg7[%dma_start3A_250, %dma_start3A_251] : memref<2x128xi32, #tpu.memory_space<vmem>> -> memref<1x128xi32, #tpu.memory_space<vmem>>
      %dma_start3A_253 = tpu.memref_squeeze %dma_start3A_252 : memref<1x128xi32, #tpu.memory_space<vmem>> -> memref<128xi32, #tpu.memory_space<vmem>>
      %dma_start3A_254 = arith.constant 0 : i32
      %dma_start3A_255 = arith.constant 0 : i32
      %dma_start3A_256 = tpu.memref_slice %arg16[%dma_start3A_254, %dma_start3A_255] : memref<10240x64xf32, #tpu.memory_space<vmem_shared>> -> memref<10240x64xf32, #tpu.memory_space<vmem_shared>>
      tpu.enqueue_indirect_dma source(%arg11 : memref<128x64xf32, #tpu.memory_space<vmem>>) target(%dma_start3A_256 : memref<10240x64xf32, #tpu.memory_space<vmem_shared>>) offsets(%dma_start3A_253 : memref<128xi32, #tpu.memory_space<vmem>>) semaphore(%arg25 : memref<!tpu.dma_semaphore, #tpu.memory_space<semaphore_mem>>) {add = true}
      %dma_wait3A_257 = arith.constant 0 : i32
      %dma_wait3A_258 = arith.constant 0 : i32
      %dma_wait3A_259 = tpu.memref_slice %arg10[%dma_wait3A_257, %dma_wait3A_258] : memref<2x128xi32, #tpu.memory_space<vmem>> -> memref<1x128xi32, #tpu.memory_space<vmem>>
      %dma_wait3A_260 = tpu.memref_squeeze %dma_wait3A_259 : memref<1x128xi32, #tpu.memory_space<vmem>> -> memref<128xi32, #tpu.memory_space<vmem>>
      %dma_wait3A_261 = arith.constant 0 : i32
      %dma_wait3A_262 = tpu.memref_slice %arg3[%dma_wait3A_261] : memref<327680xi32, #tpu.memory_space<hbm>> -> memref<128xi32, #tpu.memory_space<hbm>>
      %dma_wait3A_263 = arith.constant 0 : i32
      %dma_wait3A_264 = tpu.memref_slice %arg10[%dma_wait3A_257, %dma_wait3A_263] : memref<2x128xi32, #tpu.memory_space<vmem>> -> memref<1x128xi32, #tpu.memory_space<vmem>>
      %dma_wait3A_265 = tpu.memref_squeeze %dma_wait3A_264 : memref<1x128xi32, #tpu.memory_space<vmem>> -> memref<128xi32, #tpu.memory_space<vmem>>
      %dma_wait3A_266 = arith.constant 0 : i32
      %dma_wait3A_267 = tpu.memref_slice %arg3[%dma_wait3A_266] : memref<327680xi32, #tpu.memory_space<hbm>> -> memref<128xi32, #tpu.memory_space<hbm>>
      tpu.wait_dma2 semaphore(%arg20 : memref<!tpu.dma_semaphore, #tpu.memory_space<semaphore_mem>>) src(%dma_wait3A_267 : memref<128xi32, #tpu.memory_space<hbm>>) dst(%dma_wait3A_265 : memref<128xi32, #tpu.memory_space<vmem>>)
      %dma_wait3A_268 = arith.constant 1 : i32
      %dma_wait3A_269 = arith.constant 0 : i32
      %dma_wait3A_270 = tpu.memref_slice %arg10[%dma_wait3A_268, %dma_wait3A_269] : memref<2x128xi32, #tpu.memory_space<vmem>> -> memref<1x128xi32, #tpu.memory_space<vmem>>
      %dma_wait3A_271 = tpu.memref_squeeze %dma_wait3A_270 : memref<1x128xi32, #tpu.memory_space<vmem>> -> memref<128xi32, #tpu.memory_space<vmem>>
      %dma_wait3A_272 = arith.constant 0 : i32
      %dma_wait3A_273 = tpu.memref_slice %arg3[%dma_wait3A_272] : memref<327680xi32, #tpu.memory_space<hbm>> -> memref<128xi32, #tpu.memory_space<hbm>>
      %dma_wait3A_274 = arith.constant 0 : i32
      %dma_wait3A_275 = tpu.memref_slice %arg10[%dma_wait3A_268, %dma_wait3A_274] : memref<2x128xi32, #tpu.memory_space<vmem>> -> memref<1x128xi32, #tpu.memory_space<vmem>>
      %dma_wait3A_276 = tpu.memref_squeeze %dma_wait3A_275 : memref<1x128xi32, #tpu.memory_space<vmem>> -> memref<128xi32, #tpu.memory_space<vmem>>
      %dma_wait3A_277 = arith.constant 0 : i32
      %dma_wait3A_278 = tpu.memref_slice %arg3[%dma_wait3A_277] : memref<327680xi32, #tpu.memory_space<hbm>> -> memref<128xi32, #tpu.memory_space<hbm>>
      tpu.wait_dma2 semaphore(%arg20 : memref<!tpu.dma_semaphore, #tpu.memory_space<semaphore_mem>>) src(%dma_wait3A_278 : memref<128xi32, #tpu.memory_space<hbm>>) dst(%dma_wait3A_276 : memref<128xi32, #tpu.memory_space<vmem>>)
      %dma_start3A_279 = arith.constant 0 : i32
      %dma_start3A_280 = arith.constant 0 : i32
      %dma_start3A_281 = tpu.memref_slice %arg10[%dma_start3A_279, %dma_start3A_280] : memref<2x128xi32, #tpu.memory_space<vmem>> -> memref<1x128xi32, #tpu.memory_space<vmem>>
      %dma_start3A_282 = tpu.memref_squeeze %dma_start3A_281 : memref<1x128xi32, #tpu.memory_space<vmem>> -> memref<128xi32, #tpu.memory_space<vmem>>
      %dma_start3A_283 = arith.constant 0 : i32
      %dma_start3A_284 = arith.constant 0 : i32
      %dma_start3A_285 = tpu.memref_slice %arg15[%dma_start3A_283, %dma_start3A_284] : memref<10000x64xf32, #tpu.memory_space<vmem_shared>> -> memref<10000x64xf32, #tpu.memory_space<vmem_shared>>
      tpu.enqueue_indirect_dma source(%dma_start3A_285 : memref<10000x64xf32, #tpu.memory_space<vmem_shared>>) target(%arg14 : memref<128x64xf32, #tpu.memory_space<vmem>>) offsets(%dma_start3A_282 : memref<128xi32, #tpu.memory_space<vmem>>) semaphore(%arg24 : memref<!tpu.dma_semaphore, #tpu.memory_space<semaphore_mem>>)
      %dma_wait3A_286 = arith.constant 0 : i32
      %dma_wait3A_287 = arith.constant 0 : i32
      %dma_wait3A_288 = tpu.memref_slice %arg8[%dma_wait3A_286, %dma_wait3A_287] : memref<2x128xi32, #tpu.memory_space<vmem>> -> memref<1x128xi32, #tpu.memory_space<vmem>>
      %dma_wait3A_289 = tpu.memref_squeeze %dma_wait3A_288 : memref<1x128xi32, #tpu.memory_space<vmem>> -> memref<128xi32, #tpu.memory_space<vmem>>
      %dma_wait3A_290 = arith.constant 0 : i32
      %dma_wait3A_291 = arith.constant 0 : i32
      %dma_wait3A_292 = tpu.memref_slice %arg15[%dma_wait3A_290, %dma_wait3A_291] : memref<10000x64xf32, #tpu.memory_space<vmem_shared>> -> memref<10000x64xf32, #tpu.memory_space<vmem_shared>>
      tpu.wait_indirect_dma semaphore(%arg22 : memref<!tpu.dma_semaphore, #tpu.memory_space<semaphore_mem>>) src(%dma_wait3A_292 : memref<10000x64xf32, #tpu.memory_space<vmem_shared>>) dst(%arg12 : memref<128x64xf32, #tpu.memory_space<vmem>>)
      %dma_start3A_293 = arith.constant 1 : i32
      %dma_start3A_294 = arith.constant 0 : i32
      %dma_start3A_295 = tpu.memref_slice %arg8[%dma_start3A_293, %dma_start3A_294] : memref<2x128xi32, #tpu.memory_space<vmem>> -> memref<1x128xi32, #tpu.memory_space<vmem>>
      %dma_start3A_296 = tpu.memref_squeeze %dma_start3A_295 : memref<1x128xi32, #tpu.memory_space<vmem>> -> memref<128xi32, #tpu.memory_space<vmem>>
      %dma_start3A_297 = arith.constant 0 : i32
      %dma_start3A_298 = arith.constant 0 : i32
      %dma_start3A_299 = tpu.memref_slice %arg16[%dma_start3A_297, %dma_start3A_298] : memref<10240x64xf32, #tpu.memory_space<vmem_shared>> -> memref<10240x64xf32, #tpu.memory_space<vmem_shared>>
      tpu.enqueue_indirect_dma source(%arg12 : memref<128x64xf32, #tpu.memory_space<vmem>>) target(%dma_start3A_299 : memref<10240x64xf32, #tpu.memory_space<vmem_shared>>) offsets(%dma_start3A_296 : memref<128xi32, #tpu.memory_space<vmem>>) semaphore(%arg26 : memref<!tpu.dma_semaphore, #tpu.memory_space<semaphore_mem>>) {add = true}
      %dma_wait3A_300 = arith.constant 0 : i32
      %dma_wait3A_301 = arith.constant 0 : i32
      %dma_wait3A_302 = tpu.memref_slice %arg16[%dma_wait3A_300, %dma_wait3A_301] : memref<10240x64xf32, #tpu.memory_space<vmem_shared>> -> memref<128x64xf32, #tpu.memory_space<vmem_shared>>
      %dma_wait3A_303 = arith.constant 0 : i32
      %dma_wait3A_304 = arith.constant 0 : i32
      %dma_wait3A_305 = tpu.memref_slice %arg16[%dma_wait3A_303, %dma_wait3A_304] : memref<10240x64xf32, #tpu.memory_space<vmem_shared>> -> memref<128x64xf32, #tpu.memory_space<vmem_shared>>
      tpu.wait_dma2 semaphore(%arg25 : memref<!tpu.dma_semaphore, #tpu.memory_space<semaphore_mem>>) src(%arg11 : memref<128x64xf32, #tpu.memory_space<vmem>>) dst(%dma_wait3A_305 : memref<128x64xf32, #tpu.memory_space<vmem_shared>>)
      %add3A_306 = arith.constant 4 : i32
      %add3A_307 = arith.addi %mul3A_242, %add3A_306 : i32
      %add3A_308 = arith.constant 0 : i32
      %add3A_309 = arith.addi %add3A_307, %add3A_308 : i32
      %min3A = arith.constant 159 : i32
      %min3A_310 = arith.minsi %add3A_309, %min3A : i32
      %add3A_311 = arith.addi %mul3A_0, %min3A_310 : i32
      %mul3A_312 = arith.constant 128 : i32
      %mul3A_313 = arith.muli %add3A_311, %mul3A_312 : i32
      %dma_start3A_314 = arith.constant 0 : i32
      %dma_start3A_315 = arith.constant 0 : i32
      %dma_start3A_316 = tpu.memref_slice %arg7[%dma_start3A_314, %dma_start3A_315] : memref<2x128xi32, #tpu.memory_space<vmem>> -> memref<1x128xi32, #tpu.memory_space<vmem>>
      %dma_start3A_317 = tpu.memref_squeeze %dma_start3A_316 : memref<1x128xi32, #tpu.memory_space<vmem>> -> memref<128xi32, #tpu.memory_space<vmem>>
      %dma_start3A_318 = tpu.memref_slice %arg3[%mul3A_313] : memref<327680xi32, #tpu.memory_space<hbm>> -> memref<128xi32, #tpu.memory_space<hbm>>
      %dma_start3A_319 = arith.constant 0 : i32
      %dma_start3A_320 = tpu.memref_slice %arg7[%dma_start3A_314, %dma_start3A_319] : memref<2x128xi32, #tpu.memory_space<vmem>> -> memref<1x128xi32, #tpu.memory_space<vmem>>
      %dma_start3A_321 = tpu.memref_squeeze %dma_start3A_320 : memref<1x128xi32, #tpu.memory_space<vmem>> -> memref<128xi32, #tpu.memory_space<vmem>>
      %dma_start3A_322 = tpu.memref_slice %arg3[%mul3A_313] : memref<327680xi32, #tpu.memory_space<hbm>> -> memref<128xi32, #tpu.memory_space<hbm>>
      tpu.enqueue_dma source(%dma_start3A_322 : memref<128xi32, #tpu.memory_space<hbm>>) target(%dma_start3A_321 : memref<128xi32, #tpu.memory_space<vmem>>) target_semaphore(%arg17 : memref<!tpu.dma_semaphore, #tpu.memory_space<semaphore_mem>>)
      %mul3A_323 = arith.constant 128 : i32
      %mul3A_324 = arith.muli %add3A_311, %mul3A_323 : i32
      %dma_start3A_325 = arith.constant 1 : i32
      %dma_start3A_326 = arith.constant 0 : i32
      %dma_start3A_327 = tpu.memref_slice %arg7[%dma_start3A_325, %dma_start3A_326] : memref<2x128xi32, #tpu.memory_space<vmem>> -> memref<1x128xi32, #tpu.memory_space<vmem>>
      %dma_start3A_328 = tpu.memref_squeeze %dma_start3A_327 : memref<1x128xi32, #tpu.memory_space<vmem>> -> memref<128xi32, #tpu.memory_space<vmem>>
      %dma_start3A_329 = tpu.memref_slice %arg4[%mul3A_324] : memref<327680xi32, #tpu.memory_space<hbm>> -> memref<128xi32, #tpu.memory_space<hbm>>
      %dma_start3A_330 = arith.constant 0 : i32
      %dma_start3A_331 = tpu.memref_slice %arg7[%dma_start3A_325, %dma_start3A_330] : memref<2x128xi32, #tpu.memory_space<vmem>> -> memref<1x128xi32, #tpu.memory_space<vmem>>
      %dma_start3A_332 = tpu.memref_squeeze %dma_start3A_331 : memref<1x128xi32, #tpu.memory_space<vmem>> -> memref<128xi32, #tpu.memory_space<vmem>>
      %dma_start3A_333 = tpu.memref_slice %arg4[%mul3A_324] : memref<327680xi32, #tpu.memory_space<hbm>> -> memref<128xi32, #tpu.memory_space<hbm>>
      tpu.enqueue_dma source(%dma_start3A_333 : memref<128xi32, #tpu.memory_space<hbm>>) target(%dma_start3A_332 : memref<128xi32, #tpu.memory_space<vmem>>) target_semaphore(%arg17 : memref<!tpu.dma_semaphore, #tpu.memory_space<semaphore_mem>>)
      %dma_wait3A_334 = arith.constant 0 : i32
      %dma_wait3A_335 = arith.constant 0 : i32
      %dma_wait3A_336 = tpu.memref_slice %arg9[%dma_wait3A_334, %dma_wait3A_335] : memref<2x128xi32, #tpu.memory_space<vmem>> -> memref<1x128xi32, #tpu.memory_space<vmem>>
      %dma_wait3A_337 = tpu.memref_squeeze %dma_wait3A_336 : memref<1x128xi32, #tpu.memory_space<vmem>> -> memref<128xi32, #tpu.memory_space<vmem>>
      %dma_wait3A_338 = arith.constant 0 : i32
      %dma_wait3A_339 = arith.constant 0 : i32
      %dma_wait3A_340 = tpu.memref_slice %arg15[%dma_wait3A_338, %dma_wait3A_339] : memref<10000x64xf32, #tpu.memory_space<vmem_shared>> -> memref<10000x64xf32, #tpu.memory_space<vmem_shared>>
      tpu.wait_indirect_dma semaphore(%arg23 : memref<!tpu.dma_semaphore, #tpu.memory_space<semaphore_mem>>) src(%dma_wait3A_340 : memref<10000x64xf32, #tpu.memory_space<vmem_shared>>) dst(%arg13 : memref<128x64xf32, #tpu.memory_space<vmem>>)
      %dma_start3A_341 = arith.constant 1 : i32
      %dma_start3A_342 = arith.constant 0 : i32
      %dma_start3A_343 = tpu.memref_slice %arg9[%dma_start3A_341, %dma_start3A_342] : memref<2x128xi32, #tpu.memory_space<vmem>> -> memref<1x128xi32, #tpu.memory_space<vmem>>
      %dma_start3A_344 = tpu.memref_squeeze %dma_start3A_343 : memref<1x128xi32, #tpu.memory_space<vmem>> -> memref<128xi32, #tpu.memory_space<vmem>>
      %dma_start3A_345 = arith.constant 0 : i32
      %dma_start3A_346 = arith.constant 0 : i32
      %dma_start3A_347 = tpu.memref_slice %arg16[%dma_start3A_345, %dma_start3A_346] : memref<10240x64xf32, #tpu.memory_space<vmem_shared>> -> memref<10240x64xf32, #tpu.memory_space<vmem_shared>>
      tpu.enqueue_indirect_dma source(%arg13 : memref<128x64xf32, #tpu.memory_space<vmem>>) target(%dma_start3A_347 : memref<10240x64xf32, #tpu.memory_space<vmem_shared>>) offsets(%dma_start3A_344 : memref<128xi32, #tpu.memory_space<vmem>>) semaphore(%arg27 : memref<!tpu.dma_semaphore, #tpu.memory_space<semaphore_mem>>) {add = true}
      %dma_wait3A_348 = arith.constant 0 : i32
      %dma_wait3A_349 = arith.constant 0 : i32
      %dma_wait3A_350 = tpu.memref_slice %arg16[%dma_wait3A_348, %dma_wait3A_349] : memref<10240x64xf32, #tpu.memory_space<vmem_shared>> -> memref<128x64xf32, #tpu.memory_space<vmem_shared>>
      %dma_wait3A_351 = arith.constant 0 : i32
      %dma_wait3A_352 = arith.constant 0 : i32
      %dma_wait3A_353 = tpu.memref_slice %arg16[%dma_wait3A_351, %dma_wait3A_352] : memref<10240x64xf32, #tpu.memory_space<vmem_shared>> -> memref<128x64xf32, #tpu.memory_space<vmem_shared>>
      tpu.wait_dma2 semaphore(%arg26 : memref<!tpu.dma_semaphore, #tpu.memory_space<semaphore_mem>>) src(%arg12 : memref<128x64xf32, #tpu.memory_space<vmem>>) dst(%dma_wait3A_353 : memref<128x64xf32, #tpu.memory_space<vmem_shared>>)
      %add3A_354 = arith.constant 4 : i32
      %add3A_355 = arith.addi %mul3A_242, %add3A_354 : i32
      %add3A_356 = arith.constant 1 : i32
      %add3A_357 = arith.addi %add3A_355, %add3A_356 : i32
      %min3A_358 = arith.constant 159 : i32
      %min3A_359 = arith.minsi %add3A_357, %min3A_358 : i32
      %add3A_360 = arith.addi %mul3A_0, %min3A_359 : i32
      %mul3A_361 = arith.constant 128 : i32
      %mul3A_362 = arith.muli %add3A_360, %mul3A_361 : i32
      %dma_start3A_363 = arith.constant 0 : i32
      %dma_start3A_364 = arith.constant 0 : i32
      %dma_start3A_365 = tpu.memref_slice %arg8[%dma_start3A_363, %dma_start3A_364] : memref<2x128xi32, #tpu.memory_space<vmem>> -> memref<1x128xi32, #tpu.memory_space<vmem>>
      %dma_start3A_366 = tpu.memref_squeeze %dma_start3A_365 : memref<1x128xi32, #tpu.memory_space<vmem>> -> memref<128xi32, #tpu.memory_space<vmem>>
      %dma_start3A_367 = tpu.memref_slice %arg3[%mul3A_362] : memref<327680xi32, #tpu.memory_space<hbm>> -> memref<128xi32, #tpu.memory_space<hbm>>
      %dma_start3A_368 = arith.constant 0 : i32
      %dma_start3A_369 = tpu.memref_slice %arg8[%dma_start3A_363, %dma_start3A_368] : memref<2x128xi32, #tpu.memory_space<vmem>> -> memref<1x128xi32, #tpu.memory_space<vmem>>
      %dma_start3A_370 = tpu.memref_squeeze %dma_start3A_369 : memref<1x128xi32, #tpu.memory_space<vmem>> -> memref<128xi32, #tpu.memory_space<vmem>>
      %dma_start3A_371 = tpu.memref_slice %arg3[%mul3A_362] : memref<327680xi32, #tpu.memory_space<hbm>> -> memref<128xi32, #tpu.memory_space<hbm>>
      tpu.enqueue_dma source(%dma_start3A_371 : memref<128xi32, #tpu.memory_space<hbm>>) target(%dma_start3A_370 : memref<128xi32, #tpu.memory_space<vmem>>) target_semaphore(%arg18 : memref<!tpu.dma_semaphore, #tpu.memory_space<semaphore_mem>>)
      %mul3A_372 = arith.constant 128 : i32
      %mul3A_373 = arith.muli %add3A_360, %mul3A_372 : i32
      %dma_start3A_374 = arith.constant 1 : i32
      %dma_start3A_375 = arith.constant 0 : i32
      %dma_start3A_376 = tpu.memref_slice %arg8[%dma_start3A_374, %dma_start3A_375] : memref<2x128xi32, #tpu.memory_space<vmem>> -> memref<1x128xi32, #tpu.memory_space<vmem>>
      %dma_start3A_377 = tpu.memref_squeeze %dma_start3A_376 : memref<1x128xi32, #tpu.memory_space<vmem>> -> memref<128xi32, #tpu.memory_space<vmem>>
      %dma_start3A_378 = tpu.memref_slice %arg4[%mul3A_373] : memref<327680xi32, #tpu.memory_space<hbm>> -> memref<128xi32, #tpu.memory_space<hbm>>
      %dma_start3A_379 = arith.constant 0 : i32
      %dma_start3A_380 = tpu.memref_slice %arg8[%dma_start3A_374, %dma_start3A_379] : memref<2x128xi32, #tpu.memory_space<vmem>> -> memref<1x128xi32, #tpu.memory_space<vmem>>
      %dma_start3A_381 = tpu.memref_squeeze %dma_start3A_380 : memref<1x128xi32, #tpu.memory_space<vmem>> -> memref<128xi32, #tpu.memory_space<vmem>>
      %dma_start3A_382 = tpu.memref_slice %arg4[%mul3A_373] : memref<327680xi32, #tpu.memory_space<hbm>> -> memref<128xi32, #tpu.memory_space<hbm>>
      tpu.enqueue_dma source(%dma_start3A_382 : memref<128xi32, #tpu.memory_space<hbm>>) target(%dma_start3A_381 : memref<128xi32, #tpu.memory_space<vmem>>) target_semaphore(%arg18 : memref<!tpu.dma_semaphore, #tpu.memory_space<semaphore_mem>>)
      %dma_wait3A_383 = arith.constant 0 : i32
      %dma_wait3A_384 = arith.constant 0 : i32
      %dma_wait3A_385 = tpu.memref_slice %arg10[%dma_wait3A_383, %dma_wait3A_384] : memref<2x128xi32, #tpu.memory_space<vmem>> -> memref<1x128xi32, #tpu.memory_space<vmem>>
      %dma_wait3A_386 = tpu.memref_squeeze %dma_wait3A_385 : memref<1x128xi32, #tpu.memory_space<vmem>> -> memref<128xi32, #tpu.memory_space<vmem>>
      %dma_wait3A_387 = arith.constant 0 : i32
      %dma_wait3A_388 = arith.constant 0 : i32
      %dma_wait3A_389 = tpu.memref_slice %arg15[%dma_wait3A_387, %dma_wait3A_388] : memref<10000x64xf32, #tpu.memory_space<vmem_shared>> -> memref<10000x64xf32, #tpu.memory_space<vmem_shared>>
      tpu.wait_indirect_dma semaphore(%arg24 : memref<!tpu.dma_semaphore, #tpu.memory_space<semaphore_mem>>) src(%dma_wait3A_389 : memref<10000x64xf32, #tpu.memory_space<vmem_shared>>) dst(%arg14 : memref<128x64xf32, #tpu.memory_space<vmem>>)
      %dma_start3A_390 = arith.constant 1 : i32
      %dma_start3A_391 = arith.constant 0 : i32
      %dma_start3A_392 = tpu.memref_slice %arg10[%dma_start3A_390, %dma_start3A_391] : memref<2x128xi32, #tpu.memory_space<vmem>> -> memref<1x128xi32, #tpu.memory_space<vmem>>
      %dma_start3A_393 = tpu.memref_squeeze %dma_start3A_392 : memref<1x128xi32, #tpu.memory_space<vmem>> -> memref<128xi32, #tpu.memory_space<vmem>>
      %dma_start3A_394 = arith.constant 0 : i32
      %dma_start3A_395 = arith.constant 0 : i32
      %dma_start3A_396 = tpu.memref_slice %arg16[%dma_start3A_394, %dma_start3A_395] : memref<10240x64xf32, #tpu.memory_space<vmem_shared>> -> memref<10240x64xf32, #tpu.memory_space<vmem_shared>>
      tpu.enqueue_indirect_dma source(%arg14 : memref<128x64xf32, #tpu.memory_space<vmem>>) target(%dma_start3A_396 : memref<10240x64xf32, #tpu.memory_space<vmem_shared>>) offsets(%dma_start3A_393 : memref<128xi32, #tpu.memory_space<vmem>>) semaphore(%arg28 : memref<!tpu.dma_semaphore, #tpu.memory_space<semaphore_mem>>) {add = true}
      %dma_wait3A_397 = arith.constant 0 : i32
      %dma_wait3A_398 = arith.constant 0 : i32
      %dma_wait3A_399 = tpu.memref_slice %arg16[%dma_wait3A_397, %dma_wait3A_398] : memref<10240x64xf32, #tpu.memory_space<vmem_shared>> -> memref<128x64xf32, #tpu.memory_space<vmem_shared>>
      %dma_wait3A_400 = arith.constant 0 : i32
      %dma_wait3A_401 = arith.constant 0 : i32
      %dma_wait3A_402 = tpu.memref_slice %arg16[%dma_wait3A_400, %dma_wait3A_401] : memref<10240x64xf32, #tpu.memory_space<vmem_shared>> -> memref<128x64xf32, #tpu.memory_space<vmem_shared>>
      tpu.wait_dma2 semaphore(%arg27 : memref<!tpu.dma_semaphore, #tpu.memory_space<semaphore_mem>>) src(%arg13 : memref<128x64xf32, #tpu.memory_space<vmem>>) dst(%dma_wait3A_402 : memref<128x64xf32, #tpu.memory_space<vmem_shared>>)
      %add3A_403 = arith.constant 4 : i32
      %add3A_404 = arith.addi %mul3A_242, %add3A_403 : i32
      %add3A_405 = arith.constant 2 : i32
      %add3A_406 = arith.addi %add3A_404, %add3A_405 : i32
      %min3A_407 = arith.constant 159 : i32
      %min3A_408 = arith.minsi %add3A_406, %min3A_407 : i32
      %add3A_409 = arith.addi %mul3A_0, %min3A_408 : i32
      %mul3A_410 = arith.constant 128 : i32
      %mul3A_411 = arith.muli %add3A_409, %mul3A_410 : i32
      %dma_start3A_412 = arith.constant 0 : i32
      %dma_start3A_413 = arith.constant 0 : i32
      %dma_start3A_414 = tpu.memref_slice %arg9[%dma_start3A_412, %dma_start3A_413] : memref<2x128xi32, #tpu.memory_space<vmem>> -> memref<1x128xi32, #tpu.memory_space<vmem>>
      %dma_start3A_415 = tpu.memref_squeeze %dma_start3A_414 : memref<1x128xi32, #tpu.memory_space<vmem>> -> memref<128xi32, #tpu.memory_space<vmem>>
      %dma_start3A_416 = tpu.memref_slice %arg3[%mul3A_411] : memref<327680xi32, #tpu.memory_space<hbm>> -> memref<128xi32, #tpu.memory_space<hbm>>
      %dma_start3A_417 = arith.constant 0 : i32
      %dma_start3A_418 = tpu.memref_slice %arg9[%dma_start3A_412, %dma_start3A_417] : memref<2x128xi32, #tpu.memory_space<vmem>> -> memref<1x128xi32, #tpu.memory_space<vmem>>
      %dma_start3A_419 = tpu.memref_squeeze %dma_start3A_418 : memref<1x128xi32, #tpu.memory_space<vmem>> -> memref<128xi32, #tpu.memory_space<vmem>>
      %dma_start3A_420 = tpu.memref_slice %arg3[%mul3A_411] : memref<327680xi32, #tpu.memory_space<hbm>> -> memref<128xi32, #tpu.memory_space<hbm>>
      tpu.enqueue_dma source(%dma_start3A_420 : memref<128xi32, #tpu.memory_space<hbm>>) target(%dma_start3A_419 : memref<128xi32, #tpu.memory_space<vmem>>) target_semaphore(%arg19 : memref<!tpu.dma_semaphore, #tpu.memory_space<semaphore_mem>>)
      %mul3A_421 = arith.constant 128 : i32
      %mul3A_422 = arith.muli %add3A_409, %mul3A_421 : i32
      %dma_start3A_423 = arith.constant 1 : i32
      %dma_start3A_424 = arith.constant 0 : i32
      %dma_start3A_425 = tpu.memref_slice %arg9[%dma_start3A_423, %dma_start3A_424] : memref<2x128xi32, #tpu.memory_space<vmem>> -> memref<1x128xi32, #tpu.memory_space<vmem>>
      %dma_start3A_426 = tpu.memref_squeeze %dma_start3A_425 : memref<1x128xi32, #tpu.memory_space<vmem>> -> memref<128xi32, #tpu.memory_space<vmem>>
      %dma_start3A_427 = tpu.memref_slice %arg4[%mul3A_422] : memref<327680xi32, #tpu.memory_space<hbm>> -> memref<128xi32, #tpu.memory_space<hbm>>
      %dma_start3A_428 = arith.constant 0 : i32
      %dma_start3A_429 = tpu.memref_slice %arg9[%dma_start3A_423, %dma_start3A_428] : memref<2x128xi32, #tpu.memory_space<vmem>> -> memref<1x128xi32, #tpu.memory_space<vmem>>
      %dma_start3A_430 = tpu.memref_squeeze %dma_start3A_429 : memref<1x128xi32, #tpu.memory_space<vmem>> -> memref<128xi32, #tpu.memory_space<vmem>>
      %dma_start3A_431 = tpu.memref_slice %arg4[%mul3A_422] : memref<327680xi32, #tpu.memory_space<hbm>> -> memref<128xi32, #tpu.memory_space<hbm>>
      tpu.enqueue_dma source(%dma_start3A_431 : memref<128xi32, #tpu.memory_space<hbm>>) target(%dma_start3A_430 : memref<128xi32, #tpu.memory_space<vmem>>) target_semaphore(%arg19 : memref<!tpu.dma_semaphore, #tpu.memory_space<semaphore_mem>>)
      %dma_wait3A_432 = arith.constant 0 : i32
      %dma_wait3A_433 = arith.constant 0 : i32
      %dma_wait3A_434 = tpu.memref_slice %arg7[%dma_wait3A_432, %dma_wait3A_433] : memref<2x128xi32, #tpu.memory_space<vmem>> -> memref<1x128xi32, #tpu.memory_space<vmem>>
      %dma_wait3A_435 = tpu.memref_squeeze %dma_wait3A_434 : memref<1x128xi32, #tpu.memory_space<vmem>> -> memref<128xi32, #tpu.memory_space<vmem>>
      %dma_wait3A_436 = arith.constant 0 : i32
      %dma_wait3A_437 = tpu.memref_slice %arg3[%dma_wait3A_436] : memref<327680xi32, #tpu.memory_space<hbm>> -> memref<128xi32, #tpu.memory_space<hbm>>
      %dma_wait3A_438 = arith.constant 0 : i32
      %dma_wait3A_439 = tpu.memref_slice %arg7[%dma_wait3A_432, %dma_wait3A_438] : memref<2x128xi32, #tpu.memory_space<vmem>> -> memref<1x128xi32, #tpu.memory_space<vmem>>
      %dma_wait3A_440 = tpu.memref_squeeze %dma_wait3A_439 : memref<1x128xi32, #tpu.memory_space<vmem>> -> memref<128xi32, #tpu.memory_space<vmem>>
      %dma_wait3A_441 = arith.constant 0 : i32
      %dma_wait3A_442 = tpu.memref_slice %arg3[%dma_wait3A_441] : memref<327680xi32, #tpu.memory_space<hbm>> -> memref<128xi32, #tpu.memory_space<hbm>>
      tpu.wait_dma2 semaphore(%arg17 : memref<!tpu.dma_semaphore, #tpu.memory_space<semaphore_mem>>) src(%dma_wait3A_442 : memref<128xi32, #tpu.memory_space<hbm>>) dst(%dma_wait3A_440 : memref<128xi32, #tpu.memory_space<vmem>>)
      %dma_wait3A_443 = arith.constant 1 : i32
      %dma_wait3A_444 = arith.constant 0 : i32
      %dma_wait3A_445 = tpu.memref_slice %arg7[%dma_wait3A_443, %dma_wait3A_444] : memref<2x128xi32, #tpu.memory_space<vmem>> -> memref<1x128xi32, #tpu.memory_space<vmem>>
      %dma_wait3A_446 = tpu.memref_squeeze %dma_wait3A_445 : memref<1x128xi32, #tpu.memory_space<vmem>> -> memref<128xi32, #tpu.memory_space<vmem>>
      %dma_wait3A_447 = arith.constant 0 : i32
      %dma_wait3A_448 = tpu.memref_slice %arg3[%dma_wait3A_447] : memref<327680xi32, #tpu.memory_space<hbm>> -> memref<128xi32, #tpu.memory_space<hbm>>
      %dma_wait3A_449 = arith.constant 0 : i32
      %dma_wait3A_450 = tpu.memref_slice %arg7[%dma_wait3A_443, %dma_wait3A_449] : memref<2x128xi32, #tpu.memory_space<vmem>> -> memref<1x128xi32, #tpu.memory_space<vmem>>
      %dma_wait3A_451 = tpu.memref_squeeze %dma_wait3A_450 : memref<1x128xi32, #tpu.memory_space<vmem>> -> memref<128xi32, #tpu.memory_space<vmem>>
      %dma_wait3A_452 = arith.constant 0 : i32
      %dma_wait3A_453 = tpu.memref_slice %arg3[%dma_wait3A_452] : memref<327680xi32, #tpu.memory_space<hbm>> -> memref<128xi32, #tpu.memory_space<hbm>>
      tpu.wait_dma2 semaphore(%arg17 : memref<!tpu.dma_semaphore, #tpu.memory_space<semaphore_mem>>) src(%dma_wait3A_453 : memref<128xi32, #tpu.memory_space<hbm>>) dst(%dma_wait3A_451 : memref<128xi32, #tpu.memory_space<vmem>>)
      %dma_start3A_454 = arith.constant 0 : i32
      %dma_start3A_455 = arith.constant 0 : i32
      %dma_start3A_456 = tpu.memref_slice %arg7[%dma_start3A_454, %dma_start3A_455] : memref<2x128xi32, #tpu.memory_space<vmem>> -> memref<1x128xi32, #tpu.memory_space<vmem>>
      %dma_start3A_457 = tpu.memref_squeeze %dma_start3A_456 : memref<1x128xi32, #tpu.memory_space<vmem>> -> memref<128xi32, #tpu.memory_space<vmem>>
      %dma_start3A_458 = arith.constant 0 : i32
      %dma_start3A_459 = arith.constant 0 : i32
      %dma_start3A_460 = tpu.memref_slice %arg15[%dma_start3A_458, %dma_start3A_459] : memref<10000x64xf32, #tpu.memory_space<vmem_shared>> -> memref<10000x64xf32, #tpu.memory_space<vmem_shared>>
      tpu.enqueue_indirect_dma source(%dma_start3A_460 : memref<10000x64xf32, #tpu.memory_space<vmem_shared>>) target(%arg11 : memref<128x64xf32, #tpu.memory_space<vmem>>) offsets(%dma_start3A_457 : memref<128xi32, #tpu.memory_space<vmem>>) semaphore(%arg21 : memref<!tpu.dma_semaphore, #tpu.memory_space<semaphore_mem>>)
      %dma_wait3A_461 = arith.constant 0 : i32
      %dma_wait3A_462 = arith.constant 0 : i32
      %dma_wait3A_463 = tpu.memref_slice %arg16[%dma_wait3A_461, %dma_wait3A_462] : memref<10240x64xf32, #tpu.memory_space<vmem_shared>> -> memref<128x64xf32, #tpu.memory_space<vmem_shared>>
      %dma_wait3A_464 = arith.constant 0 : i32
      %dma_wait3A_465 = arith.constant 0 : i32
      %dma_wait3A_466 = tpu.memref_slice %arg16[%dma_wait3A_464, %dma_wait3A_465] : memref<10240x64xf32, #tpu.memory_space<vmem_shared>> -> memref<128x64xf32, #tpu.memory_space<vmem_shared>>
      tpu.wait_dma2 semaphore(%arg28 : memref<!tpu.dma_semaphore, #tpu.memory_space<semaphore_mem>>) src(%arg14 : memref<128x64xf32, #tpu.memory_space<vmem>>) dst(%dma_wait3A_466 : memref<128x64xf32, #tpu.memory_space<vmem_shared>>)
      %add3A_467 = arith.constant 4 : i32
      %add3A_468 = arith.addi %mul3A_242, %add3A_467 : i32
      %add3A_469 = arith.constant 3 : i32
      %add3A_470 = arith.addi %add3A_468, %add3A_469 : i32
      %min3A_471 = arith.constant 159 : i32
      %min3A_472 = arith.minsi %add3A_470, %min3A_471 : i32
      %add3A_473 = arith.addi %mul3A_0, %min3A_472 : i32
      %mul3A_474 = arith.constant 128 : i32
      %mul3A_475 = arith.muli %add3A_473, %mul3A_474 : i32
      %dma_start3A_476 = arith.constant 0 : i32
      %dma_start3A_477 = arith.constant 0 : i32
      %dma_start3A_478 = tpu.memref_slice %arg10[%dma_start3A_476, %dma_start3A_477] : memref<2x128xi32, #tpu.memory_space<vmem>> -> memref<1x128xi32, #tpu.memory_space<vmem>>
      %dma_start3A_479 = tpu.memref_squeeze %dma_start3A_478 : memref<1x128xi32, #tpu.memory_space<vmem>> -> memref<128xi32, #tpu.memory_space<vmem>>
      %dma_start3A_480 = tpu.memref_slice %arg3[%mul3A_475] : memref<327680xi32, #tpu.memory_space<hbm>> -> memref<128xi32, #tpu.memory_space<hbm>>
      %dma_start3A_481 = arith.constant 0 : i32
      %dma_start3A_482 = tpu.memref_slice %arg10[%dma_start3A_476, %dma_start3A_481] : memref<2x128xi32, #tpu.memory_space<vmem>> -> memref<1x128xi32, #tpu.memory_space<vmem>>
      %dma_start3A_483 = tpu.memref_squeeze %dma_start3A_482 : memref<1x128xi32, #tpu.memory_space<vmem>> -> memref<128xi32, #tpu.memory_space<vmem>>
      %dma_start3A_484 = tpu.memref_slice %arg3[%mul3A_475] : memref<327680xi32, #tpu.memory_space<hbm>> -> memref<128xi32, #tpu.memory_space<hbm>>
      tpu.enqueue_dma source(%dma_start3A_484 : memref<128xi32, #tpu.memory_space<hbm>>) target(%dma_start3A_483 : memref<128xi32, #tpu.memory_space<vmem>>) target_semaphore(%arg20 : memref<!tpu.dma_semaphore, #tpu.memory_space<semaphore_mem>>)
      %mul3A_485 = arith.constant 128 : i32
      %mul3A_486 = arith.muli %add3A_473, %mul3A_485 : i32
      %dma_start3A_487 = arith.constant 1 : i32
      %dma_start3A_488 = arith.constant 0 : i32
      %dma_start3A_489 = tpu.memref_slice %arg10[%dma_start3A_487, %dma_start3A_488] : memref<2x128xi32, #tpu.memory_space<vmem>> -> memref<1x128xi32, #tpu.memory_space<vmem>>
      %dma_start3A_490 = tpu.memref_squeeze %dma_start3A_489 : memref<1x128xi32, #tpu.memory_space<vmem>> -> memref<128xi32, #tpu.memory_space<vmem>>
      %dma_start3A_491 = tpu.memref_slice %arg4[%mul3A_486] : memref<327680xi32, #tpu.memory_space<hbm>> -> memref<128xi32, #tpu.memory_space<hbm>>
      %dma_start3A_492 = arith.constant 0 : i32
      %dma_start3A_493 = tpu.memref_slice %arg10[%dma_start3A_487, %dma_start3A_492] : memref<2x128xi32, #tpu.memory_space<vmem>> -> memref<1x128xi32, #tpu.memory_space<vmem>>
      %dma_start3A_494 = tpu.memref_squeeze %dma_start3A_493 : memref<1x128xi32, #tpu.memory_space<vmem>> -> memref<128xi32, #tpu.memory_space<vmem>>
      %dma_start3A_495 = tpu.memref_slice %arg4[%mul3A_486] : memref<327680xi32, #tpu.memory_space<hbm>> -> memref<128xi32, #tpu.memory_space<hbm>>
      tpu.enqueue_dma source(%dma_start3A_495 : memref<128xi32, #tpu.memory_space<hbm>>) target(%dma_start3A_494 : memref<128xi32, #tpu.memory_space<vmem>>) target_semaphore(%arg20 : memref<!tpu.dma_semaphore, #tpu.memory_space<semaphore_mem>>)
      %dma_wait3A_496 = arith.constant 0 : i32
      %dma_wait3A_497 = arith.constant 0 : i32
      %dma_wait3A_498 = tpu.memref_slice %arg8[%dma_wait3A_496, %dma_wait3A_497] : memref<2x128xi32, #tpu.memory_space<vmem>> -> memref<1x128xi32, #tpu.memory_space<vmem>>
      %dma_wait3A_499 = tpu.memref_squeeze %dma_wait3A_498 : memref<1x128xi32, #tpu.memory_space<vmem>> -> memref<128xi32, #tpu.memory_space<vmem>>
      %dma_wait3A_500 = arith.constant 0 : i32
      %dma_wait3A_501 = tpu.memref_slice %arg3[%dma_wait3A_500] : memref<327680xi32, #tpu.memory_space<hbm>> -> memref<128xi32, #tpu.memory_space<hbm>>
      %dma_wait3A_502 = arith.constant 0 : i32
      %dma_wait3A_503 = tpu.memref_slice %arg8[%dma_wait3A_496, %dma_wait3A_502] : memref<2x128xi32, #tpu.memory_space<vmem>> -> memref<1x128xi32, #tpu.memory_space<vmem>>
      %dma_wait3A_504 = tpu.memref_squeeze %dma_wait3A_503 : memref<1x128xi32, #tpu.memory_space<vmem>> -> memref<128xi32, #tpu.memory_space<vmem>>
      %dma_wait3A_505 = arith.constant 0 : i32
      %dma_wait3A_506 = tpu.memref_slice %arg3[%dma_wait3A_505] : memref<327680xi32, #tpu.memory_space<hbm>> -> memref<128xi32, #tpu.memory_space<hbm>>
      tpu.wait_dma2 semaphore(%arg18 : memref<!tpu.dma_semaphore, #tpu.memory_space<semaphore_mem>>) src(%dma_wait3A_506 : memref<128xi32, #tpu.memory_space<hbm>>) dst(%dma_wait3A_504 : memref<128xi32, #tpu.memory_space<vmem>>)
      %dma_wait3A_507 = arith.constant 1 : i32
      %dma_wait3A_508 = arith.constant 0 : i32
      %dma_wait3A_509 = tpu.memref_slice %arg8[%dma_wait3A_507, %dma_wait3A_508] : memref<2x128xi32, #tpu.memory_space<vmem>> -> memref<1x128xi32, #tpu.memory_space<vmem>>
      %dma_wait3A_510 = tpu.memref_squeeze %dma_wait3A_509 : memref<1x128xi32, #tpu.memory_space<vmem>> -> memref<128xi32, #tpu.memory_space<vmem>>
      %dma_wait3A_511 = arith.constant 0 : i32
      %dma_wait3A_512 = tpu.memref_slice %arg3[%dma_wait3A_511] : memref<327680xi32, #tpu.memory_space<hbm>> -> memref<128xi32, #tpu.memory_space<hbm>>
      %dma_wait3A_513 = arith.constant 0 : i32
      %dma_wait3A_514 = tpu.memref_slice %arg8[%dma_wait3A_507, %dma_wait3A_513] : memref<2x128xi32, #tpu.memory_space<vmem>> -> memref<1x128xi32, #tpu.memory_space<vmem>>
      %dma_wait3A_515 = tpu.memref_squeeze %dma_wait3A_514 : memref<1x128xi32, #tpu.memory_space<vmem>> -> memref<128xi32, #tpu.memory_space<vmem>>
      %dma_wait3A_516 = arith.constant 0 : i32
      %dma_wait3A_517 = tpu.memref_slice %arg3[%dma_wait3A_516] : memref<327680xi32, #tpu.memory_space<hbm>> -> memref<128xi32, #tpu.memory_space<hbm>>
      tpu.wait_dma2 semaphore(%arg18 : memref<!tpu.dma_semaphore, #tpu.memory_space<semaphore_mem>>) src(%dma_wait3A_517 : memref<128xi32, #tpu.memory_space<hbm>>) dst(%dma_wait3A_515 : memref<128xi32, #tpu.memory_space<vmem>>)
      %dma_start3A_518 = arith.constant 0 : i32
      %dma_start3A_519 = arith.constant 0 : i32
      %dma_start3A_520 = tpu.memref_slice %arg8[%dma_start3A_518, %dma_start3A_519] : memref<2x128xi32, #tpu.memory_space<vmem>> -> memref<1x128xi32, #tpu.memory_space<vmem>>
      %dma_start3A_521 = tpu.memref_squeeze %dma_start3A_520 : memref<1x128xi32, #tpu.memory_space<vmem>> -> memref<128xi32, #tpu.memory_space<vmem>>
      %dma_start3A_522 = arith.constant 0 : i32
      %dma_start3A_523 = arith.constant 0 : i32
      %dma_start3A_524 = tpu.memref_slice %arg15[%dma_start3A_522, %dma_start3A_523] : memref<10000x64xf32, #tpu.memory_space<vmem_shared>> -> memref<10000x64xf32, #tpu.memory_space<vmem_shared>>
      tpu.enqueue_indirect_dma source(%dma_start3A_524 : memref<10000x64xf32, #tpu.memory_space<vmem_shared>>) target(%arg12 : memref<128x64xf32, #tpu.memory_space<vmem>>) offsets(%dma_start3A_521 : memref<128xi32, #tpu.memory_space<vmem>>) semaphore(%arg22 : memref<!tpu.dma_semaphore, #tpu.memory_space<semaphore_mem>>)
      %dma_wait3A_525 = arith.constant 0 : i32
      %dma_wait3A_526 = arith.constant 0 : i32
      %dma_wait3A_527 = tpu.memref_slice %arg9[%dma_wait3A_525, %dma_wait3A_526] : memref<2x128xi32, #tpu.memory_space<vmem>> -> memref<1x128xi32, #tpu.memory_space<vmem>>
      %dma_wait3A_528 = tpu.memref_squeeze %dma_wait3A_527 : memref<1x128xi32, #tpu.memory_space<vmem>> -> memref<128xi32, #tpu.memory_space<vmem>>
      %dma_wait3A_529 = arith.constant 0 : i32
      %dma_wait3A_530 = tpu.memref_slice %arg3[%dma_wait3A_529] : memref<327680xi32, #tpu.memory_space<hbm>> -> memref<128xi32, #tpu.memory_space<hbm>>
      %dma_wait3A_531 = arith.constant 0 : i32
      %dma_wait3A_532 = tpu.memref_slice %arg9[%dma_wait3A_525, %dma_wait3A_531] : memref<2x128xi32, #tpu.memory_space<vmem>> -> memref<1x128xi32, #tpu.memory_space<vmem>>
      %dma_wait3A_533 = tpu.memref_squeeze %dma_wait3A_532 : memref<1x128xi32, #tpu.memory_space<vmem>> -> memref<128xi32, #tpu.memory_space<vmem>>
      %dma_wait3A_534 = arith.constant 0 : i32
      %dma_wait3A_535 = tpu.memref_slice %arg3[%dma_wait3A_534] : memref<327680xi32, #tpu.memory_space<hbm>> -> memref<128xi32, #tpu.memory_space<hbm>>
      tpu.wait_dma2 semaphore(%arg19 : memref<!tpu.dma_semaphore, #tpu.memory_space<semaphore_mem>>) src(%dma_wait3A_535 : memref<128xi32, #tpu.memory_space<hbm>>) dst(%dma_wait3A_533 : memref<128xi32, #tpu.memory_space<vmem>>)
      %dma_wait3A_536 = arith.constant 1 : i32
      %dma_wait3A_537 = arith.constant 0 : i32
      %dma_wait3A_538 = tpu.memref_slice %arg9[%dma_wait3A_536, %dma_wait3A_537] : memref<2x128xi32, #tpu.memory_space<vmem>> -> memref<1x128xi32, #tpu.memory_space<vmem>>
      %dma_wait3A_539 = tpu.memref_squeeze %dma_wait3A_538 : memref<1x128xi32, #tpu.memory_space<vmem>> -> memref<128xi32, #tpu.memory_space<vmem>>
      %dma_wait3A_540 = arith.constant 0 : i32
      %dma_wait3A_541 = tpu.memref_slice %arg3[%dma_wait3A_540] : memref<327680xi32, #tpu.memory_space<hbm>> -> memref<128xi32, #tpu.memory_space<hbm>>
      %dma_wait3A_542 = arith.constant 0 : i32
      %dma_wait3A_543 = tpu.memref_slice %arg9[%dma_wait3A_536, %dma_wait3A_542] : memref<2x128xi32, #tpu.memory_space<vmem>> -> memref<1x128xi32, #tpu.memory_space<vmem>>
      %dma_wait3A_544 = tpu.memref_squeeze %dma_wait3A_543 : memref<1x128xi32, #tpu.memory_space<vmem>> -> memref<128xi32, #tpu.memory_space<vmem>>
      %dma_wait3A_545 = arith.constant 0 : i32
      %dma_wait3A_546 = tpu.memref_slice %arg3[%dma_wait3A_545] : memref<327680xi32, #tpu.memory_space<hbm>> -> memref<128xi32, #tpu.memory_space<hbm>>
      tpu.wait_dma2 semaphore(%arg19 : memref<!tpu.dma_semaphore, #tpu.memory_space<semaphore_mem>>) src(%dma_wait3A_546 : memref<128xi32, #tpu.memory_space<hbm>>) dst(%dma_wait3A_544 : memref<128xi32, #tpu.memory_space<vmem>>)
      %dma_start3A_547 = arith.constant 0 : i32
      %dma_start3A_548 = arith.constant 0 : i32
      %dma_start3A_549 = tpu.memref_slice %arg9[%dma_start3A_547, %dma_start3A_548] : memref<2x128xi32, #tpu.memory_space<vmem>> -> memref<1x128xi32, #tpu.memory_space<vmem>>
      %dma_start3A_550 = tpu.memref_squeeze %dma_start3A_549 : memref<1x128xi32, #tpu.memory_space<vmem>> -> memref<128xi32, #tpu.memory_space<vmem>>
      %dma_start3A_551 = arith.constant 0 : i32
      %dma_start3A_552 = arith.constant 0 : i32
      %dma_start3A_553 = tpu.memref_slice %arg15[%dma_start3A_551, %dma_start3A_552] : memref<10000x64xf32, #tpu.memory_space<vmem_shared>> -> memref<10000x64xf32, #tpu.memory_space<vmem_shared>>
      tpu.enqueue_indirect_dma source(%dma_start3A_553 : memref<10000x64xf32, #tpu.memory_space<vmem_shared>>) target(%arg13 : memref<128x64xf32, #tpu.memory_space<vmem>>) offsets(%dma_start3A_550 : memref<128xi32, #tpu.memory_space<vmem>>) semaphore(%arg23 : memref<!tpu.dma_semaphore, #tpu.memory_space<semaphore_mem>>)
    }
    %scan3A_191 = arith.constant 40 : i32
    %dma_wait3A_192 = arith.constant 0 : i32
    %dma_wait3A_193 = arith.constant 0 : i32
    %dma_wait3A_194 = tpu.memref_slice %arg7[%dma_wait3A_192, %dma_wait3A_193] : memref<2x128xi32, #tpu.memory_space<vmem>> -> memref<1x128xi32, #tpu.memory_space<vmem>>
    %dma_wait3A_195 = tpu.memref_squeeze %dma_wait3A_194 : memref<1x128xi32, #tpu.memory_space<vmem>> -> memref<128xi32, #tpu.memory_space<vmem>>
    %dma_wait3A_196 = arith.constant 0 : i32
    %dma_wait3A_197 = arith.constant 0 : i32
    %dma_wait3A_198 = tpu.memref_slice %arg15[%dma_wait3A_196, %dma_wait3A_197] : memref<10000x64xf32, #tpu.memory_space<vmem_shared>> -> memref<10000x64xf32, #tpu.memory_space<vmem_shared>>
    tpu.wait_indirect_dma semaphore(%arg21 : memref<!tpu.dma_semaphore, #tpu.memory_space<semaphore_mem>>) src(%dma_wait3A_198 : memref<10000x64xf32, #tpu.memory_space<vmem_shared>>) dst(%arg11 : memref<128x64xf32, #tpu.memory_space<vmem>>)
    %dma_wait3A_199 = arith.constant 0 : i32
    %dma_wait3A_200 = arith.constant 0 : i32
    %dma_wait3A_201 = tpu.memref_slice %arg8[%dma_wait3A_199, %dma_wait3A_200] : memref<2x128xi32, #tpu.memory_space<vmem>> -> memref<1x128xi32, #tpu.memory_space<vmem>>
    %dma_wait3A_202 = tpu.memref_squeeze %dma_wait3A_201 : memref<1x128xi32, #tpu.memory_space<vmem>> -> memref<128xi32, #tpu.memory_space<vmem>>
    %dma_wait3A_203 = arith.constant 0 : i32
    %dma_wait3A_204 = arith.constant 0 : i32
    %dma_wait3A_205 = tpu.memref_slice %arg15[%dma_wait3A_203, %dma_wait3A_204] : memref<10000x64xf32, #tpu.memory_space<vmem_shared>> -> memref<10000x64xf32, #tpu.memory_space<vmem_shared>>
    tpu.wait_indirect_dma semaphore(%arg22 : memref<!tpu.dma_semaphore, #tpu.memory_space<semaphore_mem>>) src(%dma_wait3A_205 : memref<10000x64xf32, #tpu.memory_space<vmem_shared>>) dst(%arg12 : memref<128x64xf32, #tpu.memory_space<vmem>>)
    %dma_wait3A_206 = arith.constant 0 : i32
    %dma_wait3A_207 = arith.constant 0 : i32
    %dma_wait3A_208 = tpu.memref_slice %arg9[%dma_wait3A_206, %dma_wait3A_207] : memref<2x128xi32, #tpu.memory_space<vmem>> -> memref<1x128xi32, #tpu.memory_space<vmem>>
    %dma_wait3A_209 = tpu.memref_squeeze %dma_wait3A_208 : memref<1x128xi32, #tpu.memory_space<vmem>> -> memref<128xi32, #tpu.memory_space<vmem>>
    %dma_wait3A_210 = arith.constant 0 : i32
    %dma_wait3A_211 = arith.constant 0 : i32
    %dma_wait3A_212 = tpu.memref_slice %arg15[%dma_wait3A_210, %dma_wait3A_211] : memref<10000x64xf32, #tpu.memory_space<vmem_shared>> -> memref<10000x64xf32, #tpu.memory_space<vmem_shared>>
    tpu.wait_indirect_dma semaphore(%arg23 : memref<!tpu.dma_semaphore, #tpu.memory_space<semaphore_mem>>) src(%dma_wait3A_212 : memref<10000x64xf32, #tpu.memory_space<vmem_shared>>) dst(%arg13 : memref<128x64xf32, #tpu.memory_space<vmem>>)
    %dma_wait3A_213 = arith.constant 0 : i32
    %dma_wait3A_214 = arith.constant 0 : i32
    %dma_wait3A_215 = tpu.memref_slice %arg10[%dma_wait3A_213, %dma_wait3A_214] : memref<2x128xi32, #tpu.memory_space<vmem>> -> memref<1x128xi32, #tpu.memory_space<vmem>>
    %dma_wait3A_216 = tpu.memref_squeeze %dma_wait3A_215 : memref<1x128xi32, #tpu.memory_space<vmem>> -> memref<128xi32, #tpu.memory_space<vmem>>
    %dma_wait3A_217 = arith.constant 0 : i32
    %dma_wait3A_218 = tpu.memref_slice %arg3[%dma_wait3A_217] : memref<327680xi32, #tpu.memory_space<hbm>> -> memref<128xi32, #tpu.memory_space<hbm>>
    %dma_wait3A_219 = arith.constant 0 : i32
    %dma_wait3A_220 = tpu.memref_slice %arg10[%dma_wait3A_213, %dma_wait3A_219] : memref<2x128xi32, #tpu.memory_space<vmem>> -> memref<1x128xi32, #tpu.memory_space<vmem>>
    %dma_wait3A_221 = tpu.memref_squeeze %dma_wait3A_220 : memref<1x128xi32, #tpu.memory_space<vmem>> -> memref<128xi32, #tpu.memory_space<vmem>>
    %dma_wait3A_222 = arith.constant 0 : i32
    %dma_wait3A_223 = tpu.memref_slice %arg3[%dma_wait3A_222] : memref<327680xi32, #tpu.memory_space<hbm>> -> memref<128xi32, #tpu.memory_space<hbm>>
    tpu.wait_dma2 semaphore(%arg20 : memref<!tpu.dma_semaphore, #tpu.memory_space<semaphore_mem>>) src(%dma_wait3A_223 : memref<128xi32, #tpu.memory_space<hbm>>) dst(%dma_wait3A_221 : memref<128xi32, #tpu.memory_space<vmem>>)
    %dma_wait3A_224 = arith.constant 1 : i32
    %dma_wait3A_225 = arith.constant 0 : i32
    %dma_wait3A_226 = tpu.memref_slice %arg10[%dma_wait3A_224, %dma_wait3A_225] : memref<2x128xi32, #tpu.memory_space<vmem>> -> memref<1x128xi32, #tpu.memory_space<vmem>>
    %dma_wait3A_227 = tpu.memref_squeeze %dma_wait3A_226 : memref<1x128xi32, #tpu.memory_space<vmem>> -> memref<128xi32, #tpu.memory_space<vmem>>
    %dma_wait3A_228 = arith.constant 0 : i32
    %dma_wait3A_229 = tpu.memref_slice %arg3[%dma_wait3A_228] : memref<327680xi32, #tpu.memory_space<hbm>> -> memref<128xi32, #tpu.memory_space<hbm>>
    %dma_wait3A_230 = arith.constant 0 : i32
    %dma_wait3A_231 = tpu.memref_slice %arg10[%dma_wait3A_224, %dma_wait3A_230] : memref<2x128xi32, #tpu.memory_space<vmem>> -> memref<1x128xi32, #tpu.memory_space<vmem>>
    %dma_wait3A_232 = tpu.memref_squeeze %dma_wait3A_231 : memref<1x128xi32, #tpu.memory_space<vmem>> -> memref<128xi32, #tpu.memory_space<vmem>>
    %dma_wait3A_233 = arith.constant 0 : i32
    %dma_wait3A_234 = tpu.memref_slice %arg3[%dma_wait3A_233] : memref<327680xi32, #tpu.memory_space<hbm>> -> memref<128xi32, #tpu.memory_space<hbm>>
    tpu.wait_dma2 semaphore(%arg20 : memref<!tpu.dma_semaphore, #tpu.memory_space<semaphore_mem>>) src(%dma_wait3A_234 : memref<128xi32, #tpu.memory_space<hbm>>) dst(%dma_wait3A_232 : memref<128xi32, #tpu.memory_space<vmem>>)
    %barrier3A_235 = arith.constant 0 : index
    tpu.barrier barrier_id(%barrier3A_235)
    %mul3A_236 = arith.constant 640 : i32
    %mul3A_237 = arith.muli %arg1, %mul3A_236 : i32
    %mul3A_238 = arith.constant 640 : i32
    %mul3A_239 = arith.muli %arg1, %mul3A_238 : i32
    "tpu.region"() ({
      %run_scoped3A = tpu.sem_alloc : memref<!tpu.dma_semaphore, #tpu.memory_space<semaphore_mem>>
      %dma_start3A_240 = arith.constant 0 : i32
      %dma_start3A_241 = tpu.memref_slice %arg6[%arg0, %mul3A_239, %dma_start3A_240] : memref<2x10240x64xf32, #tpu.memory_space<hbm>> -> memref<1x640x64xf32, #tpu.memory_space<hbm>>
      %dma_start3A_242 = tpu.memref_squeeze %dma_start3A_241 : memref<1x640x64xf32, #tpu.memory_space<hbm>> -> memref<640x64xf32, #tpu.memory_space<hbm>>
      %dma_start3A_243 = arith.constant 0 : i32
      %dma_start3A_244 = tpu.memref_slice %arg16[%mul3A_237, %dma_start3A_243] : memref<10240x64xf32, #tpu.memory_space<vmem_shared>> -> memref<640x64xf32, #tpu.memory_space<vmem_shared>>
      tpu.enqueue_dma source(%dma_start3A_244 : memref<640x64xf32, #tpu.memory_space<vmem_shared>>) target(%dma_start3A_242 : memref<640x64xf32, #tpu.memory_space<hbm>>) target_semaphore(%run_scoped3A : memref<!tpu.dma_semaphore, #tpu.memory_space<semaphore_mem>>)
      %dma_wait3A_245 = arith.constant 0 : i32
      %dma_wait3A_246 = tpu.memref_slice %arg6[%arg0, %mul3A_239, %dma_wait3A_245] : memref<2x10240x64xf32, #tpu.memory_space<hbm>> -> memref<1x640x64xf32, #tpu.memory_space<hbm>>
      %dma_wait3A_247 = tpu.memref_squeeze %dma_wait3A_246 : memref<1x640x64xf32, #tpu.memory_space<hbm>> -> memref<640x64xf32, #tpu.memory_space<hbm>>
      %dma_wait3A_248 = arith.constant 0 : i32
      %dma_wait3A_249 = tpu.memref_slice %arg16[%mul3A_237, %dma_wait3A_248] : memref<10240x64xf32, #tpu.memory_space<vmem_shared>> -> memref<640x64xf32, #tpu.memory_space<vmem_shared>>
      tpu.wait_dma2 semaphore(%run_scoped3A : memref<!tpu.dma_semaphore, #tpu.memory_space<semaphore_mem>>) src(%dma_wait3A_249 : memref<640x64xf32, #tpu.memory_space<vmem_shared>>) dst(%dma_wait3A_247 : memref<640x64xf32, #tpu.memory_space<hbm>>)
      tpu.yield
    }) : () -> ()
    return
  }
}

#map = affine_map<(d0, d1) -> (0, 0, 0)>
#map1 = affine_map<(d0, d1) -> (0, 0)>
module attributes {stable_mosaic.version = 14 : i64} {
  func.func @_deg_body(%arg0: i32, %arg1: i32, %arg2: memref<32x80x128xi32, #tpu.memory_space<hbm>>, %arg3: memref<128x16xf32, #tpu.memory_space<hbm>>, %arg4: memref<640x16xf32, #tpu.memory_space<hbm>>, %arg5: memref<2x10240x16xf32, #tpu.memory_space<hbm>>, %arg6: memref<80x128xi32, #tpu.memory_space<vmem>>, %arg7: memref<128x16xf32, #tpu.memory_space<vmem>>, %arg8: memref<10240x16xf32, #tpu.memory_space<vmem_shared>>, %arg9: memref<!tpu.dma_semaphore, #tpu.memory_space<semaphore_mem>>) attributes {dimension_semantics = [#tpu.dimension_semantics<core_parallel>, #tpu.dimension_semantics<subcore_parallel>], iteration_bounds = array<i64: 2, 16>, scalar_prefetch = 0 : i64, scratch_operands = 4 : i64, tpu.core_type = #tpu.core_type<sc_vector_subcore>, window_params = [{transform_indices = #map}, {transform_indices = #map1}, {transform_indices = #map1}, {transform_indices = #map}]} {
    %mul3A = arith.constant 16 : i32
    %mul3A_0 = arith.muli %arg0, %mul3A : i32
    %add3A = arith.addi %mul3A_0, %arg1 : i32
    %mul3A_1 = arith.constant 640 : i32
    %mul3A_2 = arith.muli %arg1, %mul3A_1 : i32
    "tpu.region"() ({
      %run_scoped3A = tpu.sem_alloc : memref<!tpu.dma_semaphore, #tpu.memory_space<semaphore_mem>>
      %dma_start3A = arith.constant 0 : i32
      %dma_start3A_13 = tpu.memref_slice %arg8[%mul3A_2, %dma_start3A] : memref<10240x16xf32, #tpu.memory_space<vmem_shared>> -> memref<640x16xf32, #tpu.memory_space<vmem_shared>>
      tpu.enqueue_dma source(%arg4 : memref<640x16xf32, #tpu.memory_space<hbm>>) target(%dma_start3A_13 : memref<640x16xf32, #tpu.memory_space<vmem_shared>>) target_semaphore(%run_scoped3A : memref<!tpu.dma_semaphore, #tpu.memory_space<semaphore_mem>>)
      %dma_wait3A = arith.constant 0 : i32
      %dma_wait3A_14 = tpu.memref_slice %arg8[%mul3A_2, %dma_wait3A] : memref<10240x16xf32, #tpu.memory_space<vmem_shared>> -> memref<640x16xf32, #tpu.memory_space<vmem_shared>>
      tpu.wait_dma2 semaphore(%run_scoped3A : memref<!tpu.dma_semaphore, #tpu.memory_space<semaphore_mem>>) src(%arg4 : memref<640x16xf32, #tpu.memory_space<hbm>>) dst(%dma_wait3A_14 : memref<640x16xf32, #tpu.memory_space<vmem_shared>>)
      tpu.yield
    }) : () -> ()
    "tpu.region"() ({
      %run_scoped3A = tpu.sem_alloc : memref<!tpu.dma_semaphore, #tpu.memory_space<semaphore_mem>>
      tpu.enqueue_dma source(%arg3 : memref<128x16xf32, #tpu.memory_space<hbm>>) target(%arg7 : memref<128x16xf32, #tpu.memory_space<vmem>>) target_semaphore(%run_scoped3A : memref<!tpu.dma_semaphore, #tpu.memory_space<semaphore_mem>>)
      tpu.wait_dma2 semaphore(%run_scoped3A : memref<!tpu.dma_semaphore, #tpu.memory_space<semaphore_mem>>) src(%arg3 : memref<128x16xf32, #tpu.memory_space<hbm>>) dst(%arg7 : memref<128x16xf32, #tpu.memory_space<vmem>>)
      tpu.yield
    }) : () -> ()
    "tpu.region"() ({
      %run_scoped3A = tpu.sem_alloc : memref<!tpu.dma_semaphore, #tpu.memory_space<semaphore_mem>>
      %dma_start3A = arith.constant 0 : i32
      %dma_start3A_13 = arith.constant 0 : i32
      %dma_start3A_14 = tpu.memref_slice %arg2[%add3A, %dma_start3A, %dma_start3A_13] : memref<32x80x128xi32, #tpu.memory_space<hbm>> -> memref<1x80x128xi32, #tpu.memory_space<hbm>>
      %dma_start3A_15 = tpu.memref_squeeze %dma_start3A_14 : memref<1x80x128xi32, #tpu.memory_space<hbm>> -> memref<80x128xi32, #tpu.memory_space<hbm>>
      %dma_start3A_16 = arith.constant 0 : i32
      %dma_start3A_17 = arith.constant 0 : i32
      %dma_start3A_18 = tpu.memref_slice %arg2[%add3A, %dma_start3A_16, %dma_start3A_17] : memref<32x80x128xi32, #tpu.memory_space<hbm>> -> memref<1x80x128xi32, #tpu.memory_space<hbm>>
      %dma_start3A_19 = tpu.memref_squeeze %dma_start3A_18 : memref<1x80x128xi32, #tpu.memory_space<hbm>> -> memref<80x128xi32, #tpu.memory_space<hbm>>
      tpu.enqueue_dma source(%dma_start3A_19 : memref<80x128xi32, #tpu.memory_space<hbm>>) target(%arg6 : memref<80x128xi32, #tpu.memory_space<vmem>>) target_semaphore(%run_scoped3A : memref<!tpu.dma_semaphore, #tpu.memory_space<semaphore_mem>>)
      %dma_wait3A = arith.constant 0 : i32
      %dma_wait3A_20 = arith.constant 0 : i32
      %dma_wait3A_21 = tpu.memref_slice %arg2[%add3A, %dma_wait3A, %dma_wait3A_20] : memref<32x80x128xi32, #tpu.memory_space<hbm>> -> memref<1x80x128xi32, #tpu.memory_space<hbm>>
      %dma_wait3A_22 = tpu.memref_squeeze %dma_wait3A_21 : memref<1x80x128xi32, #tpu.memory_space<hbm>> -> memref<80x128xi32, #tpu.memory_space<hbm>>
      %dma_wait3A_23 = arith.constant 0 : i32
      %dma_wait3A_24 = arith.constant 0 : i32
      %dma_wait3A_25 = tpu.memref_slice %arg2[%add3A, %dma_wait3A_23, %dma_wait3A_24] : memref<32x80x128xi32, #tpu.memory_space<hbm>> -> memref<1x80x128xi32, #tpu.memory_space<hbm>>
      %dma_wait3A_26 = tpu.memref_squeeze %dma_wait3A_25 : memref<1x80x128xi32, #tpu.memory_space<hbm>> -> memref<80x128xi32, #tpu.memory_space<hbm>>
      tpu.wait_dma2 semaphore(%run_scoped3A : memref<!tpu.dma_semaphore, #tpu.memory_space<semaphore_mem>>) src(%dma_wait3A_26 : memref<80x128xi32, #tpu.memory_space<hbm>>) dst(%arg6 : memref<80x128xi32, #tpu.memory_space<vmem>>)
      tpu.yield
    }) : () -> ()
    %barrier3A = arith.constant 0 : index
    tpu.barrier barrier_id(%barrier3A)
    %scan3A = arith.constant 0 : i32
    %scan3A_3 = arith.constant 0 : i32
    %scan3A_4 = arith.constant 80 : i32
    %scan3A_5 = arith.addi %scan3A_3, %scan3A_4 : i32
    %scan3A_6 = arith.constant 1 : i32
    scf.for %scan3A_13 = %scan3A_3 to %scan3A_5 step %scan3A_6  : i32 {
      "tpu.region"() ({
        %run_scoped3A = tpu.sem_alloc : memref<!tpu.dma_semaphore, #tpu.memory_space<semaphore_mem>>
        %dma_start3A = arith.constant 0 : i32
        %dma_start3A_14 = tpu.memref_slice %arg6[%scan3A_13, %dma_start3A] : memref<80x128xi32, #tpu.memory_space<vmem>> -> memref<1x128xi32, #tpu.memory_space<vmem>>
        %dma_start3A_15 = tpu.memref_squeeze %dma_start3A_14 : memref<1x128xi32, #tpu.memory_space<vmem>> -> memref<128xi32, #tpu.memory_space<vmem>>
        %dma_start3A_16 = arith.constant 0 : i32
        %dma_start3A_17 = arith.constant 0 : i32
        %dma_start3A_18 = tpu.memref_slice %arg8[%dma_start3A_16, %dma_start3A_17] : memref<10240x16xf32, #tpu.memory_space<vmem_shared>> -> memref<10240x16xf32, #tpu.memory_space<vmem_shared>>
        tpu.enqueue_indirect_dma source(%arg7 : memref<128x16xf32, #tpu.memory_space<vmem>>) target(%dma_start3A_18 : memref<10240x16xf32, #tpu.memory_space<vmem_shared>>) offsets(%dma_start3A_15 : memref<128xi32, #tpu.memory_space<vmem>>) semaphore(%run_scoped3A : memref<!tpu.dma_semaphore, #tpu.memory_space<semaphore_mem>>) {add = true}
        %dma_wait3A = arith.constant 0 : i32
        %dma_wait3A_19 = tpu.memref_slice %arg6[%scan3A_13, %dma_wait3A] : memref<80x128xi32, #tpu.memory_space<vmem>> -> memref<1x128xi32, #tpu.memory_space<vmem>>
        %dma_wait3A_20 = tpu.memref_squeeze %dma_wait3A_19 : memref<1x128xi32, #tpu.memory_space<vmem>> -> memref<128xi32, #tpu.memory_space<vmem>>
        %dma_wait3A_21 = arith.constant 0 : i32
        %dma_wait3A_22 = arith.constant 0 : i32
        %dma_wait3A_23 = tpu.memref_slice %arg8[%dma_wait3A_21, %dma_wait3A_22] : memref<10240x16xf32, #tpu.memory_space<vmem_shared>> -> memref<10240x16xf32, #tpu.memory_space<vmem_shared>>
        tpu.wait_indirect_dma semaphore(%run_scoped3A : memref<!tpu.dma_semaphore, #tpu.memory_space<semaphore_mem>>) src(%arg7 : memref<128x16xf32, #tpu.memory_space<vmem>>) dst(%dma_wait3A_23 : memref<10240x16xf32, #tpu.memory_space<vmem_shared>>)
        tpu.yield
      }) : () -> ()
    }
    %scan3A_7 = arith.constant 80 : i32
    %barrier3A_8 = arith.constant 0 : index
    tpu.barrier barrier_id(%barrier3A_8)
    %mul3A_9 = arith.constant 640 : i32
    %mul3A_10 = arith.muli %arg1, %mul3A_9 : i32
    %mul3A_11 = arith.constant 640 : i32
    %mul3A_12 = arith.muli %arg1, %mul3A_11 : i32
    "tpu.region"() ({
      %run_scoped3A = tpu.sem_alloc : memref<!tpu.dma_semaphore, #tpu.memory_space<semaphore_mem>>
      %dma_start3A = arith.constant 0 : i32
      %dma_start3A_13 = tpu.memref_slice %arg5[%arg0, %mul3A_12, %dma_start3A] : memref<2x10240x16xf32, #tpu.memory_space<hbm>> -> memref<1x640x16xf32, #tpu.memory_space<hbm>>
      %dma_start3A_14 = tpu.memref_squeeze %dma_start3A_13 : memref<1x640x16xf32, #tpu.memory_space<hbm>> -> memref<640x16xf32, #tpu.memory_space<hbm>>
      %dma_start3A_15 = arith.constant 0 : i32
      %dma_start3A_16 = tpu.memref_slice %arg8[%mul3A_10, %dma_start3A_15] : memref<10240x16xf32, #tpu.memory_space<vmem_shared>> -> memref<640x16xf32, #tpu.memory_space<vmem_shared>>
      tpu.enqueue_dma source(%dma_start3A_16 : memref<640x16xf32, #tpu.memory_space<vmem_shared>>) target(%dma_start3A_14 : memref<640x16xf32, #tpu.memory_space<hbm>>) target_semaphore(%run_scoped3A : memref<!tpu.dma_semaphore, #tpu.memory_space<semaphore_mem>>)
      %dma_wait3A = arith.constant 0 : i32
      %dma_wait3A_17 = tpu.memref_slice %arg5[%arg0, %mul3A_12, %dma_wait3A] : memref<2x10240x16xf32, #tpu.memory_space<hbm>> -> memref<1x640x16xf32, #tpu.memory_space<hbm>>
      %dma_wait3A_18 = tpu.memref_squeeze %dma_wait3A_17 : memref<1x640x16xf32, #tpu.memory_space<hbm>> -> memref<640x16xf32, #tpu.memory_space<hbm>>
      %dma_wait3A_19 = arith.constant 0 : i32
      %dma_wait3A_20 = tpu.memref_slice %arg8[%mul3A_10, %dma_wait3A_19] : memref<10240x16xf32, #tpu.memory_space<vmem_shared>> -> memref<640x16xf32, #tpu.memory_space<vmem_shared>>
      tpu.wait_dma2 semaphore(%run_scoped3A : memref<!tpu.dma_semaphore, #tpu.memory_space<semaphore_mem>>) src(%dma_wait3A_20 : memref<640x16xf32, #tpu.memory_space<vmem_shared>>) dst(%dma_wait3A_18 : memref<640x16xf32, #tpu.memory_space<hbm>>)
      tpu.yield
    }) : () -> ()
    return
  }
}

#map = affine_map<(d0, d1) -> (0, 0, 0)>
#map1 = affine_map<(d0, d1) -> (0)>
#map2 = affine_map<(d0, d1) -> (0, 0)>
module attributes {stable_mosaic.version = 14 : i64} {
  func.func @_agg_body(%arg0: i32, %arg1: i32, %arg2: memref<2x10000x64xf32, #tpu.memory_space<hbm>>, %arg3: memref<327680xi32, #tpu.memory_space<hbm>>, %arg4: memref<327680xi32, #tpu.memory_space<hbm>>, %arg5: memref<640x64xf32, #tpu.memory_space<hbm>>, %arg6: memref<2x10240x64xf32, #tpu.memory_space<hbm>>, %arg7: memref<2x128xi32, #tpu.memory_space<vmem>>, %arg8: memref<2x128xi32, #tpu.memory_space<vmem>>, %arg9: memref<2x128xi32, #tpu.memory_space<vmem>>, %arg10: memref<2x128xi32, #tpu.memory_space<vmem>>, %arg11: memref<128x64xf32, #tpu.memory_space<vmem>>, %arg12: memref<128x64xf32, #tpu.memory_space<vmem>>, %arg13: memref<128x64xf32, #tpu.memory_space<vmem>>, %arg14: memref<128x64xf32, #tpu.memory_space<vmem>>, %arg15: memref<10000x64xf32, #tpu.memory_space<vmem_shared>>, %arg16: memref<10240x64xf32, #tpu.memory_space<vmem_shared>>, %arg17: memref<!tpu.dma_semaphore, #tpu.memory_space<semaphore_mem>>, %arg18: memref<!tpu.dma_semaphore, #tpu.memory_space<semaphore_mem>>, %arg19: memref<!tpu.dma_semaphore, #tpu.memory_space<semaphore_mem>>, %arg20: memref<!tpu.dma_semaphore, #tpu.memory_space<semaphore_mem>>, %arg21: memref<!tpu.dma_semaphore, #tpu.memory_space<semaphore_mem>>, %arg22: memref<!tpu.dma_semaphore, #tpu.memory_space<semaphore_mem>>, %arg23: memref<!tpu.dma_semaphore, #tpu.memory_space<semaphore_mem>>, %arg24: memref<!tpu.dma_semaphore, #tpu.memory_space<semaphore_mem>>, %arg25: memref<!tpu.dma_semaphore, #tpu.memory_space<semaphore_mem>>, %arg26: memref<!tpu.dma_semaphore, #tpu.memory_space<semaphore_mem>>, %arg27: memref<!tpu.dma_semaphore, #tpu.memory_space<semaphore_mem>>, %arg28: memref<!tpu.dma_semaphore, #tpu.memory_space<semaphore_mem>>) attributes {dimension_semantics = [#tpu.dimension_semantics<core_parallel>, #tpu.dimension_semantics<subcore_parallel>], iteration_bounds = array<i64: 2, 16>, scalar_prefetch = 0 : i64, scratch_operands = 22 : i64, tpu.core_type = #tpu.core_type<sc_vector_subcore>, window_params = [{transform_indices = #map}, {transform_indices = #map1}, {transform_indices = #map1}, {transform_indices = #map2}, {transform_indices = #map}]} {
    %mul3A = arith.constant 160 : i32
    %mul3A_0 = arith.muli %arg1, %mul3A : i32
    %mul3A_1 = arith.constant 640 : i32
    %mul3A_2 = arith.muli %arg1, %mul3A_1 : i32
    "tpu.region"() ({
      %run_scoped3A = tpu.sem_alloc : memref<!tpu.dma_semaphore, #tpu.memory_space<semaphore_mem>>
      %dma_start3A_240 = arith.constant 0 : i32
      %dma_start3A_241 = tpu.memref_slice %arg16[%mul3A_2, %dma_start3A_240] : memref<10240x64xf32, #tpu.memory_space<vmem_shared>> -> memref<640x64xf32, #tpu.memory_space<vmem_shared>>
      tpu.enqueue_dma source(%arg5 : memref<640x64xf32, #tpu.memory_space<hbm>>) target(%dma_start3A_241 : memref<640x64xf32, #tpu.memory_space<vmem_shared>>) target_semaphore(%run_scoped3A : memref<!tpu.dma_semaphore, #tpu.memory_space<semaphore_mem>>)
      %dma_wait3A_242 = arith.constant 0 : i32
      %dma_wait3A_243 = tpu.memref_slice %arg16[%mul3A_2, %dma_wait3A_242] : memref<10240x64xf32, #tpu.memory_space<vmem_shared>> -> memref<640x64xf32, #tpu.memory_space<vmem_shared>>
      tpu.wait_dma2 semaphore(%run_scoped3A : memref<!tpu.dma_semaphore, #tpu.memory_space<semaphore_mem>>) src(%arg5 : memref<640x64xf32, #tpu.memory_space<hbm>>) dst(%dma_wait3A_243 : memref<640x64xf32, #tpu.memory_space<vmem_shared>>)
      tpu.yield
    }) : () -> ()
    %mul3A_3 = arith.constant 625 : i32
    %mul3A_4 = arith.muli %arg1, %mul3A_3 : i32
    %mul3A_5 = arith.constant 625 : i32
    %mul3A_6 = arith.muli %arg1, %mul3A_5 : i32
    "tpu.region"() ({
      %run_scoped3A = tpu.sem_alloc : memref<!tpu.dma_semaphore, #tpu.memory_space<semaphore_mem>>
      %dma_start3A_240 = arith.constant 0 : i32
      %dma_start3A_241 = tpu.memref_slice %arg15[%mul3A_6, %dma_start3A_240] : memref<10000x64xf32, #tpu.memory_space<vmem_shared>> -> memref<625x64xf32, #tpu.memory_space<vmem_shared>>
      %dma_start3A_242 = arith.constant 0 : i32
      %dma_start3A_243 = tpu.memref_slice %arg2[%arg0, %mul3A_4, %dma_start3A_242] : memref<2x10000x64xf32, #tpu.memory_space<hbm>> -> memref<1x625x64xf32, #tpu.memory_space<hbm>>
      %dma_start3A_244 = tpu.memref_squeeze %dma_start3A_243 : memref<1x625x64xf32, #tpu.memory_space<hbm>> -> memref<625x64xf32, #tpu.memory_space<hbm>>
      tpu.enqueue_dma source(%dma_start3A_244 : memref<625x64xf32, #tpu.memory_space<hbm>>) target(%dma_start3A_241 : memref<625x64xf32, #tpu.memory_space<vmem_shared>>) target_semaphore(%run_scoped3A : memref<!tpu.dma_semaphore, #tpu.memory_space<semaphore_mem>>)
      %dma_wait3A_245 = arith.constant 0 : i32
      %dma_wait3A_246 = tpu.memref_slice %arg15[%mul3A_6, %dma_wait3A_245] : memref<10000x64xf32, #tpu.memory_space<vmem_shared>> -> memref<625x64xf32, #tpu.memory_space<vmem_shared>>
      %dma_wait3A_247 = arith.constant 0 : i32
      %dma_wait3A_248 = tpu.memref_slice %arg2[%arg0, %mul3A_4, %dma_wait3A_247] : memref<2x10000x64xf32, #tpu.memory_space<hbm>> -> memref<1x625x64xf32, #tpu.memory_space<hbm>>
      %dma_wait3A_249 = tpu.memref_squeeze %dma_wait3A_248 : memref<1x625x64xf32, #tpu.memory_space<hbm>> -> memref<625x64xf32, #tpu.memory_space<hbm>>
      tpu.wait_dma2 semaphore(%run_scoped3A : memref<!tpu.dma_semaphore, #tpu.memory_space<semaphore_mem>>) src(%dma_wait3A_249 : memref<625x64xf32, #tpu.memory_space<hbm>>) dst(%dma_wait3A_246 : memref<625x64xf32, #tpu.memory_space<vmem_shared>>)
      tpu.yield
    }) : () -> ()
    %barrier3A = arith.constant 0 : index
    tpu.barrier barrier_id(%barrier3A)
    %add3A = arith.constant 0 : i32
    %add3A_7 = arith.addi %mul3A_0, %add3A : i32
    %mul3A_8 = arith.constant 128 : i32
    %mul3A_9 = arith.muli %add3A_7, %mul3A_8 : i32
    %dma_start3A = arith.constant 0 : i32
    %dma_start3A_10 = arith.constant 0 : i32
    %dma_start3A_11 = tpu.memref_slice %arg7[%dma_start3A, %dma_start3A_10] : memref<2x128xi32, #tpu.memory_space<vmem>> -> memref<1x128xi32, #tpu.memory_space<vmem>>
    %dma_start3A_12 = tpu.memref_squeeze %dma_start3A_11 : memref<1x128xi32, #tpu.memory_space<vmem>> -> memref<128xi32, #tpu.memory_space<vmem>>
    %dma_start3A_13 = tpu.memref_slice %arg3[%mul3A_9] : memref<327680xi32, #tpu.memory_space<hbm>> -> memref<128xi32, #tpu.memory_space<hbm>>
    %dma_start3A_14 = arith.constant 0 : i32
    %dma_start3A_15 = tpu.memref_slice %arg7[%dma_start3A, %dma_start3A_14] : memref<2x128xi32, #tpu.memory_space<vmem>> -> memref<1x128xi32, #tpu.memory_space<vmem>>
    %dma_start3A_16 = tpu.memref_squeeze %dma_start3A_15 : memref<1x128xi32, #tpu.memory_space<vmem>> -> memref<128xi32, #tpu.memory_space<vmem>>
    %dma_start3A_17 = tpu.memref_slice %arg3[%mul3A_9] : memref<327680xi32, #tpu.memory_space<hbm>> -> memref<128xi32, #tpu.memory_space<hbm>>
    tpu.enqueue_dma source(%dma_start3A_17 : memref<128xi32, #tpu.memory_space<hbm>>) target(%dma_start3A_16 : memref<128xi32, #tpu.memory_space<vmem>>) target_semaphore(%arg17 : memref<!tpu.dma_semaphore, #tpu.memory_space<semaphore_mem>>)
    %mul3A_18 = arith.constant 128 : i32
    %mul3A_19 = arith.muli %add3A_7, %mul3A_18 : i32
    %dma_start3A_20 = arith.constant 1 : i32
    %dma_start3A_21 = arith.constant 0 : i32
    %dma_start3A_22 = tpu.memref_slice %arg7[%dma_start3A_20, %dma_start3A_21] : memref<2x128xi32, #tpu.memory_space<vmem>> -> memref<1x128xi32, #tpu.memory_space<vmem>>
    %dma_start3A_23 = tpu.memref_squeeze %dma_start3A_22 : memref<1x128xi32, #tpu.memory_space<vmem>> -> memref<128xi32, #tpu.memory_space<vmem>>
    %dma_start3A_24 = tpu.memref_slice %arg4[%mul3A_19] : memref<327680xi32, #tpu.memory_space<hbm>> -> memref<128xi32, #tpu.memory_space<hbm>>
    %dma_start3A_25 = arith.constant 0 : i32
    %dma_start3A_26 = tpu.memref_slice %arg7[%dma_start3A_20, %dma_start3A_25] : memref<2x128xi32, #tpu.memory_space<vmem>> -> memref<1x128xi32, #tpu.memory_space<vmem>>
    %dma_start3A_27 = tpu.memref_squeeze %dma_start3A_26 : memref<1x128xi32, #tpu.memory_space<vmem>> -> memref<128xi32, #tpu.memory_space<vmem>>
    %dma_start3A_28 = tpu.memref_slice %arg4[%mul3A_19] : memref<327680xi32, #tpu.memory_space<hbm>> -> memref<128xi32, #tpu.memory_space<hbm>>
    tpu.enqueue_dma source(%dma_start3A_28 : memref<128xi32, #tpu.memory_space<hbm>>) target(%dma_start3A_27 : memref<128xi32, #tpu.memory_space<vmem>>) target_semaphore(%arg17 : memref<!tpu.dma_semaphore, #tpu.memory_space<semaphore_mem>>)
    %add3A_29 = arith.constant 1 : i32
    %add3A_30 = arith.addi %mul3A_0, %add3A_29 : i32
    %mul3A_31 = arith.constant 128 : i32
    %mul3A_32 = arith.muli %add3A_30, %mul3A_31 : i32
    %dma_start3A_33 = arith.constant 0 : i32
    %dma_start3A_34 = arith.constant 0 : i32
    %dma_start3A_35 = tpu.memref_slice %arg8[%dma_start3A_33, %dma_start3A_34] : memref<2x128xi32, #tpu.memory_space<vmem>> -> memref<1x128xi32, #tpu.memory_space<vmem>>
    %dma_start3A_36 = tpu.memref_squeeze %dma_start3A_35 : memref<1x128xi32, #tpu.memory_space<vmem>> -> memref<128xi32, #tpu.memory_space<vmem>>
    %dma_start3A_37 = tpu.memref_slice %arg3[%mul3A_32] : memref<327680xi32, #tpu.memory_space<hbm>> -> memref<128xi32, #tpu.memory_space<hbm>>
    %dma_start3A_38 = arith.constant 0 : i32
    %dma_start3A_39 = tpu.memref_slice %arg8[%dma_start3A_33, %dma_start3A_38] : memref<2x128xi32, #tpu.memory_space<vmem>> -> memref<1x128xi32, #tpu.memory_space<vmem>>
    %dma_start3A_40 = tpu.memref_squeeze %dma_start3A_39 : memref<1x128xi32, #tpu.memory_space<vmem>> -> memref<128xi32, #tpu.memory_space<vmem>>
    %dma_start3A_41 = tpu.memref_slice %arg3[%mul3A_32] : memref<327680xi32, #tpu.memory_space<hbm>> -> memref<128xi32, #tpu.memory_space<hbm>>
    tpu.enqueue_dma source(%dma_start3A_41 : memref<128xi32, #tpu.memory_space<hbm>>) target(%dma_start3A_40 : memref<128xi32, #tpu.memory_space<vmem>>) target_semaphore(%arg18 : memref<!tpu.dma_semaphore, #tpu.memory_space<semaphore_mem>>)
    %mul3A_42 = arith.constant 128 : i32
    %mul3A_43 = arith.muli %add3A_30, %mul3A_42 : i32
    %dma_start3A_44 = arith.constant 1 : i32
    %dma_start3A_45 = arith.constant 0 : i32
    %dma_start3A_46 = tpu.memref_slice %arg8[%dma_start3A_44, %dma_start3A_45] : memref<2x128xi32, #tpu.memory_space<vmem>> -> memref<1x128xi32, #tpu.memory_space<vmem>>
    %dma_start3A_47 = tpu.memref_squeeze %dma_start3A_46 : memref<1x128xi32, #tpu.memory_space<vmem>> -> memref<128xi32, #tpu.memory_space<vmem>>
    %dma_start3A_48 = tpu.memref_slice %arg4[%mul3A_43] : memref<327680xi32, #tpu.memory_space<hbm>> -> memref<128xi32, #tpu.memory_space<hbm>>
    %dma_start3A_49 = arith.constant 0 : i32
    %dma_start3A_50 = tpu.memref_slice %arg8[%dma_start3A_44, %dma_start3A_49] : memref<2x128xi32, #tpu.memory_space<vmem>> -> memref<1x128xi32, #tpu.memory_space<vmem>>
    %dma_start3A_51 = tpu.memref_squeeze %dma_start3A_50 : memref<1x128xi32, #tpu.memory_space<vmem>> -> memref<128xi32, #tpu.memory_space<vmem>>
    %dma_start3A_52 = tpu.memref_slice %arg4[%mul3A_43] : memref<327680xi32, #tpu.memory_space<hbm>> -> memref<128xi32, #tpu.memory_space<hbm>>
    tpu.enqueue_dma source(%dma_start3A_52 : memref<128xi32, #tpu.memory_space<hbm>>) target(%dma_start3A_51 : memref<128xi32, #tpu.memory_space<vmem>>) target_semaphore(%arg18 : memref<!tpu.dma_semaphore, #tpu.memory_space<semaphore_mem>>)
    %add3A_53 = arith.constant 2 : i32
    %add3A_54 = arith.addi %mul3A_0, %add3A_53 : i32
    %mul3A_55 = arith.constant 128 : i32
    %mul3A_56 = arith.muli %add3A_54, %mul3A_55 : i32
    %dma_start3A_57 = arith.constant 0 : i32
    %dma_start3A_58 = arith.constant 0 : i32
    %dma_start3A_59 = tpu.memref_slice %arg9[%dma_start3A_57, %dma_start3A_58] : memref<2x128xi32, #tpu.memory_space<vmem>> -> memref<1x128xi32, #tpu.memory_space<vmem>>
    %dma_start3A_60 = tpu.memref_squeeze %dma_start3A_59 : memref<1x128xi32, #tpu.memory_space<vmem>> -> memref<128xi32, #tpu.memory_space<vmem>>
    %dma_start3A_61 = tpu.memref_slice %arg3[%mul3A_56] : memref<327680xi32, #tpu.memory_space<hbm>> -> memref<128xi32, #tpu.memory_space<hbm>>
    %dma_start3A_62 = arith.constant 0 : i32
    %dma_start3A_63 = tpu.memref_slice %arg9[%dma_start3A_57, %dma_start3A_62] : memref<2x128xi32, #tpu.memory_space<vmem>> -> memref<1x128xi32, #tpu.memory_space<vmem>>
    %dma_start3A_64 = tpu.memref_squeeze %dma_start3A_63 : memref<1x128xi32, #tpu.memory_space<vmem>> -> memref<128xi32, #tpu.memory_space<vmem>>
    %dma_start3A_65 = tpu.memref_slice %arg3[%mul3A_56] : memref<327680xi32, #tpu.memory_space<hbm>> -> memref<128xi32, #tpu.memory_space<hbm>>
    tpu.enqueue_dma source(%dma_start3A_65 : memref<128xi32, #tpu.memory_space<hbm>>) target(%dma_start3A_64 : memref<128xi32, #tpu.memory_space<vmem>>) target_semaphore(%arg19 : memref<!tpu.dma_semaphore, #tpu.memory_space<semaphore_mem>>)
    %mul3A_66 = arith.constant 128 : i32
    %mul3A_67 = arith.muli %add3A_54, %mul3A_66 : i32
    %dma_start3A_68 = arith.constant 1 : i32
    %dma_start3A_69 = arith.constant 0 : i32
    %dma_start3A_70 = tpu.memref_slice %arg9[%dma_start3A_68, %dma_start3A_69] : memref<2x128xi32, #tpu.memory_space<vmem>> -> memref<1x128xi32, #tpu.memory_space<vmem>>
    %dma_start3A_71 = tpu.memref_squeeze %dma_start3A_70 : memref<1x128xi32, #tpu.memory_space<vmem>> -> memref<128xi32, #tpu.memory_space<vmem>>
    %dma_start3A_72 = tpu.memref_slice %arg4[%mul3A_67] : memref<327680xi32, #tpu.memory_space<hbm>> -> memref<128xi32, #tpu.memory_space<hbm>>
    %dma_start3A_73 = arith.constant 0 : i32
    %dma_start3A_74 = tpu.memref_slice %arg9[%dma_start3A_68, %dma_start3A_73] : memref<2x128xi32, #tpu.memory_space<vmem>> -> memref<1x128xi32, #tpu.memory_space<vmem>>
    %dma_start3A_75 = tpu.memref_squeeze %dma_start3A_74 : memref<1x128xi32, #tpu.memory_space<vmem>> -> memref<128xi32, #tpu.memory_space<vmem>>
    %dma_start3A_76 = tpu.memref_slice %arg4[%mul3A_67] : memref<327680xi32, #tpu.memory_space<hbm>> -> memref<128xi32, #tpu.memory_space<hbm>>
    tpu.enqueue_dma source(%dma_start3A_76 : memref<128xi32, #tpu.memory_space<hbm>>) target(%dma_start3A_75 : memref<128xi32, #tpu.memory_space<vmem>>) target_semaphore(%arg19 : memref<!tpu.dma_semaphore, #tpu.memory_space<semaphore_mem>>)
    %add3A_77 = arith.constant 3 : i32
    %add3A_78 = arith.addi %mul3A_0, %add3A_77 : i32
    %mul3A_79 = arith.constant 128 : i32
    %mul3A_80 = arith.muli %add3A_78, %mul3A_79 : i32
    %dma_start3A_81 = arith.constant 0 : i32
    %dma_start3A_82 = arith.constant 0 : i32
    %dma_start3A_83 = tpu.memref_slice %arg10[%dma_start3A_81, %dma_start3A_82] : memref<2x128xi32, #tpu.memory_space<vmem>> -> memref<1x128xi32, #tpu.memory_space<vmem>>
    %dma_start3A_84 = tpu.memref_squeeze %dma_start3A_83 : memref<1x128xi32, #tpu.memory_space<vmem>> -> memref<128xi32, #tpu.memory_space<vmem>>
    %dma_start3A_85 = tpu.memref_slice %arg3[%mul3A_80] : memref<327680xi32, #tpu.memory_space<hbm>> -> memref<128xi32, #tpu.memory_space<hbm>>
    %dma_start3A_86 = arith.constant 0 : i32
    %dma_start3A_87 = tpu.memref_slice %arg10[%dma_start3A_81, %dma_start3A_86] : memref<2x128xi32, #tpu.memory_space<vmem>> -> memref<1x128xi32, #tpu.memory_space<vmem>>
    %dma_start3A_88 = tpu.memref_squeeze %dma_start3A_87 : memref<1x128xi32, #tpu.memory_space<vmem>> -> memref<128xi32, #tpu.memory_space<vmem>>
    %dma_start3A_89 = tpu.memref_slice %arg3[%mul3A_80] : memref<327680xi32, #tpu.memory_space<hbm>> -> memref<128xi32, #tpu.memory_space<hbm>>
    tpu.enqueue_dma source(%dma_start3A_89 : memref<128xi32, #tpu.memory_space<hbm>>) target(%dma_start3A_88 : memref<128xi32, #tpu.memory_space<vmem>>) target_semaphore(%arg20 : memref<!tpu.dma_semaphore, #tpu.memory_space<semaphore_mem>>)
    %mul3A_90 = arith.constant 128 : i32
    %mul3A_91 = arith.muli %add3A_78, %mul3A_90 : i32
    %dma_start3A_92 = arith.constant 1 : i32
    %dma_start3A_93 = arith.constant 0 : i32
    %dma_start3A_94 = tpu.memref_slice %arg10[%dma_start3A_92, %dma_start3A_93] : memref<2x128xi32, #tpu.memory_space<vmem>> -> memref<1x128xi32, #tpu.memory_space<vmem>>
    %dma_start3A_95 = tpu.memref_squeeze %dma_start3A_94 : memref<1x128xi32, #tpu.memory_space<vmem>> -> memref<128xi32, #tpu.memory_space<vmem>>
    %dma_start3A_96 = tpu.memref_slice %arg4[%mul3A_91] : memref<327680xi32, #tpu.memory_space<hbm>> -> memref<128xi32, #tpu.memory_space<hbm>>
    %dma_start3A_97 = arith.constant 0 : i32
    %dma_start3A_98 = tpu.memref_slice %arg10[%dma_start3A_92, %dma_start3A_97] : memref<2x128xi32, #tpu.memory_space<vmem>> -> memref<1x128xi32, #tpu.memory_space<vmem>>
    %dma_start3A_99 = tpu.memref_squeeze %dma_start3A_98 : memref<1x128xi32, #tpu.memory_space<vmem>> -> memref<128xi32, #tpu.memory_space<vmem>>
    %dma_start3A_100 = tpu.memref_slice %arg4[%mul3A_91] : memref<327680xi32, #tpu.memory_space<hbm>> -> memref<128xi32, #tpu.memory_space<hbm>>
    tpu.enqueue_dma source(%dma_start3A_100 : memref<128xi32, #tpu.memory_space<hbm>>) target(%dma_start3A_99 : memref<128xi32, #tpu.memory_space<vmem>>) target_semaphore(%arg20 : memref<!tpu.dma_semaphore, #tpu.memory_space<semaphore_mem>>)
    %dma_wait3A = arith.constant 0 : i32
    %dma_wait3A_101 = arith.constant 0 : i32
    %dma_wait3A_102 = tpu.memref_slice %arg7[%dma_wait3A, %dma_wait3A_101] : memref<2x128xi32, #tpu.memory_space<vmem>> -> memref<1x128xi32, #tpu.memory_space<vmem>>
    %dma_wait3A_103 = tpu.memref_squeeze %dma_wait3A_102 : memref<1x128xi32, #tpu.memory_space<vmem>> -> memref<128xi32, #tpu.memory_space<vmem>>
    %dma_wait3A_104 = arith.constant 0 : i32
    %dma_wait3A_105 = tpu.memref_slice %arg3[%dma_wait3A_104] : memref<327680xi32, #tpu.memory_space<hbm>> -> memref<128xi32, #tpu.memory_space<hbm>>
    %dma_wait3A_106 = arith.constant 0 : i32
    %dma_wait3A_107 = tpu.memref_slice %arg7[%dma_wait3A, %dma_wait3A_106] : memref<2x128xi32, #tpu.memory_space<vmem>> -> memref<1x128xi32, #tpu.memory_space<vmem>>
    %dma_wait3A_108 = tpu.memref_squeeze %dma_wait3A_107 : memref<1x128xi32, #tpu.memory_space<vmem>> -> memref<128xi32, #tpu.memory_space<vmem>>
    %dma_wait3A_109 = arith.constant 0 : i32
    %dma_wait3A_110 = tpu.memref_slice %arg3[%dma_wait3A_109] : memref<327680xi32, #tpu.memory_space<hbm>> -> memref<128xi32, #tpu.memory_space<hbm>>
    tpu.wait_dma2 semaphore(%arg17 : memref<!tpu.dma_semaphore, #tpu.memory_space<semaphore_mem>>) src(%dma_wait3A_110 : memref<128xi32, #tpu.memory_space<hbm>>) dst(%dma_wait3A_108 : memref<128xi32, #tpu.memory_space<vmem>>)
    %dma_wait3A_111 = arith.constant 1 : i32
    %dma_wait3A_112 = arith.constant 0 : i32
    %dma_wait3A_113 = tpu.memref_slice %arg7[%dma_wait3A_111, %dma_wait3A_112] : memref<2x128xi32, #tpu.memory_space<vmem>> -> memref<1x128xi32, #tpu.memory_space<vmem>>
    %dma_wait3A_114 = tpu.memref_squeeze %dma_wait3A_113 : memref<1x128xi32, #tpu.memory_space<vmem>> -> memref<128xi32, #tpu.memory_space<vmem>>
    %dma_wait3A_115 = arith.constant 0 : i32
    %dma_wait3A_116 = tpu.memref_slice %arg3[%dma_wait3A_115] : memref<327680xi32, #tpu.memory_space<hbm>> -> memref<128xi32, #tpu.memory_space<hbm>>
    %dma_wait3A_117 = arith.constant 0 : i32
    %dma_wait3A_118 = tpu.memref_slice %arg7[%dma_wait3A_111, %dma_wait3A_117] : memref<2x128xi32, #tpu.memory_space<vmem>> -> memref<1x128xi32, #tpu.memory_space<vmem>>
    %dma_wait3A_119 = tpu.memref_squeeze %dma_wait3A_118 : memref<1x128xi32, #tpu.memory_space<vmem>> -> memref<128xi32, #tpu.memory_space<vmem>>
    %dma_wait3A_120 = arith.constant 0 : i32
    %dma_wait3A_121 = tpu.memref_slice %arg3[%dma_wait3A_120] : memref<327680xi32, #tpu.memory_space<hbm>> -> memref<128xi32, #tpu.memory_space<hbm>>
    tpu.wait_dma2 semaphore(%arg17 : memref<!tpu.dma_semaphore, #tpu.memory_space<semaphore_mem>>) src(%dma_wait3A_121 : memref<128xi32, #tpu.memory_space<hbm>>) dst(%dma_wait3A_119 : memref<128xi32, #tpu.memory_space<vmem>>)
    %dma_start3A_122 = arith.constant 0 : i32
    %dma_start3A_123 = arith.constant 0 : i32
    %dma_start3A_124 = tpu.memref_slice %arg7[%dma_start3A_122, %dma_start3A_123] : memref<2x128xi32, #tpu.memory_space<vmem>> -> memref<1x128xi32, #tpu.memory_space<vmem>>
    %dma_start3A_125 = tpu.memref_squeeze %dma_start3A_124 : memref<1x128xi32, #tpu.memory_space<vmem>> -> memref<128xi32, #tpu.memory_space<vmem>>
    %dma_start3A_126 = arith.constant 0 : i32
    %dma_start3A_127 = arith.constant 0 : i32
    %dma_start3A_128 = tpu.memref_slice %arg15[%dma_start3A_126, %dma_start3A_127] : memref<10000x64xf32, #tpu.memory_space<vmem_shared>> -> memref<10000x64xf32, #tpu.memory_space<vmem_shared>>
    tpu.enqueue_indirect_dma source(%dma_start3A_128 : memref<10000x64xf32, #tpu.memory_space<vmem_shared>>) target(%arg11 : memref<128x64xf32, #tpu.memory_space<vmem>>) offsets(%dma_start3A_125 : memref<128xi32, #tpu.memory_space<vmem>>) semaphore(%arg21 : memref<!tpu.dma_semaphore, #tpu.memory_space<semaphore_mem>>)
    %dma_wait3A_129 = arith.constant 0 : i32
    %dma_wait3A_130 = arith.constant 0 : i32
    %dma_wait3A_131 = tpu.memref_slice %arg8[%dma_wait3A_129, %dma_wait3A_130] : memref<2x128xi32, #tpu.memory_space<vmem>> -> memref<1x128xi32, #tpu.memory_space<vmem>>
    %dma_wait3A_132 = tpu.memref_squeeze %dma_wait3A_131 : memref<1x128xi32, #tpu.memory_space<vmem>> -> memref<128xi32, #tpu.memory_space<vmem>>
    %dma_wait3A_133 = arith.constant 0 : i32
    %dma_wait3A_134 = tpu.memref_slice %arg3[%dma_wait3A_133] : memref<327680xi32, #tpu.memory_space<hbm>> -> memref<128xi32, #tpu.memory_space<hbm>>
    %dma_wait3A_135 = arith.constant 0 : i32
    %dma_wait3A_136 = tpu.memref_slice %arg8[%dma_wait3A_129, %dma_wait3A_135] : memref<2x128xi32, #tpu.memory_space<vmem>> -> memref<1x128xi32, #tpu.memory_space<vmem>>
    %dma_wait3A_137 = tpu.memref_squeeze %dma_wait3A_136 : memref<1x128xi32, #tpu.memory_space<vmem>> -> memref<128xi32, #tpu.memory_space<vmem>>
    %dma_wait3A_138 = arith.constant 0 : i32
    %dma_wait3A_139 = tpu.memref_slice %arg3[%dma_wait3A_138] : memref<327680xi32, #tpu.memory_space<hbm>> -> memref<128xi32, #tpu.memory_space<hbm>>
    tpu.wait_dma2 semaphore(%arg18 : memref<!tpu.dma_semaphore, #tpu.memory_space<semaphore_mem>>) src(%dma_wait3A_139 : memref<128xi32, #tpu.memory_space<hbm>>) dst(%dma_wait3A_137 : memref<128xi32, #tpu.memory_space<vmem>>)
    %dma_wait3A_140 = arith.constant 1 : i32
    %dma_wait3A_141 = arith.constant 0 : i32
    %dma_wait3A_142 = tpu.memref_slice %arg8[%dma_wait3A_140, %dma_wait3A_141] : memref<2x128xi32, #tpu.memory_space<vmem>> -> memref<1x128xi32, #tpu.memory_space<vmem>>
    %dma_wait3A_143 = tpu.memref_squeeze %dma_wait3A_142 : memref<1x128xi32, #tpu.memory_space<vmem>> -> memref<128xi32, #tpu.memory_space<vmem>>
    %dma_wait3A_144 = arith.constant 0 : i32
    %dma_wait3A_145 = tpu.memref_slice %arg3[%dma_wait3A_144] : memref<327680xi32, #tpu.memory_space<hbm>> -> memref<128xi32, #tpu.memory_space<hbm>>
    %dma_wait3A_146 = arith.constant 0 : i32
    %dma_wait3A_147 = tpu.memref_slice %arg8[%dma_wait3A_140, %dma_wait3A_146] : memref<2x128xi32, #tpu.memory_space<vmem>> -> memref<1x128xi32, #tpu.memory_space<vmem>>
    %dma_wait3A_148 = tpu.memref_squeeze %dma_wait3A_147 : memref<1x128xi32, #tpu.memory_space<vmem>> -> memref<128xi32, #tpu.memory_space<vmem>>
    %dma_wait3A_149 = arith.constant 0 : i32
    %dma_wait3A_150 = tpu.memref_slice %arg3[%dma_wait3A_149] : memref<327680xi32, #tpu.memory_space<hbm>> -> memref<128xi32, #tpu.memory_space<hbm>>
    tpu.wait_dma2 semaphore(%arg18 : memref<!tpu.dma_semaphore, #tpu.memory_space<semaphore_mem>>) src(%dma_wait3A_150 : memref<128xi32, #tpu.memory_space<hbm>>) dst(%dma_wait3A_148 : memref<128xi32, #tpu.memory_space<vmem>>)
    %dma_start3A_151 = arith.constant 0 : i32
    %dma_start3A_152 = arith.constant 0 : i32
    %dma_start3A_153 = tpu.memref_slice %arg8[%dma_start3A_151, %dma_start3A_152] : memref<2x128xi32, #tpu.memory_space<vmem>> -> memref<1x128xi32, #tpu.memory_space<vmem>>
    %dma_start3A_154 = tpu.memref_squeeze %dma_start3A_153 : memref<1x128xi32, #tpu.memory_space<vmem>> -> memref<128xi32, #tpu.memory_space<vmem>>
    %dma_start3A_155 = arith.constant 0 : i32
    %dma_start3A_156 = arith.constant 0 : i32
    %dma_start3A_157 = tpu.memref_slice %arg15[%dma_start3A_155, %dma_start3A_156] : memref<10000x64xf32, #tpu.memory_space<vmem_shared>> -> memref<10000x64xf32, #tpu.memory_space<vmem_shared>>
    tpu.enqueue_indirect_dma source(%dma_start3A_157 : memref<10000x64xf32, #tpu.memory_space<vmem_shared>>) target(%arg12 : memref<128x64xf32, #tpu.memory_space<vmem>>) offsets(%dma_start3A_154 : memref<128xi32, #tpu.memory_space<vmem>>) semaphore(%arg22 : memref<!tpu.dma_semaphore, #tpu.memory_space<semaphore_mem>>)
    %dma_wait3A_158 = arith.constant 0 : i32
    %dma_wait3A_159 = arith.constant 0 : i32
    %dma_wait3A_160 = tpu.memref_slice %arg9[%dma_wait3A_158, %dma_wait3A_159] : memref<2x128xi32, #tpu.memory_space<vmem>> -> memref<1x128xi32, #tpu.memory_space<vmem>>
    %dma_wait3A_161 = tpu.memref_squeeze %dma_wait3A_160 : memref<1x128xi32, #tpu.memory_space<vmem>> -> memref<128xi32, #tpu.memory_space<vmem>>
    %dma_wait3A_162 = arith.constant 0 : i32
    %dma_wait3A_163 = tpu.memref_slice %arg3[%dma_wait3A_162] : memref<327680xi32, #tpu.memory_space<hbm>> -> memref<128xi32, #tpu.memory_space<hbm>>
    %dma_wait3A_164 = arith.constant 0 : i32
    %dma_wait3A_165 = tpu.memref_slice %arg9[%dma_wait3A_158, %dma_wait3A_164] : memref<2x128xi32, #tpu.memory_space<vmem>> -> memref<1x128xi32, #tpu.memory_space<vmem>>
    %dma_wait3A_166 = tpu.memref_squeeze %dma_wait3A_165 : memref<1x128xi32, #tpu.memory_space<vmem>> -> memref<128xi32, #tpu.memory_space<vmem>>
    %dma_wait3A_167 = arith.constant 0 : i32
    %dma_wait3A_168 = tpu.memref_slice %arg3[%dma_wait3A_167] : memref<327680xi32, #tpu.memory_space<hbm>> -> memref<128xi32, #tpu.memory_space<hbm>>
    tpu.wait_dma2 semaphore(%arg19 : memref<!tpu.dma_semaphore, #tpu.memory_space<semaphore_mem>>) src(%dma_wait3A_168 : memref<128xi32, #tpu.memory_space<hbm>>) dst(%dma_wait3A_166 : memref<128xi32, #tpu.memory_space<vmem>>)
    %dma_wait3A_169 = arith.constant 1 : i32
    %dma_wait3A_170 = arith.constant 0 : i32
    %dma_wait3A_171 = tpu.memref_slice %arg9[%dma_wait3A_169, %dma_wait3A_170] : memref<2x128xi32, #tpu.memory_space<vmem>> -> memref<1x128xi32, #tpu.memory_space<vmem>>
    %dma_wait3A_172 = tpu.memref_squeeze %dma_wait3A_171 : memref<1x128xi32, #tpu.memory_space<vmem>> -> memref<128xi32, #tpu.memory_space<vmem>>
    %dma_wait3A_173 = arith.constant 0 : i32
    %dma_wait3A_174 = tpu.memref_slice %arg3[%dma_wait3A_173] : memref<327680xi32, #tpu.memory_space<hbm>> -> memref<128xi32, #tpu.memory_space<hbm>>
    %dma_wait3A_175 = arith.constant 0 : i32
    %dma_wait3A_176 = tpu.memref_slice %arg9[%dma_wait3A_169, %dma_wait3A_175] : memref<2x128xi32, #tpu.memory_space<vmem>> -> memref<1x128xi32, #tpu.memory_space<vmem>>
    %dma_wait3A_177 = tpu.memref_squeeze %dma_wait3A_176 : memref<1x128xi32, #tpu.memory_space<vmem>> -> memref<128xi32, #tpu.memory_space<vmem>>
    %dma_wait3A_178 = arith.constant 0 : i32
    %dma_wait3A_179 = tpu.memref_slice %arg3[%dma_wait3A_178] : memref<327680xi32, #tpu.memory_space<hbm>> -> memref<128xi32, #tpu.memory_space<hbm>>
    tpu.wait_dma2 semaphore(%arg19 : memref<!tpu.dma_semaphore, #tpu.memory_space<semaphore_mem>>) src(%dma_wait3A_179 : memref<128xi32, #tpu.memory_space<hbm>>) dst(%dma_wait3A_177 : memref<128xi32, #tpu.memory_space<vmem>>)
    %dma_start3A_180 = arith.constant 0 : i32
    %dma_start3A_181 = arith.constant 0 : i32
    %dma_start3A_182 = tpu.memref_slice %arg9[%dma_start3A_180, %dma_start3A_181] : memref<2x128xi32, #tpu.memory_space<vmem>> -> memref<1x128xi32, #tpu.memory_space<vmem>>
    %dma_start3A_183 = tpu.memref_squeeze %dma_start3A_182 : memref<1x128xi32, #tpu.memory_space<vmem>> -> memref<128xi32, #tpu.memory_space<vmem>>
    %dma_start3A_184 = arith.constant 0 : i32
    %dma_start3A_185 = arith.constant 0 : i32
    %dma_start3A_186 = tpu.memref_slice %arg15[%dma_start3A_184, %dma_start3A_185] : memref<10000x64xf32, #tpu.memory_space<vmem_shared>> -> memref<10000x64xf32, #tpu.memory_space<vmem_shared>>
    tpu.enqueue_indirect_dma source(%dma_start3A_186 : memref<10000x64xf32, #tpu.memory_space<vmem_shared>>) target(%arg13 : memref<128x64xf32, #tpu.memory_space<vmem>>) offsets(%dma_start3A_183 : memref<128xi32, #tpu.memory_space<vmem>>) semaphore(%arg23 : memref<!tpu.dma_semaphore, #tpu.memory_space<semaphore_mem>>)
    %scan3A = arith.constant 0 : i32
    %scan3A_187 = arith.constant 0 : i32
    %scan3A_188 = arith.constant 40 : i32
    %scan3A_189 = arith.addi %scan3A_187, %scan3A_188 : i32
    %scan3A_190 = arith.constant 1 : i32
    scf.for %scan3A_240 = %scan3A_187 to %scan3A_189 step %scan3A_190  : i32 {
      %mul3A_241 = arith.constant 4 : i32
      %mul3A_242 = arith.muli %mul3A_241, %scan3A_240 : i32
      %dma_wait3A_243 = arith.constant 0 : i32
      %dma_wait3A_244 = arith.constant 0 : i32
      %dma_wait3A_245 = tpu.memref_slice %arg7[%dma_wait3A_243, %dma_wait3A_244] : memref<2x128xi32, #tpu.memory_space<vmem>> -> memref<1x128xi32, #tpu.memory_space<vmem>>
      %dma_wait3A_246 = tpu.memref_squeeze %dma_wait3A_245 : memref<1x128xi32, #tpu.memory_space<vmem>> -> memref<128xi32, #tpu.memory_space<vmem>>
      %dma_wait3A_247 = arith.constant 0 : i32
      %dma_wait3A_248 = arith.constant 0 : i32
      %dma_wait3A_249 = tpu.memref_slice %arg15[%dma_wait3A_247, %dma_wait3A_248] : memref<10000x64xf32, #tpu.memory_space<vmem_shared>> -> memref<10000x64xf32, #tpu.memory_space<vmem_shared>>
      tpu.wait_indirect_dma semaphore(%arg21 : memref<!tpu.dma_semaphore, #tpu.memory_space<semaphore_mem>>) src(%dma_wait3A_249 : memref<10000x64xf32, #tpu.memory_space<vmem_shared>>) dst(%arg11 : memref<128x64xf32, #tpu.memory_space<vmem>>)
      %dma_start3A_250 = arith.constant 1 : i32
      %dma_start3A_251 = arith.constant 0 : i32
      %dma_start3A_252 = tpu.memref_slice %arg7[%dma_start3A_250, %dma_start3A_251] : memref<2x128xi32, #tpu.memory_space<vmem>> -> memref<1x128xi32, #tpu.memory_space<vmem>>
      %dma_start3A_253 = tpu.memref_squeeze %dma_start3A_252 : memref<1x128xi32, #tpu.memory_space<vmem>> -> memref<128xi32, #tpu.memory_space<vmem>>
      %dma_start3A_254 = arith.constant 0 : i32
      %dma_start3A_255 = arith.constant 0 : i32
      %dma_start3A_256 = tpu.memref_slice %arg16[%dma_start3A_254, %dma_start3A_255] : memref<10240x64xf32, #tpu.memory_space<vmem_shared>> -> memref<10240x64xf32, #tpu.memory_space<vmem_shared>>
      tpu.enqueue_indirect_dma source(%arg11 : memref<128x64xf32, #tpu.memory_space<vmem>>) target(%dma_start3A_256 : memref<10240x64xf32, #tpu.memory_space<vmem_shared>>) offsets(%dma_start3A_253 : memref<128xi32, #tpu.memory_space<vmem>>) semaphore(%arg25 : memref<!tpu.dma_semaphore, #tpu.memory_space<semaphore_mem>>) {add = true}
      %dma_wait3A_257 = arith.constant 0 : i32
      %dma_wait3A_258 = arith.constant 0 : i32
      %dma_wait3A_259 = tpu.memref_slice %arg10[%dma_wait3A_257, %dma_wait3A_258] : memref<2x128xi32, #tpu.memory_space<vmem>> -> memref<1x128xi32, #tpu.memory_space<vmem>>
      %dma_wait3A_260 = tpu.memref_squeeze %dma_wait3A_259 : memref<1x128xi32, #tpu.memory_space<vmem>> -> memref<128xi32, #tpu.memory_space<vmem>>
      %dma_wait3A_261 = arith.constant 0 : i32
      %dma_wait3A_262 = tpu.memref_slice %arg3[%dma_wait3A_261] : memref<327680xi32, #tpu.memory_space<hbm>> -> memref<128xi32, #tpu.memory_space<hbm>>
      %dma_wait3A_263 = arith.constant 0 : i32
      %dma_wait3A_264 = tpu.memref_slice %arg10[%dma_wait3A_257, %dma_wait3A_263] : memref<2x128xi32, #tpu.memory_space<vmem>> -> memref<1x128xi32, #tpu.memory_space<vmem>>
      %dma_wait3A_265 = tpu.memref_squeeze %dma_wait3A_264 : memref<1x128xi32, #tpu.memory_space<vmem>> -> memref<128xi32, #tpu.memory_space<vmem>>
      %dma_wait3A_266 = arith.constant 0 : i32
      %dma_wait3A_267 = tpu.memref_slice %arg3[%dma_wait3A_266] : memref<327680xi32, #tpu.memory_space<hbm>> -> memref<128xi32, #tpu.memory_space<hbm>>
      tpu.wait_dma2 semaphore(%arg20 : memref<!tpu.dma_semaphore, #tpu.memory_space<semaphore_mem>>) src(%dma_wait3A_267 : memref<128xi32, #tpu.memory_space<hbm>>) dst(%dma_wait3A_265 : memref<128xi32, #tpu.memory_space<vmem>>)
      %dma_wait3A_268 = arith.constant 1 : i32
      %dma_wait3A_269 = arith.constant 0 : i32
      %dma_wait3A_270 = tpu.memref_slice %arg10[%dma_wait3A_268, %dma_wait3A_269] : memref<2x128xi32, #tpu.memory_space<vmem>> -> memref<1x128xi32, #tpu.memory_space<vmem>>
      %dma_wait3A_271 = tpu.memref_squeeze %dma_wait3A_270 : memref<1x128xi32, #tpu.memory_space<vmem>> -> memref<128xi32, #tpu.memory_space<vmem>>
      %dma_wait3A_272 = arith.constant 0 : i32
      %dma_wait3A_273 = tpu.memref_slice %arg3[%dma_wait3A_272] : memref<327680xi32, #tpu.memory_space<hbm>> -> memref<128xi32, #tpu.memory_space<hbm>>
      %dma_wait3A_274 = arith.constant 0 : i32
      %dma_wait3A_275 = tpu.memref_slice %arg10[%dma_wait3A_268, %dma_wait3A_274] : memref<2x128xi32, #tpu.memory_space<vmem>> -> memref<1x128xi32, #tpu.memory_space<vmem>>
      %dma_wait3A_276 = tpu.memref_squeeze %dma_wait3A_275 : memref<1x128xi32, #tpu.memory_space<vmem>> -> memref<128xi32, #tpu.memory_space<vmem>>
      %dma_wait3A_277 = arith.constant 0 : i32
      %dma_wait3A_278 = tpu.memref_slice %arg3[%dma_wait3A_277] : memref<327680xi32, #tpu.memory_space<hbm>> -> memref<128xi32, #tpu.memory_space<hbm>>
      tpu.wait_dma2 semaphore(%arg20 : memref<!tpu.dma_semaphore, #tpu.memory_space<semaphore_mem>>) src(%dma_wait3A_278 : memref<128xi32, #tpu.memory_space<hbm>>) dst(%dma_wait3A_276 : memref<128xi32, #tpu.memory_space<vmem>>)
      %dma_start3A_279 = arith.constant 0 : i32
      %dma_start3A_280 = arith.constant 0 : i32
      %dma_start3A_281 = tpu.memref_slice %arg10[%dma_start3A_279, %dma_start3A_280] : memref<2x128xi32, #tpu.memory_space<vmem>> -> memref<1x128xi32, #tpu.memory_space<vmem>>
      %dma_start3A_282 = tpu.memref_squeeze %dma_start3A_281 : memref<1x128xi32, #tpu.memory_space<vmem>> -> memref<128xi32, #tpu.memory_space<vmem>>
      %dma_start3A_283 = arith.constant 0 : i32
      %dma_start3A_284 = arith.constant 0 : i32
      %dma_start3A_285 = tpu.memref_slice %arg15[%dma_start3A_283, %dma_start3A_284] : memref<10000x64xf32, #tpu.memory_space<vmem_shared>> -> memref<10000x64xf32, #tpu.memory_space<vmem_shared>>
      tpu.enqueue_indirect_dma source(%dma_start3A_285 : memref<10000x64xf32, #tpu.memory_space<vmem_shared>>) target(%arg14 : memref<128x64xf32, #tpu.memory_space<vmem>>) offsets(%dma_start3A_282 : memref<128xi32, #tpu.memory_space<vmem>>) semaphore(%arg24 : memref<!tpu.dma_semaphore, #tpu.memory_space<semaphore_mem>>)
      %dma_wait3A_286 = arith.constant 0 : i32
      %dma_wait3A_287 = arith.constant 0 : i32
      %dma_wait3A_288 = tpu.memref_slice %arg8[%dma_wait3A_286, %dma_wait3A_287] : memref<2x128xi32, #tpu.memory_space<vmem>> -> memref<1x128xi32, #tpu.memory_space<vmem>>
      %dma_wait3A_289 = tpu.memref_squeeze %dma_wait3A_288 : memref<1x128xi32, #tpu.memory_space<vmem>> -> memref<128xi32, #tpu.memory_space<vmem>>
      %dma_wait3A_290 = arith.constant 0 : i32
      %dma_wait3A_291 = arith.constant 0 : i32
      %dma_wait3A_292 = tpu.memref_slice %arg15[%dma_wait3A_290, %dma_wait3A_291] : memref<10000x64xf32, #tpu.memory_space<vmem_shared>> -> memref<10000x64xf32, #tpu.memory_space<vmem_shared>>
      tpu.wait_indirect_dma semaphore(%arg22 : memref<!tpu.dma_semaphore, #tpu.memory_space<semaphore_mem>>) src(%dma_wait3A_292 : memref<10000x64xf32, #tpu.memory_space<vmem_shared>>) dst(%arg12 : memref<128x64xf32, #tpu.memory_space<vmem>>)
      %dma_start3A_293 = arith.constant 1 : i32
      %dma_start3A_294 = arith.constant 0 : i32
      %dma_start3A_295 = tpu.memref_slice %arg8[%dma_start3A_293, %dma_start3A_294] : memref<2x128xi32, #tpu.memory_space<vmem>> -> memref<1x128xi32, #tpu.memory_space<vmem>>
      %dma_start3A_296 = tpu.memref_squeeze %dma_start3A_295 : memref<1x128xi32, #tpu.memory_space<vmem>> -> memref<128xi32, #tpu.memory_space<vmem>>
      %dma_start3A_297 = arith.constant 0 : i32
      %dma_start3A_298 = arith.constant 0 : i32
      %dma_start3A_299 = tpu.memref_slice %arg16[%dma_start3A_297, %dma_start3A_298] : memref<10240x64xf32, #tpu.memory_space<vmem_shared>> -> memref<10240x64xf32, #tpu.memory_space<vmem_shared>>
      tpu.enqueue_indirect_dma source(%arg12 : memref<128x64xf32, #tpu.memory_space<vmem>>) target(%dma_start3A_299 : memref<10240x64xf32, #tpu.memory_space<vmem_shared>>) offsets(%dma_start3A_296 : memref<128xi32, #tpu.memory_space<vmem>>) semaphore(%arg26 : memref<!tpu.dma_semaphore, #tpu.memory_space<semaphore_mem>>) {add = true}
      %dma_wait3A_300 = arith.constant 0 : i32
      %dma_wait3A_301 = arith.constant 0 : i32
      %dma_wait3A_302 = tpu.memref_slice %arg16[%dma_wait3A_300, %dma_wait3A_301] : memref<10240x64xf32, #tpu.memory_space<vmem_shared>> -> memref<128x64xf32, #tpu.memory_space<vmem_shared>>
      %dma_wait3A_303 = arith.constant 0 : i32
      %dma_wait3A_304 = arith.constant 0 : i32
      %dma_wait3A_305 = tpu.memref_slice %arg16[%dma_wait3A_303, %dma_wait3A_304] : memref<10240x64xf32, #tpu.memory_space<vmem_shared>> -> memref<128x64xf32, #tpu.memory_space<vmem_shared>>
      tpu.wait_dma2 semaphore(%arg25 : memref<!tpu.dma_semaphore, #tpu.memory_space<semaphore_mem>>) src(%arg11 : memref<128x64xf32, #tpu.memory_space<vmem>>) dst(%dma_wait3A_305 : memref<128x64xf32, #tpu.memory_space<vmem_shared>>)
      %add3A_306 = arith.constant 4 : i32
      %add3A_307 = arith.addi %mul3A_242, %add3A_306 : i32
      %add3A_308 = arith.constant 0 : i32
      %add3A_309 = arith.addi %add3A_307, %add3A_308 : i32
      %min3A = arith.constant 159 : i32
      %min3A_310 = arith.minsi %add3A_309, %min3A : i32
      %add3A_311 = arith.addi %mul3A_0, %min3A_310 : i32
      %mul3A_312 = arith.constant 128 : i32
      %mul3A_313 = arith.muli %add3A_311, %mul3A_312 : i32
      %dma_start3A_314 = arith.constant 0 : i32
      %dma_start3A_315 = arith.constant 0 : i32
      %dma_start3A_316 = tpu.memref_slice %arg7[%dma_start3A_314, %dma_start3A_315] : memref<2x128xi32, #tpu.memory_space<vmem>> -> memref<1x128xi32, #tpu.memory_space<vmem>>
      %dma_start3A_317 = tpu.memref_squeeze %dma_start3A_316 : memref<1x128xi32, #tpu.memory_space<vmem>> -> memref<128xi32, #tpu.memory_space<vmem>>
      %dma_start3A_318 = tpu.memref_slice %arg3[%mul3A_313] : memref<327680xi32, #tpu.memory_space<hbm>> -> memref<128xi32, #tpu.memory_space<hbm>>
      %dma_start3A_319 = arith.constant 0 : i32
      %dma_start3A_320 = tpu.memref_slice %arg7[%dma_start3A_314, %dma_start3A_319] : memref<2x128xi32, #tpu.memory_space<vmem>> -> memref<1x128xi32, #tpu.memory_space<vmem>>
      %dma_start3A_321 = tpu.memref_squeeze %dma_start3A_320 : memref<1x128xi32, #tpu.memory_space<vmem>> -> memref<128xi32, #tpu.memory_space<vmem>>
      %dma_start3A_322 = tpu.memref_slice %arg3[%mul3A_313] : memref<327680xi32, #tpu.memory_space<hbm>> -> memref<128xi32, #tpu.memory_space<hbm>>
      tpu.enqueue_dma source(%dma_start3A_322 : memref<128xi32, #tpu.memory_space<hbm>>) target(%dma_start3A_321 : memref<128xi32, #tpu.memory_space<vmem>>) target_semaphore(%arg17 : memref<!tpu.dma_semaphore, #tpu.memory_space<semaphore_mem>>)
      %mul3A_323 = arith.constant 128 : i32
      %mul3A_324 = arith.muli %add3A_311, %mul3A_323 : i32
      %dma_start3A_325 = arith.constant 1 : i32
      %dma_start3A_326 = arith.constant 0 : i32
      %dma_start3A_327 = tpu.memref_slice %arg7[%dma_start3A_325, %dma_start3A_326] : memref<2x128xi32, #tpu.memory_space<vmem>> -> memref<1x128xi32, #tpu.memory_space<vmem>>
      %dma_start3A_328 = tpu.memref_squeeze %dma_start3A_327 : memref<1x128xi32, #tpu.memory_space<vmem>> -> memref<128xi32, #tpu.memory_space<vmem>>
      %dma_start3A_329 = tpu.memref_slice %arg4[%mul3A_324] : memref<327680xi32, #tpu.memory_space<hbm>> -> memref<128xi32, #tpu.memory_space<hbm>>
      %dma_start3A_330 = arith.constant 0 : i32
      %dma_start3A_331 = tpu.memref_slice %arg7[%dma_start3A_325, %dma_start3A_330] : memref<2x128xi32, #tpu.memory_space<vmem>> -> memref<1x128xi32, #tpu.memory_space<vmem>>
      %dma_start3A_332 = tpu.memref_squeeze %dma_start3A_331 : memref<1x128xi32, #tpu.memory_space<vmem>> -> memref<128xi32, #tpu.memory_space<vmem>>
      %dma_start3A_333 = tpu.memref_slice %arg4[%mul3A_324] : memref<327680xi32, #tpu.memory_space<hbm>> -> memref<128xi32, #tpu.memory_space<hbm>>
      tpu.enqueue_dma source(%dma_start3A_333 : memref<128xi32, #tpu.memory_space<hbm>>) target(%dma_start3A_332 : memref<128xi32, #tpu.memory_space<vmem>>) target_semaphore(%arg17 : memref<!tpu.dma_semaphore, #tpu.memory_space<semaphore_mem>>)
      %dma_wait3A_334 = arith.constant 0 : i32
      %dma_wait3A_335 = arith.constant 0 : i32
      %dma_wait3A_336 = tpu.memref_slice %arg9[%dma_wait3A_334, %dma_wait3A_335] : memref<2x128xi32, #tpu.memory_space<vmem>> -> memref<1x128xi32, #tpu.memory_space<vmem>>
      %dma_wait3A_337 = tpu.memref_squeeze %dma_wait3A_336 : memref<1x128xi32, #tpu.memory_space<vmem>> -> memref<128xi32, #tpu.memory_space<vmem>>
      %dma_wait3A_338 = arith.constant 0 : i32
      %dma_wait3A_339 = arith.constant 0 : i32
      %dma_wait3A_340 = tpu.memref_slice %arg15[%dma_wait3A_338, %dma_wait3A_339] : memref<10000x64xf32, #tpu.memory_space<vmem_shared>> -> memref<10000x64xf32, #tpu.memory_space<vmem_shared>>
      tpu.wait_indirect_dma semaphore(%arg23 : memref<!tpu.dma_semaphore, #tpu.memory_space<semaphore_mem>>) src(%dma_wait3A_340 : memref<10000x64xf32, #tpu.memory_space<vmem_shared>>) dst(%arg13 : memref<128x64xf32, #tpu.memory_space<vmem>>)
      %dma_start3A_341 = arith.constant 1 : i32
      %dma_start3A_342 = arith.constant 0 : i32
      %dma_start3A_343 = tpu.memref_slice %arg9[%dma_start3A_341, %dma_start3A_342] : memref<2x128xi32, #tpu.memory_space<vmem>> -> memref<1x128xi32, #tpu.memory_space<vmem>>
      %dma_start3A_344 = tpu.memref_squeeze %dma_start3A_343 : memref<1x128xi32, #tpu.memory_space<vmem>> -> memref<128xi32, #tpu.memory_space<vmem>>
      %dma_start3A_345 = arith.constant 0 : i32
      %dma_start3A_346 = arith.constant 0 : i32
      %dma_start3A_347 = tpu.memref_slice %arg16[%dma_start3A_345, %dma_start3A_346] : memref<10240x64xf32, #tpu.memory_space<vmem_shared>> -> memref<10240x64xf32, #tpu.memory_space<vmem_shared>>
      tpu.enqueue_indirect_dma source(%arg13 : memref<128x64xf32, #tpu.memory_space<vmem>>) target(%dma_start3A_347 : memref<10240x64xf32, #tpu.memory_space<vmem_shared>>) offsets(%dma_start3A_344 : memref<128xi32, #tpu.memory_space<vmem>>) semaphore(%arg27 : memref<!tpu.dma_semaphore, #tpu.memory_space<semaphore_mem>>) {add = true}
      %dma_wait3A_348 = arith.constant 0 : i32
      %dma_wait3A_349 = arith.constant 0 : i32
      %dma_wait3A_350 = tpu.memref_slice %arg16[%dma_wait3A_348, %dma_wait3A_349] : memref<10240x64xf32, #tpu.memory_space<vmem_shared>> -> memref<128x64xf32, #tpu.memory_space<vmem_shared>>
      %dma_wait3A_351 = arith.constant 0 : i32
      %dma_wait3A_352 = arith.constant 0 : i32
      %dma_wait3A_353 = tpu.memref_slice %arg16[%dma_wait3A_351, %dma_wait3A_352] : memref<10240x64xf32, #tpu.memory_space<vmem_shared>> -> memref<128x64xf32, #tpu.memory_space<vmem_shared>>
      tpu.wait_dma2 semaphore(%arg26 : memref<!tpu.dma_semaphore, #tpu.memory_space<semaphore_mem>>) src(%arg12 : memref<128x64xf32, #tpu.memory_space<vmem>>) dst(%dma_wait3A_353 : memref<128x64xf32, #tpu.memory_space<vmem_shared>>)
      %add3A_354 = arith.constant 4 : i32
      %add3A_355 = arith.addi %mul3A_242, %add3A_354 : i32
      %add3A_356 = arith.constant 1 : i32
      %add3A_357 = arith.addi %add3A_355, %add3A_356 : i32
      %min3A_358 = arith.constant 159 : i32
      %min3A_359 = arith.minsi %add3A_357, %min3A_358 : i32
      %add3A_360 = arith.addi %mul3A_0, %min3A_359 : i32
      %mul3A_361 = arith.constant 128 : i32
      %mul3A_362 = arith.muli %add3A_360, %mul3A_361 : i32
      %dma_start3A_363 = arith.constant 0 : i32
      %dma_start3A_364 = arith.constant 0 : i32
      %dma_start3A_365 = tpu.memref_slice %arg8[%dma_start3A_363, %dma_start3A_364] : memref<2x128xi32, #tpu.memory_space<vmem>> -> memref<1x128xi32, #tpu.memory_space<vmem>>
      %dma_start3A_366 = tpu.memref_squeeze %dma_start3A_365 : memref<1x128xi32, #tpu.memory_space<vmem>> -> memref<128xi32, #tpu.memory_space<vmem>>
      %dma_start3A_367 = tpu.memref_slice %arg3[%mul3A_362] : memref<327680xi32, #tpu.memory_space<hbm>> -> memref<128xi32, #tpu.memory_space<hbm>>
      %dma_start3A_368 = arith.constant 0 : i32
      %dma_start3A_369 = tpu.memref_slice %arg8[%dma_start3A_363, %dma_start3A_368] : memref<2x128xi32, #tpu.memory_space<vmem>> -> memref<1x128xi32, #tpu.memory_space<vmem>>
      %dma_start3A_370 = tpu.memref_squeeze %dma_start3A_369 : memref<1x128xi32, #tpu.memory_space<vmem>> -> memref<128xi32, #tpu.memory_space<vmem>>
      %dma_start3A_371 = tpu.memref_slice %arg3[%mul3A_362] : memref<327680xi32, #tpu.memory_space<hbm>> -> memref<128xi32, #tpu.memory_space<hbm>>
      tpu.enqueue_dma source(%dma_start3A_371 : memref<128xi32, #tpu.memory_space<hbm>>) target(%dma_start3A_370 : memref<128xi32, #tpu.memory_space<vmem>>) target_semaphore(%arg18 : memref<!tpu.dma_semaphore, #tpu.memory_space<semaphore_mem>>)
      %mul3A_372 = arith.constant 128 : i32
      %mul3A_373 = arith.muli %add3A_360, %mul3A_372 : i32
      %dma_start3A_374 = arith.constant 1 : i32
      %dma_start3A_375 = arith.constant 0 : i32
      %dma_start3A_376 = tpu.memref_slice %arg8[%dma_start3A_374, %dma_start3A_375] : memref<2x128xi32, #tpu.memory_space<vmem>> -> memref<1x128xi32, #tpu.memory_space<vmem>>
      %dma_start3A_377 = tpu.memref_squeeze %dma_start3A_376 : memref<1x128xi32, #tpu.memory_space<vmem>> -> memref<128xi32, #tpu.memory_space<vmem>>
      %dma_start3A_378 = tpu.memref_slice %arg4[%mul3A_373] : memref<327680xi32, #tpu.memory_space<hbm>> -> memref<128xi32, #tpu.memory_space<hbm>>
      %dma_start3A_379 = arith.constant 0 : i32
      %dma_start3A_380 = tpu.memref_slice %arg8[%dma_start3A_374, %dma_start3A_379] : memref<2x128xi32, #tpu.memory_space<vmem>> -> memref<1x128xi32, #tpu.memory_space<vmem>>
      %dma_start3A_381 = tpu.memref_squeeze %dma_start3A_380 : memref<1x128xi32, #tpu.memory_space<vmem>> -> memref<128xi32, #tpu.memory_space<vmem>>
      %dma_start3A_382 = tpu.memref_slice %arg4[%mul3A_373] : memref<327680xi32, #tpu.memory_space<hbm>> -> memref<128xi32, #tpu.memory_space<hbm>>
      tpu.enqueue_dma source(%dma_start3A_382 : memref<128xi32, #tpu.memory_space<hbm>>) target(%dma_start3A_381 : memref<128xi32, #tpu.memory_space<vmem>>) target_semaphore(%arg18 : memref<!tpu.dma_semaphore, #tpu.memory_space<semaphore_mem>>)
      %dma_wait3A_383 = arith.constant 0 : i32
      %dma_wait3A_384 = arith.constant 0 : i32
      %dma_wait3A_385 = tpu.memref_slice %arg10[%dma_wait3A_383, %dma_wait3A_384] : memref<2x128xi32, #tpu.memory_space<vmem>> -> memref<1x128xi32, #tpu.memory_space<vmem>>
      %dma_wait3A_386 = tpu.memref_squeeze %dma_wait3A_385 : memref<1x128xi32, #tpu.memory_space<vmem>> -> memref<128xi32, #tpu.memory_space<vmem>>
      %dma_wait3A_387 = arith.constant 0 : i32
      %dma_wait3A_388 = arith.constant 0 : i32
      %dma_wait3A_389 = tpu.memref_slice %arg15[%dma_wait3A_387, %dma_wait3A_388] : memref<10000x64xf32, #tpu.memory_space<vmem_shared>> -> memref<10000x64xf32, #tpu.memory_space<vmem_shared>>
      tpu.wait_indirect_dma semaphore(%arg24 : memref<!tpu.dma_semaphore, #tpu.memory_space<semaphore_mem>>) src(%dma_wait3A_389 : memref<10000x64xf32, #tpu.memory_space<vmem_shared>>) dst(%arg14 : memref<128x64xf32, #tpu.memory_space<vmem>>)
      %dma_start3A_390 = arith.constant 1 : i32
      %dma_start3A_391 = arith.constant 0 : i32
      %dma_start3A_392 = tpu.memref_slice %arg10[%dma_start3A_390, %dma_start3A_391] : memref<2x128xi32, #tpu.memory_space<vmem>> -> memref<1x128xi32, #tpu.memory_space<vmem>>
      %dma_start3A_393 = tpu.memref_squeeze %dma_start3A_392 : memref<1x128xi32, #tpu.memory_space<vmem>> -> memref<128xi32, #tpu.memory_space<vmem>>
      %dma_start3A_394 = arith.constant 0 : i32
      %dma_start3A_395 = arith.constant 0 : i32
      %dma_start3A_396 = tpu.memref_slice %arg16[%dma_start3A_394, %dma_start3A_395] : memref<10240x64xf32, #tpu.memory_space<vmem_shared>> -> memref<10240x64xf32, #tpu.memory_space<vmem_shared>>
      tpu.enqueue_indirect_dma source(%arg14 : memref<128x64xf32, #tpu.memory_space<vmem>>) target(%dma_start3A_396 : memref<10240x64xf32, #tpu.memory_space<vmem_shared>>) offsets(%dma_start3A_393 : memref<128xi32, #tpu.memory_space<vmem>>) semaphore(%arg28 : memref<!tpu.dma_semaphore, #tpu.memory_space<semaphore_mem>>) {add = true}
      %dma_wait3A_397 = arith.constant 0 : i32
      %dma_wait3A_398 = arith.constant 0 : i32
      %dma_wait3A_399 = tpu.memref_slice %arg16[%dma_wait3A_397, %dma_wait3A_398] : memref<10240x64xf32, #tpu.memory_space<vmem_shared>> -> memref<128x64xf32, #tpu.memory_space<vmem_shared>>
      %dma_wait3A_400 = arith.constant 0 : i32
      %dma_wait3A_401 = arith.constant 0 : i32
      %dma_wait3A_402 = tpu.memref_slice %arg16[%dma_wait3A_400, %dma_wait3A_401] : memref<10240x64xf32, #tpu.memory_space<vmem_shared>> -> memref<128x64xf32, #tpu.memory_space<vmem_shared>>
      tpu.wait_dma2 semaphore(%arg27 : memref<!tpu.dma_semaphore, #tpu.memory_space<semaphore_mem>>) src(%arg13 : memref<128x64xf32, #tpu.memory_space<vmem>>) dst(%dma_wait3A_402 : memref<128x64xf32, #tpu.memory_space<vmem_shared>>)
      %add3A_403 = arith.constant 4 : i32
      %add3A_404 = arith.addi %mul3A_242, %add3A_403 : i32
      %add3A_405 = arith.constant 2 : i32
      %add3A_406 = arith.addi %add3A_404, %add3A_405 : i32
      %min3A_407 = arith.constant 159 : i32
      %min3A_408 = arith.minsi %add3A_406, %min3A_407 : i32
      %add3A_409 = arith.addi %mul3A_0, %min3A_408 : i32
      %mul3A_410 = arith.constant 128 : i32
      %mul3A_411 = arith.muli %add3A_409, %mul3A_410 : i32
      %dma_start3A_412 = arith.constant 0 : i32
      %dma_start3A_413 = arith.constant 0 : i32
      %dma_start3A_414 = tpu.memref_slice %arg9[%dma_start3A_412, %dma_start3A_413] : memref<2x128xi32, #tpu.memory_space<vmem>> -> memref<1x128xi32, #tpu.memory_space<vmem>>
      %dma_start3A_415 = tpu.memref_squeeze %dma_start3A_414 : memref<1x128xi32, #tpu.memory_space<vmem>> -> memref<128xi32, #tpu.memory_space<vmem>>
      %dma_start3A_416 = tpu.memref_slice %arg3[%mul3A_411] : memref<327680xi32, #tpu.memory_space<hbm>> -> memref<128xi32, #tpu.memory_space<hbm>>
      %dma_start3A_417 = arith.constant 0 : i32
      %dma_start3A_418 = tpu.memref_slice %arg9[%dma_start3A_412, %dma_start3A_417] : memref<2x128xi32, #tpu.memory_space<vmem>> -> memref<1x128xi32, #tpu.memory_space<vmem>>
      %dma_start3A_419 = tpu.memref_squeeze %dma_start3A_418 : memref<1x128xi32, #tpu.memory_space<vmem>> -> memref<128xi32, #tpu.memory_space<vmem>>
      %dma_start3A_420 = tpu.memref_slice %arg3[%mul3A_411] : memref<327680xi32, #tpu.memory_space<hbm>> -> memref<128xi32, #tpu.memory_space<hbm>>
      tpu.enqueue_dma source(%dma_start3A_420 : memref<128xi32, #tpu.memory_space<hbm>>) target(%dma_start3A_419 : memref<128xi32, #tpu.memory_space<vmem>>) target_semaphore(%arg19 : memref<!tpu.dma_semaphore, #tpu.memory_space<semaphore_mem>>)
      %mul3A_421 = arith.constant 128 : i32
      %mul3A_422 = arith.muli %add3A_409, %mul3A_421 : i32
      %dma_start3A_423 = arith.constant 1 : i32
      %dma_start3A_424 = arith.constant 0 : i32
      %dma_start3A_425 = tpu.memref_slice %arg9[%dma_start3A_423, %dma_start3A_424] : memref<2x128xi32, #tpu.memory_space<vmem>> -> memref<1x128xi32, #tpu.memory_space<vmem>>
      %dma_start3A_426 = tpu.memref_squeeze %dma_start3A_425 : memref<1x128xi32, #tpu.memory_space<vmem>> -> memref<128xi32, #tpu.memory_space<vmem>>
      %dma_start3A_427 = tpu.memref_slice %arg4[%mul3A_422] : memref<327680xi32, #tpu.memory_space<hbm>> -> memref<128xi32, #tpu.memory_space<hbm>>
      %dma_start3A_428 = arith.constant 0 : i32
      %dma_start3A_429 = tpu.memref_slice %arg9[%dma_start3A_423, %dma_start3A_428] : memref<2x128xi32, #tpu.memory_space<vmem>> -> memref<1x128xi32, #tpu.memory_space<vmem>>
      %dma_start3A_430 = tpu.memref_squeeze %dma_start3A_429 : memref<1x128xi32, #tpu.memory_space<vmem>> -> memref<128xi32, #tpu.memory_space<vmem>>
      %dma_start3A_431 = tpu.memref_slice %arg4[%mul3A_422] : memref<327680xi32, #tpu.memory_space<hbm>> -> memref<128xi32, #tpu.memory_space<hbm>>
      tpu.enqueue_dma source(%dma_start3A_431 : memref<128xi32, #tpu.memory_space<hbm>>) target(%dma_start3A_430 : memref<128xi32, #tpu.memory_space<vmem>>) target_semaphore(%arg19 : memref<!tpu.dma_semaphore, #tpu.memory_space<semaphore_mem>>)
      %dma_wait3A_432 = arith.constant 0 : i32
      %dma_wait3A_433 = arith.constant 0 : i32
      %dma_wait3A_434 = tpu.memref_slice %arg7[%dma_wait3A_432, %dma_wait3A_433] : memref<2x128xi32, #tpu.memory_space<vmem>> -> memref<1x128xi32, #tpu.memory_space<vmem>>
      %dma_wait3A_435 = tpu.memref_squeeze %dma_wait3A_434 : memref<1x128xi32, #tpu.memory_space<vmem>> -> memref<128xi32, #tpu.memory_space<vmem>>
      %dma_wait3A_436 = arith.constant 0 : i32
      %dma_wait3A_437 = tpu.memref_slice %arg3[%dma_wait3A_436] : memref<327680xi32, #tpu.memory_space<hbm>> -> memref<128xi32, #tpu.memory_space<hbm>>
      %dma_wait3A_438 = arith.constant 0 : i32
      %dma_wait3A_439 = tpu.memref_slice %arg7[%dma_wait3A_432, %dma_wait3A_438] : memref<2x128xi32, #tpu.memory_space<vmem>> -> memref<1x128xi32, #tpu.memory_space<vmem>>
      %dma_wait3A_440 = tpu.memref_squeeze %dma_wait3A_439 : memref<1x128xi32, #tpu.memory_space<vmem>> -> memref<128xi32, #tpu.memory_space<vmem>>
      %dma_wait3A_441 = arith.constant 0 : i32
      %dma_wait3A_442 = tpu.memref_slice %arg3[%dma_wait3A_441] : memref<327680xi32, #tpu.memory_space<hbm>> -> memref<128xi32, #tpu.memory_space<hbm>>
      tpu.wait_dma2 semaphore(%arg17 : memref<!tpu.dma_semaphore, #tpu.memory_space<semaphore_mem>>) src(%dma_wait3A_442 : memref<128xi32, #tpu.memory_space<hbm>>) dst(%dma_wait3A_440 : memref<128xi32, #tpu.memory_space<vmem>>)
      %dma_wait3A_443 = arith.constant 1 : i32
      %dma_wait3A_444 = arith.constant 0 : i32
      %dma_wait3A_445 = tpu.memref_slice %arg7[%dma_wait3A_443, %dma_wait3A_444] : memref<2x128xi32, #tpu.memory_space<vmem>> -> memref<1x128xi32, #tpu.memory_space<vmem>>
      %dma_wait3A_446 = tpu.memref_squeeze %dma_wait3A_445 : memref<1x128xi32, #tpu.memory_space<vmem>> -> memref<128xi32, #tpu.memory_space<vmem>>
      %dma_wait3A_447 = arith.constant 0 : i32
      %dma_wait3A_448 = tpu.memref_slice %arg3[%dma_wait3A_447] : memref<327680xi32, #tpu.memory_space<hbm>> -> memref<128xi32, #tpu.memory_space<hbm>>
      %dma_wait3A_449 = arith.constant 0 : i32
      %dma_wait3A_450 = tpu.memref_slice %arg7[%dma_wait3A_443, %dma_wait3A_449] : memref<2x128xi32, #tpu.memory_space<vmem>> -> memref<1x128xi32, #tpu.memory_space<vmem>>
      %dma_wait3A_451 = tpu.memref_squeeze %dma_wait3A_450 : memref<1x128xi32, #tpu.memory_space<vmem>> -> memref<128xi32, #tpu.memory_space<vmem>>
      %dma_wait3A_452 = arith.constant 0 : i32
      %dma_wait3A_453 = tpu.memref_slice %arg3[%dma_wait3A_452] : memref<327680xi32, #tpu.memory_space<hbm>> -> memref<128xi32, #tpu.memory_space<hbm>>
      tpu.wait_dma2 semaphore(%arg17 : memref<!tpu.dma_semaphore, #tpu.memory_space<semaphore_mem>>) src(%dma_wait3A_453 : memref<128xi32, #tpu.memory_space<hbm>>) dst(%dma_wait3A_451 : memref<128xi32, #tpu.memory_space<vmem>>)
      %dma_start3A_454 = arith.constant 0 : i32
      %dma_start3A_455 = arith.constant 0 : i32
      %dma_start3A_456 = tpu.memref_slice %arg7[%dma_start3A_454, %dma_start3A_455] : memref<2x128xi32, #tpu.memory_space<vmem>> -> memref<1x128xi32, #tpu.memory_space<vmem>>
      %dma_start3A_457 = tpu.memref_squeeze %dma_start3A_456 : memref<1x128xi32, #tpu.memory_space<vmem>> -> memref<128xi32, #tpu.memory_space<vmem>>
      %dma_start3A_458 = arith.constant 0 : i32
      %dma_start3A_459 = arith.constant 0 : i32
      %dma_start3A_460 = tpu.memref_slice %arg15[%dma_start3A_458, %dma_start3A_459] : memref<10000x64xf32, #tpu.memory_space<vmem_shared>> -> memref<10000x64xf32, #tpu.memory_space<vmem_shared>>
      tpu.enqueue_indirect_dma source(%dma_start3A_460 : memref<10000x64xf32, #tpu.memory_space<vmem_shared>>) target(%arg11 : memref<128x64xf32, #tpu.memory_space<vmem>>) offsets(%dma_start3A_457 : memref<128xi32, #tpu.memory_space<vmem>>) semaphore(%arg21 : memref<!tpu.dma_semaphore, #tpu.memory_space<semaphore_mem>>)
      %dma_wait3A_461 = arith.constant 0 : i32
      %dma_wait3A_462 = arith.constant 0 : i32
      %dma_wait3A_463 = tpu.memref_slice %arg16[%dma_wait3A_461, %dma_wait3A_462] : memref<10240x64xf32, #tpu.memory_space<vmem_shared>> -> memref<128x64xf32, #tpu.memory_space<vmem_shared>>
      %dma_wait3A_464 = arith.constant 0 : i32
      %dma_wait3A_465 = arith.constant 0 : i32
      %dma_wait3A_466 = tpu.memref_slice %arg16[%dma_wait3A_464, %dma_wait3A_465] : memref<10240x64xf32, #tpu.memory_space<vmem_shared>> -> memref<128x64xf32, #tpu.memory_space<vmem_shared>>
      tpu.wait_dma2 semaphore(%arg28 : memref<!tpu.dma_semaphore, #tpu.memory_space<semaphore_mem>>) src(%arg14 : memref<128x64xf32, #tpu.memory_space<vmem>>) dst(%dma_wait3A_466 : memref<128x64xf32, #tpu.memory_space<vmem_shared>>)
      %add3A_467 = arith.constant 4 : i32
      %add3A_468 = arith.addi %mul3A_242, %add3A_467 : i32
      %add3A_469 = arith.constant 3 : i32
      %add3A_470 = arith.addi %add3A_468, %add3A_469 : i32
      %min3A_471 = arith.constant 159 : i32
      %min3A_472 = arith.minsi %add3A_470, %min3A_471 : i32
      %add3A_473 = arith.addi %mul3A_0, %min3A_472 : i32
      %mul3A_474 = arith.constant 128 : i32
      %mul3A_475 = arith.muli %add3A_473, %mul3A_474 : i32
      %dma_start3A_476 = arith.constant 0 : i32
      %dma_start3A_477 = arith.constant 0 : i32
      %dma_start3A_478 = tpu.memref_slice %arg10[%dma_start3A_476, %dma_start3A_477] : memref<2x128xi32, #tpu.memory_space<vmem>> -> memref<1x128xi32, #tpu.memory_space<vmem>>
      %dma_start3A_479 = tpu.memref_squeeze %dma_start3A_478 : memref<1x128xi32, #tpu.memory_space<vmem>> -> memref<128xi32, #tpu.memory_space<vmem>>
      %dma_start3A_480 = tpu.memref_slice %arg3[%mul3A_475] : memref<327680xi32, #tpu.memory_space<hbm>> -> memref<128xi32, #tpu.memory_space<hbm>>
      %dma_start3A_481 = arith.constant 0 : i32
      %dma_start3A_482 = tpu.memref_slice %arg10[%dma_start3A_476, %dma_start3A_481] : memref<2x128xi32, #tpu.memory_space<vmem>> -> memref<1x128xi32, #tpu.memory_space<vmem>>
      %dma_start3A_483 = tpu.memref_squeeze %dma_start3A_482 : memref<1x128xi32, #tpu.memory_space<vmem>> -> memref<128xi32, #tpu.memory_space<vmem>>
      %dma_start3A_484 = tpu.memref_slice %arg3[%mul3A_475] : memref<327680xi32, #tpu.memory_space<hbm>> -> memref<128xi32, #tpu.memory_space<hbm>>
      tpu.enqueue_dma source(%dma_start3A_484 : memref<128xi32, #tpu.memory_space<hbm>>) target(%dma_start3A_483 : memref<128xi32, #tpu.memory_space<vmem>>) target_semaphore(%arg20 : memref<!tpu.dma_semaphore, #tpu.memory_space<semaphore_mem>>)
      %mul3A_485 = arith.constant 128 : i32
      %mul3A_486 = arith.muli %add3A_473, %mul3A_485 : i32
      %dma_start3A_487 = arith.constant 1 : i32
      %dma_start3A_488 = arith.constant 0 : i32
      %dma_start3A_489 = tpu.memref_slice %arg10[%dma_start3A_487, %dma_start3A_488] : memref<2x128xi32, #tpu.memory_space<vmem>> -> memref<1x128xi32, #tpu.memory_space<vmem>>
      %dma_start3A_490 = tpu.memref_squeeze %dma_start3A_489 : memref<1x128xi32, #tpu.memory_space<vmem>> -> memref<128xi32, #tpu.memory_space<vmem>>
      %dma_start3A_491 = tpu.memref_slice %arg4[%mul3A_486] : memref<327680xi32, #tpu.memory_space<hbm>> -> memref<128xi32, #tpu.memory_space<hbm>>
      %dma_start3A_492 = arith.constant 0 : i32
      %dma_start3A_493 = tpu.memref_slice %arg10[%dma_start3A_487, %dma_start3A_492] : memref<2x128xi32, #tpu.memory_space<vmem>> -> memref<1x128xi32, #tpu.memory_space<vmem>>
      %dma_start3A_494 = tpu.memref_squeeze %dma_start3A_493 : memref<1x128xi32, #tpu.memory_space<vmem>> -> memref<128xi32, #tpu.memory_space<vmem>>
      %dma_start3A_495 = tpu.memref_slice %arg4[%mul3A_486] : memref<327680xi32, #tpu.memory_space<hbm>> -> memref<128xi32, #tpu.memory_space<hbm>>
      tpu.enqueue_dma source(%dma_start3A_495 : memref<128xi32, #tpu.memory_space<hbm>>) target(%dma_start3A_494 : memref<128xi32, #tpu.memory_space<vmem>>) target_semaphore(%arg20 : memref<!tpu.dma_semaphore, #tpu.memory_space<semaphore_mem>>)
      %dma_wait3A_496 = arith.constant 0 : i32
      %dma_wait3A_497 = arith.constant 0 : i32
      %dma_wait3A_498 = tpu.memref_slice %arg8[%dma_wait3A_496, %dma_wait3A_497] : memref<2x128xi32, #tpu.memory_space<vmem>> -> memref<1x128xi32, #tpu.memory_space<vmem>>
      %dma_wait3A_499 = tpu.memref_squeeze %dma_wait3A_498 : memref<1x128xi32, #tpu.memory_space<vmem>> -> memref<128xi32, #tpu.memory_space<vmem>>
      %dma_wait3A_500 = arith.constant 0 : i32
      %dma_wait3A_501 = tpu.memref_slice %arg3[%dma_wait3A_500] : memref<327680xi32, #tpu.memory_space<hbm>> -> memref<128xi32, #tpu.memory_space<hbm>>
      %dma_wait3A_502 = arith.constant 0 : i32
      %dma_wait3A_503 = tpu.memref_slice %arg8[%dma_wait3A_496, %dma_wait3A_502] : memref<2x128xi32, #tpu.memory_space<vmem>> -> memref<1x128xi32, #tpu.memory_space<vmem>>
      %dma_wait3A_504 = tpu.memref_squeeze %dma_wait3A_503 : memref<1x128xi32, #tpu.memory_space<vmem>> -> memref<128xi32, #tpu.memory_space<vmem>>
      %dma_wait3A_505 = arith.constant 0 : i32
      %dma_wait3A_506 = tpu.memref_slice %arg3[%dma_wait3A_505] : memref<327680xi32, #tpu.memory_space<hbm>> -> memref<128xi32, #tpu.memory_space<hbm>>
      tpu.wait_dma2 semaphore(%arg18 : memref<!tpu.dma_semaphore, #tpu.memory_space<semaphore_mem>>) src(%dma_wait3A_506 : memref<128xi32, #tpu.memory_space<hbm>>) dst(%dma_wait3A_504 : memref<128xi32, #tpu.memory_space<vmem>>)
      %dma_wait3A_507 = arith.constant 1 : i32
      %dma_wait3A_508 = arith.constant 0 : i32
      %dma_wait3A_509 = tpu.memref_slice %arg8[%dma_wait3A_507, %dma_wait3A_508] : memref<2x128xi32, #tpu.memory_space<vmem>> -> memref<1x128xi32, #tpu.memory_space<vmem>>
      %dma_wait3A_510 = tpu.memref_squeeze %dma_wait3A_509 : memref<1x128xi32, #tpu.memory_space<vmem>> -> memref<128xi32, #tpu.memory_space<vmem>>
      %dma_wait3A_511 = arith.constant 0 : i32
      %dma_wait3A_512 = tpu.memref_slice %arg3[%dma_wait3A_511] : memref<327680xi32, #tpu.memory_space<hbm>> -> memref<128xi32, #tpu.memory_space<hbm>>
      %dma_wait3A_513 = arith.constant 0 : i32
      %dma_wait3A_514 = tpu.memref_slice %arg8[%dma_wait3A_507, %dma_wait3A_513] : memref<2x128xi32, #tpu.memory_space<vmem>> -> memref<1x128xi32, #tpu.memory_space<vmem>>
      %dma_wait3A_515 = tpu.memref_squeeze %dma_wait3A_514 : memref<1x128xi32, #tpu.memory_space<vmem>> -> memref<128xi32, #tpu.memory_space<vmem>>
      %dma_wait3A_516 = arith.constant 0 : i32
      %dma_wait3A_517 = tpu.memref_slice %arg3[%dma_wait3A_516] : memref<327680xi32, #tpu.memory_space<hbm>> -> memref<128xi32, #tpu.memory_space<hbm>>
      tpu.wait_dma2 semaphore(%arg18 : memref<!tpu.dma_semaphore, #tpu.memory_space<semaphore_mem>>) src(%dma_wait3A_517 : memref<128xi32, #tpu.memory_space<hbm>>) dst(%dma_wait3A_515 : memref<128xi32, #tpu.memory_space<vmem>>)
      %dma_start3A_518 = arith.constant 0 : i32
      %dma_start3A_519 = arith.constant 0 : i32
      %dma_start3A_520 = tpu.memref_slice %arg8[%dma_start3A_518, %dma_start3A_519] : memref<2x128xi32, #tpu.memory_space<vmem>> -> memref<1x128xi32, #tpu.memory_space<vmem>>
      %dma_start3A_521 = tpu.memref_squeeze %dma_start3A_520 : memref<1x128xi32, #tpu.memory_space<vmem>> -> memref<128xi32, #tpu.memory_space<vmem>>
      %dma_start3A_522 = arith.constant 0 : i32
      %dma_start3A_523 = arith.constant 0 : i32
      %dma_start3A_524 = tpu.memref_slice %arg15[%dma_start3A_522, %dma_start3A_523] : memref<10000x64xf32, #tpu.memory_space<vmem_shared>> -> memref<10000x64xf32, #tpu.memory_space<vmem_shared>>
      tpu.enqueue_indirect_dma source(%dma_start3A_524 : memref<10000x64xf32, #tpu.memory_space<vmem_shared>>) target(%arg12 : memref<128x64xf32, #tpu.memory_space<vmem>>) offsets(%dma_start3A_521 : memref<128xi32, #tpu.memory_space<vmem>>) semaphore(%arg22 : memref<!tpu.dma_semaphore, #tpu.memory_space<semaphore_mem>>)
      %dma_wait3A_525 = arith.constant 0 : i32
      %dma_wait3A_526 = arith.constant 0 : i32
      %dma_wait3A_527 = tpu.memref_slice %arg9[%dma_wait3A_525, %dma_wait3A_526] : memref<2x128xi32, #tpu.memory_space<vmem>> -> memref<1x128xi32, #tpu.memory_space<vmem>>
      %dma_wait3A_528 = tpu.memref_squeeze %dma_wait3A_527 : memref<1x128xi32, #tpu.memory_space<vmem>> -> memref<128xi32, #tpu.memory_space<vmem>>
      %dma_wait3A_529 = arith.constant 0 : i32
      %dma_wait3A_530 = tpu.memref_slice %arg3[%dma_wait3A_529] : memref<327680xi32, #tpu.memory_space<hbm>> -> memref<128xi32, #tpu.memory_space<hbm>>
      %dma_wait3A_531 = arith.constant 0 : i32
      %dma_wait3A_532 = tpu.memref_slice %arg9[%dma_wait3A_525, %dma_wait3A_531] : memref<2x128xi32, #tpu.memory_space<vmem>> -> memref<1x128xi32, #tpu.memory_space<vmem>>
      %dma_wait3A_533 = tpu.memref_squeeze %dma_wait3A_532 : memref<1x128xi32, #tpu.memory_space<vmem>> -> memref<128xi32, #tpu.memory_space<vmem>>
      %dma_wait3A_534 = arith.constant 0 : i32
      %dma_wait3A_535 = tpu.memref_slice %arg3[%dma_wait3A_534] : memref<327680xi32, #tpu.memory_space<hbm>> -> memref<128xi32, #tpu.memory_space<hbm>>
      tpu.wait_dma2 semaphore(%arg19 : memref<!tpu.dma_semaphore, #tpu.memory_space<semaphore_mem>>) src(%dma_wait3A_535 : memref<128xi32, #tpu.memory_space<hbm>>) dst(%dma_wait3A_533 : memref<128xi32, #tpu.memory_space<vmem>>)
      %dma_wait3A_536 = arith.constant 1 : i32
      %dma_wait3A_537 = arith.constant 0 : i32
      %dma_wait3A_538 = tpu.memref_slice %arg9[%dma_wait3A_536, %dma_wait3A_537] : memref<2x128xi32, #tpu.memory_space<vmem>> -> memref<1x128xi32, #tpu.memory_space<vmem>>
      %dma_wait3A_539 = tpu.memref_squeeze %dma_wait3A_538 : memref<1x128xi32, #tpu.memory_space<vmem>> -> memref<128xi32, #tpu.memory_space<vmem>>
      %dma_wait3A_540 = arith.constant 0 : i32
      %dma_wait3A_541 = tpu.memref_slice %arg3[%dma_wait3A_540] : memref<327680xi32, #tpu.memory_space<hbm>> -> memref<128xi32, #tpu.memory_space<hbm>>
      %dma_wait3A_542 = arith.constant 0 : i32
      %dma_wait3A_543 = tpu.memref_slice %arg9[%dma_wait3A_536, %dma_wait3A_542] : memref<2x128xi32, #tpu.memory_space<vmem>> -> memref<1x128xi32, #tpu.memory_space<vmem>>
      %dma_wait3A_544 = tpu.memref_squeeze %dma_wait3A_543 : memref<1x128xi32, #tpu.memory_space<vmem>> -> memref<128xi32, #tpu.memory_space<vmem>>
      %dma_wait3A_545 = arith.constant 0 : i32
      %dma_wait3A_546 = tpu.memref_slice %arg3[%dma_wait3A_545] : memref<327680xi32, #tpu.memory_space<hbm>> -> memref<128xi32, #tpu.memory_space<hbm>>
      tpu.wait_dma2 semaphore(%arg19 : memref<!tpu.dma_semaphore, #tpu.memory_space<semaphore_mem>>) src(%dma_wait3A_546 : memref<128xi32, #tpu.memory_space<hbm>>) dst(%dma_wait3A_544 : memref<128xi32, #tpu.memory_space<vmem>>)
      %dma_start3A_547 = arith.constant 0 : i32
      %dma_start3A_548 = arith.constant 0 : i32
      %dma_start3A_549 = tpu.memref_slice %arg9[%dma_start3A_547, %dma_start3A_548] : memref<2x128xi32, #tpu.memory_space<vmem>> -> memref<1x128xi32, #tpu.memory_space<vmem>>
      %dma_start3A_550 = tpu.memref_squeeze %dma_start3A_549 : memref<1x128xi32, #tpu.memory_space<vmem>> -> memref<128xi32, #tpu.memory_space<vmem>>
      %dma_start3A_551 = arith.constant 0 : i32
      %dma_start3A_552 = arith.constant 0 : i32
      %dma_start3A_553 = tpu.memref_slice %arg15[%dma_start3A_551, %dma_start3A_552] : memref<10000x64xf32, #tpu.memory_space<vmem_shared>> -> memref<10000x64xf32, #tpu.memory_space<vmem_shared>>
      tpu.enqueue_indirect_dma source(%dma_start3A_553 : memref<10000x64xf32, #tpu.memory_space<vmem_shared>>) target(%arg13 : memref<128x64xf32, #tpu.memory_space<vmem>>) offsets(%dma_start3A_550 : memref<128xi32, #tpu.memory_space<vmem>>) semaphore(%arg23 : memref<!tpu.dma_semaphore, #tpu.memory_space<semaphore_mem>>)
    }
    %scan3A_191 = arith.constant 40 : i32
    %dma_wait3A_192 = arith.constant 0 : i32
    %dma_wait3A_193 = arith.constant 0 : i32
    %dma_wait3A_194 = tpu.memref_slice %arg7[%dma_wait3A_192, %dma_wait3A_193] : memref<2x128xi32, #tpu.memory_space<vmem>> -> memref<1x128xi32, #tpu.memory_space<vmem>>
    %dma_wait3A_195 = tpu.memref_squeeze %dma_wait3A_194 : memref<1x128xi32, #tpu.memory_space<vmem>> -> memref<128xi32, #tpu.memory_space<vmem>>
    %dma_wait3A_196 = arith.constant 0 : i32
    %dma_wait3A_197 = arith.constant 0 : i32
    %dma_wait3A_198 = tpu.memref_slice %arg15[%dma_wait3A_196, %dma_wait3A_197] : memref<10000x64xf32, #tpu.memory_space<vmem_shared>> -> memref<10000x64xf32, #tpu.memory_space<vmem_shared>>
    tpu.wait_indirect_dma semaphore(%arg21 : memref<!tpu.dma_semaphore, #tpu.memory_space<semaphore_mem>>) src(%dma_wait3A_198 : memref<10000x64xf32, #tpu.memory_space<vmem_shared>>) dst(%arg11 : memref<128x64xf32, #tpu.memory_space<vmem>>)
    %dma_wait3A_199 = arith.constant 0 : i32
    %dma_wait3A_200 = arith.constant 0 : i32
    %dma_wait3A_201 = tpu.memref_slice %arg8[%dma_wait3A_199, %dma_wait3A_200] : memref<2x128xi32, #tpu.memory_space<vmem>> -> memref<1x128xi32, #tpu.memory_space<vmem>>
    %dma_wait3A_202 = tpu.memref_squeeze %dma_wait3A_201 : memref<1x128xi32, #tpu.memory_space<vmem>> -> memref<128xi32, #tpu.memory_space<vmem>>
    %dma_wait3A_203 = arith.constant 0 : i32
    %dma_wait3A_204 = arith.constant 0 : i32
    %dma_wait3A_205 = tpu.memref_slice %arg15[%dma_wait3A_203, %dma_wait3A_204] : memref<10000x64xf32, #tpu.memory_space<vmem_shared>> -> memref<10000x64xf32, #tpu.memory_space<vmem_shared>>
    tpu.wait_indirect_dma semaphore(%arg22 : memref<!tpu.dma_semaphore, #tpu.memory_space<semaphore_mem>>) src(%dma_wait3A_205 : memref<10000x64xf32, #tpu.memory_space<vmem_shared>>) dst(%arg12 : memref<128x64xf32, #tpu.memory_space<vmem>>)
    %dma_wait3A_206 = arith.constant 0 : i32
    %dma_wait3A_207 = arith.constant 0 : i32
    %dma_wait3A_208 = tpu.memref_slice %arg9[%dma_wait3A_206, %dma_wait3A_207] : memref<2x128xi32, #tpu.memory_space<vmem>> -> memref<1x128xi32, #tpu.memory_space<vmem>>
    %dma_wait3A_209 = tpu.memref_squeeze %dma_wait3A_208 : memref<1x128xi32, #tpu.memory_space<vmem>> -> memref<128xi32, #tpu.memory_space<vmem>>
    %dma_wait3A_210 = arith.constant 0 : i32
    %dma_wait3A_211 = arith.constant 0 : i32
    %dma_wait3A_212 = tpu.memref_slice %arg15[%dma_wait3A_210, %dma_wait3A_211] : memref<10000x64xf32, #tpu.memory_space<vmem_shared>> -> memref<10000x64xf32, #tpu.memory_space<vmem_shared>>
    tpu.wait_indirect_dma semaphore(%arg23 : memref<!tpu.dma_semaphore, #tpu.memory_space<semaphore_mem>>) src(%dma_wait3A_212 : memref<10000x64xf32, #tpu.memory_space<vmem_shared>>) dst(%arg13 : memref<128x64xf32, #tpu.memory_space<vmem>>)
    %dma_wait3A_213 = arith.constant 0 : i32
    %dma_wait3A_214 = arith.constant 0 : i32
    %dma_wait3A_215 = tpu.memref_slice %arg10[%dma_wait3A_213, %dma_wait3A_214] : memref<2x128xi32, #tpu.memory_space<vmem>> -> memref<1x128xi32, #tpu.memory_space<vmem>>
    %dma_wait3A_216 = tpu.memref_squeeze %dma_wait3A_215 : memref<1x128xi32, #tpu.memory_space<vmem>> -> memref<128xi32, #tpu.memory_space<vmem>>
    %dma_wait3A_217 = arith.constant 0 : i32
    %dma_wait3A_218 = tpu.memref_slice %arg3[%dma_wait3A_217] : memref<327680xi32, #tpu.memory_space<hbm>> -> memref<128xi32, #tpu.memory_space<hbm>>
    %dma_wait3A_219 = arith.constant 0 : i32
    %dma_wait3A_220 = tpu.memref_slice %arg10[%dma_wait3A_213, %dma_wait3A_219] : memref<2x128xi32, #tpu.memory_space<vmem>> -> memref<1x128xi32, #tpu.memory_space<vmem>>
    %dma_wait3A_221 = tpu.memref_squeeze %dma_wait3A_220 : memref<1x128xi32, #tpu.memory_space<vmem>> -> memref<128xi32, #tpu.memory_space<vmem>>
    %dma_wait3A_222 = arith.constant 0 : i32
    %dma_wait3A_223 = tpu.memref_slice %arg3[%dma_wait3A_222] : memref<327680xi32, #tpu.memory_space<hbm>> -> memref<128xi32, #tpu.memory_space<hbm>>
    tpu.wait_dma2 semaphore(%arg20 : memref<!tpu.dma_semaphore, #tpu.memory_space<semaphore_mem>>) src(%dma_wait3A_223 : memref<128xi32, #tpu.memory_space<hbm>>) dst(%dma_wait3A_221 : memref<128xi32, #tpu.memory_space<vmem>>)
    %dma_wait3A_224 = arith.constant 1 : i32
    %dma_wait3A_225 = arith.constant 0 : i32
    %dma_wait3A_226 = tpu.memref_slice %arg10[%dma_wait3A_224, %dma_wait3A_225] : memref<2x128xi32, #tpu.memory_space<vmem>> -> memref<1x128xi32, #tpu.memory_space<vmem>>
    %dma_wait3A_227 = tpu.memref_squeeze %dma_wait3A_226 : memref<1x128xi32, #tpu.memory_space<vmem>> -> memref<128xi32, #tpu.memory_space<vmem>>
    %dma_wait3A_228 = arith.constant 0 : i32
    %dma_wait3A_229 = tpu.memref_slice %arg3[%dma_wait3A_228] : memref<327680xi32, #tpu.memory_space<hbm>> -> memref<128xi32, #tpu.memory_space<hbm>>
    %dma_wait3A_230 = arith.constant 0 : i32
    %dma_wait3A_231 = tpu.memref_slice %arg10[%dma_wait3A_224, %dma_wait3A_230] : memref<2x128xi32, #tpu.memory_space<vmem>> -> memref<1x128xi32, #tpu.memory_space<vmem>>
    %dma_wait3A_232 = tpu.memref_squeeze %dma_wait3A_231 : memref<1x128xi32, #tpu.memory_space<vmem>> -> memref<128xi32, #tpu.memory_space<vmem>>
    %dma_wait3A_233 = arith.constant 0 : i32
    %dma_wait3A_234 = tpu.memref_slice %arg3[%dma_wait3A_233] : memref<327680xi32, #tpu.memory_space<hbm>> -> memref<128xi32, #tpu.memory_space<hbm>>
    tpu.wait_dma2 semaphore(%arg20 : memref<!tpu.dma_semaphore, #tpu.memory_space<semaphore_mem>>) src(%dma_wait3A_234 : memref<128xi32, #tpu.memory_space<hbm>>) dst(%dma_wait3A_232 : memref<128xi32, #tpu.memory_space<vmem>>)
    %barrier3A_235 = arith.constant 0 : index
    tpu.barrier barrier_id(%barrier3A_235)
    %mul3A_236 = arith.constant 640 : i32
    %mul3A_237 = arith.muli %arg1, %mul3A_236 : i32
    %mul3A_238 = arith.constant 640 : i32
    %mul3A_239 = arith.muli %arg1, %mul3A_238 : i32
    "tpu.region"() ({
      %run_scoped3A = tpu.sem_alloc : memref<!tpu.dma_semaphore, #tpu.memory_space<semaphore_mem>>
      %dma_start3A_240 = arith.constant 0 : i32
      %dma_start3A_241 = tpu.memref_slice %arg6[%arg0, %mul3A_239, %dma_start3A_240] : memref<2x10240x64xf32, #tpu.memory_space<hbm>> -> memref<1x640x64xf32, #tpu.memory_space<hbm>>
      %dma_start3A_242 = tpu.memref_squeeze %dma_start3A_241 : memref<1x640x64xf32, #tpu.memory_space<hbm>> -> memref<640x64xf32, #tpu.memory_space<hbm>>
      %dma_start3A_243 = arith.constant 0 : i32
      %dma_start3A_244 = tpu.memref_slice %arg16[%mul3A_237, %dma_start3A_243] : memref<10240x64xf32, #tpu.memory_space<vmem_shared>> -> memref<640x64xf32, #tpu.memory_space<vmem_shared>>
      tpu.enqueue_dma source(%dma_start3A_244 : memref<640x64xf32, #tpu.memory_space<vmem_shared>>) target(%dma_start3A_242 : memref<640x64xf32, #tpu.memory_space<hbm>>) target_semaphore(%run_scoped3A : memref<!tpu.dma_semaphore, #tpu.memory_space<semaphore_mem>>)
      %dma_wait3A_245 = arith.constant 0 : i32
      %dma_wait3A_246 = tpu.memref_slice %arg6[%arg0, %mul3A_239, %dma_wait3A_245] : memref<2x10240x64xf32, #tpu.memory_space<hbm>> -> memref<1x640x64xf32, #tpu.memory_space<hbm>>
      %dma_wait3A_247 = tpu.memref_squeeze %dma_wait3A_246 : memref<1x640x64xf32, #tpu.memory_space<hbm>> -> memref<640x64xf32, #tpu.memory_space<hbm>>
      %dma_wait3A_248 = arith.constant 0 : i32
      %dma_wait3A_249 = tpu.memref_slice %arg16[%mul3A_237, %dma_wait3A_248] : memref<10240x64xf32, #tpu.memory_space<vmem_shared>> -> memref<640x64xf32, #tpu.memory_space<vmem_shared>>
      tpu.wait_dma2 semaphore(%run_scoped3A : memref<!tpu.dma_semaphore, #tpu.memory_space<semaphore_mem>>) src(%dma_wait3A_249 : memref<640x64xf32, #tpu.memory_space<vmem_shared>>) dst(%dma_wait3A_247 : memref<640x64xf32, #tpu.memory_space<hbm>>)
      tpu.yield
    }) : () -> ()
    return
  }
}

#map = affine_map<(d0, d1) -> (0, 0, 0)>
#map1 = affine_map<(d0, d1) -> (0)>
#map2 = affine_map<(d0, d1) -> (0, 0)>
module attributes {stable_mosaic.version = 14 : i64} {
  func.func @_agg_body(%arg0: i32, %arg1: i32, %arg2: memref<2x10000x64xf32, #tpu.memory_space<hbm>>, %arg3: memref<327680xi32, #tpu.memory_space<hbm>>, %arg4: memref<327680xi32, #tpu.memory_space<hbm>>, %arg5: memref<640x64xf32, #tpu.memory_space<hbm>>, %arg6: memref<2x10240x64xf32, #tpu.memory_space<hbm>>, %arg7: memref<2x128xi32, #tpu.memory_space<vmem>>, %arg8: memref<2x128xi32, #tpu.memory_space<vmem>>, %arg9: memref<2x128xi32, #tpu.memory_space<vmem>>, %arg10: memref<2x128xi32, #tpu.memory_space<vmem>>, %arg11: memref<128x64xf32, #tpu.memory_space<vmem>>, %arg12: memref<128x64xf32, #tpu.memory_space<vmem>>, %arg13: memref<128x64xf32, #tpu.memory_space<vmem>>, %arg14: memref<128x64xf32, #tpu.memory_space<vmem>>, %arg15: memref<10000x64xf32, #tpu.memory_space<vmem_shared>>, %arg16: memref<10240x64xf32, #tpu.memory_space<vmem_shared>>, %arg17: memref<!tpu.dma_semaphore, #tpu.memory_space<semaphore_mem>>, %arg18: memref<!tpu.dma_semaphore, #tpu.memory_space<semaphore_mem>>, %arg19: memref<!tpu.dma_semaphore, #tpu.memory_space<semaphore_mem>>, %arg20: memref<!tpu.dma_semaphore, #tpu.memory_space<semaphore_mem>>, %arg21: memref<!tpu.dma_semaphore, #tpu.memory_space<semaphore_mem>>, %arg22: memref<!tpu.dma_semaphore, #tpu.memory_space<semaphore_mem>>, %arg23: memref<!tpu.dma_semaphore, #tpu.memory_space<semaphore_mem>>, %arg24: memref<!tpu.dma_semaphore, #tpu.memory_space<semaphore_mem>>, %arg25: memref<!tpu.dma_semaphore, #tpu.memory_space<semaphore_mem>>, %arg26: memref<!tpu.dma_semaphore, #tpu.memory_space<semaphore_mem>>, %arg27: memref<!tpu.dma_semaphore, #tpu.memory_space<semaphore_mem>>, %arg28: memref<!tpu.dma_semaphore, #tpu.memory_space<semaphore_mem>>) attributes {dimension_semantics = [#tpu.dimension_semantics<core_parallel>, #tpu.dimension_semantics<subcore_parallel>], iteration_bounds = array<i64: 2, 16>, scalar_prefetch = 0 : i64, scratch_operands = 22 : i64, tpu.core_type = #tpu.core_type<sc_vector_subcore>, window_params = [{transform_indices = #map}, {transform_indices = #map1}, {transform_indices = #map1}, {transform_indices = #map2}, {transform_indices = #map}]} {
    %mul3A = arith.constant 160 : i32
    %mul3A_0 = arith.muli %arg1, %mul3A : i32
    %mul3A_1 = arith.constant 640 : i32
    %mul3A_2 = arith.muli %arg1, %mul3A_1 : i32
    "tpu.region"() ({
      %run_scoped3A = tpu.sem_alloc : memref<!tpu.dma_semaphore, #tpu.memory_space<semaphore_mem>>
      %dma_start3A_240 = arith.constant 0 : i32
      %dma_start3A_241 = tpu.memref_slice %arg16[%mul3A_2, %dma_start3A_240] : memref<10240x64xf32, #tpu.memory_space<vmem_shared>> -> memref<640x64xf32, #tpu.memory_space<vmem_shared>>
      tpu.enqueue_dma source(%arg5 : memref<640x64xf32, #tpu.memory_space<hbm>>) target(%dma_start3A_241 : memref<640x64xf32, #tpu.memory_space<vmem_shared>>) target_semaphore(%run_scoped3A : memref<!tpu.dma_semaphore, #tpu.memory_space<semaphore_mem>>)
      %dma_wait3A_242 = arith.constant 0 : i32
      %dma_wait3A_243 = tpu.memref_slice %arg16[%mul3A_2, %dma_wait3A_242] : memref<10240x64xf32, #tpu.memory_space<vmem_shared>> -> memref<640x64xf32, #tpu.memory_space<vmem_shared>>
      tpu.wait_dma2 semaphore(%run_scoped3A : memref<!tpu.dma_semaphore, #tpu.memory_space<semaphore_mem>>) src(%arg5 : memref<640x64xf32, #tpu.memory_space<hbm>>) dst(%dma_wait3A_243 : memref<640x64xf32, #tpu.memory_space<vmem_shared>>)
      tpu.yield
    }) : () -> ()
    %mul3A_3 = arith.constant 625 : i32
    %mul3A_4 = arith.muli %arg1, %mul3A_3 : i32
    %mul3A_5 = arith.constant 625 : i32
    %mul3A_6 = arith.muli %arg1, %mul3A_5 : i32
    "tpu.region"() ({
      %run_scoped3A = tpu.sem_alloc : memref<!tpu.dma_semaphore, #tpu.memory_space<semaphore_mem>>
      %dma_start3A_240 = arith.constant 0 : i32
      %dma_start3A_241 = tpu.memref_slice %arg15[%mul3A_6, %dma_start3A_240] : memref<10000x64xf32, #tpu.memory_space<vmem_shared>> -> memref<625x64xf32, #tpu.memory_space<vmem_shared>>
      %dma_start3A_242 = arith.constant 0 : i32
      %dma_start3A_243 = tpu.memref_slice %arg2[%arg0, %mul3A_4, %dma_start3A_242] : memref<2x10000x64xf32, #tpu.memory_space<hbm>> -> memref<1x625x64xf32, #tpu.memory_space<hbm>>
      %dma_start3A_244 = tpu.memref_squeeze %dma_start3A_243 : memref<1x625x64xf32, #tpu.memory_space<hbm>> -> memref<625x64xf32, #tpu.memory_space<hbm>>
      tpu.enqueue_dma source(%dma_start3A_244 : memref<625x64xf32, #tpu.memory_space<hbm>>) target(%dma_start3A_241 : memref<625x64xf32, #tpu.memory_space<vmem_shared>>) target_semaphore(%run_scoped3A : memref<!tpu.dma_semaphore, #tpu.memory_space<semaphore_mem>>)
      %dma_wait3A_245 = arith.constant 0 : i32
      %dma_wait3A_246 = tpu.memref_slice %arg15[%mul3A_6, %dma_wait3A_245] : memref<10000x64xf32, #tpu.memory_space<vmem_shared>> -> memref<625x64xf32, #tpu.memory_space<vmem_shared>>
      %dma_wait3A_247 = arith.constant 0 : i32
      %dma_wait3A_248 = tpu.memref_slice %arg2[%arg0, %mul3A_4, %dma_wait3A_247] : memref<2x10000x64xf32, #tpu.memory_space<hbm>> -> memref<1x625x64xf32, #tpu.memory_space<hbm>>
      %dma_wait3A_249 = tpu.memref_squeeze %dma_wait3A_248 : memref<1x625x64xf32, #tpu.memory_space<hbm>> -> memref<625x64xf32, #tpu.memory_space<hbm>>
      tpu.wait_dma2 semaphore(%run_scoped3A : memref<!tpu.dma_semaphore, #tpu.memory_space<semaphore_mem>>) src(%dma_wait3A_249 : memref<625x64xf32, #tpu.memory_space<hbm>>) dst(%dma_wait3A_246 : memref<625x64xf32, #tpu.memory_space<vmem_shared>>)
      tpu.yield
    }) : () -> ()
    %barrier3A = arith.constant 0 : index
    tpu.barrier barrier_id(%barrier3A)
    %add3A = arith.constant 0 : i32
    %add3A_7 = arith.addi %mul3A_0, %add3A : i32
    %mul3A_8 = arith.constant 128 : i32
    %mul3A_9 = arith.muli %add3A_7, %mul3A_8 : i32
    %dma_start3A = arith.constant 0 : i32
    %dma_start3A_10 = arith.constant 0 : i32
    %dma_start3A_11 = tpu.memref_slice %arg7[%dma_start3A, %dma_start3A_10] : memref<2x128xi32, #tpu.memory_space<vmem>> -> memref<1x128xi32, #tpu.memory_space<vmem>>
    %dma_start3A_12 = tpu.memref_squeeze %dma_start3A_11 : memref<1x128xi32, #tpu.memory_space<vmem>> -> memref<128xi32, #tpu.memory_space<vmem>>
    %dma_start3A_13 = tpu.memref_slice %arg3[%mul3A_9] : memref<327680xi32, #tpu.memory_space<hbm>> -> memref<128xi32, #tpu.memory_space<hbm>>
    %dma_start3A_14 = arith.constant 0 : i32
    %dma_start3A_15 = tpu.memref_slice %arg7[%dma_start3A, %dma_start3A_14] : memref<2x128xi32, #tpu.memory_space<vmem>> -> memref<1x128xi32, #tpu.memory_space<vmem>>
    %dma_start3A_16 = tpu.memref_squeeze %dma_start3A_15 : memref<1x128xi32, #tpu.memory_space<vmem>> -> memref<128xi32, #tpu.memory_space<vmem>>
    %dma_start3A_17 = tpu.memref_slice %arg3[%mul3A_9] : memref<327680xi32, #tpu.memory_space<hbm>> -> memref<128xi32, #tpu.memory_space<hbm>>
    tpu.enqueue_dma source(%dma_start3A_17 : memref<128xi32, #tpu.memory_space<hbm>>) target(%dma_start3A_16 : memref<128xi32, #tpu.memory_space<vmem>>) target_semaphore(%arg17 : memref<!tpu.dma_semaphore, #tpu.memory_space<semaphore_mem>>)
    %mul3A_18 = arith.constant 128 : i32
    %mul3A_19 = arith.muli %add3A_7, %mul3A_18 : i32
    %dma_start3A_20 = arith.constant 1 : i32
    %dma_start3A_21 = arith.constant 0 : i32
    %dma_start3A_22 = tpu.memref_slice %arg7[%dma_start3A_20, %dma_start3A_21] : memref<2x128xi32, #tpu.memory_space<vmem>> -> memref<1x128xi32, #tpu.memory_space<vmem>>
    %dma_start3A_23 = tpu.memref_squeeze %dma_start3A_22 : memref<1x128xi32, #tpu.memory_space<vmem>> -> memref<128xi32, #tpu.memory_space<vmem>>
    %dma_start3A_24 = tpu.memref_slice %arg4[%mul3A_19] : memref<327680xi32, #tpu.memory_space<hbm>> -> memref<128xi32, #tpu.memory_space<hbm>>
    %dma_start3A_25 = arith.constant 0 : i32
    %dma_start3A_26 = tpu.memref_slice %arg7[%dma_start3A_20, %dma_start3A_25] : memref<2x128xi32, #tpu.memory_space<vmem>> -> memref<1x128xi32, #tpu.memory_space<vmem>>
    %dma_start3A_27 = tpu.memref_squeeze %dma_start3A_26 : memref<1x128xi32, #tpu.memory_space<vmem>> -> memref<128xi32, #tpu.memory_space<vmem>>
    %dma_start3A_28 = tpu.memref_slice %arg4[%mul3A_19] : memref<327680xi32, #tpu.memory_space<hbm>> -> memref<128xi32, #tpu.memory_space<hbm>>
    tpu.enqueue_dma source(%dma_start3A_28 : memref<128xi32, #tpu.memory_space<hbm>>) target(%dma_start3A_27 : memref<128xi32, #tpu.memory_space<vmem>>) target_semaphore(%arg17 : memref<!tpu.dma_semaphore, #tpu.memory_space<semaphore_mem>>)
    %add3A_29 = arith.constant 1 : i32
    %add3A_30 = arith.addi %mul3A_0, %add3A_29 : i32
    %mul3A_31 = arith.constant 128 : i32
    %mul3A_32 = arith.muli %add3A_30, %mul3A_31 : i32
    %dma_start3A_33 = arith.constant 0 : i32
    %dma_start3A_34 = arith.constant 0 : i32
    %dma_start3A_35 = tpu.memref_slice %arg8[%dma_start3A_33, %dma_start3A_34] : memref<2x128xi32, #tpu.memory_space<vmem>> -> memref<1x128xi32, #tpu.memory_space<vmem>>
    %dma_start3A_36 = tpu.memref_squeeze %dma_start3A_35 : memref<1x128xi32, #tpu.memory_space<vmem>> -> memref<128xi32, #tpu.memory_space<vmem>>
    %dma_start3A_37 = tpu.memref_slice %arg3[%mul3A_32] : memref<327680xi32, #tpu.memory_space<hbm>> -> memref<128xi32, #tpu.memory_space<hbm>>
    %dma_start3A_38 = arith.constant 0 : i32
    %dma_start3A_39 = tpu.memref_slice %arg8[%dma_start3A_33, %dma_start3A_38] : memref<2x128xi32, #tpu.memory_space<vmem>> -> memref<1x128xi32, #tpu.memory_space<vmem>>
    %dma_start3A_40 = tpu.memref_squeeze %dma_start3A_39 : memref<1x128xi32, #tpu.memory_space<vmem>> -> memref<128xi32, #tpu.memory_space<vmem>>
    %dma_start3A_41 = tpu.memref_slice %arg3[%mul3A_32] : memref<327680xi32, #tpu.memory_space<hbm>> -> memref<128xi32, #tpu.memory_space<hbm>>
    tpu.enqueue_dma source(%dma_start3A_41 : memref<128xi32, #tpu.memory_space<hbm>>) target(%dma_start3A_40 : memref<128xi32, #tpu.memory_space<vmem>>) target_semaphore(%arg18 : memref<!tpu.dma_semaphore, #tpu.memory_space<semaphore_mem>>)
    %mul3A_42 = arith.constant 128 : i32
    %mul3A_43 = arith.muli %add3A_30, %mul3A_42 : i32
    %dma_start3A_44 = arith.constant 1 : i32
    %dma_start3A_45 = arith.constant 0 : i32
    %dma_start3A_46 = tpu.memref_slice %arg8[%dma_start3A_44, %dma_start3A_45] : memref<2x128xi32, #tpu.memory_space<vmem>> -> memref<1x128xi32, #tpu.memory_space<vmem>>
    %dma_start3A_47 = tpu.memref_squeeze %dma_start3A_46 : memref<1x128xi32, #tpu.memory_space<vmem>> -> memref<128xi32, #tpu.memory_space<vmem>>
    %dma_start3A_48 = tpu.memref_slice %arg4[%mul3A_43] : memref<327680xi32, #tpu.memory_space<hbm>> -> memref<128xi32, #tpu.memory_space<hbm>>
    %dma_start3A_49 = arith.constant 0 : i32
    %dma_start3A_50 = tpu.memref_slice %arg8[%dma_start3A_44, %dma_start3A_49] : memref<2x128xi32, #tpu.memory_space<vmem>> -> memref<1x128xi32, #tpu.memory_space<vmem>>
    %dma_start3A_51 = tpu.memref_squeeze %dma_start3A_50 : memref<1x128xi32, #tpu.memory_space<vmem>> -> memref<128xi32, #tpu.memory_space<vmem>>
    %dma_start3A_52 = tpu.memref_slice %arg4[%mul3A_43] : memref<327680xi32, #tpu.memory_space<hbm>> -> memref<128xi32, #tpu.memory_space<hbm>>
    tpu.enqueue_dma source(%dma_start3A_52 : memref<128xi32, #tpu.memory_space<hbm>>) target(%dma_start3A_51 : memref<128xi32, #tpu.memory_space<vmem>>) target_semaphore(%arg18 : memref<!tpu.dma_semaphore, #tpu.memory_space<semaphore_mem>>)
    %add3A_53 = arith.constant 2 : i32
    %add3A_54 = arith.addi %mul3A_0, %add3A_53 : i32
    %mul3A_55 = arith.constant 128 : i32
    %mul3A_56 = arith.muli %add3A_54, %mul3A_55 : i32
    %dma_start3A_57 = arith.constant 0 : i32
    %dma_start3A_58 = arith.constant 0 : i32
    %dma_start3A_59 = tpu.memref_slice %arg9[%dma_start3A_57, %dma_start3A_58] : memref<2x128xi32, #tpu.memory_space<vmem>> -> memref<1x128xi32, #tpu.memory_space<vmem>>
    %dma_start3A_60 = tpu.memref_squeeze %dma_start3A_59 : memref<1x128xi32, #tpu.memory_space<vmem>> -> memref<128xi32, #tpu.memory_space<vmem>>
    %dma_start3A_61 = tpu.memref_slice %arg3[%mul3A_56] : memref<327680xi32, #tpu.memory_space<hbm>> -> memref<128xi32, #tpu.memory_space<hbm>>
    %dma_start3A_62 = arith.constant 0 : i32
    %dma_start3A_63 = tpu.memref_slice %arg9[%dma_start3A_57, %dma_start3A_62] : memref<2x128xi32, #tpu.memory_space<vmem>> -> memref<1x128xi32, #tpu.memory_space<vmem>>
    %dma_start3A_64 = tpu.memref_squeeze %dma_start3A_63 : memref<1x128xi32, #tpu.memory_space<vmem>> -> memref<128xi32, #tpu.memory_space<vmem>>
    %dma_start3A_65 = tpu.memref_slice %arg3[%mul3A_56] : memref<327680xi32, #tpu.memory_space<hbm>> -> memref<128xi32, #tpu.memory_space<hbm>>
    tpu.enqueue_dma source(%dma_start3A_65 : memref<128xi32, #tpu.memory_space<hbm>>) target(%dma_start3A_64 : memref<128xi32, #tpu.memory_space<vmem>>) target_semaphore(%arg19 : memref<!tpu.dma_semaphore, #tpu.memory_space<semaphore_mem>>)
    %mul3A_66 = arith.constant 128 : i32
    %mul3A_67 = arith.muli %add3A_54, %mul3A_66 : i32
    %dma_start3A_68 = arith.constant 1 : i32
    %dma_start3A_69 = arith.constant 0 : i32
    %dma_start3A_70 = tpu.memref_slice %arg9[%dma_start3A_68, %dma_start3A_69] : memref<2x128xi32, #tpu.memory_space<vmem>> -> memref<1x128xi32, #tpu.memory_space<vmem>>
    %dma_start3A_71 = tpu.memref_squeeze %dma_start3A_70 : memref<1x128xi32, #tpu.memory_space<vmem>> -> memref<128xi32, #tpu.memory_space<vmem>>
    %dma_start3A_72 = tpu.memref_slice %arg4[%mul3A_67] : memref<327680xi32, #tpu.memory_space<hbm>> -> memref<128xi32, #tpu.memory_space<hbm>>
    %dma_start3A_73 = arith.constant 0 : i32
    %dma_start3A_74 = tpu.memref_slice %arg9[%dma_start3A_68, %dma_start3A_73] : memref<2x128xi32, #tpu.memory_space<vmem>> -> memref<1x128xi32, #tpu.memory_space<vmem>>
    %dma_start3A_75 = tpu.memref_squeeze %dma_start3A_74 : memref<1x128xi32, #tpu.memory_space<vmem>> -> memref<128xi32, #tpu.memory_space<vmem>>
    %dma_start3A_76 = tpu.memref_slice %arg4[%mul3A_67] : memref<327680xi32, #tpu.memory_space<hbm>> -> memref<128xi32, #tpu.memory_space<hbm>>
    tpu.enqueue_dma source(%dma_start3A_76 : memref<128xi32, #tpu.memory_space<hbm>>) target(%dma_start3A_75 : memref<128xi32, #tpu.memory_space<vmem>>) target_semaphore(%arg19 : memref<!tpu.dma_semaphore, #tpu.memory_space<semaphore_mem>>)
    %add3A_77 = arith.constant 3 : i32
    %add3A_78 = arith.addi %mul3A_0, %add3A_77 : i32
    %mul3A_79 = arith.constant 128 : i32
    %mul3A_80 = arith.muli %add3A_78, %mul3A_79 : i32
    %dma_start3A_81 = arith.constant 0 : i32
    %dma_start3A_82 = arith.constant 0 : i32
    %dma_start3A_83 = tpu.memref_slice %arg10[%dma_start3A_81, %dma_start3A_82] : memref<2x128xi32, #tpu.memory_space<vmem>> -> memref<1x128xi32, #tpu.memory_space<vmem>>
    %dma_start3A_84 = tpu.memref_squeeze %dma_start3A_83 : memref<1x128xi32, #tpu.memory_space<vmem>> -> memref<128xi32, #tpu.memory_space<vmem>>
    %dma_start3A_85 = tpu.memref_slice %arg3[%mul3A_80] : memref<327680xi32, #tpu.memory_space<hbm>> -> memref<128xi32, #tpu.memory_space<hbm>>
    %dma_start3A_86 = arith.constant 0 : i32
    %dma_start3A_87 = tpu.memref_slice %arg10[%dma_start3A_81, %dma_start3A_86] : memref<2x128xi32, #tpu.memory_space<vmem>> -> memref<1x128xi32, #tpu.memory_space<vmem>>
    %dma_start3A_88 = tpu.memref_squeeze %dma_start3A_87 : memref<1x128xi32, #tpu.memory_space<vmem>> -> memref<128xi32, #tpu.memory_space<vmem>>
    %dma_start3A_89 = tpu.memref_slice %arg3[%mul3A_80] : memref<327680xi32, #tpu.memory_space<hbm>> -> memref<128xi32, #tpu.memory_space<hbm>>
    tpu.enqueue_dma source(%dma_start3A_89 : memref<128xi32, #tpu.memory_space<hbm>>) target(%dma_start3A_88 : memref<128xi32, #tpu.memory_space<vmem>>) target_semaphore(%arg20 : memref<!tpu.dma_semaphore, #tpu.memory_space<semaphore_mem>>)
    %mul3A_90 = arith.constant 128 : i32
    %mul3A_91 = arith.muli %add3A_78, %mul3A_90 : i32
    %dma_start3A_92 = arith.constant 1 : i32
    %dma_start3A_93 = arith.constant 0 : i32
    %dma_start3A_94 = tpu.memref_slice %arg10[%dma_start3A_92, %dma_start3A_93] : memref<2x128xi32, #tpu.memory_space<vmem>> -> memref<1x128xi32, #tpu.memory_space<vmem>>
    %dma_start3A_95 = tpu.memref_squeeze %dma_start3A_94 : memref<1x128xi32, #tpu.memory_space<vmem>> -> memref<128xi32, #tpu.memory_space<vmem>>
    %dma_start3A_96 = tpu.memref_slice %arg4[%mul3A_91] : memref<327680xi32, #tpu.memory_space<hbm>> -> memref<128xi32, #tpu.memory_space<hbm>>
    %dma_start3A_97 = arith.constant 0 : i32
    %dma_start3A_98 = tpu.memref_slice %arg10[%dma_start3A_92, %dma_start3A_97] : memref<2x128xi32, #tpu.memory_space<vmem>> -> memref<1x128xi32, #tpu.memory_space<vmem>>
    %dma_start3A_99 = tpu.memref_squeeze %dma_start3A_98 : memref<1x128xi32, #tpu.memory_space<vmem>> -> memref<128xi32, #tpu.memory_space<vmem>>
    %dma_start3A_100 = tpu.memref_slice %arg4[%mul3A_91] : memref<327680xi32, #tpu.memory_space<hbm>> -> memref<128xi32, #tpu.memory_space<hbm>>
    tpu.enqueue_dma source(%dma_start3A_100 : memref<128xi32, #tpu.memory_space<hbm>>) target(%dma_start3A_99 : memref<128xi32, #tpu.memory_space<vmem>>) target_semaphore(%arg20 : memref<!tpu.dma_semaphore, #tpu.memory_space<semaphore_mem>>)
    %dma_wait3A = arith.constant 0 : i32
    %dma_wait3A_101 = arith.constant 0 : i32
    %dma_wait3A_102 = tpu.memref_slice %arg7[%dma_wait3A, %dma_wait3A_101] : memref<2x128xi32, #tpu.memory_space<vmem>> -> memref<1x128xi32, #tpu.memory_space<vmem>>
    %dma_wait3A_103 = tpu.memref_squeeze %dma_wait3A_102 : memref<1x128xi32, #tpu.memory_space<vmem>> -> memref<128xi32, #tpu.memory_space<vmem>>
    %dma_wait3A_104 = arith.constant 0 : i32
    %dma_wait3A_105 = tpu.memref_slice %arg3[%dma_wait3A_104] : memref<327680xi32, #tpu.memory_space<hbm>> -> memref<128xi32, #tpu.memory_space<hbm>>
    %dma_wait3A_106 = arith.constant 0 : i32
    %dma_wait3A_107 = tpu.memref_slice %arg7[%dma_wait3A, %dma_wait3A_106] : memref<2x128xi32, #tpu.memory_space<vmem>> -> memref<1x128xi32, #tpu.memory_space<vmem>>
    %dma_wait3A_108 = tpu.memref_squeeze %dma_wait3A_107 : memref<1x128xi32, #tpu.memory_space<vmem>> -> memref<128xi32, #tpu.memory_space<vmem>>
    %dma_wait3A_109 = arith.constant 0 : i32
    %dma_wait3A_110 = tpu.memref_slice %arg3[%dma_wait3A_109] : memref<327680xi32, #tpu.memory_space<hbm>> -> memref<128xi32, #tpu.memory_space<hbm>>
    tpu.wait_dma2 semaphore(%arg17 : memref<!tpu.dma_semaphore, #tpu.memory_space<semaphore_mem>>) src(%dma_wait3A_110 : memref<128xi32, #tpu.memory_space<hbm>>) dst(%dma_wait3A_108 : memref<128xi32, #tpu.memory_space<vmem>>)
    %dma_wait3A_111 = arith.constant 1 : i32
    %dma_wait3A_112 = arith.constant 0 : i32
    %dma_wait3A_113 = tpu.memref_slice %arg7[%dma_wait3A_111, %dma_wait3A_112] : memref<2x128xi32, #tpu.memory_space<vmem>> -> memref<1x128xi32, #tpu.memory_space<vmem>>
    %dma_wait3A_114 = tpu.memref_squeeze %dma_wait3A_113 : memref<1x128xi32, #tpu.memory_space<vmem>> -> memref<128xi32, #tpu.memory_space<vmem>>
    %dma_wait3A_115 = arith.constant 0 : i32
    %dma_wait3A_116 = tpu.memref_slice %arg3[%dma_wait3A_115] : memref<327680xi32, #tpu.memory_space<hbm>> -> memref<128xi32, #tpu.memory_space<hbm>>
    %dma_wait3A_117 = arith.constant 0 : i32
    %dma_wait3A_118 = tpu.memref_slice %arg7[%dma_wait3A_111, %dma_wait3A_117] : memref<2x128xi32, #tpu.memory_space<vmem>> -> memref<1x128xi32, #tpu.memory_space<vmem>>
    %dma_wait3A_119 = tpu.memref_squeeze %dma_wait3A_118 : memref<1x128xi32, #tpu.memory_space<vmem>> -> memref<128xi32, #tpu.memory_space<vmem>>
    %dma_wait3A_120 = arith.constant 0 : i32
    %dma_wait3A_121 = tpu.memref_slice %arg3[%dma_wait3A_120] : memref<327680xi32, #tpu.memory_space<hbm>> -> memref<128xi32, #tpu.memory_space<hbm>>
    tpu.wait_dma2 semaphore(%arg17 : memref<!tpu.dma_semaphore, #tpu.memory_space<semaphore_mem>>) src(%dma_wait3A_121 : memref<128xi32, #tpu.memory_space<hbm>>) dst(%dma_wait3A_119 : memref<128xi32, #tpu.memory_space<vmem>>)
    %dma_start3A_122 = arith.constant 0 : i32
    %dma_start3A_123 = arith.constant 0 : i32
    %dma_start3A_124 = tpu.memref_slice %arg7[%dma_start3A_122, %dma_start3A_123] : memref<2x128xi32, #tpu.memory_space<vmem>> -> memref<1x128xi32, #tpu.memory_space<vmem>>
    %dma_start3A_125 = tpu.memref_squeeze %dma_start3A_124 : memref<1x128xi32, #tpu.memory_space<vmem>> -> memref<128xi32, #tpu.memory_space<vmem>>
    %dma_start3A_126 = arith.constant 0 : i32
    %dma_start3A_127 = arith.constant 0 : i32
    %dma_start3A_128 = tpu.memref_slice %arg15[%dma_start3A_126, %dma_start3A_127] : memref<10000x64xf32, #tpu.memory_space<vmem_shared>> -> memref<10000x64xf32, #tpu.memory_space<vmem_shared>>
    tpu.enqueue_indirect_dma source(%dma_start3A_128 : memref<10000x64xf32, #tpu.memory_space<vmem_shared>>) target(%arg11 : memref<128x64xf32, #tpu.memory_space<vmem>>) offsets(%dma_start3A_125 : memref<128xi32, #tpu.memory_space<vmem>>) semaphore(%arg21 : memref<!tpu.dma_semaphore, #tpu.memory_space<semaphore_mem>>)
    %dma_wait3A_129 = arith.constant 0 : i32
    %dma_wait3A_130 = arith.constant 0 : i32
    %dma_wait3A_131 = tpu.memref_slice %arg8[%dma_wait3A_129, %dma_wait3A_130] : memref<2x128xi32, #tpu.memory_space<vmem>> -> memref<1x128xi32, #tpu.memory_space<vmem>>
    %dma_wait3A_132 = tpu.memref_squeeze %dma_wait3A_131 : memref<1x128xi32, #tpu.memory_space<vmem>> -> memref<128xi32, #tpu.memory_space<vmem>>
    %dma_wait3A_133 = arith.constant 0 : i32
    %dma_wait3A_134 = tpu.memref_slice %arg3[%dma_wait3A_133] : memref<327680xi32, #tpu.memory_space<hbm>> -> memref<128xi32, #tpu.memory_space<hbm>>
    %dma_wait3A_135 = arith.constant 0 : i32
    %dma_wait3A_136 = tpu.memref_slice %arg8[%dma_wait3A_129, %dma_wait3A_135] : memref<2x128xi32, #tpu.memory_space<vmem>> -> memref<1x128xi32, #tpu.memory_space<vmem>>
    %dma_wait3A_137 = tpu.memref_squeeze %dma_wait3A_136 : memref<1x128xi32, #tpu.memory_space<vmem>> -> memref<128xi32, #tpu.memory_space<vmem>>
    %dma_wait3A_138 = arith.constant 0 : i32
    %dma_wait3A_139 = tpu.memref_slice %arg3[%dma_wait3A_138] : memref<327680xi32, #tpu.memory_space<hbm>> -> memref<128xi32, #tpu.memory_space<hbm>>
    tpu.wait_dma2 semaphore(%arg18 : memref<!tpu.dma_semaphore, #tpu.memory_space<semaphore_mem>>) src(%dma_wait3A_139 : memref<128xi32, #tpu.memory_space<hbm>>) dst(%dma_wait3A_137 : memref<128xi32, #tpu.memory_space<vmem>>)
    %dma_wait3A_140 = arith.constant 1 : i32
    %dma_wait3A_141 = arith.constant 0 : i32
    %dma_wait3A_142 = tpu.memref_slice %arg8[%dma_wait3A_140, %dma_wait3A_141] : memref<2x128xi32, #tpu.memory_space<vmem>> -> memref<1x128xi32, #tpu.memory_space<vmem>>
    %dma_wait3A_143 = tpu.memref_squeeze %dma_wait3A_142 : memref<1x128xi32, #tpu.memory_space<vmem>> -> memref<128xi32, #tpu.memory_space<vmem>>
    %dma_wait3A_144 = arith.constant 0 : i32
    %dma_wait3A_145 = tpu.memref_slice %arg3[%dma_wait3A_144] : memref<327680xi32, #tpu.memory_space<hbm>> -> memref<128xi32, #tpu.memory_space<hbm>>
    %dma_wait3A_146 = arith.constant 0 : i32
    %dma_wait3A_147 = tpu.memref_slice %arg8[%dma_wait3A_140, %dma_wait3A_146] : memref<2x128xi32, #tpu.memory_space<vmem>> -> memref<1x128xi32, #tpu.memory_space<vmem>>
    %dma_wait3A_148 = tpu.memref_squeeze %dma_wait3A_147 : memref<1x128xi32, #tpu.memory_space<vmem>> -> memref<128xi32, #tpu.memory_space<vmem>>
    %dma_wait3A_149 = arith.constant 0 : i32
    %dma_wait3A_150 = tpu.memref_slice %arg3[%dma_wait3A_149] : memref<327680xi32, #tpu.memory_space<hbm>> -> memref<128xi32, #tpu.memory_space<hbm>>
    tpu.wait_dma2 semaphore(%arg18 : memref<!tpu.dma_semaphore, #tpu.memory_space<semaphore_mem>>) src(%dma_wait3A_150 : memref<128xi32, #tpu.memory_space<hbm>>) dst(%dma_wait3A_148 : memref<128xi32, #tpu.memory_space<vmem>>)
    %dma_start3A_151 = arith.constant 0 : i32
    %dma_start3A_152 = arith.constant 0 : i32
    %dma_start3A_153 = tpu.memref_slice %arg8[%dma_start3A_151, %dma_start3A_152] : memref<2x128xi32, #tpu.memory_space<vmem>> -> memref<1x128xi32, #tpu.memory_space<vmem>>
    %dma_start3A_154 = tpu.memref_squeeze %dma_start3A_153 : memref<1x128xi32, #tpu.memory_space<vmem>> -> memref<128xi32, #tpu.memory_space<vmem>>
    %dma_start3A_155 = arith.constant 0 : i32
    %dma_start3A_156 = arith.constant 0 : i32
    %dma_start3A_157 = tpu.memref_slice %arg15[%dma_start3A_155, %dma_start3A_156] : memref<10000x64xf32, #tpu.memory_space<vmem_shared>> -> memref<10000x64xf32, #tpu.memory_space<vmem_shared>>
    tpu.enqueue_indirect_dma source(%dma_start3A_157 : memref<10000x64xf32, #tpu.memory_space<vmem_shared>>) target(%arg12 : memref<128x64xf32, #tpu.memory_space<vmem>>) offsets(%dma_start3A_154 : memref<128xi32, #tpu.memory_space<vmem>>) semaphore(%arg22 : memref<!tpu.dma_semaphore, #tpu.memory_space<semaphore_mem>>)
    %dma_wait3A_158 = arith.constant 0 : i32
    %dma_wait3A_159 = arith.constant 0 : i32
    %dma_wait3A_160 = tpu.memref_slice %arg9[%dma_wait3A_158, %dma_wait3A_159] : memref<2x128xi32, #tpu.memory_space<vmem>> -> memref<1x128xi32, #tpu.memory_space<vmem>>
    %dma_wait3A_161 = tpu.memref_squeeze %dma_wait3A_160 : memref<1x128xi32, #tpu.memory_space<vmem>> -> memref<128xi32, #tpu.memory_space<vmem>>
    %dma_wait3A_162 = arith.constant 0 : i32
    %dma_wait3A_163 = tpu.memref_slice %arg3[%dma_wait3A_162] : memref<327680xi32, #tpu.memory_space<hbm>> -> memref<128xi32, #tpu.memory_space<hbm>>
    %dma_wait3A_164 = arith.constant 0 : i32
    %dma_wait3A_165 = tpu.memref_slice %arg9[%dma_wait3A_158, %dma_wait3A_164] : memref<2x128xi32, #tpu.memory_space<vmem>> -> memref<1x128xi32, #tpu.memory_space<vmem>>
    %dma_wait3A_166 = tpu.memref_squeeze %dma_wait3A_165 : memref<1x128xi32, #tpu.memory_space<vmem>> -> memref<128xi32, #tpu.memory_space<vmem>>
    %dma_wait3A_167 = arith.constant 0 : i32
    %dma_wait3A_168 = tpu.memref_slice %arg3[%dma_wait3A_167] : memref<327680xi32, #tpu.memory_space<hbm>> -> memref<128xi32, #tpu.memory_space<hbm>>
    tpu.wait_dma2 semaphore(%arg19 : memref<!tpu.dma_semaphore, #tpu.memory_space<semaphore_mem>>) src(%dma_wait3A_168 : memref<128xi32, #tpu.memory_space<hbm>>) dst(%dma_wait3A_166 : memref<128xi32, #tpu.memory_space<vmem>>)
    %dma_wait3A_169 = arith.constant 1 : i32
    %dma_wait3A_170 = arith.constant 0 : i32
    %dma_wait3A_171 = tpu.memref_slice %arg9[%dma_wait3A_169, %dma_wait3A_170] : memref<2x128xi32, #tpu.memory_space<vmem>> -> memref<1x128xi32, #tpu.memory_space<vmem>>
    %dma_wait3A_172 = tpu.memref_squeeze %dma_wait3A_171 : memref<1x128xi32, #tpu.memory_space<vmem>> -> memref<128xi32, #tpu.memory_space<vmem>>
    %dma_wait3A_173 = arith.constant 0 : i32
    %dma_wait3A_174 = tpu.memref_slice %arg3[%dma_wait3A_173] : memref<327680xi32, #tpu.memory_space<hbm>> -> memref<128xi32, #tpu.memory_space<hbm>>
    %dma_wait3A_175 = arith.constant 0 : i32
    %dma_wait3A_176 = tpu.memref_slice %arg9[%dma_wait3A_169, %dma_wait3A_175] : memref<2x128xi32, #tpu.memory_space<vmem>> -> memref<1x128xi32, #tpu.memory_space<vmem>>
    %dma_wait3A_177 = tpu.memref_squeeze %dma_wait3A_176 : memref<1x128xi32, #tpu.memory_space<vmem>> -> memref<128xi32, #tpu.memory_space<vmem>>
    %dma_wait3A_178 = arith.constant 0 : i32
    %dma_wait3A_179 = tpu.memref_slice %arg3[%dma_wait3A_178] : memref<327680xi32, #tpu.memory_space<hbm>> -> memref<128xi32, #tpu.memory_space<hbm>>
    tpu.wait_dma2 semaphore(%arg19 : memref<!tpu.dma_semaphore, #tpu.memory_space<semaphore_mem>>) src(%dma_wait3A_179 : memref<128xi32, #tpu.memory_space<hbm>>) dst(%dma_wait3A_177 : memref<128xi32, #tpu.memory_space<vmem>>)
    %dma_start3A_180 = arith.constant 0 : i32
    %dma_start3A_181 = arith.constant 0 : i32
    %dma_start3A_182 = tpu.memref_slice %arg9[%dma_start3A_180, %dma_start3A_181] : memref<2x128xi32, #tpu.memory_space<vmem>> -> memref<1x128xi32, #tpu.memory_space<vmem>>
    %dma_start3A_183 = tpu.memref_squeeze %dma_start3A_182 : memref<1x128xi32, #tpu.memory_space<vmem>> -> memref<128xi32, #tpu.memory_space<vmem>>
    %dma_start3A_184 = arith.constant 0 : i32
    %dma_start3A_185 = arith.constant 0 : i32
    %dma_start3A_186 = tpu.memref_slice %arg15[%dma_start3A_184, %dma_start3A_185] : memref<10000x64xf32, #tpu.memory_space<vmem_shared>> -> memref<10000x64xf32, #tpu.memory_space<vmem_shared>>
    tpu.enqueue_indirect_dma source(%dma_start3A_186 : memref<10000x64xf32, #tpu.memory_space<vmem_shared>>) target(%arg13 : memref<128x64xf32, #tpu.memory_space<vmem>>) offsets(%dma_start3A_183 : memref<128xi32, #tpu.memory_space<vmem>>) semaphore(%arg23 : memref<!tpu.dma_semaphore, #tpu.memory_space<semaphore_mem>>)
    %scan3A = arith.constant 0 : i32
    %scan3A_187 = arith.constant 0 : i32
    %scan3A_188 = arith.constant 40 : i32
    %scan3A_189 = arith.addi %scan3A_187, %scan3A_188 : i32
    %scan3A_190 = arith.constant 1 : i32
    scf.for %scan3A_240 = %scan3A_187 to %scan3A_189 step %scan3A_190  : i32 {
      %mul3A_241 = arith.constant 4 : i32
      %mul3A_242 = arith.muli %mul3A_241, %scan3A_240 : i32
      %dma_wait3A_243 = arith.constant 0 : i32
      %dma_wait3A_244 = arith.constant 0 : i32
      %dma_wait3A_245 = tpu.memref_slice %arg7[%dma_wait3A_243, %dma_wait3A_244] : memref<2x128xi32, #tpu.memory_space<vmem>> -> memref<1x128xi32, #tpu.memory_space<vmem>>
      %dma_wait3A_246 = tpu.memref_squeeze %dma_wait3A_245 : memref<1x128xi32, #tpu.memory_space<vmem>> -> memref<128xi32, #tpu.memory_space<vmem>>
      %dma_wait3A_247 = arith.constant 0 : i32
      %dma_wait3A_248 = arith.constant 0 : i32
      %dma_wait3A_249 = tpu.memref_slice %arg15[%dma_wait3A_247, %dma_wait3A_248] : memref<10000x64xf32, #tpu.memory_space<vmem_shared>> -> memref<10000x64xf32, #tpu.memory_space<vmem_shared>>
      tpu.wait_indirect_dma semaphore(%arg21 : memref<!tpu.dma_semaphore, #tpu.memory_space<semaphore_mem>>) src(%dma_wait3A_249 : memref<10000x64xf32, #tpu.memory_space<vmem_shared>>) dst(%arg11 : memref<128x64xf32, #tpu.memory_space<vmem>>)
      %dma_start3A_250 = arith.constant 1 : i32
      %dma_start3A_251 = arith.constant 0 : i32
      %dma_start3A_252 = tpu.memref_slice %arg7[%dma_start3A_250, %dma_start3A_251] : memref<2x128xi32, #tpu.memory_space<vmem>> -> memref<1x128xi32, #tpu.memory_space<vmem>>
      %dma_start3A_253 = tpu.memref_squeeze %dma_start3A_252 : memref<1x128xi32, #tpu.memory_space<vmem>> -> memref<128xi32, #tpu.memory_space<vmem>>
      %dma_start3A_254 = arith.constant 0 : i32
      %dma_start3A_255 = arith.constant 0 : i32
      %dma_start3A_256 = tpu.memref_slice %arg16[%dma_start3A_254, %dma_start3A_255] : memref<10240x64xf32, #tpu.memory_space<vmem_shared>> -> memref<10240x64xf32, #tpu.memory_space<vmem_shared>>
      tpu.enqueue_indirect_dma source(%arg11 : memref<128x64xf32, #tpu.memory_space<vmem>>) target(%dma_start3A_256 : memref<10240x64xf32, #tpu.memory_space<vmem_shared>>) offsets(%dma_start3A_253 : memref<128xi32, #tpu.memory_space<vmem>>) semaphore(%arg25 : memref<!tpu.dma_semaphore, #tpu.memory_space<semaphore_mem>>) {add = true}
      %dma_wait3A_257 = arith.constant 0 : i32
      %dma_wait3A_258 = arith.constant 0 : i32
      %dma_wait3A_259 = tpu.memref_slice %arg10[%dma_wait3A_257, %dma_wait3A_258] : memref<2x128xi32, #tpu.memory_space<vmem>> -> memref<1x128xi32, #tpu.memory_space<vmem>>
      %dma_wait3A_260 = tpu.memref_squeeze %dma_wait3A_259 : memref<1x128xi32, #tpu.memory_space<vmem>> -> memref<128xi32, #tpu.memory_space<vmem>>
      %dma_wait3A_261 = arith.constant 0 : i32
      %dma_wait3A_262 = tpu.memref_slice %arg3[%dma_wait3A_261] : memref<327680xi32, #tpu.memory_space<hbm>> -> memref<128xi32, #tpu.memory_space<hbm>>
      %dma_wait3A_263 = arith.constant 0 : i32
      %dma_wait3A_264 = tpu.memref_slice %arg10[%dma_wait3A_257, %dma_wait3A_263] : memref<2x128xi32, #tpu.memory_space<vmem>> -> memref<1x128xi32, #tpu.memory_space<vmem>>
      %dma_wait3A_265 = tpu.memref_squeeze %dma_wait3A_264 : memref<1x128xi32, #tpu.memory_space<vmem>> -> memref<128xi32, #tpu.memory_space<vmem>>
      %dma_wait3A_266 = arith.constant 0 : i32
      %dma_wait3A_267 = tpu.memref_slice %arg3[%dma_wait3A_266] : memref<327680xi32, #tpu.memory_space<hbm>> -> memref<128xi32, #tpu.memory_space<hbm>>
      tpu.wait_dma2 semaphore(%arg20 : memref<!tpu.dma_semaphore, #tpu.memory_space<semaphore_mem>>) src(%dma_wait3A_267 : memref<128xi32, #tpu.memory_space<hbm>>) dst(%dma_wait3A_265 : memref<128xi32, #tpu.memory_space<vmem>>)
      %dma_wait3A_268 = arith.constant 1 : i32
      %dma_wait3A_269 = arith.constant 0 : i32
      %dma_wait3A_270 = tpu.memref_slice %arg10[%dma_wait3A_268, %dma_wait3A_269] : memref<2x128xi32, #tpu.memory_space<vmem>> -> memref<1x128xi32, #tpu.memory_space<vmem>>
      %dma_wait3A_271 = tpu.memref_squeeze %dma_wait3A_270 : memref<1x128xi32, #tpu.memory_space<vmem>> -> memref<128xi32, #tpu.memory_space<vmem>>
      %dma_wait3A_272 = arith.constant 0 : i32
      %dma_wait3A_273 = tpu.memref_slice %arg3[%dma_wait3A_272] : memref<327680xi32, #tpu.memory_space<hbm>> -> memref<128xi32, #tpu.memory_space<hbm>>
      %dma_wait3A_274 = arith.constant 0 : i32
      %dma_wait3A_275 = tpu.memref_slice %arg10[%dma_wait3A_268, %dma_wait3A_274] : memref<2x128xi32, #tpu.memory_space<vmem>> -> memref<1x128xi32, #tpu.memory_space<vmem>>
      %dma_wait3A_276 = tpu.memref_squeeze %dma_wait3A_275 : memref<1x128xi32, #tpu.memory_space<vmem>> -> memref<128xi32, #tpu.memory_space<vmem>>
      %dma_wait3A_277 = arith.constant 0 : i32
      %dma_wait3A_278 = tpu.memref_slice %arg3[%dma_wait3A_277] : memref<327680xi32, #tpu.memory_space<hbm>> -> memref<128xi32, #tpu.memory_space<hbm>>
      tpu.wait_dma2 semaphore(%arg20 : memref<!tpu.dma_semaphore, #tpu.memory_space<semaphore_mem>>) src(%dma_wait3A_278 : memref<128xi32, #tpu.memory_space<hbm>>) dst(%dma_wait3A_276 : memref<128xi32, #tpu.memory_space<vmem>>)
      %dma_start3A_279 = arith.constant 0 : i32
      %dma_start3A_280 = arith.constant 0 : i32
      %dma_start3A_281 = tpu.memref_slice %arg10[%dma_start3A_279, %dma_start3A_280] : memref<2x128xi32, #tpu.memory_space<vmem>> -> memref<1x128xi32, #tpu.memory_space<vmem>>
      %dma_start3A_282 = tpu.memref_squeeze %dma_start3A_281 : memref<1x128xi32, #tpu.memory_space<vmem>> -> memref<128xi32, #tpu.memory_space<vmem>>
      %dma_start3A_283 = arith.constant 0 : i32
      %dma_start3A_284 = arith.constant 0 : i32
      %dma_start3A_285 = tpu.memref_slice %arg15[%dma_start3A_283, %dma_start3A_284] : memref<10000x64xf32, #tpu.memory_space<vmem_shared>> -> memref<10000x64xf32, #tpu.memory_space<vmem_shared>>
      tpu.enqueue_indirect_dma source(%dma_start3A_285 : memref<10000x64xf32, #tpu.memory_space<vmem_shared>>) target(%arg14 : memref<128x64xf32, #tpu.memory_space<vmem>>) offsets(%dma_start3A_282 : memref<128xi32, #tpu.memory_space<vmem>>) semaphore(%arg24 : memref<!tpu.dma_semaphore, #tpu.memory_space<semaphore_mem>>)
      %dma_wait3A_286 = arith.constant 0 : i32
      %dma_wait3A_287 = arith.constant 0 : i32
      %dma_wait3A_288 = tpu.memref_slice %arg8[%dma_wait3A_286, %dma_wait3A_287] : memref<2x128xi32, #tpu.memory_space<vmem>> -> memref<1x128xi32, #tpu.memory_space<vmem>>
      %dma_wait3A_289 = tpu.memref_squeeze %dma_wait3A_288 : memref<1x128xi32, #tpu.memory_space<vmem>> -> memref<128xi32, #tpu.memory_space<vmem>>
      %dma_wait3A_290 = arith.constant 0 : i32
      %dma_wait3A_291 = arith.constant 0 : i32
      %dma_wait3A_292 = tpu.memref_slice %arg15[%dma_wait3A_290, %dma_wait3A_291] : memref<10000x64xf32, #tpu.memory_space<vmem_shared>> -> memref<10000x64xf32, #tpu.memory_space<vmem_shared>>
      tpu.wait_indirect_dma semaphore(%arg22 : memref<!tpu.dma_semaphore, #tpu.memory_space<semaphore_mem>>) src(%dma_wait3A_292 : memref<10000x64xf32, #tpu.memory_space<vmem_shared>>) dst(%arg12 : memref<128x64xf32, #tpu.memory_space<vmem>>)
      %dma_start3A_293 = arith.constant 1 : i32
      %dma_start3A_294 = arith.constant 0 : i32
      %dma_start3A_295 = tpu.memref_slice %arg8[%dma_start3A_293, %dma_start3A_294] : memref<2x128xi32, #tpu.memory_space<vmem>> -> memref<1x128xi32, #tpu.memory_space<vmem>>
      %dma_start3A_296 = tpu.memref_squeeze %dma_start3A_295 : memref<1x128xi32, #tpu.memory_space<vmem>> -> memref<128xi32, #tpu.memory_space<vmem>>
      %dma_start3A_297 = arith.constant 0 : i32
      %dma_start3A_298 = arith.constant 0 : i32
      %dma_start3A_299 = tpu.memref_slice %arg16[%dma_start3A_297, %dma_start3A_298] : memref<10240x64xf32, #tpu.memory_space<vmem_shared>> -> memref<10240x64xf32, #tpu.memory_space<vmem_shared>>
      tpu.enqueue_indirect_dma source(%arg12 : memref<128x64xf32, #tpu.memory_space<vmem>>) target(%dma_start3A_299 : memref<10240x64xf32, #tpu.memory_space<vmem_shared>>) offsets(%dma_start3A_296 : memref<128xi32, #tpu.memory_space<vmem>>) semaphore(%arg26 : memref<!tpu.dma_semaphore, #tpu.memory_space<semaphore_mem>>) {add = true}
      %dma_wait3A_300 = arith.constant 0 : i32
      %dma_wait3A_301 = arith.constant 0 : i32
      %dma_wait3A_302 = tpu.memref_slice %arg16[%dma_wait3A_300, %dma_wait3A_301] : memref<10240x64xf32, #tpu.memory_space<vmem_shared>> -> memref<128x64xf32, #tpu.memory_space<vmem_shared>>
      %dma_wait3A_303 = arith.constant 0 : i32
      %dma_wait3A_304 = arith.constant 0 : i32
      %dma_wait3A_305 = tpu.memref_slice %arg16[%dma_wait3A_303, %dma_wait3A_304] : memref<10240x64xf32, #tpu.memory_space<vmem_shared>> -> memref<128x64xf32, #tpu.memory_space<vmem_shared>>
      tpu.wait_dma2 semaphore(%arg25 : memref<!tpu.dma_semaphore, #tpu.memory_space<semaphore_mem>>) src(%arg11 : memref<128x64xf32, #tpu.memory_space<vmem>>) dst(%dma_wait3A_305 : memref<128x64xf32, #tpu.memory_space<vmem_shared>>)
      %add3A_306 = arith.constant 4 : i32
      %add3A_307 = arith.addi %mul3A_242, %add3A_306 : i32
      %add3A_308 = arith.constant 0 : i32
      %add3A_309 = arith.addi %add3A_307, %add3A_308 : i32
      %min3A = arith.constant 159 : i32
      %min3A_310 = arith.minsi %add3A_309, %min3A : i32
      %add3A_311 = arith.addi %mul3A_0, %min3A_310 : i32
      %mul3A_312 = arith.constant 128 : i32
      %mul3A_313 = arith.muli %add3A_311, %mul3A_312 : i32
      %dma_start3A_314 = arith.constant 0 : i32
      %dma_start3A_315 = arith.constant 0 : i32
      %dma_start3A_316 = tpu.memref_slice %arg7[%dma_start3A_314, %dma_start3A_315] : memref<2x128xi32, #tpu.memory_space<vmem>> -> memref<1x128xi32, #tpu.memory_space<vmem>>
      %dma_start3A_317 = tpu.memref_squeeze %dma_start3A_316 : memref<1x128xi32, #tpu.memory_space<vmem>> -> memref<128xi32, #tpu.memory_space<vmem>>
      %dma_start3A_318 = tpu.memref_slice %arg3[%mul3A_313] : memref<327680xi32, #tpu.memory_space<hbm>> -> memref<128xi32, #tpu.memory_space<hbm>>
      %dma_start3A_319 = arith.constant 0 : i32
      %dma_start3A_320 = tpu.memref_slice %arg7[%dma_start3A_314, %dma_start3A_319] : memref<2x128xi32, #tpu.memory_space<vmem>> -> memref<1x128xi32, #tpu.memory_space<vmem>>
      %dma_start3A_321 = tpu.memref_squeeze %dma_start3A_320 : memref<1x128xi32, #tpu.memory_space<vmem>> -> memref<128xi32, #tpu.memory_space<vmem>>
      %dma_start3A_322 = tpu.memref_slice %arg3[%mul3A_313] : memref<327680xi32, #tpu.memory_space<hbm>> -> memref<128xi32, #tpu.memory_space<hbm>>
      tpu.enqueue_dma source(%dma_start3A_322 : memref<128xi32, #tpu.memory_space<hbm>>) target(%dma_start3A_321 : memref<128xi32, #tpu.memory_space<vmem>>) target_semaphore(%arg17 : memref<!tpu.dma_semaphore, #tpu.memory_space<semaphore_mem>>)
      %mul3A_323 = arith.constant 128 : i32
      %mul3A_324 = arith.muli %add3A_311, %mul3A_323 : i32
      %dma_start3A_325 = arith.constant 1 : i32
      %dma_start3A_326 = arith.constant 0 : i32
      %dma_start3A_327 = tpu.memref_slice %arg7[%dma_start3A_325, %dma_start3A_326] : memref<2x128xi32, #tpu.memory_space<vmem>> -> memref<1x128xi32, #tpu.memory_space<vmem>>
      %dma_start3A_328 = tpu.memref_squeeze %dma_start3A_327 : memref<1x128xi32, #tpu.memory_space<vmem>> -> memref<128xi32, #tpu.memory_space<vmem>>
      %dma_start3A_329 = tpu.memref_slice %arg4[%mul3A_324] : memref<327680xi32, #tpu.memory_space<hbm>> -> memref<128xi32, #tpu.memory_space<hbm>>
      %dma_start3A_330 = arith.constant 0 : i32
      %dma_start3A_331 = tpu.memref_slice %arg7[%dma_start3A_325, %dma_start3A_330] : memref<2x128xi32, #tpu.memory_space<vmem>> -> memref<1x128xi32, #tpu.memory_space<vmem>>
      %dma_start3A_332 = tpu.memref_squeeze %dma_start3A_331 : memref<1x128xi32, #tpu.memory_space<vmem>> -> memref<128xi32, #tpu.memory_space<vmem>>
      %dma_start3A_333 = tpu.memref_slice %arg4[%mul3A_324] : memref<327680xi32, #tpu.memory_space<hbm>> -> memref<128xi32, #tpu.memory_space<hbm>>
      tpu.enqueue_dma source(%dma_start3A_333 : memref<128xi32, #tpu.memory_space<hbm>>) target(%dma_start3A_332 : memref<128xi32, #tpu.memory_space<vmem>>) target_semaphore(%arg17 : memref<!tpu.dma_semaphore, #tpu.memory_space<semaphore_mem>>)
      %dma_wait3A_334 = arith.constant 0 : i32
      %dma_wait3A_335 = arith.constant 0 : i32
      %dma_wait3A_336 = tpu.memref_slice %arg9[%dma_wait3A_334, %dma_wait3A_335] : memref<2x128xi32, #tpu.memory_space<vmem>> -> memref<1x128xi32, #tpu.memory_space<vmem>>
      %dma_wait3A_337 = tpu.memref_squeeze %dma_wait3A_336 : memref<1x128xi32, #tpu.memory_space<vmem>> -> memref<128xi32, #tpu.memory_space<vmem>>
      %dma_wait3A_338 = arith.constant 0 : i32
      %dma_wait3A_339 = arith.constant 0 : i32
      %dma_wait3A_340 = tpu.memref_slice %arg15[%dma_wait3A_338, %dma_wait3A_339] : memref<10000x64xf32, #tpu.memory_space<vmem_shared>> -> memref<10000x64xf32, #tpu.memory_space<vmem_shared>>
      tpu.wait_indirect_dma semaphore(%arg23 : memref<!tpu.dma_semaphore, #tpu.memory_space<semaphore_mem>>) src(%dma_wait3A_340 : memref<10000x64xf32, #tpu.memory_space<vmem_shared>>) dst(%arg13 : memref<128x64xf32, #tpu.memory_space<vmem>>)
      %dma_start3A_341 = arith.constant 1 : i32
      %dma_start3A_342 = arith.constant 0 : i32
      %dma_start3A_343 = tpu.memref_slice %arg9[%dma_start3A_341, %dma_start3A_342] : memref<2x128xi32, #tpu.memory_space<vmem>> -> memref<1x128xi32, #tpu.memory_space<vmem>>
      %dma_start3A_344 = tpu.memref_squeeze %dma_start3A_343 : memref<1x128xi32, #tpu.memory_space<vmem>> -> memref<128xi32, #tpu.memory_space<vmem>>
      %dma_start3A_345 = arith.constant 0 : i32
      %dma_start3A_346 = arith.constant 0 : i32
      %dma_start3A_347 = tpu.memref_slice %arg16[%dma_start3A_345, %dma_start3A_346] : memref<10240x64xf32, #tpu.memory_space<vmem_shared>> -> memref<10240x64xf32, #tpu.memory_space<vmem_shared>>
      tpu.enqueue_indirect_dma source(%arg13 : memref<128x64xf32, #tpu.memory_space<vmem>>) target(%dma_start3A_347 : memref<10240x64xf32, #tpu.memory_space<vmem_shared>>) offsets(%dma_start3A_344 : memref<128xi32, #tpu.memory_space<vmem>>) semaphore(%arg27 : memref<!tpu.dma_semaphore, #tpu.memory_space<semaphore_mem>>) {add = true}
      %dma_wait3A_348 = arith.constant 0 : i32
      %dma_wait3A_349 = arith.constant 0 : i32
      %dma_wait3A_350 = tpu.memref_slice %arg16[%dma_wait3A_348, %dma_wait3A_349] : memref<10240x64xf32, #tpu.memory_space<vmem_shared>> -> memref<128x64xf32, #tpu.memory_space<vmem_shared>>
      %dma_wait3A_351 = arith.constant 0 : i32
      %dma_wait3A_352 = arith.constant 0 : i32
      %dma_wait3A_353 = tpu.memref_slice %arg16[%dma_wait3A_351, %dma_wait3A_352] : memref<10240x64xf32, #tpu.memory_space<vmem_shared>> -> memref<128x64xf32, #tpu.memory_space<vmem_shared>>
      tpu.wait_dma2 semaphore(%arg26 : memref<!tpu.dma_semaphore, #tpu.memory_space<semaphore_mem>>) src(%arg12 : memref<128x64xf32, #tpu.memory_space<vmem>>) dst(%dma_wait3A_353 : memref<128x64xf32, #tpu.memory_space<vmem_shared>>)
      %add3A_354 = arith.constant 4 : i32
      %add3A_355 = arith.addi %mul3A_242, %add3A_354 : i32
      %add3A_356 = arith.constant 1 : i32
      %add3A_357 = arith.addi %add3A_355, %add3A_356 : i32
      %min3A_358 = arith.constant 159 : i32
      %min3A_359 = arith.minsi %add3A_357, %min3A_358 : i32
      %add3A_360 = arith.addi %mul3A_0, %min3A_359 : i32
      %mul3A_361 = arith.constant 128 : i32
      %mul3A_362 = arith.muli %add3A_360, %mul3A_361 : i32
      %dma_start3A_363 = arith.constant 0 : i32
      %dma_start3A_364 = arith.constant 0 : i32
      %dma_start3A_365 = tpu.memref_slice %arg8[%dma_start3A_363, %dma_start3A_364] : memref<2x128xi32, #tpu.memory_space<vmem>> -> memref<1x128xi32, #tpu.memory_space<vmem>>
      %dma_start3A_366 = tpu.memref_squeeze %dma_start3A_365 : memref<1x128xi32, #tpu.memory_space<vmem>> -> memref<128xi32, #tpu.memory_space<vmem>>
      %dma_start3A_367 = tpu.memref_slice %arg3[%mul3A_362] : memref<327680xi32, #tpu.memory_space<hbm>> -> memref<128xi32, #tpu.memory_space<hbm>>
      %dma_start3A_368 = arith.constant 0 : i32
      %dma_start3A_369 = tpu.memref_slice %arg8[%dma_start3A_363, %dma_start3A_368] : memref<2x128xi32, #tpu.memory_space<vmem>> -> memref<1x128xi32, #tpu.memory_space<vmem>>
      %dma_start3A_370 = tpu.memref_squeeze %dma_start3A_369 : memref<1x128xi32, #tpu.memory_space<vmem>> -> memref<128xi32, #tpu.memory_space<vmem>>
      %dma_start3A_371 = tpu.memref_slice %arg3[%mul3A_362] : memref<327680xi32, #tpu.memory_space<hbm>> -> memref<128xi32, #tpu.memory_space<hbm>>
      tpu.enqueue_dma source(%dma_start3A_371 : memref<128xi32, #tpu.memory_space<hbm>>) target(%dma_start3A_370 : memref<128xi32, #tpu.memory_space<vmem>>) target_semaphore(%arg18 : memref<!tpu.dma_semaphore, #tpu.memory_space<semaphore_mem>>)
      %mul3A_372 = arith.constant 128 : i32
      %mul3A_373 = arith.muli %add3A_360, %mul3A_372 : i32
      %dma_start3A_374 = arith.constant 1 : i32
      %dma_start3A_375 = arith.constant 0 : i32
      %dma_start3A_376 = tpu.memref_slice %arg8[%dma_start3A_374, %dma_start3A_375] : memref<2x128xi32, #tpu.memory_space<vmem>> -> memref<1x128xi32, #tpu.memory_space<vmem>>
      %dma_start3A_377 = tpu.memref_squeeze %dma_start3A_376 : memref<1x128xi32, #tpu.memory_space<vmem>> -> memref<128xi32, #tpu.memory_space<vmem>>
      %dma_start3A_378 = tpu.memref_slice %arg4[%mul3A_373] : memref<327680xi32, #tpu.memory_space<hbm>> -> memref<128xi32, #tpu.memory_space<hbm>>
      %dma_start3A_379 = arith.constant 0 : i32
      %dma_start3A_380 = tpu.memref_slice %arg8[%dma_start3A_374, %dma_start3A_379] : memref<2x128xi32, #tpu.memory_space<vmem>> -> memref<1x128xi32, #tpu.memory_space<vmem>>
      %dma_start3A_381 = tpu.memref_squeeze %dma_start3A_380 : memref<1x128xi32, #tpu.memory_space<vmem>> -> memref<128xi32, #tpu.memory_space<vmem>>
      %dma_start3A_382 = tpu.memref_slice %arg4[%mul3A_373] : memref<327680xi32, #tpu.memory_space<hbm>> -> memref<128xi32, #tpu.memory_space<hbm>>
      tpu.enqueue_dma source(%dma_start3A_382 : memref<128xi32, #tpu.memory_space<hbm>>) target(%dma_start3A_381 : memref<128xi32, #tpu.memory_space<vmem>>) target_semaphore(%arg18 : memref<!tpu.dma_semaphore, #tpu.memory_space<semaphore_mem>>)
      %dma_wait3A_383 = arith.constant 0 : i32
      %dma_wait3A_384 = arith.constant 0 : i32
      %dma_wait3A_385 = tpu.memref_slice %arg10[%dma_wait3A_383, %dma_wait3A_384] : memref<2x128xi32, #tpu.memory_space<vmem>> -> memref<1x128xi32, #tpu.memory_space<vmem>>
      %dma_wait3A_386 = tpu.memref_squeeze %dma_wait3A_385 : memref<1x128xi32, #tpu.memory_space<vmem>> -> memref<128xi32, #tpu.memory_space<vmem>>
      %dma_wait3A_387 = arith.constant 0 : i32
      %dma_wait3A_388 = arith.constant 0 : i32
      %dma_wait3A_389 = tpu.memref_slice %arg15[%dma_wait3A_387, %dma_wait3A_388] : memref<10000x64xf32, #tpu.memory_space<vmem_shared>> -> memref<10000x64xf32, #tpu.memory_space<vmem_shared>>
      tpu.wait_indirect_dma semaphore(%arg24 : memref<!tpu.dma_semaphore, #tpu.memory_space<semaphore_mem>>) src(%dma_wait3A_389 : memref<10000x64xf32, #tpu.memory_space<vmem_shared>>) dst(%arg14 : memref<128x64xf32, #tpu.memory_space<vmem>>)
      %dma_start3A_390 = arith.constant 1 : i32
      %dma_start3A_391 = arith.constant 0 : i32
      %dma_start3A_392 = tpu.memref_slice %arg10[%dma_start3A_390, %dma_start3A_391] : memref<2x128xi32, #tpu.memory_space<vmem>> -> memref<1x128xi32, #tpu.memory_space<vmem>>
      %dma_start3A_393 = tpu.memref_squeeze %dma_start3A_392 : memref<1x128xi32, #tpu.memory_space<vmem>> -> memref<128xi32, #tpu.memory_space<vmem>>
      %dma_start3A_394 = arith.constant 0 : i32
      %dma_start3A_395 = arith.constant 0 : i32
      %dma_start3A_396 = tpu.memref_slice %arg16[%dma_start3A_394, %dma_start3A_395] : memref<10240x64xf32, #tpu.memory_space<vmem_shared>> -> memref<10240x64xf32, #tpu.memory_space<vmem_shared>>
      tpu.enqueue_indirect_dma source(%arg14 : memref<128x64xf32, #tpu.memory_space<vmem>>) target(%dma_start3A_396 : memref<10240x64xf32, #tpu.memory_space<vmem_shared>>) offsets(%dma_start3A_393 : memref<128xi32, #tpu.memory_space<vmem>>) semaphore(%arg28 : memref<!tpu.dma_semaphore, #tpu.memory_space<semaphore_mem>>) {add = true}
      %dma_wait3A_397 = arith.constant 0 : i32
      %dma_wait3A_398 = arith.constant 0 : i32
      %dma_wait3A_399 = tpu.memref_slice %arg16[%dma_wait3A_397, %dma_wait3A_398] : memref<10240x64xf32, #tpu.memory_space<vmem_shared>> -> memref<128x64xf32, #tpu.memory_space<vmem_shared>>
      %dma_wait3A_400 = arith.constant 0 : i32
      %dma_wait3A_401 = arith.constant 0 : i32
      %dma_wait3A_402 = tpu.memref_slice %arg16[%dma_wait3A_400, %dma_wait3A_401] : memref<10240x64xf32, #tpu.memory_space<vmem_shared>> -> memref<128x64xf32, #tpu.memory_space<vmem_shared>>
      tpu.wait_dma2 semaphore(%arg27 : memref<!tpu.dma_semaphore, #tpu.memory_space<semaphore_mem>>) src(%arg13 : memref<128x64xf32, #tpu.memory_space<vmem>>) dst(%dma_wait3A_402 : memref<128x64xf32, #tpu.memory_space<vmem_shared>>)
      %add3A_403 = arith.constant 4 : i32
      %add3A_404 = arith.addi %mul3A_242, %add3A_403 : i32
      %add3A_405 = arith.constant 2 : i32
      %add3A_406 = arith.addi %add3A_404, %add3A_405 : i32
      %min3A_407 = arith.constant 159 : i32
      %min3A_408 = arith.minsi %add3A_406, %min3A_407 : i32
      %add3A_409 = arith.addi %mul3A_0, %min3A_408 : i32
      %mul3A_410 = arith.constant 128 : i32
      %mul3A_411 = arith.muli %add3A_409, %mul3A_410 : i32
      %dma_start3A_412 = arith.constant 0 : i32
      %dma_start3A_413 = arith.constant 0 : i32
      %dma_start3A_414 = tpu.memref_slice %arg9[%dma_start3A_412, %dma_start3A_413] : memref<2x128xi32, #tpu.memory_space<vmem>> -> memref<1x128xi32, #tpu.memory_space<vmem>>
      %dma_start3A_415 = tpu.memref_squeeze %dma_start3A_414 : memref<1x128xi32, #tpu.memory_space<vmem>> -> memref<128xi32, #tpu.memory_space<vmem>>
      %dma_start3A_416 = tpu.memref_slice %arg3[%mul3A_411] : memref<327680xi32, #tpu.memory_space<hbm>> -> memref<128xi32, #tpu.memory_space<hbm>>
      %dma_start3A_417 = arith.constant 0 : i32
      %dma_start3A_418 = tpu.memref_slice %arg9[%dma_start3A_412, %dma_start3A_417] : memref<2x128xi32, #tpu.memory_space<vmem>> -> memref<1x128xi32, #tpu.memory_space<vmem>>
      %dma_start3A_419 = tpu.memref_squeeze %dma_start3A_418 : memref<1x128xi32, #tpu.memory_space<vmem>> -> memref<128xi32, #tpu.memory_space<vmem>>
      %dma_start3A_420 = tpu.memref_slice %arg3[%mul3A_411] : memref<327680xi32, #tpu.memory_space<hbm>> -> memref<128xi32, #tpu.memory_space<hbm>>
      tpu.enqueue_dma source(%dma_start3A_420 : memref<128xi32, #tpu.memory_space<hbm>>) target(%dma_start3A_419 : memref<128xi32, #tpu.memory_space<vmem>>) target_semaphore(%arg19 : memref<!tpu.dma_semaphore, #tpu.memory_space<semaphore_mem>>)
      %mul3A_421 = arith.constant 128 : i32
      %mul3A_422 = arith.muli %add3A_409, %mul3A_421 : i32
      %dma_start3A_423 = arith.constant 1 : i32
      %dma_start3A_424 = arith.constant 0 : i32
      %dma_start3A_425 = tpu.memref_slice %arg9[%dma_start3A_423, %dma_start3A_424] : memref<2x128xi32, #tpu.memory_space<vmem>> -> memref<1x128xi32, #tpu.memory_space<vmem>>
      %dma_start3A_426 = tpu.memref_squeeze %dma_start3A_425 : memref<1x128xi32, #tpu.memory_space<vmem>> -> memref<128xi32, #tpu.memory_space<vmem>>
      %dma_start3A_427 = tpu.memref_slice %arg4[%mul3A_422] : memref<327680xi32, #tpu.memory_space<hbm>> -> memref<128xi32, #tpu.memory_space<hbm>>
      %dma_start3A_428 = arith.constant 0 : i32
      %dma_start3A_429 = tpu.memref_slice %arg9[%dma_start3A_423, %dma_start3A_428] : memref<2x128xi32, #tpu.memory_space<vmem>> -> memref<1x128xi32, #tpu.memory_space<vmem>>
      %dma_start3A_430 = tpu.memref_squeeze %dma_start3A_429 : memref<1x128xi32, #tpu.memory_space<vmem>> -> memref<128xi32, #tpu.memory_space<vmem>>
      %dma_start3A_431 = tpu.memref_slice %arg4[%mul3A_422] : memref<327680xi32, #tpu.memory_space<hbm>> -> memref<128xi32, #tpu.memory_space<hbm>>
      tpu.enqueue_dma source(%dma_start3A_431 : memref<128xi32, #tpu.memory_space<hbm>>) target(%dma_start3A_430 : memref<128xi32, #tpu.memory_space<vmem>>) target_semaphore(%arg19 : memref<!tpu.dma_semaphore, #tpu.memory_space<semaphore_mem>>)
      %dma_wait3A_432 = arith.constant 0 : i32
      %dma_wait3A_433 = arith.constant 0 : i32
      %dma_wait3A_434 = tpu.memref_slice %arg7[%dma_wait3A_432, %dma_wait3A_433] : memref<2x128xi32, #tpu.memory_space<vmem>> -> memref<1x128xi32, #tpu.memory_space<vmem>>
      %dma_wait3A_435 = tpu.memref_squeeze %dma_wait3A_434 : memref<1x128xi32, #tpu.memory_space<vmem>> -> memref<128xi32, #tpu.memory_space<vmem>>
      %dma_wait3A_436 = arith.constant 0 : i32
      %dma_wait3A_437 = tpu.memref_slice %arg3[%dma_wait3A_436] : memref<327680xi32, #tpu.memory_space<hbm>> -> memref<128xi32, #tpu.memory_space<hbm>>
      %dma_wait3A_438 = arith.constant 0 : i32
      %dma_wait3A_439 = tpu.memref_slice %arg7[%dma_wait3A_432, %dma_wait3A_438] : memref<2x128xi32, #tpu.memory_space<vmem>> -> memref<1x128xi32, #tpu.memory_space<vmem>>
      %dma_wait3A_440 = tpu.memref_squeeze %dma_wait3A_439 : memref<1x128xi32, #tpu.memory_space<vmem>> -> memref<128xi32, #tpu.memory_space<vmem>>
      %dma_wait3A_441 = arith.constant 0 : i32
      %dma_wait3A_442 = tpu.memref_slice %arg3[%dma_wait3A_441] : memref<327680xi32, #tpu.memory_space<hbm>> -> memref<128xi32, #tpu.memory_space<hbm>>
      tpu.wait_dma2 semaphore(%arg17 : memref<!tpu.dma_semaphore, #tpu.memory_space<semaphore_mem>>) src(%dma_wait3A_442 : memref<128xi32, #tpu.memory_space<hbm>>) dst(%dma_wait3A_440 : memref<128xi32, #tpu.memory_space<vmem>>)
      %dma_wait3A_443 = arith.constant 1 : i32
      %dma_wait3A_444 = arith.constant 0 : i32
      %dma_wait3A_445 = tpu.memref_slice %arg7[%dma_wait3A_443, %dma_wait3A_444] : memref<2x128xi32, #tpu.memory_space<vmem>> -> memref<1x128xi32, #tpu.memory_space<vmem>>
      %dma_wait3A_446 = tpu.memref_squeeze %dma_wait3A_445 : memref<1x128xi32, #tpu.memory_space<vmem>> -> memref<128xi32, #tpu.memory_space<vmem>>
      %dma_wait3A_447 = arith.constant 0 : i32
      %dma_wait3A_448 = tpu.memref_slice %arg3[%dma_wait3A_447] : memref<327680xi32, #tpu.memory_space<hbm>> -> memref<128xi32, #tpu.memory_space<hbm>>
      %dma_wait3A_449 = arith.constant 0 : i32
      %dma_wait3A_450 = tpu.memref_slice %arg7[%dma_wait3A_443, %dma_wait3A_449] : memref<2x128xi32, #tpu.memory_space<vmem>> -> memref<1x128xi32, #tpu.memory_space<vmem>>
      %dma_wait3A_451 = tpu.memref_squeeze %dma_wait3A_450 : memref<1x128xi32, #tpu.memory_space<vmem>> -> memref<128xi32, #tpu.memory_space<vmem>>
      %dma_wait3A_452 = arith.constant 0 : i32
      %dma_wait3A_453 = tpu.memref_slice %arg3[%dma_wait3A_452] : memref<327680xi32, #tpu.memory_space<hbm>> -> memref<128xi32, #tpu.memory_space<hbm>>
      tpu.wait_dma2 semaphore(%arg17 : memref<!tpu.dma_semaphore, #tpu.memory_space<semaphore_mem>>) src(%dma_wait3A_453 : memref<128xi32, #tpu.memory_space<hbm>>) dst(%dma_wait3A_451 : memref<128xi32, #tpu.memory_space<vmem>>)
      %dma_start3A_454 = arith.constant 0 : i32
      %dma_start3A_455 = arith.constant 0 : i32
      %dma_start3A_456 = tpu.memref_slice %arg7[%dma_start3A_454, %dma_start3A_455] : memref<2x128xi32, #tpu.memory_space<vmem>> -> memref<1x128xi32, #tpu.memory_space<vmem>>
      %dma_start3A_457 = tpu.memref_squeeze %dma_start3A_456 : memref<1x128xi32, #tpu.memory_space<vmem>> -> memref<128xi32, #tpu.memory_space<vmem>>
      %dma_start3A_458 = arith.constant 0 : i32
      %dma_start3A_459 = arith.constant 0 : i32
      %dma_start3A_460 = tpu.memref_slice %arg15[%dma_start3A_458, %dma_start3A_459] : memref<10000x64xf32, #tpu.memory_space<vmem_shared>> -> memref<10000x64xf32, #tpu.memory_space<vmem_shared>>
      tpu.enqueue_indirect_dma source(%dma_start3A_460 : memref<10000x64xf32, #tpu.memory_space<vmem_shared>>) target(%arg11 : memref<128x64xf32, #tpu.memory_space<vmem>>) offsets(%dma_start3A_457 : memref<128xi32, #tpu.memory_space<vmem>>) semaphore(%arg21 : memref<!tpu.dma_semaphore, #tpu.memory_space<semaphore_mem>>)
      %dma_wait3A_461 = arith.constant 0 : i32
      %dma_wait3A_462 = arith.constant 0 : i32
      %dma_wait3A_463 = tpu.memref_slice %arg16[%dma_wait3A_461, %dma_wait3A_462] : memref<10240x64xf32, #tpu.memory_space<vmem_shared>> -> memref<128x64xf32, #tpu.memory_space<vmem_shared>>
      %dma_wait3A_464 = arith.constant 0 : i32
      %dma_wait3A_465 = arith.constant 0 : i32
      %dma_wait3A_466 = tpu.memref_slice %arg16[%dma_wait3A_464, %dma_wait3A_465] : memref<10240x64xf32, #tpu.memory_space<vmem_shared>> -> memref<128x64xf32, #tpu.memory_space<vmem_shared>>
      tpu.wait_dma2 semaphore(%arg28 : memref<!tpu.dma_semaphore, #tpu.memory_space<semaphore_mem>>) src(%arg14 : memref<128x64xf32, #tpu.memory_space<vmem>>) dst(%dma_wait3A_466 : memref<128x64xf32, #tpu.memory_space<vmem_shared>>)
      %add3A_467 = arith.constant 4 : i32
      %add3A_468 = arith.addi %mul3A_242, %add3A_467 : i32
      %add3A_469 = arith.constant 3 : i32
      %add3A_470 = arith.addi %add3A_468, %add3A_469 : i32
      %min3A_471 = arith.constant 159 : i32
      %min3A_472 = arith.minsi %add3A_470, %min3A_471 : i32
      %add3A_473 = arith.addi %mul3A_0, %min3A_472 : i32
      %mul3A_474 = arith.constant 128 : i32
      %mul3A_475 = arith.muli %add3A_473, %mul3A_474 : i32
      %dma_start3A_476 = arith.constant 0 : i32
      %dma_start3A_477 = arith.constant 0 : i32
      %dma_start3A_478 = tpu.memref_slice %arg10[%dma_start3A_476, %dma_start3A_477] : memref<2x128xi32, #tpu.memory_space<vmem>> -> memref<1x128xi32, #tpu.memory_space<vmem>>
      %dma_start3A_479 = tpu.memref_squeeze %dma_start3A_478 : memref<1x128xi32, #tpu.memory_space<vmem>> -> memref<128xi32, #tpu.memory_space<vmem>>
      %dma_start3A_480 = tpu.memref_slice %arg3[%mul3A_475] : memref<327680xi32, #tpu.memory_space<hbm>> -> memref<128xi32, #tpu.memory_space<hbm>>
      %dma_start3A_481 = arith.constant 0 : i32
      %dma_start3A_482 = tpu.memref_slice %arg10[%dma_start3A_476, %dma_start3A_481] : memref<2x128xi32, #tpu.memory_space<vmem>> -> memref<1x128xi32, #tpu.memory_space<vmem>>
      %dma_start3A_483 = tpu.memref_squeeze %dma_start3A_482 : memref<1x128xi32, #tpu.memory_space<vmem>> -> memref<128xi32, #tpu.memory_space<vmem>>
      %dma_start3A_484 = tpu.memref_slice %arg3[%mul3A_475] : memref<327680xi32, #tpu.memory_space<hbm>> -> memref<128xi32, #tpu.memory_space<hbm>>
      tpu.enqueue_dma source(%dma_start3A_484 : memref<128xi32, #tpu.memory_space<hbm>>) target(%dma_start3A_483 : memref<128xi32, #tpu.memory_space<vmem>>) target_semaphore(%arg20 : memref<!tpu.dma_semaphore, #tpu.memory_space<semaphore_mem>>)
      %mul3A_485 = arith.constant 128 : i32
      %mul3A_486 = arith.muli %add3A_473, %mul3A_485 : i32
      %dma_start3A_487 = arith.constant 1 : i32
      %dma_start3A_488 = arith.constant 0 : i32
      %dma_start3A_489 = tpu.memref_slice %arg10[%dma_start3A_487, %dma_start3A_488] : memref<2x128xi32, #tpu.memory_space<vmem>> -> memref<1x128xi32, #tpu.memory_space<vmem>>
      %dma_start3A_490 = tpu.memref_squeeze %dma_start3A_489 : memref<1x128xi32, #tpu.memory_space<vmem>> -> memref<128xi32, #tpu.memory_space<vmem>>
      %dma_start3A_491 = tpu.memref_slice %arg4[%mul3A_486] : memref<327680xi32, #tpu.memory_space<hbm>> -> memref<128xi32, #tpu.memory_space<hbm>>
      %dma_start3A_492 = arith.constant 0 : i32
      %dma_start3A_493 = tpu.memref_slice %arg10[%dma_start3A_487, %dma_start3A_492] : memref<2x128xi32, #tpu.memory_space<vmem>> -> memref<1x128xi32, #tpu.memory_space<vmem>>
      %dma_start3A_494 = tpu.memref_squeeze %dma_start3A_493 : memref<1x128xi32, #tpu.memory_space<vmem>> -> memref<128xi32, #tpu.memory_space<vmem>>
      %dma_start3A_495 = tpu.memref_slice %arg4[%mul3A_486] : memref<327680xi32, #tpu.memory_space<hbm>> -> memref<128xi32, #tpu.memory_space<hbm>>
      tpu.enqueue_dma source(%dma_start3A_495 : memref<128xi32, #tpu.memory_space<hbm>>) target(%dma_start3A_494 : memref<128xi32, #tpu.memory_space<vmem>>) target_semaphore(%arg20 : memref<!tpu.dma_semaphore, #tpu.memory_space<semaphore_mem>>)
      %dma_wait3A_496 = arith.constant 0 : i32
      %dma_wait3A_497 = arith.constant 0 : i32
      %dma_wait3A_498 = tpu.memref_slice %arg8[%dma_wait3A_496, %dma_wait3A_497] : memref<2x128xi32, #tpu.memory_space<vmem>> -> memref<1x128xi32, #tpu.memory_space<vmem>>
      %dma_wait3A_499 = tpu.memref_squeeze %dma_wait3A_498 : memref<1x128xi32, #tpu.memory_space<vmem>> -> memref<128xi32, #tpu.memory_space<vmem>>
      %dma_wait3A_500 = arith.constant 0 : i32
      %dma_wait3A_501 = tpu.memref_slice %arg3[%dma_wait3A_500] : memref<327680xi32, #tpu.memory_space<hbm>> -> memref<128xi32, #tpu.memory_space<hbm>>
      %dma_wait3A_502 = arith.constant 0 : i32
      %dma_wait3A_503 = tpu.memref_slice %arg8[%dma_wait3A_496, %dma_wait3A_502] : memref<2x128xi32, #tpu.memory_space<vmem>> -> memref<1x128xi32, #tpu.memory_space<vmem>>
      %dma_wait3A_504 = tpu.memref_squeeze %dma_wait3A_503 : memref<1x128xi32, #tpu.memory_space<vmem>> -> memref<128xi32, #tpu.memory_space<vmem>>
      %dma_wait3A_505 = arith.constant 0 : i32
      %dma_wait3A_506 = tpu.memref_slice %arg3[%dma_wait3A_505] : memref<327680xi32, #tpu.memory_space<hbm>> -> memref<128xi32, #tpu.memory_space<hbm>>
      tpu.wait_dma2 semaphore(%arg18 : memref<!tpu.dma_semaphore, #tpu.memory_space<semaphore_mem>>) src(%dma_wait3A_506 : memref<128xi32, #tpu.memory_space<hbm>>) dst(%dma_wait3A_504 : memref<128xi32, #tpu.memory_space<vmem>>)
      %dma_wait3A_507 = arith.constant 1 : i32
      %dma_wait3A_508 = arith.constant 0 : i32
      %dma_wait3A_509 = tpu.memref_slice %arg8[%dma_wait3A_507, %dma_wait3A_508] : memref<2x128xi32, #tpu.memory_space<vmem>> -> memref<1x128xi32, #tpu.memory_space<vmem>>
      %dma_wait3A_510 = tpu.memref_squeeze %dma_wait3A_509 : memref<1x128xi32, #tpu.memory_space<vmem>> -> memref<128xi32, #tpu.memory_space<vmem>>
      %dma_wait3A_511 = arith.constant 0 : i32
      %dma_wait3A_512 = tpu.memref_slice %arg3[%dma_wait3A_511] : memref<327680xi32, #tpu.memory_space<hbm>> -> memref<128xi32, #tpu.memory_space<hbm>>
      %dma_wait3A_513 = arith.constant 0 : i32
      %dma_wait3A_514 = tpu.memref_slice %arg8[%dma_wait3A_507, %dma_wait3A_513] : memref<2x128xi32, #tpu.memory_space<vmem>> -> memref<1x128xi32, #tpu.memory_space<vmem>>
      %dma_wait3A_515 = tpu.memref_squeeze %dma_wait3A_514 : memref<1x128xi32, #tpu.memory_space<vmem>> -> memref<128xi32, #tpu.memory_space<vmem>>
      %dma_wait3A_516 = arith.constant 0 : i32
      %dma_wait3A_517 = tpu.memref_slice %arg3[%dma_wait3A_516] : memref<327680xi32, #tpu.memory_space<hbm>> -> memref<128xi32, #tpu.memory_space<hbm>>
      tpu.wait_dma2 semaphore(%arg18 : memref<!tpu.dma_semaphore, #tpu.memory_space<semaphore_mem>>) src(%dma_wait3A_517 : memref<128xi32, #tpu.memory_space<hbm>>) dst(%dma_wait3A_515 : memref<128xi32, #tpu.memory_space<vmem>>)
      %dma_start3A_518 = arith.constant 0 : i32
      %dma_start3A_519 = arith.constant 0 : i32
      %dma_start3A_520 = tpu.memref_slice %arg8[%dma_start3A_518, %dma_start3A_519] : memref<2x128xi32, #tpu.memory_space<vmem>> -> memref<1x128xi32, #tpu.memory_space<vmem>>
      %dma_start3A_521 = tpu.memref_squeeze %dma_start3A_520 : memref<1x128xi32, #tpu.memory_space<vmem>> -> memref<128xi32, #tpu.memory_space<vmem>>
      %dma_start3A_522 = arith.constant 0 : i32
      %dma_start3A_523 = arith.constant 0 : i32
      %dma_start3A_524 = tpu.memref_slice %arg15[%dma_start3A_522, %dma_start3A_523] : memref<10000x64xf32, #tpu.memory_space<vmem_shared>> -> memref<10000x64xf32, #tpu.memory_space<vmem_shared>>
      tpu.enqueue_indirect_dma source(%dma_start3A_524 : memref<10000x64xf32, #tpu.memory_space<vmem_shared>>) target(%arg12 : memref<128x64xf32, #tpu.memory_space<vmem>>) offsets(%dma_start3A_521 : memref<128xi32, #tpu.memory_space<vmem>>) semaphore(%arg22 : memref<!tpu.dma_semaphore, #tpu.memory_space<semaphore_mem>>)
      %dma_wait3A_525 = arith.constant 0 : i32
      %dma_wait3A_526 = arith.constant 0 : i32
      %dma_wait3A_527 = tpu.memref_slice %arg9[%dma_wait3A_525, %dma_wait3A_526] : memref<2x128xi32, #tpu.memory_space<vmem>> -> memref<1x128xi32, #tpu.memory_space<vmem>>
      %dma_wait3A_528 = tpu.memref_squeeze %dma_wait3A_527 : memref<1x128xi32, #tpu.memory_space<vmem>> -> memref<128xi32, #tpu.memory_space<vmem>>
      %dma_wait3A_529 = arith.constant 0 : i32
      %dma_wait3A_530 = tpu.memref_slice %arg3[%dma_wait3A_529] : memref<327680xi32, #tpu.memory_space<hbm>> -> memref<128xi32, #tpu.memory_space<hbm>>
      %dma_wait3A_531 = arith.constant 0 : i32
      %dma_wait3A_532 = tpu.memref_slice %arg9[%dma_wait3A_525, %dma_wait3A_531] : memref<2x128xi32, #tpu.memory_space<vmem>> -> memref<1x128xi32, #tpu.memory_space<vmem>>
      %dma_wait3A_533 = tpu.memref_squeeze %dma_wait3A_532 : memref<1x128xi32, #tpu.memory_space<vmem>> -> memref<128xi32, #tpu.memory_space<vmem>>
      %dma_wait3A_534 = arith.constant 0 : i32
      %dma_wait3A_535 = tpu.memref_slice %arg3[%dma_wait3A_534] : memref<327680xi32, #tpu.memory_space<hbm>> -> memref<128xi32, #tpu.memory_space<hbm>>
      tpu.wait_dma2 semaphore(%arg19 : memref<!tpu.dma_semaphore, #tpu.memory_space<semaphore_mem>>) src(%dma_wait3A_535 : memref<128xi32, #tpu.memory_space<hbm>>) dst(%dma_wait3A_533 : memref<128xi32, #tpu.memory_space<vmem>>)
      %dma_wait3A_536 = arith.constant 1 : i32
      %dma_wait3A_537 = arith.constant 0 : i32
      %dma_wait3A_538 = tpu.memref_slice %arg9[%dma_wait3A_536, %dma_wait3A_537] : memref<2x128xi32, #tpu.memory_space<vmem>> -> memref<1x128xi32, #tpu.memory_space<vmem>>
      %dma_wait3A_539 = tpu.memref_squeeze %dma_wait3A_538 : memref<1x128xi32, #tpu.memory_space<vmem>> -> memref<128xi32, #tpu.memory_space<vmem>>
      %dma_wait3A_540 = arith.constant 0 : i32
      %dma_wait3A_541 = tpu.memref_slice %arg3[%dma_wait3A_540] : memref<327680xi32, #tpu.memory_space<hbm>> -> memref<128xi32, #tpu.memory_space<hbm>>
      %dma_wait3A_542 = arith.constant 0 : i32
      %dma_wait3A_543 = tpu.memref_slice %arg9[%dma_wait3A_536, %dma_wait3A_542] : memref<2x128xi32, #tpu.memory_space<vmem>> -> memref<1x128xi32, #tpu.memory_space<vmem>>
      %dma_wait3A_544 = tpu.memref_squeeze %dma_wait3A_543 : memref<1x128xi32, #tpu.memory_space<vmem>> -> memref<128xi32, #tpu.memory_space<vmem>>
      %dma_wait3A_545 = arith.constant 0 : i32
      %dma_wait3A_546 = tpu.memref_slice %arg3[%dma_wait3A_545] : memref<327680xi32, #tpu.memory_space<hbm>> -> memref<128xi32, #tpu.memory_space<hbm>>
      tpu.wait_dma2 semaphore(%arg19 : memref<!tpu.dma_semaphore, #tpu.memory_space<semaphore_mem>>) src(%dma_wait3A_546 : memref<128xi32, #tpu.memory_space<hbm>>) dst(%dma_wait3A_544 : memref<128xi32, #tpu.memory_space<vmem>>)
      %dma_start3A_547 = arith.constant 0 : i32
      %dma_start3A_548 = arith.constant 0 : i32
      %dma_start3A_549 = tpu.memref_slice %arg9[%dma_start3A_547, %dma_start3A_548] : memref<2x128xi32, #tpu.memory_space<vmem>> -> memref<1x128xi32, #tpu.memory_space<vmem>>
      %dma_start3A_550 = tpu.memref_squeeze %dma_start3A_549 : memref<1x128xi32, #tpu.memory_space<vmem>> -> memref<128xi32, #tpu.memory_space<vmem>>
      %dma_start3A_551 = arith.constant 0 : i32
      %dma_start3A_552 = arith.constant 0 : i32
      %dma_start3A_553 = tpu.memref_slice %arg15[%dma_start3A_551, %dma_start3A_552] : memref<10000x64xf32, #tpu.memory_space<vmem_shared>> -> memref<10000x64xf32, #tpu.memory_space<vmem_shared>>
      tpu.enqueue_indirect_dma source(%dma_start3A_553 : memref<10000x64xf32, #tpu.memory_space<vmem_shared>>) target(%arg13 : memref<128x64xf32, #tpu.memory_space<vmem>>) offsets(%dma_start3A_550 : memref<128xi32, #tpu.memory_space<vmem>>) semaphore(%arg23 : memref<!tpu.dma_semaphore, #tpu.memory_space<semaphore_mem>>)
    }
    %scan3A_191 = arith.constant 40 : i32
    %dma_wait3A_192 = arith.constant 0 : i32
    %dma_wait3A_193 = arith.constant 0 : i32
    %dma_wait3A_194 = tpu.memref_slice %arg7[%dma_wait3A_192, %dma_wait3A_193] : memref<2x128xi32, #tpu.memory_space<vmem>> -> memref<1x128xi32, #tpu.memory_space<vmem>>
    %dma_wait3A_195 = tpu.memref_squeeze %dma_wait3A_194 : memref<1x128xi32, #tpu.memory_space<vmem>> -> memref<128xi32, #tpu.memory_space<vmem>>
    %dma_wait3A_196 = arith.constant 0 : i32
    %dma_wait3A_197 = arith.constant 0 : i32
    %dma_wait3A_198 = tpu.memref_slice %arg15[%dma_wait3A_196, %dma_wait3A_197] : memref<10000x64xf32, #tpu.memory_space<vmem_shared>> -> memref<10000x64xf32, #tpu.memory_space<vmem_shared>>
    tpu.wait_indirect_dma semaphore(%arg21 : memref<!tpu.dma_semaphore, #tpu.memory_space<semaphore_mem>>) src(%dma_wait3A_198 : memref<10000x64xf32, #tpu.memory_space<vmem_shared>>) dst(%arg11 : memref<128x64xf32, #tpu.memory_space<vmem>>)
    %dma_wait3A_199 = arith.constant 0 : i32
    %dma_wait3A_200 = arith.constant 0 : i32
    %dma_wait3A_201 = tpu.memref_slice %arg8[%dma_wait3A_199, %dma_wait3A_200] : memref<2x128xi32, #tpu.memory_space<vmem>> -> memref<1x128xi32, #tpu.memory_space<vmem>>
    %dma_wait3A_202 = tpu.memref_squeeze %dma_wait3A_201 : memref<1x128xi32, #tpu.memory_space<vmem>> -> memref<128xi32, #tpu.memory_space<vmem>>
    %dma_wait3A_203 = arith.constant 0 : i32
    %dma_wait3A_204 = arith.constant 0 : i32
    %dma_wait3A_205 = tpu.memref_slice %arg15[%dma_wait3A_203, %dma_wait3A_204] : memref<10000x64xf32, #tpu.memory_space<vmem_shared>> -> memref<10000x64xf32, #tpu.memory_space<vmem_shared>>
    tpu.wait_indirect_dma semaphore(%arg22 : memref<!tpu.dma_semaphore, #tpu.memory_space<semaphore_mem>>) src(%dma_wait3A_205 : memref<10000x64xf32, #tpu.memory_space<vmem_shared>>) dst(%arg12 : memref<128x64xf32, #tpu.memory_space<vmem>>)
    %dma_wait3A_206 = arith.constant 0 : i32
    %dma_wait3A_207 = arith.constant 0 : i32
    %dma_wait3A_208 = tpu.memref_slice %arg9[%dma_wait3A_206, %dma_wait3A_207] : memref<2x128xi32, #tpu.memory_space<vmem>> -> memref<1x128xi32, #tpu.memory_space<vmem>>
    %dma_wait3A_209 = tpu.memref_squeeze %dma_wait3A_208 : memref<1x128xi32, #tpu.memory_space<vmem>> -> memref<128xi32, #tpu.memory_space<vmem>>
    %dma_wait3A_210 = arith.constant 0 : i32
    %dma_wait3A_211 = arith.constant 0 : i32
    %dma_wait3A_212 = tpu.memref_slice %arg15[%dma_wait3A_210, %dma_wait3A_211] : memref<10000x64xf32, #tpu.memory_space<vmem_shared>> -> memref<10000x64xf32, #tpu.memory_space<vmem_shared>>
    tpu.wait_indirect_dma semaphore(%arg23 : memref<!tpu.dma_semaphore, #tpu.memory_space<semaphore_mem>>) src(%dma_wait3A_212 : memref<10000x64xf32, #tpu.memory_space<vmem_shared>>) dst(%arg13 : memref<128x64xf32, #tpu.memory_space<vmem>>)
    %dma_wait3A_213 = arith.constant 0 : i32
    %dma_wait3A_214 = arith.constant 0 : i32
    %dma_wait3A_215 = tpu.memref_slice %arg10[%dma_wait3A_213, %dma_wait3A_214] : memref<2x128xi32, #tpu.memory_space<vmem>> -> memref<1x128xi32, #tpu.memory_space<vmem>>
    %dma_wait3A_216 = tpu.memref_squeeze %dma_wait3A_215 : memref<1x128xi32, #tpu.memory_space<vmem>> -> memref<128xi32, #tpu.memory_space<vmem>>
    %dma_wait3A_217 = arith.constant 0 : i32
    %dma_wait3A_218 = tpu.memref_slice %arg3[%dma_wait3A_217] : memref<327680xi32, #tpu.memory_space<hbm>> -> memref<128xi32, #tpu.memory_space<hbm>>
    %dma_wait3A_219 = arith.constant 0 : i32
    %dma_wait3A_220 = tpu.memref_slice %arg10[%dma_wait3A_213, %dma_wait3A_219] : memref<2x128xi32, #tpu.memory_space<vmem>> -> memref<1x128xi32, #tpu.memory_space<vmem>>
    %dma_wait3A_221 = tpu.memref_squeeze %dma_wait3A_220 : memref<1x128xi32, #tpu.memory_space<vmem>> -> memref<128xi32, #tpu.memory_space<vmem>>
    %dma_wait3A_222 = arith.constant 0 : i32
    %dma_wait3A_223 = tpu.memref_slice %arg3[%dma_wait3A_222] : memref<327680xi32, #tpu.memory_space<hbm>> -> memref<128xi32, #tpu.memory_space<hbm>>
    tpu.wait_dma2 semaphore(%arg20 : memref<!tpu.dma_semaphore, #tpu.memory_space<semaphore_mem>>) src(%dma_wait3A_223 : memref<128xi32, #tpu.memory_space<hbm>>) dst(%dma_wait3A_221 : memref<128xi32, #tpu.memory_space<vmem>>)
    %dma_wait3A_224 = arith.constant 1 : i32
    %dma_wait3A_225 = arith.constant 0 : i32
    %dma_wait3A_226 = tpu.memref_slice %arg10[%dma_wait3A_224, %dma_wait3A_225] : memref<2x128xi32, #tpu.memory_space<vmem>> -> memref<1x128xi32, #tpu.memory_space<vmem>>
    %dma_wait3A_227 = tpu.memref_squeeze %dma_wait3A_226 : memref<1x128xi32, #tpu.memory_space<vmem>> -> memref<128xi32, #tpu.memory_space<vmem>>
    %dma_wait3A_228 = arith.constant 0 : i32
    %dma_wait3A_229 = tpu.memref_slice %arg3[%dma_wait3A_228] : memref<327680xi32, #tpu.memory_space<hbm>> -> memref<128xi32, #tpu.memory_space<hbm>>
    %dma_wait3A_230 = arith.constant 0 : i32
    %dma_wait3A_231 = tpu.memref_slice %arg10[%dma_wait3A_224, %dma_wait3A_230] : memref<2x128xi32, #tpu.memory_space<vmem>> -> memref<1x128xi32, #tpu.memory_space<vmem>>
    %dma_wait3A_232 = tpu.memref_squeeze %dma_wait3A_231 : memref<1x128xi32, #tpu.memory_space<vmem>> -> memref<128xi32, #tpu.memory_space<vmem>>
    %dma_wait3A_233 = arith.constant 0 : i32
    %dma_wait3A_234 = tpu.memref_slice %arg3[%dma_wait3A_233] : memref<327680xi32, #tpu.memory_space<hbm>> -> memref<128xi32, #tpu.memory_space<hbm>>
    tpu.wait_dma2 semaphore(%arg20 : memref<!tpu.dma_semaphore, #tpu.memory_space<semaphore_mem>>) src(%dma_wait3A_234 : memref<128xi32, #tpu.memory_space<hbm>>) dst(%dma_wait3A_232 : memref<128xi32, #tpu.memory_space<vmem>>)
    %barrier3A_235 = arith.constant 0 : index
    tpu.barrier barrier_id(%barrier3A_235)
    %mul3A_236 = arith.constant 640 : i32
    %mul3A_237 = arith.muli %arg1, %mul3A_236 : i32
    %mul3A_238 = arith.constant 640 : i32
    %mul3A_239 = arith.muli %arg1, %mul3A_238 : i32
    "tpu.region"() ({
      %run_scoped3A = tpu.sem_alloc : memref<!tpu.dma_semaphore, #tpu.memory_space<semaphore_mem>>
      %dma_start3A_240 = arith.constant 0 : i32
      %dma_start3A_241 = tpu.memref_slice %arg6[%arg0, %mul3A_239, %dma_start3A_240] : memref<2x10240x64xf32, #tpu.memory_space<hbm>> -> memref<1x640x64xf32, #tpu.memory_space<hbm>>
      %dma_start3A_242 = tpu.memref_squeeze %dma_start3A_241 : memref<1x640x64xf32, #tpu.memory_space<hbm>> -> memref<640x64xf32, #tpu.memory_space<hbm>>
      %dma_start3A_243 = arith.constant 0 : i32
      %dma_start3A_244 = tpu.memref_slice %arg16[%mul3A_237, %dma_start3A_243] : memref<10240x64xf32, #tpu.memory_space<vmem_shared>> -> memref<640x64xf32, #tpu.memory_space<vmem_shared>>
      tpu.enqueue_dma source(%dma_start3A_244 : memref<640x64xf32, #tpu.memory_space<vmem_shared>>) target(%dma_start3A_242 : memref<640x64xf32, #tpu.memory_space<hbm>>) target_semaphore(%run_scoped3A : memref<!tpu.dma_semaphore, #tpu.memory_space<semaphore_mem>>)
      %dma_wait3A_245 = arith.constant 0 : i32
      %dma_wait3A_246 = tpu.memref_slice %arg6[%arg0, %mul3A_239, %dma_wait3A_245] : memref<2x10240x64xf32, #tpu.memory_space<hbm>> -> memref<1x640x64xf32, #tpu.memory_space<hbm>>
      %dma_wait3A_247 = tpu.memref_squeeze %dma_wait3A_246 : memref<1x640x64xf32, #tpu.memory_space<hbm>> -> memref<640x64xf32, #tpu.memory_space<hbm>>
      %dma_wait3A_248 = arith.constant 0 : i32
      %dma_wait3A_249 = tpu.memref_slice %arg16[%mul3A_237, %dma_wait3A_248] : memref<10240x64xf32, #tpu.memory_space<vmem_shared>> -> memref<640x64xf32, #tpu.memory_space<vmem_shared>>
      tpu.wait_dma2 semaphore(%run_scoped3A : memref<!tpu.dma_semaphore, #tpu.memory_space<semaphore_mem>>) src(%dma_wait3A_249 : memref<640x64xf32, #tpu.memory_space<vmem_shared>>) dst(%dma_wait3A_247 : memref<640x64xf32, #tpu.memory_space<hbm>>)
      tpu.yield
    }) : () -> ()
    return
  }
}

module attributes {stable_mosaic.version = 14 : i64} {
  func.func @_b0_body(%arg0: i32, %arg1: memref<2x2000x16xf32, #tpu.memory_space<vmem>>, %arg2: memref<2000x128xf32, #tpu.memory_space<vmem>>, %arg3: memref<128x128xf32, #tpu.memory_space<vmem>>, %arg4: memref<2000x1xf32, #tpu.memory_space<vmem>>, %arg5: memref<2x2000x64xf32, #tpu.memory_space<vmem>>) attributes {dimension_semantics = [#tpu.dimension_semantics<arbitrary>], iteration_bounds = array<i64: 5>, scalar_prefetch = 0 : i64, scratch_operands = 0 : i64, tpu.core_type = #tpu.core_type<tc>, window_params = [{transform_indices = @transform_0, window_bounds = array<i64: 2, 2000, 16>}, {transform_indices = @transform_1, window_bounds = array<i64: 2000, 128>}, {pipeline_mode = #tpu.pipeline_mode<synchronous>, transform_indices = @transform_2, window_bounds = array<i64: 128, 128>}, {transform_indices = @transform_3, window_bounds = array<i64: 2000, 1>}, {transform_indices = @transform_4, window_bounds = array<i64: 2, 2000, 64>}]} {
    %get3A = arith.constant 0 : index
    %get3A_0 = arith.constant 0 : index
    %get3A_1 = arith.constant 0 : index
    %get3A_2 = vector.load %arg1[%get3A, %get3A_0, %get3A_1] : memref<2x2000x16xf32, #tpu.memory_space<vmem>>, vector<2x2000x16xf32>
    %reduce_sum3A = arith.constant dense<0.000000e+00> : vector<2000xf32>
    %reduce_sum3A_3 = vector.multi_reduction <add>, %get3A_2, %reduce_sum3A [0, 2] : vector<2x2000x16xf32> to vector<2000xf32>
    %add3A = arith.constant 1.000000e+00 : f32
    %add3A_4 = vector.broadcast %add3A : f32 to vector<2000xf32>
    %add3A_5 = arith.addf %reduce_sum3A_3, %add3A_4 : vector<2000xf32>
    %rsqrt3A = math.rsqrt %add3A_5 : vector<2000xf32>
    %broadcast_in_dim3A = vector.shape_cast %rsqrt3A : vector<2000xf32> to vector<2000x1xf32>
    %swap3A = arith.constant 0 : index
    %swap3A_6 = arith.constant 0 : index
    %swap3A_7 = vector.load %arg4[%swap3A, %swap3A_6] : memref<2000x1xf32, #tpu.memory_space<vmem>>, vector<2000x1xf32>
    tpu.vector_store %arg4[%swap3A, %swap3A_6], %broadcast_in_dim3A {strides = array<i32>} : memref<2000x1xf32, #tpu.memory_space<vmem>>, vector<2000x1xf32>,
    %broadcast_in_dim3A_8 = vector.shape_cast %rsqrt3A : vector<2000xf32> to vector<2000x1xf32>
    %get3A_9 = arith.constant 0 : index
    %get3A_10 = arith.constant 0 : index
    %get3A_11 = vector.load %arg2[%get3A_9, %get3A_10] : memref<2000x128xf32, #tpu.memory_space<vmem>>, vector<2000x128xf32>
    %get3A_12 = arith.constant 0 : index
    %get3A_13 = arith.constant 0 : index
    %get3A_14 = vector.load %arg3[%get3A_12, %get3A_13] : memref<128x128xf32, #tpu.memory_space<vmem>>, vector<128x128xf32>
    %dot_general3A = arith.constant dense<0.000000e+00> : vector<2000x128xf32>
    %dot_general3A_15 = tpu.matmul %get3A_11, %get3A_14, %dot_general3A {dimension_numbers = #tpu.dot_dimension_numbers<[1], [0], [0], [1], [0, 0, 1, 1], [], []>, transpose_lhs_hint = false} : vector<2000x128xf32>, vector<128x128xf32>, vector<2000x128xf32> -> vector<2000x128xf32>
    %mul3A = vector.broadcast %broadcast_in_dim3A_8 : vector<2000x1xf32> to vector<2000x128xf32>
    %mul3A_16 = arith.mulf %mul3A, %dot_general3A_15 : vector<2000x128xf32>
    %slice3A = vector.extract_strided_slice %mul3A_16 {offsets = [0, 0], sizes = [2000, 64], strides = [1, 1]} : vector<2000x128xf32> to vector<2000x64xf32>
    %swap3A_17 = arith.constant 0 : index
    %swap3A_18 = arith.constant 0 : index
    %swap3A_19 = arith.constant 0 : index
    %swap3A_20 = vector.load %arg5[%swap3A_17, %swap3A_18, %swap3A_19] : memref<2x2000x64xf32, #tpu.memory_space<vmem>>, vector<1x2000x64xf32>
    %swap3A_21 = vector.shape_cast %swap3A_20 : vector<1x2000x64xf32> to vector<2000x64xf32>
    %swap3A_22 = vector.shape_cast %slice3A : vector<2000x64xf32> to vector<1x2000x64xf32>
    tpu.vector_store %arg5[%swap3A_17, %swap3A_18, %swap3A_19], %swap3A_22 {strides = array<i32>} : memref<2x2000x64xf32, #tpu.memory_space<vmem>>, vector<1x2000x64xf32>,
    %slice3A_23 = vector.extract_strided_slice %mul3A_16 {offsets = [0, 64], sizes = [2000, 64], strides = [1, 1]} : vector<2000x128xf32> to vector<2000x64xf32>
    %swap3A_24 = arith.constant 1 : index
    %swap3A_25 = arith.constant 0 : index
    %swap3A_26 = arith.constant 0 : index
    %swap3A_27 = vector.load %arg5[%swap3A_24, %swap3A_25, %swap3A_26] : memref<2x2000x64xf32, #tpu.memory_space<vmem>>, vector<1x2000x64xf32>
    %swap3A_28 = vector.shape_cast %swap3A_27 : vector<1x2000x64xf32> to vector<2000x64xf32>
    %swap3A_29 = vector.shape_cast %slice3A_23 : vector<2000x64xf32> to vector<1x2000x64xf32>
    tpu.vector_store %arg5[%swap3A_24, %swap3A_25, %swap3A_26], %swap3A_29 {strides = array<i32>} : memref<2x2000x64xf32, #tpu.memory_space<vmem>>, vector<1x2000x64xf32>,
    return
  }
  func.func @transform_0(%arg0: i32) -> (i32, i32, i32) {
    %c0_i32 = arith.constant 0 : i32
    %c0_i32_0 = arith.constant 0 : i32
    %c0_i32_1 = arith.constant 0 : i32
    return %c0_i32, %arg0, %c0_i32_0 : i32, i32, i32
  }
  func.func @transform_1(%arg0: i32) -> (i32, i32) {
    %c0_i32 = arith.constant 0 : i32
    %c0_i32_0 = arith.constant 0 : i32
    return %arg0, %c0_i32 : i32, i32
  }
  func.func @transform_2(%arg0: i32) -> (i32, i32) {
    %c0_i32 = arith.constant 0 : i32
    %c0_i32_0 = arith.constant 0 : i32
    %c0_i32_1 = arith.constant 0 : i32
    return %c0_i32, %c0_i32_0 : i32, i32
  }
  func.func @transform_3(%arg0: i32) -> (i32, i32) {
    %c0_i32 = arith.constant 0 : i32
    %c0_i32_0 = arith.constant 0 : i32
    return %arg0, %c0_i32 : i32, i32
  }
  func.func @transform_4(%arg0: i32) -> (i32, i32, i32) {
    %c0_i32 = arith.constant 0 : i32
    %c0_i32_0 = arith.constant 0 : i32
    %c0_i32_1 = arith.constant 0 : i32
    return %c0_i32, %arg0, %c0_i32_0 : i32, i32, i32
  }
}

module attributes {stable_mosaic.version = 14 : i64} {
  func.func @_mid_body(%arg0: i32, %arg1: memref<2x2000x64xf32, #tpu.memory_space<vmem>>, %arg2: memref<2x2000x64xf32, #tpu.memory_space<vmem>>, %arg3: memref<2000x1xf32, #tpu.memory_space<vmem>>, %arg4: memref<1x128xf32, #tpu.memory_space<vmem>>, %arg5: memref<128x128xf32, #tpu.memory_space<vmem>>, %arg6: memref<2x2000x64xf32, #tpu.memory_space<vmem>>) attributes {dimension_semantics = [#tpu.dimension_semantics<arbitrary>], iteration_bounds = array<i64: 5>, scalar_prefetch = 0 : i64, scratch_operands = 0 : i64, tpu.core_type = #tpu.core_type<tc>, window_params = [{transform_indices = @transform_0, window_bounds = array<i64: 2, 2000, 64>}, {transform_indices = @transform_1, window_bounds = array<i64: 2, 2000, 64>}, {transform_indices = @transform_2, window_bounds = array<i64: 2000, 1>}, {pipeline_mode = #tpu.pipeline_mode<synchronous>, transform_indices = @transform_3, window_bounds = array<i64: 1, 128>}, {pipeline_mode = #tpu.pipeline_mode<synchronous>, transform_indices = @transform_4, window_bounds = array<i64: 128, 128>}, {transform_indices = @transform_5, window_bounds = array<i64: 2, 2000, 64>}]} {
    %get3A = arith.constant 0 : index
    %get3A_0 = arith.constant 0 : index
    %get3A_1 = vector.load %arg3[%get3A, %get3A_0] : memref<2000x1xf32, #tpu.memory_space<vmem>>, vector<2000x1xf32>
    %get3A_2 = arith.constant 0 : index
    %get3A_3 = arith.constant 0 : index
    %get3A_4 = arith.constant 0 : index
    %get3A_5 = vector.load %arg1[%get3A_2, %get3A_3, %get3A_4] : memref<2x2000x64xf32, #tpu.memory_space<vmem>>, vector<1x2000x64xf32>
    %get3A_6 = vector.shape_cast %get3A_5 : vector<1x2000x64xf32> to vector<2000x64xf32>
    %get3A_7 = arith.constant 1 : index
    %get3A_8 = arith.constant 0 : index
    %get3A_9 = arith.constant 0 : index
    %get3A_10 = vector.load %arg1[%get3A_7, %get3A_8, %get3A_9] : memref<2x2000x64xf32, #tpu.memory_space<vmem>>, vector<1x2000x64xf32>
    %get3A_11 = vector.shape_cast %get3A_10 : vector<1x2000x64xf32> to vector<2000x64xf32>
    %concatenate3A = tpu.concatenate %get3A_6, %get3A_11 in 1 : vector<2000x64xf32>, vector<2000x64xf32> -> vector<2000x128xf32>
    %get3A_12 = arith.constant 0 : index
    %get3A_13 = arith.constant 0 : index
    %get3A_14 = arith.constant 0 : index
    %get3A_15 = vector.load %arg2[%get3A_12, %get3A_13, %get3A_14] : memref<2x2000x64xf32, #tpu.memory_space<vmem>>, vector<1x2000x64xf32>
    %get3A_16 = vector.shape_cast %get3A_15 : vector<1x2000x64xf32> to vector<2000x64xf32>
    %get3A_17 = arith.constant 1 : index
    %get3A_18 = arith.constant 0 : index
    %get3A_19 = arith.constant 0 : index
    %get3A_20 = vector.load %arg2[%get3A_17, %get3A_18, %get3A_19] : memref<2x2000x64xf32, #tpu.memory_space<vmem>>, vector<1x2000x64xf32>
    %get3A_21 = vector.shape_cast %get3A_20 : vector<1x2000x64xf32> to vector<2000x64xf32>
    %concatenate3A_22 = tpu.concatenate %get3A_16, %get3A_21 in 1 : vector<2000x64xf32>, vector<2000x64xf32> -> vector<2000x128xf32>
    %add3A = arith.addf %concatenate3A, %concatenate3A_22 : vector<2000x128xf32>
    %mul3A = vector.broadcast %get3A_1 : vector<2000x1xf32> to vector<2000x128xf32>
    %mul3A_23 = arith.mulf %mul3A, %add3A : vector<2000x128xf32>
    %get3A_24 = arith.constant 0 : index
    %get3A_25 = arith.constant 0 : index
    %get3A_26 = vector.load %arg4[%get3A_24, %get3A_25] : memref<1x128xf32, #tpu.memory_space<vmem>>, vector<1x128xf32>
    %add3A_27 = vector.broadcast %get3A_26 : vector<1x128xf32> to vector<2000x128xf32>
    %add3A_28 = arith.addf %mul3A_23, %add3A_27 : vector<2000x128xf32>
    %get3A_29 = arith.constant 0 : index
    %get3A_30 = arith.constant 0 : index
    %get3A_31 = vector.load %arg5[%get3A_29, %get3A_30] : memref<128x128xf32, #tpu.memory_space<vmem>>, vector<128x128xf32>
    %dot_general3A = arith.constant dense<0.000000e+00> : vector<2000x128xf32>
    %dot_general3A_32 = tpu.matmul %add3A_28, %get3A_31, %dot_general3A {dimension_numbers = #tpu.dot_dimension_numbers<[1], [0], [0], [1], [0, 0, 1, 1], [], []>, transpose_lhs_hint = false} : vector<2000x128xf32>, vector<128x128xf32>, vector<2000x128xf32> -> vector<2000x128xf32>
    %mul3A_33 = vector.broadcast %get3A_1 : vector<2000x1xf32> to vector<2000x128xf32>
    %mul3A_34 = arith.mulf %mul3A_33, %dot_general3A_32 : vector<2000x128xf32>
    %slice3A = vector.extract_strided_slice %mul3A_34 {offsets = [0, 0], sizes = [2000, 64], strides = [1, 1]} : vector<2000x128xf32> to vector<2000x64xf32>
    %swap3A = arith.constant 0 : index
    %swap3A_35 = arith.constant 0 : index
    %swap3A_36 = arith.constant 0 : index
    %swap3A_37 = vector.load %arg6[%swap3A, %swap3A_35, %swap3A_36] : memref<2x2000x64xf32, #tpu.memory_space<vmem>>, vector<1x2000x64xf32>
    %swap3A_38 = vector.shape_cast %swap3A_37 : vector<1x2000x64xf32> to vector<2000x64xf32>
    %swap3A_39 = vector.shape_cast %slice3A : vector<2000x64xf32> to vector<1x2000x64xf32>
    tpu.vector_store %arg6[%swap3A, %swap3A_35, %swap3A_36], %swap3A_39 {strides = array<i32>} : memref<2x2000x64xf32, #tpu.memory_space<vmem>>, vector<1x2000x64xf32>,
    %slice3A_40 = vector.extract_strided_slice %mul3A_34 {offsets = [0, 64], sizes = [2000, 64], strides = [1, 1]} : vector<2000x128xf32> to vector<2000x64xf32>
    %swap3A_41 = arith.constant 1 : index
    %swap3A_42 = arith.constant 0 : index
    %swap3A_43 = arith.constant 0 : index
    %swap3A_44 = vector.load %arg6[%swap3A_41, %swap3A_42, %swap3A_43] : memref<2x2000x64xf32, #tpu.memory_space<vmem>>, vector<1x2000x64xf32>
    %swap3A_45 = vector.shape_cast %swap3A_44 : vector<1x2000x64xf32> to vector<2000x64xf32>
    %swap3A_46 = vector.shape_cast %slice3A_40 : vector<2000x64xf32> to vector<1x2000x64xf32>
    tpu.vector_store %arg6[%swap3A_41, %swap3A_42, %swap3A_43], %swap3A_46 {strides = array<i32>} : memref<2x2000x64xf32, #tpu.memory_space<vmem>>, vector<1x2000x64xf32>,
    return
  }
  func.func @transform_0(%arg0: i32) -> (i32, i32, i32) {
    %c0_i32 = arith.constant 0 : i32
    %c0_i32_0 = arith.constant 0 : i32
    %c0_i32_1 = arith.constant 0 : i32
    return %c0_i32, %arg0, %c0_i32_0 : i32, i32, i32
  }
  func.func @transform_1(%arg0: i32) -> (i32, i32, i32) {
    %c0_i32 = arith.constant 0 : i32
    %c0_i32_0 = arith.constant 0 : i32
    %c0_i32_1 = arith.constant 0 : i32
    return %c0_i32, %arg0, %c0_i32_0 : i32, i32, i32
  }
  func.func @transform_2(%arg0: i32) -> (i32, i32) {
    %c0_i32 = arith.constant 0 : i32
    %c0_i32_0 = arith.constant 0 : i32
    return %arg0, %c0_i32 : i32, i32
  }
  func.func @transform_3(%arg0: i32) -> (i32, i32) {
    %c0_i32 = arith.constant 0 : i32
    %c0_i32_0 = arith.constant 0 : i32
    %c0_i32_1 = arith.constant 0 : i32
    return %c0_i32, %c0_i32_0 : i32, i32
  }
  func.func @transform_4(%arg0: i32) -> (i32, i32) {
    %c0_i32 = arith.constant 0 : i32
    %c0_i32_0 = arith.constant 0 : i32
    %c0_i32_1 = arith.constant 0 : i32
    return %c0_i32, %c0_i32_0 : i32, i32
  }
  func.func @transform_5(%arg0: i32) -> (i32, i32, i32) {
    %c0_i32 = arith.constant 0 : i32
    %c0_i32_0 = arith.constant 0 : i32
    %c0_i32_1 = arith.constant 0 : i32
    return %c0_i32, %arg0, %c0_i32_0 : i32, i32, i32
  }
}

module attributes {stable_mosaic.version = 14 : i64} {
  func.func @_fin_body(%arg0: i32, %arg1: memref<2x2000x64xf32, #tpu.memory_space<vmem>>, %arg2: memref<2x2000x64xf32, #tpu.memory_space<vmem>>, %arg3: memref<2000x1xf32, #tpu.memory_space<vmem>>, %arg4: memref<1x128xf32, #tpu.memory_space<vmem>>, %arg5: memref<2000x128xf32, #tpu.memory_space<vmem>>) attributes {dimension_semantics = [#tpu.dimension_semantics<arbitrary>], iteration_bounds = array<i64: 5>, scalar_prefetch = 0 : i64, scratch_operands = 0 : i64, tpu.core_type = #tpu.core_type<tc>, window_params = [{transform_indices = @transform_0, window_bounds = array<i64: 2, 2000, 64>}, {transform_indices = @transform_1, window_bounds = array<i64: 2, 2000, 64>}, {transform_indices = @transform_2, window_bounds = array<i64: 2000, 1>}, {pipeline_mode = #tpu.pipeline_mode<synchronous>, transform_indices = @transform_3, window_bounds = array<i64: 1, 128>}, {transform_indices = @transform_4, window_bounds = array<i64: 2000, 128>}]} {
    %get3A = arith.constant 0 : index
    %get3A_0 = arith.constant 0 : index
    %get3A_1 = arith.constant 0 : index
    %get3A_2 = vector.load %arg1[%get3A, %get3A_0, %get3A_1] : memref<2x2000x64xf32, #tpu.memory_space<vmem>>, vector<1x2000x64xf32>
    %get3A_3 = vector.shape_cast %get3A_2 : vector<1x2000x64xf32> to vector<2000x64xf32>
    %get3A_4 = arith.constant 1 : index
    %get3A_5 = arith.constant 0 : index
    %get3A_6 = arith.constant 0 : index
    %get3A_7 = vector.load %arg1[%get3A_4, %get3A_5, %get3A_6] : memref<2x2000x64xf32, #tpu.memory_space<vmem>>, vector<1x2000x64xf32>
    %get3A_8 = vector.shape_cast %get3A_7 : vector<1x2000x64xf32> to vector<2000x64xf32>
    %concatenate3A = tpu.concatenate %get3A_3, %get3A_8 in 1 : vector<2000x64xf32>, vector<2000x64xf32> -> vector<2000x128xf32>
    %get3A_9 = arith.constant 0 : index
    %get3A_10 = arith.constant 0 : index
    %get3A_11 = arith.constant 0 : index
    %get3A_12 = vector.load %arg2[%get3A_9, %get3A_10, %get3A_11] : memref<2x2000x64xf32, #tpu.memory_space<vmem>>, vector<1x2000x64xf32>
    %get3A_13 = vector.shape_cast %get3A_12 : vector<1x2000x64xf32> to vector<2000x64xf32>
    %get3A_14 = arith.constant 1 : index
    %get3A_15 = arith.constant 0 : index
    %get3A_16 = arith.constant 0 : index
    %get3A_17 = vector.load %arg2[%get3A_14, %get3A_15, %get3A_16] : memref<2x2000x64xf32, #tpu.memory_space<vmem>>, vector<1x2000x64xf32>
    %get3A_18 = vector.shape_cast %get3A_17 : vector<1x2000x64xf32> to vector<2000x64xf32>
    %concatenate3A_19 = tpu.concatenate %get3A_13, %get3A_18 in 1 : vector<2000x64xf32>, vector<2000x64xf32> -> vector<2000x128xf32>
    %get3A_20 = arith.constant 0 : index
    %get3A_21 = arith.constant 0 : index
    %get3A_22 = vector.load %arg3[%get3A_20, %get3A_21] : memref<2000x1xf32, #tpu.memory_space<vmem>>, vector<2000x1xf32>
    %add3A = arith.addf %concatenate3A, %concatenate3A_19 : vector<2000x128xf32>
    %mul3A = vector.broadcast %get3A_22 : vector<2000x1xf32> to vector<2000x128xf32>
    %mul3A_23 = arith.mulf %mul3A, %add3A : vector<2000x128xf32>
    %get3A_24 = arith.constant 0 : index
    %get3A_25 = arith.constant 0 : index
    %get3A_26 = vector.load %arg4[%get3A_24, %get3A_25] : memref<1x128xf32, #tpu.memory_space<vmem>>, vector<1x128xf32>
    %add3A_27 = vector.broadcast %get3A_26 : vector<1x128xf32> to vector<2000x128xf32>
    %add3A_28 = arith.addf %mul3A_23, %add3A_27 : vector<2000x128xf32>
    %swap3A = arith.constant 0 : index
    %swap3A_29 = arith.constant 0 : index
    %swap3A_30 = vector.load %arg5[%swap3A, %swap3A_29] : memref<2000x128xf32, #tpu.memory_space<vmem>>, vector<2000x128xf32>
    tpu.vector_store %arg5[%swap3A, %swap3A_29], %add3A_28 {strides = array<i32>} : memref<2000x128xf32, #tpu.memory_space<vmem>>, vector<2000x128xf32>,
    return
  }
  func.func @transform_0(%arg0: i32) -> (i32, i32, i32) {
    %c0_i32 = arith.constant 0 : i32
    %c0_i32_0 = arith.constant 0 : i32
    %c0_i32_1 = arith.constant 0 : i32
    return %c0_i32, %arg0, %c0_i32_0 : i32, i32, i32
  }
  func.func @transform_1(%arg0: i32) -> (i32, i32, i32) {
    %c0_i32 = arith.constant 0 : i32
    %c0_i32_0 = arith.constant 0 : i32
    %c0_i32_1 = arith.constant 0 : i32
    return %c0_i32, %arg0, %c0_i32_0 : i32, i32, i32
  }
  func.func @transform_2(%arg0: i32) -> (i32, i32) {
    %c0_i32 = arith.constant 0 : i32
    %c0_i32_0 = arith.constant 0 : i32
    return %arg0, %c0_i32 : i32, i32
  }
  func.func @transform_3(%arg0: i32) -> (i32, i32) {
    %c0_i32 = arith.constant 0 : i32
    %c0_i32_0 = arith.constant 0 : i32
    %c0_i32_1 = arith.constant 0 : i32
    return %c0_i32, %c0_i32_0 : i32, i32
  }
  func.func @transform_4(%arg0: i32) -> (i32, i32) {
    %c0_i32 = arith.constant 0 : i32
    %c0_i32_0 = arith.constant 0 : i32
    return %arg0, %c0_i32 : i32, i32
  }
}

</mosaic_0001>

<sc_bundles>
// kernel: kernel.10.cloned.1.call-start
scs
__scs_entry_jumppad:
0x0: {  	(pc) =	sbr.rel $0x88, $3  }
0x1: {  	(tag) =	ssettag $0x0;
	lr =	simm.s32 $0x1  }
0x2: {  	[smem:$0x3F99] =	sst lr;
	_ =	strace $0xD0000000  }
0x3: {  	_ = 	snop  }
0x4: {  	_ = 	snop  }
0x5: {  	_ = 	snop  }
0x6: {  	_ = 	snop  }
0x7: {  	_ = 	snop  }
__scs_overlays_trampoline_lowered:
0x8: {  	[smem:$0x3FA8] =	sst s0  }
0x9: {  	[smem:$0x3FA9] =	sst s1  }
0xa: {  	[smem:$0x3FAA] =	sst s2  }
0xb: {  	[smem:$0x3FAB] =	sst s3  }
0xc: {  	[smem:$0x3FAC] =	sst s4  }
0xd: {  	[smem:$0x3FAD] =	sst s5  }
0xe: {  	[smem:$0x3FAE] =	sst s6  }
0xf: {  	[smem:$0x3FAF] =	sst s7  }
0x10: {  	[smem:$0x3FB0] =	sst s8  }
0x11: {  	[smem:$0x3FB1] =	sst s9;
	s0 =	simm.s32 @!p0 $0x0  }
0x12: {  	s1 =	sld [smem:$0x3F97];
	s0 =	simm.s32 @p0 $0x1  }
0x13: {  	[smem:$0x3FB2] =	sst s0;
	s0 =	simm.s32 @!p1 $0x0  }
0x14: {  	s2 =	sld [smem:$0x3F96];
	s0 =	simm.s32 @p1 $0x1  }
0x15: {  	[smem:$0x3FB3] =	sst s0;
	s0 =	simm.s32 @!p2 $0x0  }
0x16: {  	s3 =	sld [smem:$0x3FDB];
	s0 =	simm.s32 @p2 $0x1  }
0x17: {  	s4 =	simm.s32 $0x1BF5;
	[smem:$0x3FB5] =	sst s0  }
0x18: {  	s0 =	sld [smem:$0x3F98];
	_ =	swait.ge [sflag:s4], $0x0  }
0x19: {  	s7 =	sld [smem:$0x3F99]  }
0x1a: {  	s8 =	sadd.s32 $0xFFFFE003, lr  }
0x1b: {  	s9 =	sadd.s32 $0xFFFFFEF7, lr;
	s5 =	simm.s32 $0xFFFFFFFF;
	p2 =	slt.u32 s8, $0xFFFFF086  }
0x1c: {  	p1 =	slt.u32 s9, $0xF7A;
	s5 =	simm.s32 @!p2 $0x0  }
0x1d: {  	s5 =	simm.s32 @p1 $0x1;
	p0 =	seq.s32 s7, s2  }
0x1e: {  	s7 =	smul.u32 @!p0 $0xF7A, s2;
	p2 =	seq.s32 @!p0 s5, $0x0  }
0x1f: {  	s9 =	smul.u32 $0xF7A, s1;
	s8 =	simm.s32 @!p0 $0x1BF5;
	p2 =	por !p2, p0  }
0x20: {  	[sflag:s8] =	ssyncset.s32 @!p0 $0xFFFFF086;
	s6 =	sadd.s32 @!p0 s3, s7;
	s7 =	simm.s32 @!p0 $0x108  }
0x21: {  	s3 =	sadd.s32 s3, s9;
	s6 =	sadd.s32 @!p0 $0x88, s6;
	s7 =	simm.s32 @p2 $0x1082  }
0x22: {  	[simem:s7], [sflag:s8] =	dma.local @!p0 [hbm:s6], $0xF7A  }
0x23: {  	s9 =	sor.u32 $0xD0000000, s2;
	s6 =	simm.s32 $0x108;
	_ =	swait.ge @!p0 [sflag:s8], $0x0  }
0x24: {  	s3 =	sadd.s32 $0x88, s3;
	s6 =	simm.s32 @!p1 $0x1082;
	[sflag:s4] =	ssyncset.s32 $0xFFFFF086  }
0x25: {  	[simem:s6], [sflag:s4] =	dma.local [hbm:s3], $0xF7A  }
0x26: {  	[smem:$0x3F99] =	sst s1;
	(tag) =	ssettag s2;
	_ =	strace s9  }
0x27: {  	s1 =	sld [smem:$0x3FA9]  }
0x28: {  	s2 =	sld [smem:$0x3FAA]  }
0x29: {  	s4 =	sld [smem:$0x3FAC]  }
0x2a: {  	p0 =	seq.s32 s5, $0x0;
	s5 =	sld [smem:$0x3FAD]  }
0x2b: {  	s6 =	sld [smem:$0x3FAE]  }
0x2c: {  	s7 =	sld [smem:$0x3FAF]  }
0x2d: {  	s3 =	simm.s32 $0x108;
	s8 =	sld [smem:$0x3FB0]  }
0x2e: {  	s3 =	simm.s32 @!p0 $0x1082;
	s9 =	sld [smem:$0x3FB1]  }
0x2f: {  	lr =	sadd.s32 s0, s3;
	s0 =	sld [smem:$0x3FA8]  }
0x30: {  	s3 =	sld [smem:$0x3FAB]  }
0x31: {  	[smem:$0x3FB4] =	sst s10  }
0x32: {  	s10 =	sld [smem:$0x3FB2];
	_ =	sdelay $0x3  }
0x33: {  	p0 =	seq.s32 s10, $0x1;
	s10 =	sld [smem:$0x3FB4];
	_ =	sdelay $0x3  }
0x34: {  	[smem:$0x3FB4] =	sst s10  }
0x35: {  	s10 =	sld [smem:$0x3FB3];
	_ =	sdelay $0x3  }
0x36: {  	p1 =	seq.s32 s10, $0x1;
	s10 =	sld [smem:$0x3FB4];
	_ =	sdelay $0x3  }
0x37: {  	[smem:$0x3FB4] =	sst s10  }
0x38: {  	s10 =	sld [smem:$0x3FB5]  }
0x39: {  	_ = 	snop;
	(pc) =	sbr.ind lr, $3  }
0x3a: {  	_ = 	snop  }
0x3b: {  	_ = 	snop  }
0x3c: {  	p2 =	seq.s32 s10, $0x1;
	s10 =	sld [smem:$0x3FB4]  }
0x3d: {  	_ =	shalt  }
0x3e: {  	_ =	shalt  }
0x3f: {  	_ =	shalt  }
0x40: {  	_ =	shalt  }
0x41: {  	_ =	shalt  }
0x42: {  	_ =	shalt  }
0x43: {  	_ =	shalt  }
0x44: {  	_ =	shalt  }
0x45: {  	_ =	shalt  }
0x46: {  	_ =	shalt  }
0x47: {  	_ =	shalt  }
0x48: {  	_ =	shalt  }
0x49: {  	_ =	shalt  }
0x4a: {  	_ =	shalt  }
0x4b: {  	_ =	shalt  }
0x4c: {  	_ =	shalt  }
0x4d: {  	_ =	shalt  }
0x4e: {  	_ =	shalt  }
0x4f: {  	_ =	shalt  }
0x50: {  	_ =	shalt  }
0x51: {  	_ =	shalt  }
0x52: {  	_ =	shalt  }
0x53: {  	_ =	shalt  }
0x54: {  	_ =	shalt  }
0x55: {  	_ =	shalt  }
0x56: {  	_ =	shalt  }
0x57: {  	_ =	shalt  }
0x58: {  	_ =	shalt  }
0x59: {  	_ =	shalt  }
0x5a: {  	_ =	shalt  }
0x5b: {  	_ =	shalt  }
0x5c: {  	_ =	shalt  }
0x5d: {  	_ =	shalt  }
0x5e: {  	_ =	shalt  }
0x5f: {  	_ =	shalt  }
0x60: {  	_ =	shalt  }
0x61: {  	_ =	shalt  }
0x62: {  	_ =	shalt  }
0x63: {  	_ =	shalt  }
0x64: {  	_ =	shalt  }
0x65: {  	_ =	shalt  }
0x66: {  	_ =	shalt  }
0x67: {  	_ =	shalt  }
0x68: {  	_ =	shalt  }
0x69: {  	_ =	shalt  }
0x6a: {  	_ =	shalt  }
0x6b: {  	_ =	shalt  }
0x6c: {  	_ =	shalt  }
0x6d: {  	_ =	shalt  }
0x6e: {  	_ =	shalt  }
0x6f: {  	_ =	shalt  }
0x70: {  	_ =	shalt  }
0x71: {  	_ =	shalt  }
0x72: {  	_ =	shalt  }
0x73: {  	_ =	shalt  }
0x74: {  	_ =	shalt  }
0x75: {  	_ =	shalt  }
0x76: {  	_ =	shalt  }
0x77: {  	_ =	shalt  }
0x78: {  	_ =	shalt  }
0x79: {  	_ =	shalt  }
0x7a: {  	_ =	shalt  }
0x7b: {  	_ =	shalt  }
0x7c: {  	_ =	shalt  }
0x7d: {  	_ =	shalt  }
0x7e: {  	_ =	shalt  }
0x7f: {  	_ =	shalt  }
0x80: {  	_ =	shalt  }
0x81: {  	_ =	shalt  }
0x82: {  	_ =	shalt  }
0x83: {  	_ =	shalt  }
0x84: {  	_ =	shalt  }
0x85: {  	_ =	shalt  }
0x86: {  	_ =	shalt  }
0x87: {  	_ =	shalt  }
.Lfunc_end0:
.L_simem_size_0:
called_computation_lowered:
.L_overlay_start_0:
0x88: {  	s2 =	sld [smem:$0x3FD9]  }
0x89: {  	s3 =	sld [smem:$0x3FFE];
	_ =	sdelay $0x1  }
0x8a: {  	s1 =	srdreg.scid  }
0x8b: {  	s0 =	sand.u32 $0x1, s1  }
0x8c: {  	s17 =	sshll.u32 s0, $0xA;
	s2 =	sadd.s32 s3, s2  }
0x8d: {  	s2 =	sadd.s32 s2, s17  }
0x8e: {  	[smem:$0x3FC0] =	sst s2  }
0x8f: {  	_ = 	snop  }
0x90: {  	s2 =	sld [smem:$0x3FD0];
	(tm) =	ssettm $0x1  }
0x91: {  	s18 =	sld [smem:$0x3FFB];
	_ =	sdelay $0x3  }
0x92: {  	_ =	strace s18  }
0x93: {  	s3 =	sld [smem:$0x3FFC];
	_ =	sdelay $0x3  }
0x94: {  	_ =	strace s3  }
0x95: {  	s3 =	sld [smem:$0x3FFD];
	_ =	sdelay $0x3  }
0x96: {  	_ =	strace s3  }
0x97: {  	_ =	strace $0x8FFFFFFF  }
0x98: {  	s19 =	sld [smem:$0x3FDB];
	_ =	sdelay $0x1  }
0x99: {  	s4 =	simm.s32 $_scs_section_size  }
0x9a: {  	s5 =	simm.s32 $_size__tile_overlayer_lowered;
	s6 =	simm.s32 $_tile_overlayer_lowered  }
0x9b: {  	s22 =	simm.s32 $0x1BFF;
	s21 =	sshll.u32 s6, $0x1;
	s3 =	sadd.s32 s4, s19  }
0x9c: {  	s7 =	simm.s32 $0x0;
	s20 =	sshll.u32 s5, $0x1;
	s5 =	sadd.s32 s21, s3  }
0x9d: {  	[timem:s7], [sflag:s22] =	dma.local [hbm:s5], s20  }
0x9e: {  	_ =	swait.ge [sflag:s22], s20  }
0x9f: {  	s4 =	ssub.s32 $0x0, s20;
	[sflag:s22] =	ssyncset.done $0x0  }
0xa0: {  	[sflag:s22] =	ssyncadd.s32 s4;
	_ =	sdelay $0x1  }
0xa1: {  	s23 =	simm.s32 $0x1B8B  }
0xa2: {  	_ =	swait.ge [sflag:s23], $0x1  }
0xa3: {  	[sflag:s23] =	ssyncset.done $0x0  }
0xa4: {  	s25 =	simm.s32 $0x1B8E;
	s24 =	sld [smem:$0x3FFE];
	[sflag:s23] =	ssyncadd.s32 $0xFFFFFFFF  }
0xa5: {  	s26 =	simm.s32 $execute0_lowered;
	[smem:$0x3FD2] =	sst s25  }
0xa6: {  	s5 =	sshll.u32 s26, $0x1;
	_ =	strace $0x80000046;
	[dreg:$0x1] =	wrdreg $0xFFFFFFFF  }
0xa7: {  	s28 =	simm.s32 $_size_execute0_lowered;
	s3 =	sadd.s32 s3, s5;
	[dreg:$0x0] =	wrdreg $0x0  }
0xa8: {  	s5 =	sshll.u32 s28, $0x1;
	[dreg:$0x2] =	wrdreg s3  }
0xa9: {  	[dreg:$0x3] =	wrdreg s5  }
0xaa: {  	[dreg:$0x4] =	wrdreg $0xC0  }
0xab: {  	_ =	task [dreg:s7], $0x5FFFF  }
0xac: {  	[dreg:$0x1] =	wrdreg $0xFFFFFFFF  }
0xad: {  	[dreg:$0x0] =	wrdreg $0x60  }
0xae: {  	[dreg:$0x2] =	wrdreg s24  }
0xaf: {  	[dreg:$0x3] =	wrdreg s2  }
0xb0: {  	[dreg:$0x4] =	wrdreg $0x30000  }
0xb1: {  	[dreg:$0x5] =	wrdreg $0x9  }
0xb2: {  	_ =	task.clear_ibuf [dreg:s7], $0x6FFFF;
	_ =	strace $0x90000046  }
0xb3: {  	s29 =	simm.s32 $0x9;
	_ =	strace $0x80000048  }
0xb4: {  	_ =	swait.ge [sflag:s29], $0x1  }
0xb5: {  	[sflag:s29] =	ssyncadd.s32 $0xFFFFFFFF  }
0xb6: {  	_ =	strace $0x90000048  }
0xb7: {  	_ =	sfence  }
0xb8: {  	s30 =	sld [smem:$0x0];
	_ =	sdelay $0x2  }
0xb9: {  	s31 =	sshll.u32 s1, $0xD;
	s1 =	sshrl.u32 s1, $0x2  }
0xba: {  	s3 =	sand.u32 $0x4000, s31;
	s1 =	sadd.s32 s1, s30  }
0xbb: {  	s0 =	sor.u32 s3, s0;
	s1 =	sshll.u32 s1, $0x11  }
0xbc: {  	s0 =	sor.u32 s1, s0  }
0xbd: {  	s0 =	sadd.s32 $0x8F2B, s0  }
0xbe: {  	[sflag:s0] =	ssyncadd.remote.s32 $0x1  }
0xbf: {  	_ =	sfence.sel $0xFFFF  }
0xc0: {  	[dreg:$0x0] =	wrdreg $0xFFFFFFFF;
	(pc) =	sbr.abs _section_cstart, $3  }
0xc1: {  	[dreg:$0x1] =	wrdreg $0xFFFFFFFF  }
0xc2: {  	_ =	task.clear_ibuf [dreg:s7], $0x2FFFF;
	_ =	strace $0x9FFFFFFF  }
0xc3: {  	(tm) =	ssettm $0x7FFFFFFF  }
tec
execute0_lowered:
.L_overlay_start_1:
0x0: {  	(tag) =	ssettag $0x1  }
0x1: {  	s5 =	rddreg [dreg:$0x0]  }
0x2: {  	s8 =	rddreg [dreg:$0x1]  }
0x3: {  	s0 =	srdreg.scid;
	s2 =	rddreg [dreg:$0x2]  }
0x4: {  	s3 =	simm.s32 $0x0;
	s13 =	simm.s32 $0x80;
	s14 =	simm.s32 $0x0  }
0x5: {  	s4 =	sand.u32 $0x1, s0;
	s0 =	stileid.u32;
	[smem:$0x7FF] =	sst s3  }
0x6: {  	s1 =	sshll.u32 s4, $0x4;
	s7 =	smul.u32 $0x2800, s0;
	s9 =	ssub.s32 $0x2, s4  }
0x7: {  	s10 =	smul.u32 $0x28000, s4;
	s4 =	sadd.s32 $0xC200, s5;
	s31 =	sshll.u32 s0, $0x6  }
0x8: {  	s6 =	sor.u32 s0, s1;
	s1 =	rddreg [dreg:$0x3];
	_ =	strace $0x80000047  }
0x9: {  	s28 =	sshrl.u32 s9, $0x1;
	s6 =	smul.u32 $0x500, s6;
	s29 =	sadd.s32 s7, s10  }
0xa: {  	s9 =	ssub.s32 s9, s28;
	s30 =	sadd.s32 s7, s2;
	s12 =	sshrl.u32 s29, $0x3  }
0xb: {  	s9 =	smax.u32 s9, $0x1;
	s10 =	sshrl.u32 s30, $0x3;
	s11 =	sadd.s32 s6, s5  }
0xc: {  	s5 =	sadd.s32 $0xC400, s5;
	s6 =	sor.u32 $0x1C01, s31;
	s8 =	sadd.s32 s8, s12  }
0xd: {  	s12 =	simm.s32 $0x2800;
	s7 =	sadd.s32 $0x2200, s11;
	s11 =	simm.s32 $0x1  }
.LBB2_1:
0xe: {  	[spmem:s10], [sflag:s6] =	dma.local [hbm:s5], $0x500  }
0xf: {  	_ =	swait.ge [sflag:s11], $0x500  }
0x10: {  	[sflag:s11] =	ssyncset.done $0x0  }
0x11: {  	[sflag:s11] =	ssyncadd.s32 $0xFFFFFB00  }
0x12: {  	[tilespmem:s12], [sflag:$0x1] =	stream.linear.gather [hbm4b:s4+s3], $0x800, $0x38;
	[tilespmem:$0x5800] =	vst v63  }
0x13: {  	_ =	swait.ge [sflag:s11], $0x800  }
0x14: {  	[sflag:s11] =	ssyncset.done $0x0  }
0x15: {  	[sflag:s11] =	ssyncadd.s32 $0xFFFFF800  }
0x16: {  	[tilespmem:s3], [sflag:$0x1] =	stream.linear.gather [hbm4b:s7+s3], $0x2800, $0x38;
	[tilespmem:$0x5800] =	vst v63  }
0x17: {  	_ =	swait.ge [sflag:s11], $0x2800  }
0x18: {  	[sflag:s11] =	ssyncset.done $0x0  }
0x19: {  	[sflag:s11] =	ssyncadd.s32 $0xFFFFD800  }
0x1a: {  	s15 =	simm.s32 $0x0;
	[bflag:$0x0] =	sbarrier.arrive $0xFFFF  }
0x1b: {  	[spmem:s2] =	stream.indirect.scatter.add.f32 [tilespmem:s12], [sflag:$0x1], $0x10, s15, s13, $0xb8;
	[tilespmem:$0x5800] =	vst v63  }
0x1c: {  	_ =	swait.ge [sflag:s11], $0x800  }
0x1d: {  	s15 =	simm.s32 $0x200;
	[sflag:s11] =	ssyncset.done $0x0  }
.LBB2_2:
0x1e: {  	s16 =	sshra.s32 s15, $0x2;
	[sflag:s11] =	ssyncadd.s32 $0xFFFFF800;
	p0 =	sne.s32 s15, $0x9E00  }
0x1f: {  	[spmem:s2] =	stream.indirect.scatter.add.f32 [tilespmem:s12], [sflag:$0x1], $0x10, s16, s13, $0xb8;
	[tilespmem:$0x5800] =	vst v63  }
.Ltmp0:
0x20: {  	_ = 	snop;
	(pc) =	sbr.rel @p0 .LBB2_2-.Ltmp0, $4  }
0x21: {  	_ = 	snop  }
0x22: {  	s15 =	sadd.s32 $0x200, s15  }
0x23: {  	_ =	swait.ge [sflag:s11], $0x800  }
0x24: {  	[sflag:s11] =	ssyncset.done $0x0  }
0x25: {  	s14 =	sadd.s32 $0x1, s14  }
0x26: {  	[sflag:s11] =	ssyncadd.s32 $0xFFFFF800;
	p0 =	sne.s32 s14, s9  }
.Ltmp1:
0x27: {  	[bflag:$0x0] =	sbarrier.arrive $0xFFFF;
	(pc) =	sbr.rel @p0 .LBB2_1-.Ltmp1, $4  }
0x28: {  	[hbm:s8], [sflag:s6] =	dma.local [spmem:s10], $0x500  }
0x29: {  	_ =	swait.ge [sflag:s11], $0x500  }
0x2a: {  	[sflag:s11] =	ssyncset.done $0x0  }
0x2b: {  	[sflag:s11] =	ssyncadd.s32 $0xFFFFFB00  }
0x2c: {  	_ =	sfence.sel $0x180000  }
0x2d: {  	[bflag:$0x0] =	sbarrier.arrive $0xFFFF  }
0x2e: {  	p0 =	sne.s32 s0, $0x0;
	_ =	strace $0x90000047  }
0x2f: {  	s0 =	sadd.s32 @!p0 $0x100000, s1;
	[bflag:$0x2] =	sbarrier.arrive $0xFFFF  }
0x30: {  	[sflag:s0] =	ssyncadd.tile.s32 @!p0 $0x1;
	_ =	shalt  }
.Lfunc_end2:
_tile_overlayer_lowered:
.L_overlay_start_2:
0x31: {  	(tag) =	ssettag $0x2  }
0x32: {  	s0 =	rddreg [dreg:$0x0];
	s2 =	stileid.u32  }
0x33: {  	s1 =	rddreg [dreg:$0x1];
	p0 =	sne.s32 s2, $0x0  }
0x34: {  	s3 =	rddreg [dreg:$0x2];
	[bflag:$0x3] =	sbarrier.arrive $0xFFFF;
	s2 =	simm.s32 @!p0 $0x1C01  }
0x35: {  	[timem:s3], [sflag:s2] =	dma.local @!p0 [hbm:s0], s1  }
0x36: {  	s0 =	simm.s32 @!p0 $0x1  }
0x37: {  	_ =	swait.ge @!p0 [sflag:s0], s1  }
0x38: {  	s1 =	ssub.s32 @!p0 $0x0, s1;
	[sflag:s0] =	ssyncset.done @!p0 $0x0  }
0x39: {  	[sflag:s0] =	ssyncadd.s32 @!p0 s1  }
0x3a: {  	[bflag:$0x3] =	sbarrier.arrive $0xFFFF  }
0x3b: {  	_ =	shalt  }

// kernel: kernel.13.cloned.1.call-start
scs
__scs_entry_jumppad:
0x0: {  	(pc) =	sbr.rel $0x88, $3  }
0x1: {  	(tag) =	ssettag $0x0;
	lr =	simm.s32 $0x1  }
0x2: {  	[smem:$0x3F99] =	sst lr;
	_ =	strace $0xD0000000  }
0x3: {  	_ = 	snop  }
0x4: {  	_ = 	snop  }
0x5: {  	_ = 	snop  }
0x6: {  	_ = 	snop  }
0x7: {  	_ = 	snop  }
__scs_overlays_trampoline_lowered:
0x8: {  	[smem:$0x3FA8] =	sst s0  }
0x9: {  	[smem:$0x3FA9] =	sst s1  }
0xa: {  	[smem:$0x3FAA] =	sst s2  }
0xb: {  	[smem:$0x3FAB] =	sst s3  }
0xc: {  	[smem:$0x3FAC] =	sst s4  }
0xd: {  	[smem:$0x3FAD] =	sst s5  }
0xe: {  	[smem:$0x3FAE] =	sst s6  }
0xf: {  	[smem:$0x3FAF] =	sst s7  }
0x10: {  	[smem:$0x3FB0] =	sst s8  }
0x11: {  	[smem:$0x3FB1] =	sst s9;
	s0 =	simm.s32 @!p0 $0x0  }
0x12: {  	s1 =	sld [smem:$0x3F97];
	s0 =	simm.s32 @p0 $0x1  }
0x13: {  	[smem:$0x3FB2] =	sst s0;
	s0 =	simm.s32 @!p1 $0x0  }
0x14: {  	s2 =	sld [smem:$0x3F96];
	s0 =	simm.s32 @p1 $0x1  }
0x15: {  	[smem:$0x3FB3] =	sst s0;
	s0 =	simm.s32 @!p2 $0x0  }
0x16: {  	s3 =	sld [smem:$0x3FDB];
	s0 =	simm.s32 @p2 $0x1  }
0x17: {  	s4 =	simm.s32 $0x1BF5;
	[smem:$0x3FB5] =	sst s0  }
0x18: {  	s0 =	sld [smem:$0x3F98];
	_ =	swait.ge [sflag:s4], $0x0  }
0x19: {  	s7 =	sld [smem:$0x3F99]  }
0x1a: {  	s8 =	sadd.s32 $0xFFFFE003, lr  }
0x1b: {  	s9 =	sadd.s32 $0xFFFFFEF7, lr;
	s5 =	simm.s32 $0xFFFFFFFF;
	p2 =	slt.u32 s8, $0xFFFFF086  }
0x1c: {  	p1 =	slt.u32 s9, $0xF7A;
	s5 =	simm.s32 @!p2 $0x0  }
0x1d: {  	s5 =	simm.s32 @p1 $0x1;
	p0 =	seq.s32 s7, s2  }
0x1e: {  	s7 =	smul.u32 @!p0 $0xF7A, s2;
	p2 =	seq.s32 @!p0 s5, $0x0  }
0x1f: {  	s9 =	smul.u32 $0xF7A, s1;
	s8 =	simm.s32 @!p0 $0x1BF5;
	p2 =	por !p2, p0  }
0x20: {  	[sflag:s8] =	ssyncset.s32 @!p0 $0xFFFFF086;
	s6 =	sadd.s32 @!p0 s3, s7;
	s7 =	simm.s32 @!p0 $0x108  }
0x21: {  	s3 =	sadd.s32 s3, s9;
	s6 =	sadd.s32 @!p0 $0x88, s6;
	s7 =	simm.s32 @p2 $0x1082  }
0x22: {  	[simem:s7], [sflag:s8] =	dma.local @!p0 [hbm:s6], $0xF7A  }
0x23: {  	s9 =	sor.u32 $0xD0000000, s2;
	s6 =	simm.s32 $0x108;
	_ =	swait.ge @!p0 [sflag:s8], $0x0  }
0x24: {  	s3 =	sadd.s32 $0x88, s3;
	s6 =	simm.s32 @!p1 $0x1082;
	[sflag:s4] =	ssyncset.s32 $0xFFFFF086  }
0x25: {  	[simem:s6], [sflag:s4] =	dma.local [hbm:s3], $0xF7A  }
0x26: {  	[smem:$0x3F99] =	sst s1;
	(tag) =	ssettag s2;
	_ =	strace s9  }
0x27: {  	s1 =	sld [smem:$0x3FA9]  }
0x28: {  	s2 =	sld [smem:$0x3FAA]  }
0x29: {  	s4 =	sld [smem:$0x3FAC]  }
0x2a: {  	p0 =	seq.s32 s5, $0x0;
	s5 =	sld [smem:$0x3FAD]  }
0x2b: {  	s6 =	sld [smem:$0x3FAE]  }
0x2c: {  	s7 =	sld [smem:$0x3FAF]  }
0x2d: {  	s3 =	simm.s32 $0x108;
	s8 =	sld [smem:$0x3FB0]  }
0x2e: {  	s3 =	simm.s32 @!p0 $0x1082;
	s9 =	sld [smem:$0x3FB1]  }
0x2f: {  	lr =	sadd.s32 s0, s3;
	s0 =	sld [smem:$0x3FA8]  }
0x30: {  	s3 =	sld [smem:$0x3FAB]  }
0x31: {  	[smem:$0x3FB4] =	sst s10  }
0x32: {  	s10 =	sld [smem:$0x3FB2];
	_ =	sdelay $0x3  }
0x33: {  	p0 =	seq.s32 s10, $0x1;
	s10 =	sld [smem:$0x3FB4];
	_ =	sdelay $0x3  }
0x34: {  	[smem:$0x3FB4] =	sst s10  }
0x35: {  	s10 =	sld [smem:$0x3FB3];
	_ =	sdelay $0x3  }
0x36: {  	p1 =	seq.s32 s10, $0x1;
	s10 =	sld [smem:$0x3FB4];
	_ =	sdelay $0x3  }
0x37: {  	[smem:$0x3FB4] =	sst s10  }
0x38: {  	s10 =	sld [smem:$0x3FB5]  }
0x39: {  	_ = 	snop;
	(pc) =	sbr.ind lr, $3  }
0x3a: {  	_ = 	snop  }
0x3b: {  	_ = 	snop  }
0x3c: {  	p2 =	seq.s32 s10, $0x1;
	s10 =	sld [smem:$0x3FB4]  }
0x3d: {  	_ =	shalt  }
0x3e: {  	_ =	shalt  }
0x3f: {  	_ =	shalt  }
0x40: {  	_ =	shalt  }
0x41: {  	_ =	shalt  }
0x42: {  	_ =	shalt  }
0x43: {  	_ =	shalt  }
0x44: {  	_ =	shalt  }
0x45: {  	_ =	shalt  }
0x46: {  	_ =	shalt  }
0x47: {  	_ =	shalt  }
0x48: {  	_ =	shalt  }
0x49: {  	_ =	shalt  }
0x4a: {  	_ =	shalt  }
0x4b: {  	_ =	shalt  }
0x4c: {  	_ =	shalt  }
0x4d: {  	_ =	shalt  }
0x4e: {  	_ =	shalt  }
0x4f: {  	_ =	shalt  }
0x50: {  	_ =	shalt  }
0x51: {  	_ =	shalt  }
0x52: {  	_ =	shalt  }
0x53: {  	_ =	shalt  }
0x54: {  	_ =	shalt  }
0x55: {  	_ =	shalt  }
0x56: {  	_ =	shalt  }
0x57: {  	_ =	shalt  }
0x58: {  	_ =	shalt  }
0x59: {  	_ =	shalt  }
0x5a: {  	_ =	shalt  }
0x5b: {  	_ =	shalt  }
0x5c: {  	_ =	shalt  }
0x5d: {  	_ =	shalt  }
0x5e: {  	_ =	shalt  }
0x5f: {  	_ =	shalt  }
0x60: {  	_ =	shalt  }
0x61: {  	_ =	shalt  }
0x62: {  	_ =	shalt  }
0x63: {  	_ =	shalt  }
0x64: {  	_ =	shalt  }
0x65: {  	_ =	shalt  }
0x66: {  	_ =	shalt  }
0x67: {  	_ =	shalt  }
0x68: {  	_ =	shalt  }
0x69: {  	_ =	shalt  }
0x6a: {  	_ =	shalt  }
0x6b: {  	_ =	shalt  }
0x6c: {  	_ =	shalt  }
0x6d: {  	_ =	shalt  }
0x6e: {  	_ =	shalt  }
0x6f: {  	_ =	shalt  }
0x70: {  	_ =	shalt  }
0x71: {  	_ =	shalt  }
0x72: {  	_ =	shalt  }
0x73: {  	_ =	shalt  }
0x74: {  	_ =	shalt  }
0x75: {  	_ =	shalt  }
0x76: {  	_ =	shalt  }
0x77: {  	_ =	shalt  }
0x78: {  	_ =	shalt  }
0x79: {  	_ =	shalt  }
0x7a: {  	_ =	shalt  }
0x7b: {  	_ =	shalt  }
0x7c: {  	_ =	shalt  }
0x7d: {  	_ =	shalt  }
0x7e: {  	_ =	shalt  }
0x7f: {  	_ =	shalt  }
0x80: {  	_ =	shalt  }
0x81: {  	_ =	shalt  }
0x82: {  	_ =	shalt  }
0x83: {  	_ =	shalt  }
0x84: {  	_ =	shalt  }
0x85: {  	_ =	shalt  }
0x86: {  	_ =	shalt  }
0x87: {  	_ =	shalt  }
.Lfunc_end0:
.L_simem_size_0:
called_computation.1_lowered:
.L_overlay_start_0:
0x88: {  	s2 =	sld [smem:$0x3FD9]  }
0x89: {  	s3 =	sld [smem:$0x3FFE];
	_ =	sdelay $0x1  }
0x8a: {  	s1 =	srdreg.scid  }
0x8b: {  	s0 =	sand.u32 $0x1, s1  }
0x8c: {  	s17 =	sshll.u32 s0, $0xA;
	s2 =	sadd.s32 s3, s2  }
0x8d: {  	s2 =	sadd.s32 s2, s17  }
0x8e: {  	[smem:$0x3FC0] =	sst s2  }
0x8f: {  	_ = 	snop  }
0x90: {  	s2 =	sld [smem:$0x3FD0];
	(tm) =	ssettm $0x1  }
0x91: {  	s18 =	sld [smem:$0x3FFB];
	_ =	sdelay $0x3  }
0x92: {  	_ =	strace s18  }
0x93: {  	s3 =	sld [smem:$0x3FFC];
	_ =	sdelay $0x3  }
0x94: {  	_ =	strace s3  }
0x95: {  	s3 =	sld [smem:$0x3FFD];
	_ =	sdelay $0x3  }
0x96: {  	_ =	strace s3  }
0x97: {  	_ =	strace $0x8FFFFFFF  }
0x98: {  	s19 =	sld [smem:$0x3FDB];
	_ =	sdelay $0x1  }
0x99: {  	s4 =	simm.s32 $_scs_section_size  }
0x9a: {  	s5 =	simm.s32 $_size__tile_overlayer_lowered;
	s6 =	simm.s32 $_tile_overlayer_lowered  }
0x9b: {  	s22 =	simm.s32 $0x1BFF;
	s21 =	sshll.u32 s6, $0x1;
	s3 =	sadd.s32 s4, s19  }
0x9c: {  	s7 =	simm.s32 $0x0;
	s20 =	sshll.u32 s5, $0x1;
	s5 =	sadd.s32 s21, s3  }
0x9d: {  	[timem:s7], [sflag:s22] =	dma.local [hbm:s5], s20  }
0x9e: {  	_ =	swait.ge [sflag:s22], s20  }
0x9f: {  	s4 =	ssub.s32 $0x0, s20;
	[sflag:s22] =	ssyncset.done $0x0  }
0xa0: {  	[sflag:s22] =	ssyncadd.s32 s4;
	_ =	sdelay $0x1  }
0xa1: {  	s23 =	simm.s32 $0x1B8B  }
0xa2: {  	_ =	swait.ge [sflag:s23], $0x1  }
0xa3: {  	[sflag:s23] =	ssyncset.done $0x0  }
0xa4: {  	s25 =	simm.s32 $0x1B8E;
	s24 =	sld [smem:$0x3FFE];
	[sflag:s23] =	ssyncadd.s32 $0xFFFFFFFF  }
0xa5: {  	s26 =	simm.s32 $execute0_lowered;
	[smem:$0x3FD2] =	sst s25  }
0xa6: {  	s5 =	sshll.u32 s26, $0x1;
	_ =	strace $0x80000049;
	[dreg:$0x1] =	wrdreg $0xFFFFFFFF  }
0xa7: {  	s28 =	simm.s32 $_size_execute0_lowered;
	s3 =	sadd.s32 s3, s5;
	[dreg:$0x0] =	wrdreg $0x0  }
0xa8: {  	s5 =	sshll.u32 s28, $0x1;
	[dreg:$0x2] =	wrdreg s3  }
0xa9: {  	[dreg:$0x3] =	wrdreg s5  }
0xaa: {  	[dreg:$0x4] =	wrdreg $0xC0  }
0xab: {  	_ =	task [dreg:s7], $0x5FFFF  }
0xac: {  	[dreg:$0x1] =	wrdreg $0xFFFFFFFF  }
0xad: {  	[dreg:$0x0] =	wrdreg $0x60  }
0xae: {  	[dreg:$0x2] =	wrdreg s2  }
0xaf: {  	[dreg:$0x3] =	wrdreg s24  }
0xb0: {  	[dreg:$0x4] =	wrdreg $0x120400  }
0xb1: {  	[dreg:$0x5] =	wrdreg $0x84000  }
0xb2: {  	[dreg:$0x6] =	wrdreg $0x9  }
0xb3: {  	_ =	task.clear_ibuf [dreg:s7], $0x7FFFF;
	_ =	strace $0x90000049  }
0xb4: {  	s29 =	simm.s32 $0x9;
	_ =	strace $0x8000004B  }
0xb5: {  	_ =	swait.ge [sflag:s29], $0x1  }
0xb6: {  	[sflag:s29] =	ssyncadd.s32 $0xFFFFFFFF  }
0xb7: {  	_ =	strace $0x9000004B  }
0xb8: {  	_ =	sfence  }
0xb9: {  	s30 =	sld [smem:$0x0];
	_ =	sdelay $0x2  }
0xba: {  	s31 =	sshll.u32 s1, $0xD;
	s1 =	sshrl.u32 s1, $0x2  }
0xbb: {  	s3 =	sand.u32 $0x4000, s31;
	s1 =	sadd.s32 s1, s30  }
0xbc: {  	s0 =	sor.u32 s3, s0;
	s1 =	sshll.u32 s1, $0x11  }
0xbd: {  	s0 =	sor.u32 s1, s0  }
0xbe: {  	s0 =	sadd.s32 $0x8F2B, s0  }
0xbf: {  	[sflag:s0] =	ssyncadd.remote.s32 $0x1  }
0xc0: {  	_ =	sfence.sel $0xFFFF  }
0xc1: {  	[dreg:$0x0] =	wrdreg $0xFFFFFFFF;
	(pc) =	sbr.abs _section_cstart, $3  }
0xc2: {  	[dreg:$0x1] =	wrdreg $0xFFFFFFFF  }
0xc3: {  	_ =	task.clear_ibuf [dreg:s7], $0x2FFFF;
	_ =	strace $0x9FFFFFFF  }
0xc4: {  	(tm) =	ssettm $0x7FFFFFFF  }
0xc5: {  	_ =	shalt  }
tec
execute0_lowered:
.L_overlay_start_1:
0x0: {  	(tag) =	ssettag $0x1  }
0x1: {  	s0 =	rddreg [dreg:$0x0]  }
0x2: {  	s1 =	rddreg [dreg:$0x1]  }
0x3: {  	s2 =	rddreg [dreg:$0x2]  }
0x4: {  	s3 =	rddreg [dreg:$0x3];
	s5 =	srdreg.scid  }
0x5: {  	s12 =	stileid.u32;
	s4 =	simm.s32 $0x0;
	s28 =	simm.s32 $0x280  }
0x6: {  	s30 =	simm.s32 $0x380;
	s31 =	simm.s32 $0x1;
	s8 =	smul.u32 $0xA000, s12  }
0x7: {  	s7 =	sand.u32 $0x1, s5;
	[smem:$0x7FF] =	sst s4;
	s11 =	smul.u32 $0x9C40, s12  }
0x8: {  	s5 =	sadd.s32 $0xCA00, s1;
	s6 =	sadd.s32 $0x2200, s1;
	s25 =	smul.u32 $0xA0, s12  }
0x9: {  	s10 =	sadd.s32 $0x64C00, s1;
	s26 =	sshll.u32 s12, $0x6;
	s12 =	smul.u32 $0xA00, s12  }
0xa: {  	s9 =	smul.u32 $0xA0000, s7;
	_ =	strace $0x8000004A;
	[dreg:$0x9] =	wrdreg s10  }
0xb: {  	s23 =	ssub.s32 $0x2, s7;
	s7 =	smul.u32 $0x9C400, s7;
	s21 =	sor.u32 $0x1C0D, s26  }
0xc: {  	s10 =	simm.s32 $0x4400;
	s24 =	sshrl.u32 s23, $0x1;
	s29 =	sadd.s32 s11, s3  }
0xd: {  	s13 =	sor.u32 $0x10, s12;
	s14 =	sadd.s32 s6, s12;
	s16 =	sor.u32 $0x20, s12  }
0xe: {  	s18 =	sor.u32 $0x4, s25;
	s19 =	sor.u32 $0x5, s25;
	[dreg:$0xb] =	wrdreg s21  }
0xf: {  	s20 =	sor.u32 $0x30, s12;
	s22 =	sor.u32 $0x6, s25;
	[dreg:$0xe] =	wrdreg s14  }
0x10: {  	s9 =	sadd.s32 s8, s9;
	s8 =	sadd.s32 s8, s2;
	[dreg:$0x5] =	wrdreg s18  }
0x11: {  	s7 =	sadd.s32 s11, s7;
	s11 =	sadd.s32 s5, s12;
	[dreg:$0x6] =	wrdreg s19  }
0x12: {  	s15 =	sadd.s32 s5, s13;
	s17 =	sadd.s32 s5, s16;
	[dreg:$0x7] =	wrdreg s22  }
0x13: {  	s22 =	simm.s32 $0xD;
	s29 =	sshrl.u32 s29, $0x3;
	[dreg:$0xa] =	wrdreg s8  }
0x14: {  	s12 =	simm.s32 $0x4;
	s14 =	simm.s32 $0x6;
	[dreg:$0xd] =	wrdreg s11  }
0x15: {  	s18 =	simm.s32 $0x8;
	s19 =	simm.s32 $0xB;
	[dreg:$0xf] =	wrdreg s15  }
0x16: {  	s9 =	sshrl.u32 s9, $0x3;
	s7 =	sshrl.u32 s7, $0x3;
	[dreg:$0x11] =	wrdreg s17  }
0x17: {  	[dreg:$0x17] =	wrdreg s29;
	s8 =	simm.s32 $0x3;
	s11 =	simm.s32 $0x5  }
0x18: {  	s15 =	simm.s32 $0x9;
	s17 =	simm.s32 $0xA;
	s0 =	sadd.s32 s0, s7  }
0x19: {  	s1 =	sadd.s32 s9, s1;
	s7 =	sadd.s32 s6, s16;
	[dreg:$0xc] =	wrdreg s0  }
0x1a: {  	s9 =	ssub.s32 s23, s24;
	s23 =	sadd.s32 s5, s20;
	[dreg:$0x12] =	wrdreg s7  }
0x1b: {  	s24 =	sor.u32 $0x7, s25;
	s16 =	simm.s32 $0x7;
	[dreg:$0x13] =	wrdreg s23  }
0x1c: {  	s0 =	sadd.s32 s6, s13;
	s7 =	sadd.s32 s6, s20;
	[dreg:$0x8] =	wrdreg s24  }
0x1d: {  	s25 =	sadd.s32 $0x66000, s1;
	s26 =	smax.u32 s9, $0x1;
	[dreg:$0x10] =	wrdreg s0  }
0x1e: {  	s23 =	simm.s32 $0x80;
	s1 =	simm.s32 $0x2;
	[dreg:$0x14] =	wrdreg s7  }
0x1f: {  	s13 =	simm.s32 $0x6400;
	s20 =	simm.s32 $0xC;
	[dreg:$0x15] =	wrdreg s25  }
0x20: {  	s24 =	simm.s32 $0x0;
	[dreg:$0x16] =	wrdreg s26;
	s0 =	simm.s32 $0x400  }
0x21: {  	s7 =	simm.s32 $0x2400;
	s25 =	simm.s32 $0x100;
	s26 =	simm.s32 $0x180  }
.LBB2_1:
0x22: {  	[dreg:$0x18] =	wrdreg s24  }
0x23: {  	s9 =	rddreg [dreg:$0xa]  }
0x24: {  	s29 =	rddreg [dreg:$0x9];
	s9 =	sshrl.u32 s9, $0x3  }
0x25: {  	[dreg:$0x19] =	wrdreg s9  }
0x26: {  	[spmem:s9], [sflag:s21] =	dma.local [hbm:s29], $0x1400  }
0x27: {  	_ =	swait.ge [sflag:s22], $0x1400  }
0x28: {  	[sflag:s22] =	ssyncset.done $0x0;
	s24 =	rddreg [dreg:$0xc]  }
0x29: {  	s29 =	rddreg [dreg:$0x17];
	[sflag:s22] =	ssyncadd.s32 $0xFFFFEC00  }
0x2a: {  	[spmem:s29], [sflag:s21] =	dma.local [hbm:s24], $0x1388  }
0x2b: {  	_ =	swait.ge [sflag:s22], $0x1388  }
0x2c: {  	[sflag:s22] =	ssyncset.done $0x0  }
0x2d: {  	[sflag:s22] =	ssyncadd.s32 $0xFFFFEC78  }
0x2e: {  	[bflag:$0x0] =	sbarrier.arrive $0xFFFF  }
0x2f: {  	s29 =	rddreg [dreg:$0xd]  }
0x30: {  	[tilespmem:s4], [sflag:$0x1] =	stream.linear.gather [hbm4b:s29+s4], $0x80, $0x38;
	[tilespmem:$0x1C040] =	vst v63  }
0x31: {  	s21 =	rddreg [dreg:$0xe]  }
0x32: {  	[tilespmem:s23], [sflag:$0x1] =	stream.linear.gather [hbm4b:s21+s4], $0x80, $0x38;
	[tilespmem:$0x1C040] =	vst v63  }
0x33: {  	s22 =	rddreg [dreg:$0xf]  }
0x34: {  	[tilespmem:s25], [sflag:$0x2] =	stream.linear.gather [hbm4b:s22+s4], $0x80, $0x38;
	[tilespmem:$0x1C040] =	vst v63  }
0x35: {  	s29 =	rddreg [dreg:$0x10]  }
0x36: {  	[tilespmem:s26], [sflag:$0x2] =	stream.linear.gather [hbm4b:s29+s4], $0x80, $0x38;
	[tilespmem:$0x1C040] =	vst v63  }
0x37: {  	s21 =	rddreg [dreg:$0x11];
	s22 =	simm.s32 $0x200  }
0x38: {  	[tilespmem:s22], [sflag:$0x3] =	stream.linear.gather [hbm4b:s21+s4], $0x80, $0x38;
	[tilespmem:$0x1C040] =	vst v63  }
0x39: {  	s29 =	rddreg [dreg:$0x12]  }
0x3a: {  	[tilespmem:s28], [sflag:$0x3] =	stream.linear.gather [hbm4b:s29+s4], $0x80, $0x38;
	[tilespmem:$0x1C040] =	vst v63  }
0x3b: {  	s24 =	simm.s32 $0x300;
	s21 =	rddreg [dreg:$0x13]  }
0x3c: {  	[tilespmem:s24], [sflag:$0x4] =	stream.linear.gather [hbm4b:s21+s4], $0x80, $0x38;
	[tilespmem:$0x1C040] =	vst v63  }
0x3d: {  	s29 =	rddreg [dreg:$0x14]  }
0x3e: {  	[tilespmem:s30], [sflag:$0x4] =	stream.linear.gather [hbm4b:s29+s4], $0x80, $0x38;
	[tilespmem:$0x1C040] =	vst v63  }
0x3f: {  	_ =	swait.ge [sflag:s31], $0x80  }
0x40: {  	[sflag:s31] =	ssyncset.done $0x0  }
0x41: {  	[sflag:s31] =	ssyncadd.s32 $0xFFFFFF80  }
0x42: {  	_ =	swait.ge [sflag:s31], $0x80  }
0x43: {  	[sflag:s31] =	ssyncset.done $0x0  }
0x44: {  	[sflag:s31] =	ssyncadd.s32 $0xFFFFFF80  }
0x45: {  	[tilespmem:s0], [sflag:$0x5] =	stream.indirect.gather [spmem:s3], $0x40, s4, s23, $0xb8;
	[tilespmem:$0x1C040] =	vst v63  }
0x46: {  	_ =	swait.ge [sflag:s1], $0x80  }
0x47: {  	[sflag:s1] =	ssyncset.done $0x0  }
0x48: {  	[sflag:s1] =	ssyncadd.s32 $0xFFFFFF80  }
0x49: {  	_ =	swait.ge [sflag:s1], $0x80  }
0x4a: {  	[sflag:s1] =	ssyncset.done $0x0  }
0x4b: {  	[sflag:s1] =	ssyncadd.s32 $0xFFFFFF80  }
0x4c: {  	[tilespmem:s7], [sflag:$0x6] =	stream.indirect.gather [spmem:s3], $0x40, s25, s23, $0xb8;
	[tilespmem:$0x1C040] =	vst v63  }
0x4d: {  	_ =	swait.ge [sflag:s8], $0x80  }
0x4e: {  	[sflag:s8] =	ssyncset.done $0x0  }
0x4f: {  	[sflag:s8] =	ssyncadd.s32 $0xFFFFFF80  }
0x50: {  	_ =	swait.ge [sflag:s8], $0x80  }
0x51: {  	[sflag:s8] =	ssyncset.done $0x0  }
0x52: {  	[sflag:s8] =	ssyncadd.s32 $0xFFFFFF80  }
0x53: {  	[tilespmem:s10], [sflag:$0x7] =	stream.indirect.gather [spmem:s3], $0x40, s22, s23, $0xb8;
	[tilespmem:$0x1C040] =	vst v63  }
0x54: {  	_ =	swait.ge [sflag:s11], $0x2000  }
0x55: {  	[sflag:s11] =	ssyncset.done $0x0  }
0x56: {  	[sflag:s11] =	ssyncadd.s32 $0xFFFFE000  }
0x57: {  	[spmem:s2] =	stream.indirect.scatter.add.f32 [tilespmem:s0], [sflag:$0x9], $0x40, s23, s23, $0xb8;
	[tilespmem:$0x1C040] =	vst v63  }
0x58: {  	_ =	swait.ge [sflag:s12], $0x80  }
0x59: {  	[sflag:s12] =	ssyncset.done $0x0  }
0x5a: {  	[sflag:s12] =	ssyncadd.s32 $0xFFFFFF80  }
0x5b: {  	_ =	swait.ge [sflag:s12], $0x80  }
0x5c: {  	[sflag:s12] =	ssyncset.done $0x0  }
0x5d: {  	[sflag:s12] =	ssyncadd.s32 $0xFFFFFF80  }
0x5e: {  	[tilespmem:s13], [sflag:$0x8] =	stream.indirect.gather [spmem:s3], $0x40, s24, s23, $0xb8;
	[tilespmem:$0x1C040] =	vst v63  }
0x5f: {  	_ =	swait.ge [sflag:s14], $0x2000  }
0x60: {  	[sflag:s14] =	ssyncset.done $0x0  }
0x61: {  	[sflag:s14] =	ssyncadd.s32 $0xFFFFE000  }
0x62: {  	[spmem:s2] =	stream.indirect.scatter.add.f32 [tilespmem:s7], [sflag:$0xA], $0x40, s26, s23, $0xb8;
	[tilespmem:$0x1C040] =	vst v63  }
0x63: {  	_ =	swait.ge [sflag:s15], $0x2000  }
0x64: {  	s29 =	smin.u32 s4, $0x9B;
	s21 =	rddreg [dreg:$0x5]  }
0x65: {  	s9 =	sadd.s32 s29, s21  }
0x66: {  	[sflag:s15] =	ssyncset.done $0x0;
	s9 =	sshll.u32 s9, $0x4  }
0x67: {  	[sflag:s15] =	ssyncadd.s32 $0xFFFFE000;
	s29 =	sadd.s32 s5, s9  }
0x68: {  	[tilespmem:s4], [sflag:$0x1] =	stream.linear.gather [hbm4b:s29+s4], $0x80, $0x38;
	[tilespmem:$0x1C040] =	vst v63  }
0x69: {  	s9 =	sadd.s32 s6, s9  }
0x6a: {  	[tilespmem:s23], [sflag:$0x1] =	stream.linear.gather [hbm4b:s9+s4], $0x80, $0x38;
	[tilespmem:$0x1C040] =	vst v63  }
0x6b: {  	_ =	swait.ge [sflag:s16], $0x2000  }
0x6c: {  	[sflag:s16] =	ssyncset.done $0x0  }
0x6d: {  	[sflag:s16] =	ssyncadd.s32 $0xFFFFE000  }
0x6e: {  	[spmem:s2] =	stream.indirect.scatter.add.f32 [tilespmem:s10], [sflag:$0xB], $0x40, s28, s23, $0xb8;
	[tilespmem:$0x1C040] =	vst v63  }
0x6f: {  	_ =	swait.ge [sflag:s17], $0x2000  }
0x70: {  	s29 =	smin.u32 s4, $0x9A;
	s21 =	rddreg [dreg:$0x6]  }
0x71: {  	s9 =	sadd.s32 s29, s21  }
0x72: {  	[sflag:s17] =	ssyncset.done $0x0;
	s9 =	sshll.u32 s9, $0x4  }
0x73: {  	[sflag:s17] =	ssyncadd.s32 $0xFFFFE000;
	s29 =	sadd.s32 s5, s9  }
0x74: {  	[tilespmem:s25], [sflag:$0x2] =	stream.linear.gather [hbm4b:s29+s4], $0x80, $0x38;
	[tilespmem:$0x1C040] =	vst v63  }
0x75: {  	s9 =	sadd.s32 s6, s9  }
0x76: {  	[tilespmem:s26], [sflag:$0x2] =	stream.linear.gather [hbm4b:s9+s4], $0x80, $0x38;
	[tilespmem:$0x1C040] =	vst v63  }
0x77: {  	_ =	swait.ge [sflag:s18], $0x2000  }
0x78: {  	[sflag:s18] =	ssyncset.done $0x0  }
0x79: {  	[sflag:s18] =	ssyncadd.s32 $0xFFFFE000  }
0x7a: {  	[spmem:s2] =	stream.indirect.scatter.add.f32 [tilespmem:s13], [sflag:$0xC], $0x40, s30, s23, $0xb8;
	[tilespmem:$0x1C040] =	vst v63  }
0x7b: {  	_ =	swait.ge [sflag:s19], $0x2000  }
0x7c: {  	s29 =	smin.u32 s4, $0x99;
	s21 =	rddreg [dreg:$0x7]  }
0x7d: {  	s9 =	sadd.s32 s29, s21  }
0x7e: {  	[sflag:s19] =	ssyncset.done $0x0;
	s9 =	sshll.u32 s9, $0x4  }
0x7f: {  	[sflag:s19] =	ssyncadd.s32 $0xFFFFE000;
	s29 =	sadd.s32 s5, s9  }
0x80: {  	[tilespmem:s22], [sflag:$0x3] =	stream.linear.gather [hbm4b:s29+s4], $0x80, $0x38;
	[tilespmem:$0x1C040] =	vst v63  }
0x81: {  	s9 =	sadd.s32 s6, s9  }
0x82: {  	[tilespmem:s28], [sflag:$0x3] =	stream.linear.gather [hbm4b:s9+s4], $0x80, $0x38;
	[tilespmem:$0x1C040] =	vst v63  }
0x83: {  	_ =	swait.ge [sflag:s31], $0x80  }
0x84: {  	[sflag:s31] =	ssyncset.done $0x0  }
0x85: {  	[sflag:s31] =	ssyncadd.s32 $0xFFFFFF80  }
0x86: {  	_ =	swait.ge [sflag:s31], $0x80  }
0x87: {  	[sflag:s31] =	ssyncset.done $0x0  }
0x88: {  	[sflag:s31] =	ssyncadd.s32 $0xFFFFFF80  }
0x89: {  	[tilespmem:s0], [sflag:$0x5] =	stream.indirect.gather [spmem:s3], $0x40, s4, s23, $0xb8;
	[tilespmem:$0x1C040] =	vst v63  }
0x8a: {  	_ =	swait.ge [sflag:s20], $0x2000  }
0x8b: {  	s28 =	smin.u32 s4, $0x98;
	s22 =	rddreg [dreg:$0x8]  }
0x8c: {  	s9 =	sadd.s32 s28, s22  }
0x8d: {  	[sflag:s20] =	ssyncset.done $0x0;
	s9 =	sshll.u32 s9, $0x4  }
0x8e: {  	[sflag:s20] =	ssyncadd.s32 $0xFFFFE000;
	s29 =	sadd.s32 s5, s9  }
0x8f: {  	[tilespmem:s24], [sflag:$0x4] =	stream.linear.gather [hbm4b:s29+s4], $0x80, $0x38;
	[tilespmem:$0x1C040] =	vst v63  }
0x90: {  	s9 =	sadd.s32 s6, s9  }
0x91: {  	[tilespmem:s30], [sflag:$0x4] =	stream.linear.gather [hbm4b:s9+s4], $0x80, $0x38;
	[tilespmem:$0x1C040] =	vst v63  }
0x92: {  	_ =	swait.ge [sflag:s1], $0x80  }
0x93: {  	[sflag:s1] =	ssyncset.done $0x0  }
0x94: {  	[sflag:s1] =	ssyncadd.s32 $0xFFFFFF80  }
0x95: {  	_ =	swait.ge [sflag:s1], $0x80  }
0x96: {  	[sflag:s1] =	ssyncset.done $0x0  }
0x97: {  	[sflag:s1] =	ssyncadd.s32 $0xFFFFFF80  }
0x98: {  	[tilespmem:s7], [sflag:$0x6] =	stream.indirect.gather [spmem:s3], $0x40, s25, s23, $0xb8;
	[tilespmem:$0x1C040] =	vst v63  }
0x99: {  	_ =	swait.ge [sflag:s8], $0x80  }
0x9a: {  	[sflag:s8] =	ssyncset.done $0x0  }
0x9b: {  	[sflag:s8] =	ssyncadd.s32 $0xFFFFFF80  }
0x9c: {  	_ =	swait.ge [sflag:s8], $0x80  }
0x9d: {  	[sflag:s8] =	ssyncset.done $0x0  }
0x9e: {  	s9 =	simm.s32 $0x4;
	[sflag:s8] =	ssyncadd.s32 $0xFFFFFF80  }
.LBB2_2:
0x9f: {  	s28 =	simm.s32 $0x200  }
0xa0: {  	[tilespmem:s10], [sflag:$0x7] =	stream.indirect.gather [spmem:s3], $0x40, s28, s23, $0xb8;
	[tilespmem:$0x1C040] =	vst v63  }
0xa1: {  	_ =	swait.ge [sflag:s11], $0x2000  }
0xa2: {  	[sflag:s11] =	ssyncset.done $0x0  }
0xa3: {  	[sflag:s11] =	ssyncadd.s32 $0xFFFFE000  }
0xa4: {  	[spmem:s2] =	stream.indirect.scatter.add.f32 [tilespmem:s0], [sflag:$0x9], $0x40, s23, s23, $0xb8;
	[tilespmem:$0x1C040] =	vst v63  }
0xa5: {  	_ =	swait.ge [sflag:s12], $0x80  }
0xa6: {  	[sflag:s12] =	ssyncset.done $0x0  }
0xa7: {  	[sflag:s12] =	ssyncadd.s32 $0xFFFFFF80  }
0xa8: {  	_ =	swait.ge [sflag:s12], $0x80  }
0xa9: {  	[sflag:s12] =	ssyncset.done $0x0  }
0xaa: {  	[sflag:s12] =	ssyncadd.s32 $0xFFFFFF80  }
0xab: {  	[tilespmem:s13], [sflag:$0x8] =	stream.indirect.gather [spmem:s3], $0x40, s24, s23, $0xb8;
	[tilespmem:$0x1C040] =	vst v63  }
0xac: {  	_ =	swait.ge [sflag:s14], $0x2000  }
0xad: {  	[sflag:s14] =	ssyncset.done $0x0  }
0xae: {  	[sflag:s14] =	ssyncadd.s32 $0xFFFFE000  }
0xaf: {  	[spmem:s2] =	stream.indirect.scatter.add.f32 [tilespmem:s7], [sflag:$0xA], $0x40, s26, s23, $0xb8;
	[tilespmem:$0x1C040] =	vst v63  }
0xb0: {  	s21 =	smov.u32 s9;
	_ =	swait.ge [sflag:s15], $0x2000  }
0xb1: {  	s24 =	smin.u32 s21, $0x9B;
	s22 =	rddreg [dreg:$0x5]  }
0xb2: {  	s22 =	sadd.s32 s24, s22  }
0xb3: {  	[sflag:s15] =	ssyncset.done $0x0;
	s22 =	sshll.u32 s22, $0x4  }
0xb4: {  	[sflag:s15] =	ssyncadd.s32 $0xFFFFE000;
	s24 =	sadd.s32 s5, s22  }
0xb5: {  	[tilespmem:s4], [sflag:$0x1] =	stream.linear.gather [hbm4b:s24+s4], $0x80, $0x38;
	[tilespmem:$0x1C040] =	vst v63  }
0xb6: {  	s22 =	sadd.s32 s6, s22  }
0xb7: {  	[tilespmem:s23], [sflag:$0x1] =	stream.linear.gather [hbm4b:s22+s4], $0x80, $0x38;
	[tilespmem:$0x1C040] =	vst v63  }
0xb8: {  	_ =	swait.ge [sflag:s16], $0x2000  }
0xb9: {  	[sflag:s16] =	ssyncset.done $0x0  }
0xba: {  	s29 =	simm.s32 $0x280;
	[sflag:s16] =	ssyncadd.s32 $0xFFFFE000  }
0xbb: {  	[spmem:s2] =	stream.indirect.scatter.add.f32 [tilespmem:s10], [sflag:$0xB], $0x40, s29, s23, $0xb8;
	[tilespmem:$0x1C040] =	vst v63  }
0xbc: {  	_ =	swait.ge [sflag:s17], $0x2000  }
0xbd: {  	s24 =	smin.u32 s21, $0x9A;
	s22 =	rddreg [dreg:$0x6]  }
0xbe: {  	s22 =	sadd.s32 s24, s22  }
0xbf: {  	[sflag:s17] =	ssyncset.done $0x0;
	s22 =	sshll.u32 s22, $0x4  }
0xc0: {  	[sflag:s17] =	ssyncadd.s32 $0xFFFFE000;
	s24 =	sadd.s32 s5, s22  }
0xc1: {  	[tilespmem:s25], [sflag:$0x2] =	stream.linear.gather [hbm4b:s24+s4], $0x80, $0x38;
	[tilespmem:$0x1C040] =	vst v63  }
0xc2: {  	s22 =	sadd.s32 s6, s22  }
0xc3: {  	[tilespmem:s26], [sflag:$0x2] =	stream.linear.gather [hbm4b:s22+s4], $0x80, $0x38;
	[tilespmem:$0x1C040] =	vst v63  }
0xc4: {  	_ =	swait.ge [sflag:s18], $0x2000  }
0xc5: {  	[sflag:s18] =	ssyncset.done $0x0  }
0xc6: {  	[sflag:s18] =	ssyncadd.s32 $0xFFFFE000  }
0xc7: {  	[spmem:s2] =	stream.indirect.scatter.add.f32 [tilespmem:s13], [sflag:$0xC], $0x40, s30, s23, $0xb8;
	[tilespmem:$0x1C040] =	vst v63  }
0xc8: {  	_ =	swait.ge [sflag:s19], $0x2000  }
0xc9: {  	s24 =	smin.u32 s21, $0x99;
	s22 =	rddreg [dreg:$0x7]  }
0xca: {  	s22 =	sadd.s32 s24, s22  }
0xcb: {  	[sflag:s19] =	ssyncset.done $0x0;
	s22 =	sshll.u32 s22, $0x4  }
0xcc: {  	[sflag:s19] =	ssyncadd.s32 $0xFFFFE000;
	s24 =	sadd.s32 s5, s22  }
0xcd: {  	[tilespmem:s28], [sflag:$0x3] =	stream.linear.gather [hbm4b:s24+s4], $0x80, $0x38;
	[tilespmem:$0x1C040] =	vst v63  }
0xce: {  	s22 =	sadd.s32 s6, s22;
	s28 =	simm.s32 $0x280  }
0xcf: {  	[tilespmem:s28], [sflag:$0x3] =	stream.linear.gather [hbm4b:s22+s4], $0x80, $0x38;
	[tilespmem:$0x1C040] =	vst v63  }
0xd0: {  	_ =	swait.ge [sflag:s31], $0x80  }
0xd1: {  	[sflag:s31] =	ssyncset.done $0x0  }
0xd2: {  	[sflag:s31] =	ssyncadd.s32 $0xFFFFFF80  }
0xd3: {  	_ =	swait.ge [sflag:s31], $0x80  }
0xd4: {  	[sflag:s31] =	ssyncset.done $0x0  }
0xd5: {  	[sflag:s31] =	ssyncadd.s32 $0xFFFFFF80  }
0xd6: {  	[tilespmem:s0], [sflag:$0x5] =	stream.indirect.gather [spmem:s3], $0x40, s4, s23, $0xb8;
	[tilespmem:$0x1C040] =	vst v63  }
0xd7: {  	_ =	swait.ge [sflag:s20], $0x2000  }
0xd8: {  	s21 =	smin.u32 s21, $0x98;
	s22 =	rddreg [dreg:$0x8]  }
0xd9: {  	s21 =	sadd.s32 s21, s22  }
0xda: {  	[sflag:s20] =	ssyncset.done $0x0;
	s21 =	sshll.u32 s21, $0x4  }
0xdb: {  	s24 =	simm.s32 $0x300;
	[sflag:s20] =	ssyncadd.s32 $0xFFFFE000;
	s22 =	sadd.s32 s5, s21  }
0xdc: {  	[tilespmem:s24], [sflag:$0x4] =	stream.linear.gather [hbm4b:s22+s4], $0x80, $0x38;
	[tilespmem:$0x1C040] =	vst v63  }
0xdd: {  	s21 =	sadd.s32 s6, s21  }
0xde: {  	[tilespmem:s30], [sflag:$0x4] =	stream.linear.gather [hbm4b:s21+s4], $0x80, $0x38;
	[tilespmem:$0x1C040] =	vst v63  }
0xdf: {  	_ =	swait.ge [sflag:s1], $0x80  }
0xe0: {  	[sflag:s1] =	ssyncset.done $0x0  }
0xe1: {  	[sflag:s1] =	ssyncadd.s32 $0xFFFFFF80  }
0xe2: {  	_ =	swait.ge [sflag:s1], $0x80  }
0xe3: {  	[sflag:s1] =	ssyncset.done $0x0  }
0xe4: {  	[sflag:s1] =	ssyncadd.s32 $0xFFFFFF80  }
0xe5: {  	[tilespmem:s7], [sflag:$0x6] =	stream.indirect.gather [spmem:s3], $0x40, s25, s23, $0xb8;
	[tilespmem:$0x1C040] =	vst v63  }
0xe6: {  	p0 =	sne.s32 s9, $0x9C;
	_ =	swait.ge [sflag:s8], $0x80  }
.Ltmp0:
0xe7: {  	[sflag:s8] =	ssyncset.done $0x0;
	(pc) =	sbr.rel @p0 .LBB2_2-.Ltmp0, $4  }
0xe8: {  	[sflag:s8] =	ssyncadd.s32 $0xFFFFFF80  }
0xe9: {  	_ =	swait.ge [sflag:s8], $0x80  }
0xea: {  	[sflag:s8] =	ssyncset.done $0x0  }
0xeb: {  	s9 =	sadd.s32 $0x4, s9;
	s29 =	simm.s32 $0x200;
	[sflag:s8] =	ssyncadd.s32 $0xFFFFFF80  }
0xec: {  	[tilespmem:s10], [sflag:$0x7] =	stream.indirect.gather [spmem:s3], $0x40, s29, s23, $0xb8;
	[tilespmem:$0x1C040] =	vst v63  }
0xed: {  	_ =	swait.ge [sflag:s11], $0x2000  }
0xee: {  	[sflag:s11] =	ssyncset.done $0x0  }
0xef: {  	[sflag:s11] =	ssyncadd.s32 $0xFFFFE000  }
0xf0: {  	_ =	swait.ge [sflag:s14], $0x2000  }
0xf1: {  	[sflag:s14] =	ssyncset.done $0x0  }
0xf2: {  	[sflag:s14] =	ssyncadd.s32 $0xFFFFE000  }
0xf3: {  	_ =	swait.ge [sflag:s16], $0x2000  }
0xf4: {  	[sflag:s16] =	ssyncset.done $0x0  }
0xf5: {  	[sflag:s16] =	ssyncadd.s32 $0xFFFFE000  }
0xf6: {  	_ =	swait.ge [sflag:s12], $0x80  }
0xf7: {  	[sflag:s12] =	ssyncset.done $0x0  }
0xf8: {  	[sflag:s12] =	ssyncadd.s32 $0xFFFFFF80  }
0xf9: {  	_ =	swait.ge [sflag:s12], $0x80  }
0xfa: {  	[sflag:s12] =	ssyncset.done $0x0  }
0xfb: {  	[sflag:s12] =	ssyncadd.s32 $0xFFFFFF80  }
0xfc: {  	[bflag:$0x0] =	sbarrier.arrive $0xFFFF  }
0xfd: {  	s21 =	rddreg [dreg:$0xb]  }
0xfe: {  	s9 =	rddreg [dreg:$0x15]  }
0xff: {  	s22 =	rddreg [dreg:$0x19]  }
0x100: {  	[hbm:s9], [sflag:s21] =	dma.local [spmem:s22], $0x1400  }
0x101: {  	s22 =	simm.s32 $0xD  }
0x102: {  	_ =	swait.ge [sflag:s22], $0x1400  }
0x103: {  	s24 =	rddreg [dreg:$0x18]  }
0x104: {  	s29 =	rddreg [dreg:$0x16];
	s24 =	sadd.s32 $0x1, s24  }
0x105: {  	p0 =	sne.s32 s24, s29  }
.Ltmp1:
0x106: {  	_ = 	snop;
	(pc) =	sbr.rel @p0 .LBB2_1-.Ltmp1, $3  }
0x107: {  	_ =	sdelay $0x1  }
0x108: {  	[sflag:s22] =	ssyncset.done $0x0  }
0x109: {  	[sflag:s22] =	ssyncadd.s32 $0xFFFFEC00  }
0x10a: {  	_ =	sfence.sel $0x180000  }
0x10b: {  	[bflag:$0x0] =	sbarrier.arrive $0xFFFF  }
0x10c: {  	_ =	strace $0x9000004A  }
0x10d: {  	s0 =	stileid.u32;
	[bflag:$0x2] =	sbarrier.arrive $0xFFFF  }
0x10e: {  	p0 =	sne.s32 s0, $0x0;
	s0 =	rddreg [dreg:$0x4]  }
0x10f: {  	s0 =	sadd.s32 @!p0 $0x100000, s0  }
0x110: {  	[sflag:s0] =	ssyncadd.tile.s32 @!p0 $0x1;
	_ =	shalt  }
.Lfunc_end2:
_tile_overlayer_lowered:
.L_overlay_start_2:
0x111: {  	(tag) =	ssettag $0x2  }
0x112: {  	s0 =	rddreg [dreg:$0x0];
	s2 =	stileid.u32  }
0x113: {  	s1 =	rddreg [dreg:$0x1];
	p0 =	sne.s32 s2, $0x0  }
0x114: {  	s3 =	rddreg [dreg:$0x2];
	[bflag:$0x3] =	sbarrier.arrive $0xFFFF;
	s2 =	simm.s32 @!p0 $0x1C0D  }
0x115: {  	[timem:s3], [sflag:s2] =	dma.local @!p0 [hbm:s0], s1  }
0x116: {  	s0 =	simm.s32 @!p0 $0xD  }
0x117: {  	_ =	swait.ge @!p0 [sflag:s0], s1  }
0x118: {  	s1 =	ssub.s32 @!p0 $0x0, s1;
	[sflag:s0] =	ssyncset.done @!p0 $0x0  }
0x119: {  	[sflag:s0] =	ssyncadd.s32 @!p0 s1  }
0x11a: {  	[bflag:$0x3] =	sbarrier.arrive $0xFFFF  }
0x11b: {  	_ =	shalt  }

// kernel: kernel.16.cloned.1.call-start
scs
__scs_entry_jumppad:
0x0: {  	(pc) =	sbr.rel $0x88, $3  }
0x1: {  	(tag) =	ssettag $0x0;
	lr =	simm.s32 $0x1  }
0x2: {  	[smem:$0x3F99] =	sst lr;
	_ =	strace $0xD0000000  }
0x3: {  	_ = 	snop  }
0x4: {  	_ = 	snop  }
0x5: {  	_ = 	snop  }
0x6: {  	_ = 	snop  }
0x7: {  	_ = 	snop  }
__scs_overlays_trampoline_lowered:
0x8: {  	[smem:$0x3FA8] =	sst s0  }
0x9: {  	[smem:$0x3FA9] =	sst s1  }
0xa: {  	[smem:$0x3FAA] =	sst s2  }
0xb: {  	[smem:$0x3FAB] =	sst s3  }
0xc: {  	[smem:$0x3FAC] =	sst s4  }
0xd: {  	[smem:$0x3FAD] =	sst s5  }
0xe: {  	[smem:$0x3FAE] =	sst s6  }
0xf: {  	[smem:$0x3FAF] =	sst s7  }
0x10: {  	[smem:$0x3FB0] =	sst s8  }
0x11: {  	[smem:$0x3FB1] =	sst s9;
	s0 =	simm.s32 @!p0 $0x0  }
0x12: {  	s1 =	sld [smem:$0x3F97];
	s0 =	simm.s32 @p0 $0x1  }
0x13: {  	[smem:$0x3FB2] =	sst s0;
	s0 =	simm.s32 @!p1 $0x0  }
0x14: {  	s2 =	sld [smem:$0x3F96];
	s0 =	simm.s32 @p1 $0x1  }
0x15: {  	[smem:$0x3FB3] =	sst s0;
	s0 =	simm.s32 @!p2 $0x0  }
0x16: {  	s3 =	sld [smem:$0x3FDB];
	s0 =	simm.s32 @p2 $0x1  }
0x17: {  	s4 =	simm.s32 $0x1BF5;
	[smem:$0x3FB5] =	sst s0  }
0x18: {  	s0 =	sld [smem:$0x3F98];
	_ =	swait.ge [sflag:s4], $0x0  }
0x19: {  	s7 =	sld [smem:$0x3F99]  }
0x1a: {  	s8 =	sadd.s32 $0xFFFFE003, lr  }
0x1b: {  	s9 =	sadd.s32 $0xFFFFFEF7, lr;
	s5 =	simm.s32 $0xFFFFFFFF;
	p2 =	slt.u32 s8, $0xFFFFF086  }
0x1c: {  	p1 =	slt.u32 s9, $0xF7A;
	s5 =	simm.s32 @!p2 $0x0  }
0x1d: {  	s5 =	simm.s32 @p1 $0x1;
	p0 =	seq.s32 s7, s2  }
0x1e: {  	s7 =	smul.u32 @!p0 $0xF7A, s2;
	p2 =	seq.s32 @!p0 s5, $0x0  }
0x1f: {  	s9 =	smul.u32 $0xF7A, s1;
	s8 =	simm.s32 @!p0 $0x1BF5;
	p2 =	por !p2, p0  }
0x20: {  	[sflag:s8] =	ssyncset.s32 @!p0 $0xFFFFF086;
	s6 =	sadd.s32 @!p0 s3, s7;
	s7 =	simm.s32 @!p0 $0x108  }
0x21: {  	s3 =	sadd.s32 s3, s9;
	s6 =	sadd.s32 @!p0 $0x88, s6;
	s7 =	simm.s32 @p2 $0x1082  }
0x22: {  	[simem:s7], [sflag:s8] =	dma.local @!p0 [hbm:s6], $0xF7A  }
0x23: {  	s9 =	sor.u32 $0xD0000000, s2;
	s6 =	simm.s32 $0x108;
	_ =	swait.ge @!p0 [sflag:s8], $0x0  }
0x24: {  	s3 =	sadd.s32 $0x88, s3;
	s6 =	simm.s32 @!p1 $0x1082;
	[sflag:s4] =	ssyncset.s32 $0xFFFFF086  }
0x25: {  	[simem:s6], [sflag:s4] =	dma.local [hbm:s3], $0xF7A  }
0x26: {  	[smem:$0x3F99] =	sst s1;
	(tag) =	ssettag s2;
	_ =	strace s9  }
0x27: {  	s1 =	sld [smem:$0x3FA9]  }
0x28: {  	s2 =	sld [smem:$0x3FAA]  }
0x29: {  	s4 =	sld [smem:$0x3FAC]  }
0x2a: {  	p0 =	seq.s32 s5, $0x0;
	s5 =	sld [smem:$0x3FAD]  }
0x2b: {  	s6 =	sld [smem:$0x3FAE]  }
0x2c: {  	s7 =	sld [smem:$0x3FAF]  }
0x2d: {  	s3 =	simm.s32 $0x108;
	s8 =	sld [smem:$0x3FB0]  }
0x2e: {  	s3 =	simm.s32 @!p0 $0x1082;
	s9 =	sld [smem:$0x3FB1]  }
0x2f: {  	lr =	sadd.s32 s0, s3;
	s0 =	sld [smem:$0x3FA8]  }
0x30: {  	s3 =	sld [smem:$0x3FAB]  }
0x31: {  	[smem:$0x3FB4] =	sst s10  }
0x32: {  	s10 =	sld [smem:$0x3FB2];
	_ =	sdelay $0x3  }
0x33: {  	p0 =	seq.s32 s10, $0x1;
	s10 =	sld [smem:$0x3FB4];
	_ =	sdelay $0x3  }
0x34: {  	[smem:$0x3FB4] =	sst s10  }
0x35: {  	s10 =	sld [smem:$0x3FB3];
	_ =	sdelay $0x3  }
0x36: {  	p1 =	seq.s32 s10, $0x1;
	s10 =	sld [smem:$0x3FB4];
	_ =	sdelay $0x3  }
0x37: {  	[smem:$0x3FB4] =	sst s10  }
0x38: {  	s10 =	sld [smem:$0x3FB5]  }
0x39: {  	_ = 	snop;
	(pc) =	sbr.ind lr, $3  }
0x3a: {  	_ = 	snop  }
0x3b: {  	_ = 	snop  }
0x3c: {  	p2 =	seq.s32 s10, $0x1;
	s10 =	sld [smem:$0x3FB4]  }
0x3d: {  	_ =	shalt  }
0x3e: {  	_ =	shalt  }
0x3f: {  	_ =	shalt  }
0x40: {  	_ =	shalt  }
0x41: {  	_ =	shalt  }
0x42: {  	_ =	shalt  }
0x43: {  	_ =	shalt  }
0x44: {  	_ =	shalt  }
0x45: {  	_ =	shalt  }
0x46: {  	_ =	shalt  }
0x47: {  	_ =	shalt  }
0x48: {  	_ =	shalt  }
0x49: {  	_ =	shalt  }
0x4a: {  	_ =	shalt  }
0x4b: {  	_ =	shalt  }
0x4c: {  	_ =	shalt  }
0x4d: {  	_ =	shalt  }
0x4e: {  	_ =	shalt  }
0x4f: {  	_ =	shalt  }
0x50: {  	_ =	shalt  }
0x51: {  	_ =	shalt  }
0x52: {  	_ =	shalt  }
0x53: {  	_ =	shalt  }
0x54: {  	_ =	shalt  }
0x55: {  	_ =	shalt  }
0x56: {  	_ =	shalt  }
0x57: {  	_ =	shalt  }
0x58: {  	_ =	shalt  }
0x59: {  	_ =	shalt  }
0x5a: {  	_ =	shalt  }
0x5b: {  	_ =	shalt  }
0x5c: {  	_ =	shalt  }
0x5d: {  	_ =	shalt  }
0x5e: {  	_ =	shalt  }
0x5f: {  	_ =	shalt  }
0x60: {  	_ =	shalt  }
0x61: {  	_ =	shalt  }
0x62: {  	_ =	shalt  }
0x63: {  	_ =	shalt  }
0x64: {  	_ =	shalt  }
0x65: {  	_ =	shalt  }
0x66: {  	_ =	shalt  }
0x67: {  	_ =	shalt  }
0x68: {  	_ =	shalt  }
0x69: {  	_ =	shalt  }
0x6a: {  	_ =	shalt  }
0x6b: {  	_ =	shalt  }
0x6c: {  	_ =	shalt  }
0x6d: {  	_ =	shalt  }
0x6e: {  	_ =	shalt  }
0x6f: {  	_ =	shalt  }
0x70: {  	_ =	shalt  }
0x71: {  	_ =	shalt  }
0x72: {  	_ =	shalt  }
0x73: {  	_ =	shalt  }
0x74: {  	_ =	shalt  }
0x75: {  	_ =	shalt  }
0x76: {  	_ =	shalt  }
0x77: {  	_ =	shalt  }
0x78: {  	_ =	shalt  }
0x79: {  	_ =	shalt  }
0x7a: {  	_ =	shalt  }
0x7b: {  	_ =	shalt  }
0x7c: {  	_ =	shalt  }
0x7d: {  	_ =	shalt  }
0x7e: {  	_ =	shalt  }
0x7f: {  	_ =	shalt  }
0x80: {  	_ =	shalt  }
0x81: {  	_ =	shalt  }
0x82: {  	_ =	shalt  }
0x83: {  	_ =	shalt  }
0x84: {  	_ =	shalt  }
0x85: {  	_ =	shalt  }
0x86: {  	_ =	shalt  }
0x87: {  	_ =	shalt  }
.Lfunc_end0:
.L_simem_size_0:
called_computation.2_lowered:
.L_overlay_start_0:
0x88: {  	s2 =	sld [smem:$0x3FD9]  }
0x89: {  	s3 =	sld [smem:$0x3FFE];
	_ =	sdelay $0x1  }
0x8a: {  	s1 =	srdreg.scid  }
0x8b: {  	s0 =	sand.u32 $0x1, s1  }
0x8c: {  	s17 =	sshll.u32 s0, $0xA;
	s2 =	sadd.s32 s3, s2  }
0x8d: {  	s2 =	sadd.s32 s2, s17  }
0x8e: {  	[smem:$0x3FC0] =	sst s2  }
0x8f: {  	_ = 	snop  }
0x90: {  	s2 =	sld [smem:$0x3FD0];
	(tm) =	ssettm $0x1  }
0x91: {  	s18 =	sld [smem:$0x3FFB];
	_ =	sdelay $0x3  }
0x92: {  	_ =	strace s18  }
0x93: {  	s3 =	sld [smem:$0x3FFC];
	_ =	sdelay $0x3  }
0x94: {  	_ =	strace s3  }
0x95: {  	s3 =	sld [smem:$0x3FFD];
	_ =	sdelay $0x3  }
0x96: {  	_ =	strace s3  }
0x97: {  	_ =	strace $0x8FFFFFFF  }
0x98: {  	s19 =	sld [smem:$0x3FDB];
	_ =	sdelay $0x1  }
0x99: {  	s4 =	simm.s32 $_scs_section_size  }
0x9a: {  	s5 =	simm.s32 $_size__tile_overlayer_lowered;
	s6 =	simm.s32 $_tile_overlayer_lowered  }
0x9b: {  	s22 =	simm.s32 $0x1BFF;
	s21 =	sshll.u32 s6, $0x1;
	s3 =	sadd.s32 s4, s19  }
0x9c: {  	s7 =	simm.s32 $0x0;
	s20 =	sshll.u32 s5, $0x1;
	s5 =	sadd.s32 s21, s3  }
0x9d: {  	[timem:s7], [sflag:s22] =	dma.local [hbm:s5], s20  }
0x9e: {  	_ =	swait.ge [sflag:s22], s20  }
0x9f: {  	s4 =	ssub.s32 $0x0, s20;
	[sflag:s22] =	ssyncset.done $0x0  }
0xa0: {  	[sflag:s22] =	ssyncadd.s32 s4;
	_ =	sdelay $0x1  }
0xa1: {  	s23 =	simm.s32 $0x1B8B  }
0xa2: {  	_ =	swait.ge [sflag:s23], $0x1  }
0xa3: {  	[sflag:s23] =	ssyncset.done $0x0  }
0xa4: {  	s25 =	simm.s32 $0x1B8E;
	s24 =	sld [smem:$0x3FFE];
	[sflag:s23] =	ssyncadd.s32 $0xFFFFFFFF  }
0xa5: {  	s26 =	simm.s32 $execute0_lowered;
	[smem:$0x3FD2] =	sst s25  }
0xa6: {  	s5 =	sshll.u32 s26, $0x1;
	_ =	strace $0x8000004C;
	[dreg:$0x1] =	wrdreg $0xFFFFFFFF  }
0xa7: {  	s28 =	simm.s32 $_size_execute0_lowered;
	s3 =	sadd.s32 s3, s5;
	[dreg:$0x0] =	wrdreg $0x0  }
0xa8: {  	s5 =	sshll.u32 s28, $0x1;
	[dreg:$0x2] =	wrdreg s3  }
0xa9: {  	[dreg:$0x3] =	wrdreg s5  }
0xaa: {  	[dreg:$0x4] =	wrdreg $0xC0  }
0xab: {  	_ =	task [dreg:s7], $0x5FFFF  }
0xac: {  	[dreg:$0x1] =	wrdreg $0xFFFFFFFF  }
0xad: {  	[dreg:$0x0] =	wrdreg $0x60  }
0xae: {  	[dreg:$0x2] =	wrdreg s2  }
0xaf: {  	[dreg:$0x3] =	wrdreg s24  }
0xb0: {  	[dreg:$0x4] =	wrdreg $0x120400  }
0xb1: {  	[dreg:$0x5] =	wrdreg $0x84000  }
0xb2: {  	[dreg:$0x6] =	wrdreg $0x9  }
0xb3: {  	_ =	task.clear_ibuf [dreg:s7], $0x7FFFF;
	_ =	strace $0x9000004C  }
0xb4: {  	s29 =	simm.s32 $0x9;
	_ =	strace $0x8000004E  }
0xb5: {  	_ =	swait.ge [sflag:s29], $0x1  }
0xb6: {  	[sflag:s29] =	ssyncadd.s32 $0xFFFFFFFF  }
0xb7: {  	_ =	strace $0x9000004E  }
0xb8: {  	_ =	sfence  }
0xb9: {  	s30 =	sld [smem:$0x0];
	_ =	sdelay $0x2  }
0xba: {  	s31 =	sshll.u32 s1, $0xD;
	s1 =	sshrl.u32 s1, $0x2  }
0xbb: {  	s3 =	sand.u32 $0x4000, s31;
	s1 =	sadd.s32 s1, s30  }
0xbc: {  	s0 =	sor.u32 s3, s0;
	s1 =	sshll.u32 s1, $0x11  }
0xbd: {  	s0 =	sor.u32 s1, s0  }
0xbe: {  	s0 =	sadd.s32 $0x8F2B, s0  }
0xbf: {  	[sflag:s0] =	ssyncadd.remote.s32 $0x1  }
0xc0: {  	_ =	sfence.sel $0xFFFF  }
0xc1: {  	[dreg:$0x0] =	wrdreg $0xFFFFFFFF;
	(pc) =	sbr.abs _section_cstart, $3  }
0xc2: {  	[dreg:$0x1] =	wrdreg $0xFFFFFFFF  }
0xc3: {  	_ =	task.clear_ibuf [dreg:s7], $0x2FFFF;
	_ =	strace $0x9FFFFFFF  }
0xc4: {  	(tm) =	ssettm $0x7FFFFFFF  }
0xc5: {  	_ =	shalt  }
tec
execute0_lowered:
.L_overlay_start_1:
0x0: {  	(tag) =	ssettag $0x1  }
0x1: {  	s0 =	rddreg [dreg:$0x0]  }
0x2: {  	s1 =	rddreg [dreg:$0x1]  }
0x3: {  	s2 =	rddreg [dreg:$0x2]  }
0x4: {  	s3 =	rddreg [dreg:$0x3];
	s5 =	srdreg.scid  }
0x5: {  	s12 =	stileid.u32;
	s4 =	simm.s32 $0x0;
	s28 =	simm.s32 $0x280  }
0x6: {  	s30 =	simm.s32 $0x380;
	s31 =	simm.s32 $0x1;
	s8 =	smul.u32 $0xA000, s12  }
0x7: {  	s7 =	sand.u32 $0x1, s5;
	[smem:$0x7FF] =	sst s4;
	s11 =	smul.u32 $0x9C40, s12  }
0x8: {  	s5 =	sadd.s32 $0xCA00, s1;
	s6 =	sadd.s32 $0x2200, s1;
	s25 =	smul.u32 $0xA0, s12  }
0x9: {  	s10 =	sadd.s32 $0x64C00, s1;
	s26 =	sshll.u32 s12, $0x6;
	s12 =	smul.u32 $0xA00, s12  }
0xa: {  	s9 =	smul.u32 $0xA0000, s7;
	_ =	strace $0x8000004D;
	[dreg:$0x9] =	wrdreg s10  }
0xb: {  	s23 =	ssub.s32 $0x2, s7;
	s7 =	smul.u32 $0x9C400, s7;
	s21 =	sor.u32 $0x1C0D, s26  }
0xc: {  	s10 =	simm.s32 $0x4400;
	s24 =	sshrl.u32 s23, $0x1;
	s29 =	sadd.s32 s11, s3  }
0xd: {  	s13 =	sor.u32 $0x10, s12;
	s14 =	sadd.s32 s6, s12;
	s16 =	sor.u32 $0x20, s12  }
0xe: {  	s18 =	sor.u32 $0x4, s25;
	s19 =	sor.u32 $0x5, s25;
	[dreg:$0xb] =	wrdreg s21  }
0xf: {  	s20 =	sor.u32 $0x30, s12;
	s22 =	sor.u32 $0x6, s25;
	[dreg:$0xe] =	wrdreg s14  }
0x10: {  	s9 =	sadd.s32 s8, s9;
	s8 =	sadd.s32 s8, s2;
	[dreg:$0x5] =	wrdreg s18  }
0x11: {  	s7 =	sadd.s32 s11, s7;
	s11 =	sadd.s32 s5, s12;
	[dreg:$0x6] =	wrdreg s19  }
0x12: {  	s15 =	sadd.s32 s5, s13;
	s17 =	sadd.s32 s5, s16;
	[dreg:$0x7] =	wrdreg s22  }
0x13: {  	s22 =	simm.s32 $0xD;
	s29 =	sshrl.u32 s29, $0x3;
	[dreg:$0xa] =	wrdreg s8  }
0x14: {  	s12 =	simm.s32 $0x4;
	s14 =	simm.s32 $0x6;
	[dreg:$0xd] =	wrdreg s11  }
0x15: {  	s18 =	simm.s32 $0x8;
	s19 =	simm.s32 $0xB;
	[dreg:$0xf] =	wrdreg s15  }
0x16: {  	s9 =	sshrl.u32 s9, $0x3;
	s7 =	sshrl.u32 s7, $0x3;
	[dreg:$0x11] =	wrdreg s17  }
0x17: {  	[dreg:$0x17] =	wrdreg s29;
	s8 =	simm.s32 $0x3;
	s11 =	simm.s32 $0x5  }
0x18: {  	s15 =	simm.s32 $0x9;
	s17 =	simm.s32 $0xA;
	s0 =	sadd.s32 s0, s7  }
0x19: {  	s1 =	sadd.s32 s9, s1;
	s7 =	sadd.s32 s6, s16;
	[dreg:$0xc] =	wrdreg s0  }
0x1a: {  	s9 =	ssub.s32 s23, s24;
	s23 =	sadd.s32 s5, s20;
	[dreg:$0x12] =	wrdreg s7  }
0x1b: {  	s24 =	sor.u32 $0x7, s25;
	s16 =	simm.s32 $0x7;
	[dreg:$0x13] =	wrdreg s23  }
0x1c: {  	s0 =	sadd.s32 s6, s13;
	s7 =	sadd.s32 s6, s20;
	[dreg:$0x8] =	wrdreg s24  }
0x1d: {  	s25 =	sadd.s32 $0x66000, s1;
	s26 =	smax.u32 s9, $0x1;
	[dreg:$0x10] =	wrdreg s0  }
0x1e: {  	s23 =	simm.s32 $0x80;
	s1 =	simm.s32 $0x2;
	[dreg:$0x14] =	wrdreg s7  }
0x1f: {  	s13 =	simm.s32 $0x6400;
	s20 =	simm.s32 $0xC;
	[dreg:$0x15] =	wrdreg s25  }
0x20: {  	s24 =	simm.s32 $0x0;
	[dreg:$0x16] =	wrdreg s26;
	s0 =	simm.s32 $0x400  }
0x21: {  	s7 =	simm.s32 $0x2400;
	s25 =	simm.s32 $0x100;
	s26 =	simm.s32 $0x180  }
.LBB2_1:
0x22: {  	[dreg:$0x18] =	wrdreg s24  }
0x23: {  	s9 =	rddreg [dreg:$0xa]  }
0x24: {  	s29 =	rddreg [dreg:$0x9];
	s9 =	sshrl.u32 s9, $0x3  }
0x25: {  	[dreg:$0x19] =	wrdreg s9  }
0x26: {  	[spmem:s9], [sflag:s21] =	dma.local [hbm:s29], $0x1400  }
0x27: {  	_ =	swait.ge [sflag:s22], $0x1400  }
0x28: {  	[sflag:s22] =	ssyncset.done $0x0;
	s24 =	rddreg [dreg:$0xc]  }
0x29: {  	s29 =	rddreg [dreg:$0x17];
	[sflag:s22] =	ssyncadd.s32 $0xFFFFEC00  }
0x2a: {  	[spmem:s29], [sflag:s21] =	dma.local [hbm:s24], $0x1388  }
0x2b: {  	_ =	swait.ge [sflag:s22], $0x1388  }
0x2c: {  	[sflag:s22] =	ssyncset.done $0x0  }
0x2d: {  	[sflag:s22] =	ssyncadd.s32 $0xFFFFEC78  }
0x2e: {  	[bflag:$0x0] =	sbarrier.arrive $0xFFFF  }
0x2f: {  	s29 =	rddreg [dreg:$0xd]  }
0x30: {  	[tilespmem:s4], [sflag:$0x1] =	stream.linear.gather [hbm4b:s29+s4], $0x80, $0x38;
	[tilespmem:$0x1C040] =	vst v63  }
0x31: {  	s21 =	rddreg [dreg:$0xe]  }
0x32: {  	[tilespmem:s23], [sflag:$0x1] =	stream.linear.gather [hbm4b:s21+s4], $0x80, $0x38;
	[tilespmem:$0x1C040] =	vst v63  }
0x33: {  	s22 =	rddreg [dreg:$0xf]  }
0x34: {  	[tilespmem:s25], [sflag:$0x2] =	stream.linear.gather [hbm4b:s22+s4], $0x80, $0x38;
	[tilespmem:$0x1C040] =	vst v63  }
0x35: {  	s29 =	rddreg [dreg:$0x10]  }
0x36: {  	[tilespmem:s26], [sflag:$0x2] =	stream.linear.gather [hbm4b:s29+s4], $0x80, $0x38;
	[tilespmem:$0x1C040] =	vst v63  }
0x37: {  	s21 =	rddreg [dreg:$0x11];
	s22 =	simm.s32 $0x200  }
0x38: {  	[tilespmem:s22], [sflag:$0x3] =	stream.linear.gather [hbm4b:s21+s4], $0x80, $0x38;
	[tilespmem:$0x1C040] =	vst v63  }
0x39: {  	s29 =	rddreg [dreg:$0x12]  }
0x3a: {  	[tilespmem:s28], [sflag:$0x3] =	stream.linear.gather [hbm4b:s29+s4], $0x80, $0x38;
	[tilespmem:$0x1C040] =	vst v63  }
0x3b: {  	s24 =	simm.s32 $0x300;
	s21 =	rddreg [dreg:$0x13]  }
0x3c: {  	[tilespmem:s24], [sflag:$0x4] =	stream.linear.gather [hbm4b:s21+s4], $0x80, $0x38;
	[tilespmem:$0x1C040] =	vst v63  }
0x3d: {  	s29 =	rddreg [dreg:$0x14]  }
0x3e: {  	[tilespmem:s30], [sflag:$0x4] =	stream.linear.gather [hbm4b:s29+s4], $0x80, $0x38;
	[tilespmem:$0x1C040] =	vst v63  }
0x3f: {  	_ =	swait.ge [sflag:s31], $0x80  }
0x40: {  	[sflag:s31] =	ssyncset.done $0x0  }
0x41: {  	[sflag:s31] =	ssyncadd.s32 $0xFFFFFF80  }
0x42: {  	_ =	swait.ge [sflag:s31], $0x80  }
0x43: {  	[sflag:s31] =	ssyncset.done $0x0  }
0x44: {  	[sflag:s31] =	ssyncadd.s32 $0xFFFFFF80  }
0x45: {  	[tilespmem:s0], [sflag:$0x5] =	stream.indirect.gather [spmem:s3], $0x40, s4, s23, $0xb8;
	[tilespmem:$0x1C040] =	vst v63  }
0x46: {  	_ =	swait.ge [sflag:s1], $0x80  }
0x47: {  	[sflag:s1] =	ssyncset.done $0x0  }
0x48: {  	[sflag:s1] =	ssyncadd.s32 $0xFFFFFF80  }
0x49: {  	_ =	swait.ge [sflag:s1], $0x80  }
0x4a: {  	[sflag:s1] =	ssyncset.done $0x0  }
0x4b: {  	[sflag:s1] =	ssyncadd.s32 $0xFFFFFF80  }
0x4c: {  	[tilespmem:s7], [sflag:$0x6] =	stream.indirect.gather [spmem:s3], $0x40, s25, s23, $0xb8;
	[tilespmem:$0x1C040] =	vst v63  }
0x4d: {  	_ =	swait.ge [sflag:s8], $0x80  }
0x4e: {  	[sflag:s8] =	ssyncset.done $0x0  }
0x4f: {  	[sflag:s8] =	ssyncadd.s32 $0xFFFFFF80  }
0x50: {  	_ =	swait.ge [sflag:s8], $0x80  }
0x51: {  	[sflag:s8] =	ssyncset.done $0x0  }
0x52: {  	[sflag:s8] =	ssyncadd.s32 $0xFFFFFF80  }
0x53: {  	[tilespmem:s10], [sflag:$0x7] =	stream.indirect.gather [spmem:s3], $0x40, s22, s23, $0xb8;
	[tilespmem:$0x1C040] =	vst v63  }
0x54: {  	_ =	swait.ge [sflag:s11], $0x2000  }
0x55: {  	[sflag:s11] =	ssyncset.done $0x0  }
0x56: {  	[sflag:s11] =	ssyncadd.s32 $0xFFFFE000  }
0x57: {  	[spmem:s2] =	stream.indirect.scatter.add.f32 [tilespmem:s0], [sflag:$0x9], $0x40, s23, s23, $0xb8;
	[tilespmem:$0x1C040] =	vst v63  }
0x58: {  	_ =	swait.ge [sflag:s12], $0x80  }
0x59: {  	[sflag:s12] =	ssyncset.done $0x0  }
0x5a: {  	[sflag:s12] =	ssyncadd.s32 $0xFFFFFF80  }
0x5b: {  	_ =	swait.ge [sflag:s12], $0x80  }
0x5c: {  	[sflag:s12] =	ssyncset.done $0x0  }
0x5d: {  	[sflag:s12] =	ssyncadd.s32 $0xFFFFFF80  }
0x5e: {  	[tilespmem:s13], [sflag:$0x8] =	stream.indirect.gather [spmem:s3], $0x40, s24, s23, $0xb8;
	[tilespmem:$0x1C040] =	vst v63  }
0x5f: {  	_ =	swait.ge [sflag:s14], $0x2000  }
0x60: {  	[sflag:s14] =	ssyncset.done $0x0  }
0x61: {  	[sflag:s14] =	ssyncadd.s32 $0xFFFFE000  }
0x62: {  	[spmem:s2] =	stream.indirect.scatter.add.f32 [tilespmem:s7], [sflag:$0xA], $0x40, s26, s23, $0xb8;
	[tilespmem:$0x1C040] =	vst v63  }
0x63: {  	_ =	swait.ge [sflag:s15], $0x2000  }
0x64: {  	s29 =	smin.u32 s4, $0x9B;
	s21 =	rddreg [dreg:$0x5]  }
0x65: {  	s9 =	sadd.s32 s29, s21  }
0x66: {  	[sflag:s15] =	ssyncset.done $0x0;
	s9 =	sshll.u32 s9, $0x4  }
0x67: {  	[sflag:s15] =	ssyncadd.s32 $0xFFFFE000;
	s29 =	sadd.s32 s5, s9  }
0x68: {  	[tilespmem:s4], [sflag:$0x1] =	stream.linear.gather [hbm4b:s29+s4], $0x80, $0x38;
	[tilespmem:$0x1C040] =	vst v63  }
0x69: {  	s9 =	sadd.s32 s6, s9  }
0x6a: {  	[tilespmem:s23], [sflag:$0x1] =	stream.linear.gather [hbm4b:s9+s4], $0x80, $0x38;
	[tilespmem:$0x1C040] =	vst v63  }
0x6b: {  	_ =	swait.ge [sflag:s16], $0x2000  }
0x6c: {  	[sflag:s16] =	ssyncset.done $0x0  }
0x6d: {  	[sflag:s16] =	ssyncadd.s32 $0xFFFFE000  }
0x6e: {  	[spmem:s2] =	stream.indirect.scatter.add.f32 [tilespmem:s10], [sflag:$0xB], $0x40, s28, s23, $0xb8;
	[tilespmem:$0x1C040] =	vst v63  }
0x6f: {  	_ =	swait.ge [sflag:s17], $0x2000  }
0x70: {  	s29 =	smin.u32 s4, $0x9A;
	s21 =	rddreg [dreg:$0x6]  }
0x71: {  	s9 =	sadd.s32 s29, s21  }
0x72: {  	[sflag:s17] =	ssyncset.done $0x0;
	s9 =	sshll.u32 s9, $0x4  }
0x73: {  	[sflag:s17] =	ssyncadd.s32 $0xFFFFE000;
	s29 =	sadd.s32 s5, s9  }
0x74: {  	[tilespmem:s25], [sflag:$0x2] =	stream.linear.gather [hbm4b:s29+s4], $0x80, $0x38;
	[tilespmem:$0x1C040] =	vst v63  }
0x75: {  	s9 =	sadd.s32 s6, s9  }
0x76: {  	[tilespmem:s26], [sflag:$0x2] =	stream.linear.gather [hbm4b:s9+s4], $0x80, $0x38;
	[tilespmem:$0x1C040] =	vst v63  }
0x77: {  	_ =	swait.ge [sflag:s18], $0x2000  }
0x78: {  	[sflag:s18] =	ssyncset.done $0x0  }
0x79: {  	[sflag:s18] =	ssyncadd.s32 $0xFFFFE000  }
0x7a: {  	[spmem:s2] =	stream.indirect.scatter.add.f32 [tilespmem:s13], [sflag:$0xC], $0x40, s30, s23, $0xb8;
	[tilespmem:$0x1C040] =	vst v63  }
0x7b: {  	_ =	swait.ge [sflag:s19], $0x2000  }
0x7c: {  	s29 =	smin.u32 s4, $0x99;
	s21 =	rddreg [dreg:$0x7]  }
0x7d: {  	s9 =	sadd.s32 s29, s21  }
0x7e: {  	[sflag:s19] =	ssyncset.done $0x0;
	s9 =	sshll.u32 s9, $0x4  }
0x7f: {  	[sflag:s19] =	ssyncadd.s32 $0xFFFFE000;
	s29 =	sadd.s32 s5, s9  }
0x80: {  	[tilespmem:s22], [sflag:$0x3] =	stream.linear.gather [hbm4b:s29+s4], $0x80, $0x38;
	[tilespmem:$0x1C040] =	vst v63  }
0x81: {  	s9 =	sadd.s32 s6, s9  }
0x82: {  	[tilespmem:s28], [sflag:$0x3] =	stream.linear.gather [hbm4b:s9+s4], $0x80, $0x38;
	[tilespmem:$0x1C040] =	vst v63  }
0x83: {  	_ =	swait.ge [sflag:s31], $0x80  }
0x84: {  	[sflag:s31] =	ssyncset.done $0x0  }
0x85: {  	[sflag:s31] =	ssyncadd.s32 $0xFFFFFF80  }
0x86: {  	_ =	swait.ge [sflag:s31], $0x80  }
0x87: {  	[sflag:s31] =	ssyncset.done $0x0  }
0x88: {  	[sflag:s31] =	ssyncadd.s32 $0xFFFFFF80  }
0x89: {  	[tilespmem:s0], [sflag:$0x5] =	stream.indirect.gather [spmem:s3], $0x40, s4, s23, $0xb8;
	[tilespmem:$0x1C040] =	vst v63  }
0x8a: {  	_ =	swait.ge [sflag:s20], $0x2000  }
0x8b: {  	s28 =	smin.u32 s4, $0x98;
	s22 =	rddreg [dreg:$0x8]  }
0x8c: {  	s9 =	sadd.s32 s28, s22  }
0x8d: {  	[sflag:s20] =	ssyncset.done $0x0;
	s9 =	sshll.u32 s9, $0x4  }
0x8e: {  	[sflag:s20] =	ssyncadd.s32 $0xFFFFE000;
	s29 =	sadd.s32 s5, s9  }
0x8f: {  	[tilespmem:s24], [sflag:$0x4] =	stream.linear.gather [hbm4b:s29+s4], $0x80, $0x38;
	[tilespmem:$0x1C040] =	vst v63  }
0x90: {  	s9 =	sadd.s32 s6, s9  }
0x91: {  	[tilespmem:s30], [sflag:$0x4] =	stream.linear.gather [hbm4b:s9+s4], $0x80, $0x38;
	[tilespmem:$0x1C040] =	vst v63  }
0x92: {  	_ =	swait.ge [sflag:s1], $0x80  }
0x93: {  	[sflag:s1] =	ssyncset.done $0x0  }
0x94: {  	[sflag:s1] =	ssyncadd.s32 $0xFFFFFF80  }
0x95: {  	_ =	swait.ge [sflag:s1], $0x80  }
0x96: {  	[sflag:s1] =	ssyncset.done $0x0  }
0x97: {  	[sflag:s1] =	ssyncadd.s32 $0xFFFFFF80  }
0x98: {  	[tilespmem:s7], [sflag:$0x6] =	stream.indirect.gather [spmem:s3], $0x40, s25, s23, $0xb8;
	[tilespmem:$0x1C040] =	vst v63  }
0x99: {  	_ =	swait.ge [sflag:s8], $0x80  }
0x9a: {  	[sflag:s8] =	ssyncset.done $0x0  }
0x9b: {  	[sflag:s8] =	ssyncadd.s32 $0xFFFFFF80  }
0x9c: {  	_ =	swait.ge [sflag:s8], $0x80  }
0x9d: {  	[sflag:s8] =	ssyncset.done $0x0  }
0x9e: {  	s9 =	simm.s32 $0x4;
	[sflag:s8] =	ssyncadd.s32 $0xFFFFFF80  }
.LBB2_2:
0x9f: {  	s28 =	simm.s32 $0x200  }
0xa0: {  	[tilespmem:s10], [sflag:$0x7] =	stream.indirect.gather [spmem:s3], $0x40, s28, s23, $0xb8;
	[tilespmem:$0x1C040] =	vst v63  }
0xa1: {  	_ =	swait.ge [sflag:s11], $0x2000  }
0xa2: {  	[sflag:s11] =	ssyncset.done $0x0  }
0xa3: {  	[sflag:s11] =	ssyncadd.s32 $0xFFFFE000  }
0xa4: {  	[spmem:s2] =	stream.indirect.scatter.add.f32 [tilespmem:s0], [sflag:$0x9], $0x40, s23, s23, $0xb8;
	[tilespmem:$0x1C040] =	vst v63  }
0xa5: {  	_ =	swait.ge [sflag:s12], $0x80  }
0xa6: {  	[sflag:s12] =	ssyncset.done $0x0  }
0xa7: {  	[sflag:s12] =	ssyncadd.s32 $0xFFFFFF80  }
0xa8: {  	_ =	swait.ge [sflag:s12], $0x80  }
0xa9: {  	[sflag:s12] =	ssyncset.done $0x0  }
0xaa: {  	[sflag:s12] =	ssyncadd.s32 $0xFFFFFF80  }
0xab: {  	[tilespmem:s13], [sflag:$0x8] =	stream.indirect.gather [spmem:s3], $0x40, s24, s23, $0xb8;
	[tilespmem:$0x1C040] =	vst v63  }
0xac: {  	_ =	swait.ge [sflag:s14], $0x2000  }
0xad: {  	[sflag:s14] =	ssyncset.done $0x0  }
0xae: {  	[sflag:s14] =	ssyncadd.s32 $0xFFFFE000  }
0xaf: {  	[spmem:s2] =	stream.indirect.scatter.add.f32 [tilespmem:s7], [sflag:$0xA], $0x40, s26, s23, $0xb8;
	[tilespmem:$0x1C040] =	vst v63  }
0xb0: {  	s21 =	smov.u32 s9;
	_ =	swait.ge [sflag:s15], $0x2000  }
0xb1: {  	s24 =	smin.u32 s21, $0x9B;
	s22 =	rddreg [dreg:$0x5]  }
0xb2: {  	s22 =	sadd.s32 s24, s22  }
0xb3: {  	[sflag:s15] =	ssyncset.done $0x0;
	s22 =	sshll.u32 s22, $0x4  }
0xb4: {  	[sflag:s15] =	ssyncadd.s32 $0xFFFFE000;
	s24 =	sadd.s32 s5, s22  }
0xb5: {  	[tilespmem:s4], [sflag:$0x1] =	stream.linear.gather [hbm4b:s24+s4], $0x80, $0x38;
	[tilespmem:$0x1C040] =	vst v63  }
0xb6: {  	s22 =	sadd.s32 s6, s22  }
0xb7: {  	[tilespmem:s23], [sflag:$0x1] =	stream.linear.gather [hbm4b:s22+s4], $0x80, $0x38;
	[tilespmem:$0x1C040] =	vst v63  }
0xb8: {  	_ =	swait.ge [sflag:s16], $0x2000  }
0xb9: {  	[sflag:s16] =	ssyncset.done $0x0  }
0xba: {  	s29 =	simm.s32 $0x280;
	[sflag:s16] =	ssyncadd.s32 $0xFFFFE000  }
0xbb: {  	[spmem:s2] =	stream.indirect.scatter.add.f32 [tilespmem:s10], [sflag:$0xB], $0x40, s29, s23, $0xb8;
	[tilespmem:$0x1C040] =	vst v63  }
0xbc: {  	_ =	swait.ge [sflag:s17], $0x2000  }
0xbd: {  	s24 =	smin.u32 s21, $0x9A;
	s22 =	rddreg [dreg:$0x6]  }
0xbe: {  	s22 =	sadd.s32 s24, s22  }
0xbf: {  	[sflag:s17] =	ssyncset.done $0x0;
	s22 =	sshll.u32 s22, $0x4  }
0xc0: {  	[sflag:s17] =	ssyncadd.s32 $0xFFFFE000;
	s24 =	sadd.s32 s5, s22  }
0xc1: {  	[tilespmem:s25], [sflag:$0x2] =	stream.linear.gather [hbm4b:s24+s4], $0x80, $0x38;
	[tilespmem:$0x1C040] =	vst v63  }
0xc2: {  	s22 =	sadd.s32 s6, s22  }
0xc3: {  	[tilespmem:s26], [sflag:$0x2] =	stream.linear.gather [hbm4b:s22+s4], $0x80, $0x38;
	[tilespmem:$0x1C040] =	vst v63  }
0xc4: {  	_ =	swait.ge [sflag:s18], $0x2000  }
0xc5: {  	[sflag:s18] =	ssyncset.done $0x0  }
0xc6: {  	[sflag:s18] =	ssyncadd.s32 $0xFFFFE000  }
0xc7: {  	[spmem:s2] =	stream.indirect.scatter.add.f32 [tilespmem:s13], [sflag:$0xC], $0x40, s30, s23, $0xb8;
	[tilespmem:$0x1C040] =	vst v63  }
0xc8: {  	_ =	swait.ge [sflag:s19], $0x2000  }
0xc9: {  	s24 =	smin.u32 s21, $0x99;
	s22 =	rddreg [dreg:$0x7]  }
0xca: {  	s22 =	sadd.s32 s24, s22  }
0xcb: {  	[sflag:s19] =	ssyncset.done $0x0;
	s22 =	sshll.u32 s22, $0x4  }
0xcc: {  	[sflag:s19] =	ssyncadd.s32 $0xFFFFE000;
	s24 =	sadd.s32 s5, s22  }
0xcd: {  	[tilespmem:s28], [sflag:$0x3] =	stream.linear.gather [hbm4b:s24+s4], $0x80, $0x38;
	[tilespmem:$0x1C040] =	vst v63  }
0xce: {  	s22 =	sadd.s32 s6, s22;
	s28 =	simm.s32 $0x280  }
0xcf: {  	[tilespmem:s28], [sflag:$0x3] =	stream.linear.gather [hbm4b:s22+s4], $0x80, $0x38;
	[tilespmem:$0x1C040] =	vst v63  }
0xd0: {  	_ =	swait.ge [sflag:s31], $0x80  }
0xd1: {  	[sflag:s31] =	ssyncset.done $0x0  }
0xd2: {  	[sflag:s31] =	ssyncadd.s32 $0xFFFFFF80  }
0xd3: {  	_ =	swait.ge [sflag:s31], $0x80  }
0xd4: {  	[sflag:s31] =	ssyncset.done $0x0  }
0xd5: {  	[sflag:s31] =	ssyncadd.s32 $0xFFFFFF80  }
0xd6: {  	[tilespmem:s0], [sflag:$0x5] =	stream.indirect.gather [spmem:s3], $0x40, s4, s23, $0xb8;
	[tilespmem:$0x1C040] =	vst v63  }
0xd7: {  	_ =	swait.ge [sflag:s20], $0x2000  }
0xd8: {  	s21 =	smin.u32 s21, $0x98;
	s22 =	rddreg [dreg:$0x8]  }
0xd9: {  	s21 =	sadd.s32 s21, s22  }
0xda: {  	[sflag:s20] =	ssyncset.done $0x0;
	s21 =	sshll.u32 s21, $0x4  }
0xdb: {  	s24 =	simm.s32 $0x300;
	[sflag:s20] =	ssyncadd.s32 $0xFFFFE000;
	s22 =	sadd.s32 s5, s21  }
0xdc: {  	[tilespmem:s24], [sflag:$0x4] =	stream.linear.gather [hbm4b:s22+s4], $0x80, $0x38;
	[tilespmem:$0x1C040] =	vst v63  }
0xdd: {  	s21 =	sadd.s32 s6, s21  }
0xde: {  	[tilespmem:s30], [sflag:$0x4] =	stream.linear.gather [hbm4b:s21+s4], $0x80, $0x38;
	[tilespmem:$0x1C040] =	vst v63  }
0xdf: {  	_ =	swait.ge [sflag:s1], $0x80  }
0xe0: {  	[sflag:s1] =	ssyncset.done $0x0  }
0xe1: {  	[sflag:s1] =	ssyncadd.s32 $0xFFFFFF80  }
0xe2: {  	_ =	swait.ge [sflag:s1], $0x80  }
0xe3: {  	[sflag:s1] =	ssyncset.done $0x0  }
0xe4: {  	[sflag:s1] =	ssyncadd.s32 $0xFFFFFF80  }
0xe5: {  	[tilespmem:s7], [sflag:$0x6] =	stream.indirect.gather [spmem:s3], $0x40, s25, s23, $0xb8;
	[tilespmem:$0x1C040] =	vst v63  }
0xe6: {  	p0 =	sne.s32 s9, $0x9C;
	_ =	swait.ge [sflag:s8], $0x80  }
.Ltmp0:
0xe7: {  	[sflag:s8] =	ssyncset.done $0x0;
	(pc) =	sbr.rel @p0 .LBB2_2-.Ltmp0, $4  }
0xe8: {  	[sflag:s8] =	ssyncadd.s32 $0xFFFFFF80  }
0xe9: {  	_ =	swait.ge [sflag:s8], $0x80  }
0xea: {  	[sflag:s8] =	ssyncset.done $0x0  }
0xeb: {  	s9 =	sadd.s32 $0x4, s9;
	s29 =	simm.s32 $0x200;
	[sflag:s8] =	ssyncadd.s32 $0xFFFFFF80  }
0xec: {  	[tilespmem:s10], [sflag:$0x7] =	stream.indirect.gather [spmem:s3], $0x40, s29, s23, $0xb8;
	[tilespmem:$0x1C040] =	vst v63  }
0xed: {  	_ =	swait.ge [sflag:s11], $0x2000  }
0xee: {  	[sflag:s11] =	ssyncset.done $0x0  }
0xef: {  	[sflag:s11] =	ssyncadd.s32 $0xFFFFE000  }
0xf0: {  	_ =	swait.ge [sflag:s14], $0x2000  }
0xf1: {  	[sflag:s14] =	ssyncset.done $0x0  }
0xf2: {  	[sflag:s14] =	ssyncadd.s32 $0xFFFFE000  }
0xf3: {  	_ =	swait.ge [sflag:s16], $0x2000  }
0xf4: {  	[sflag:s16] =	ssyncset.done $0x0  }
0xf5: {  	[sflag:s16] =	ssyncadd.s32 $0xFFFFE000  }
0xf6: {  	_ =	swait.ge [sflag:s12], $0x80  }
0xf7: {  	[sflag:s12] =	ssyncset.done $0x0  }
0xf8: {  	[sflag:s12] =	ssyncadd.s32 $0xFFFFFF80  }
0xf9: {  	_ =	swait.ge [sflag:s12], $0x80  }
0xfa: {  	[sflag:s12] =	ssyncset.done $0x0  }
0xfb: {  	[sflag:s12] =	ssyncadd.s32 $0xFFFFFF80  }
0xfc: {  	[bflag:$0x0] =	sbarrier.arrive $0xFFFF  }
0xfd: {  	s21 =	rddreg [dreg:$0xb]  }
0xfe: {  	s9 =	rddreg [dreg:$0x15]  }
0xff: {  	s22 =	rddreg [dreg:$0x19]  }
0x100: {  	[hbm:s9], [sflag:s21] =	dma.local [spmem:s22], $0x1400  }
0x101: {  	s22 =	simm.s32 $0xD  }
0x102: {  	_ =	swait.ge [sflag:s22], $0x1400  }
0x103: {  	s24 =	rddreg [dreg:$0x18]  }
0x104: {  	s29 =	rddreg [dreg:$0x16];
	s24 =	sadd.s32 $0x1, s24  }
0x105: {  	p0 =	sne.s32 s24, s29  }
.Ltmp1:
0x106: {  	_ = 	snop;
	(pc) =	sbr.rel @p0 .LBB2_1-.Ltmp1, $3  }
0x107: {  	_ =	sdelay $0x1  }
0x108: {  	[sflag:s22] =	ssyncset.done $0x0  }
0x109: {  	[sflag:s22] =	ssyncadd.s32 $0xFFFFEC00  }
0x10a: {  	_ =	sfence.sel $0x180000  }
0x10b: {  	[bflag:$0x0] =	sbarrier.arrive $0xFFFF  }
0x10c: {  	_ =	strace $0x9000004D  }
0x10d: {  	s0 =	stileid.u32;
	[bflag:$0x2] =	sbarrier.arrive $0xFFFF  }
0x10e: {  	p0 =	sne.s32 s0, $0x0;
	s0 =	rddreg [dreg:$0x4]  }
0x10f: {  	s0 =	sadd.s32 @!p0 $0x100000, s0  }
0x110: {  	[sflag:s0] =	ssyncadd.tile.s32 @!p0 $0x1;
	_ =	shalt  }
.Lfunc_end2:
_tile_overlayer_lowered:
.L_overlay_start_2:
0x111: {  	(tag) =	ssettag $0x2  }
0x112: {  	s0 =	rddreg [dreg:$0x0];
	s2 =	stileid.u32  }
0x113: {  	s1 =	rddreg [dreg:$0x1];
	p0 =	sne.s32 s2, $0x0  }
0x114: {  	s3 =	rddreg [dreg:$0x2];
	[bflag:$0x3] =	sbarrier.arrive $0xFFFF;
	s2 =	simm.s32 @!p0 $0x1C0D  }
0x115: {  	[timem:s3], [sflag:s2] =	dma.local @!p0 [hbm:s0], s1  }
0x116: {  	s0 =	simm.s32 @!p0 $0xD  }
0x117: {  	_ =	swait.ge @!p0 [sflag:s0], s1  }
0x118: {  	s1 =	ssub.s32 @!p0 $0x0, s1;
	[sflag:s0] =	ssyncset.done @!p0 $0x0  }
0x119: {  	[sflag:s0] =	ssyncadd.s32 @!p0 s1  }
0x11a: {  	[bflag:$0x3] =	sbarrier.arrive $0xFFFF  }
0x11b: {  	_ =	shalt  }

// kernel: kernel.19.cloned.1.call-start
scs
__scs_entry_jumppad:
0x0: {  	(pc) =	sbr.rel $0x88, $3  }
0x1: {  	(tag) =	ssettag $0x0;
	lr =	simm.s32 $0x1  }
0x2: {  	[smem:$0x3F99] =	sst lr;
	_ =	strace $0xD0000000  }
0x3: {  	_ = 	snop  }
0x4: {  	_ = 	snop  }
0x5: {  	_ = 	snop  }
0x6: {  	_ = 	snop  }
0x7: {  	_ = 	snop  }
__scs_overlays_trampoline_lowered:
0x8: {  	[smem:$0x3FA8] =	sst s0  }
0x9: {  	[smem:$0x3FA9] =	sst s1  }
0xa: {  	[smem:$0x3FAA] =	sst s2  }
0xb: {  	[smem:$0x3FAB] =	sst s3  }
0xc: {  	[smem:$0x3FAC] =	sst s4  }
0xd: {  	[smem:$0x3FAD] =	sst s5  }
0xe: {  	[smem:$0x3FAE] =	sst s6  }
0xf: {  	[smem:$0x3FAF] =	sst s7  }
0x10: {  	[smem:$0x3FB0] =	sst s8  }
0x11: {  	[smem:$0x3FB1] =	sst s9;
	s0 =	simm.s32 @!p0 $0x0  }
0x12: {  	s1 =	sld [smem:$0x3F97];
	s0 =	simm.s32 @p0 $0x1  }
0x13: {  	[smem:$0x3FB2] =	sst s0;
	s0 =	simm.s32 @!p1 $0x0  }
0x14: {  	s2 =	sld [smem:$0x3F96];
	s0 =	simm.s32 @p1 $0x1  }
0x15: {  	[smem:$0x3FB3] =	sst s0;
	s0 =	simm.s32 @!p2 $0x0  }
0x16: {  	s3 =	sld [smem:$0x3FDB];
	s0 =	simm.s32 @p2 $0x1  }
0x17: {  	s4 =	simm.s32 $0x1BF5;
	[smem:$0x3FB5] =	sst s0  }
0x18: {  	s0 =	sld [smem:$0x3F98];
	_ =	swait.ge [sflag:s4], $0x0  }
0x19: {  	s7 =	sld [smem:$0x3F99]  }
0x1a: {  	s8 =	sadd.s32 $0xFFFFE003, lr  }
0x1b: {  	s9 =	sadd.s32 $0xFFFFFEF7, lr;
	s5 =	simm.s32 $0xFFFFFFFF;
	p2 =	slt.u32 s8, $0xFFFFF086  }
0x1c: {  	p1 =	slt.u32 s9, $0xF7A;
	s5 =	simm.s32 @!p2 $0x0  }
0x1d: {  	s5 =	simm.s32 @p1 $0x1;
	p0 =	seq.s32 s7, s2  }
0x1e: {  	s7 =	smul.u32 @!p0 $0xF7A, s2;
	p2 =	seq.s32 @!p0 s5, $0x0  }
0x1f: {  	s9 =	smul.u32 $0xF7A, s1;
	s8 =	simm.s32 @!p0 $0x1BF5;
	p2 =	por !p2, p0  }
0x20: {  	[sflag:s8] =	ssyncset.s32 @!p0 $0xFFFFF086;
	s6 =	sadd.s32 @!p0 s3, s7;
	s7 =	simm.s32 @!p0 $0x108  }
0x21: {  	s3 =	sadd.s32 s3, s9;
	s6 =	sadd.s32 @!p0 $0x88, s6;
	s7 =	simm.s32 @p2 $0x1082  }
0x22: {  	[simem:s7], [sflag:s8] =	dma.local @!p0 [hbm:s6], $0xF7A  }
0x23: {  	s9 =	sor.u32 $0xD0000000, s2;
	s6 =	simm.s32 $0x108;
	_ =	swait.ge @!p0 [sflag:s8], $0x0  }
0x24: {  	s3 =	sadd.s32 $0x88, s3;
	s6 =	simm.s32 @!p1 $0x1082;
	[sflag:s4] =	ssyncset.s32 $0xFFFFF086  }
0x25: {  	[simem:s6], [sflag:s4] =	dma.local [hbm:s3], $0xF7A  }
0x26: {  	[smem:$0x3F99] =	sst s1;
	(tag) =	ssettag s2;
	_ =	strace s9  }
0x27: {  	s1 =	sld [smem:$0x3FA9]  }
0x28: {  	s2 =	sld [smem:$0x3FAA]  }
0x29: {  	s4 =	sld [smem:$0x3FAC]  }
0x2a: {  	p0 =	seq.s32 s5, $0x0;
	s5 =	sld [smem:$0x3FAD]  }
0x2b: {  	s6 =	sld [smem:$0x3FAE]  }
0x2c: {  	s7 =	sld [smem:$0x3FAF]  }
0x2d: {  	s3 =	simm.s32 $0x108;
	s8 =	sld [smem:$0x3FB0]  }
0x2e: {  	s3 =	simm.s32 @!p0 $0x1082;
	s9 =	sld [smem:$0x3FB1]  }
0x2f: {  	lr =	sadd.s32 s0, s3;
	s0 =	sld [smem:$0x3FA8]  }
0x30: {  	s3 =	sld [smem:$0x3FAB]  }
0x31: {  	[smem:$0x3FB4] =	sst s10  }
0x32: {  	s10 =	sld [smem:$0x3FB2];
	_ =	sdelay $0x3  }
0x33: {  	p0 =	seq.s32 s10, $0x1;
	s10 =	sld [smem:$0x3FB4];
	_ =	sdelay $0x3  }
0x34: {  	[smem:$0x3FB4] =	sst s10  }
0x35: {  	s10 =	sld [smem:$0x3FB3];
	_ =	sdelay $0x3  }
0x36: {  	p1 =	seq.s32 s10, $0x1;
	s10 =	sld [smem:$0x3FB4];
	_ =	sdelay $0x3  }
0x37: {  	[smem:$0x3FB4] =	sst s10  }
0x38: {  	s10 =	sld [smem:$0x3FB5]  }
0x39: {  	_ = 	snop;
	(pc) =	sbr.ind lr, $3  }
0x3a: {  	_ = 	snop  }
0x3b: {  	_ = 	snop  }
0x3c: {  	p2 =	seq.s32 s10, $0x1;
	s10 =	sld [smem:$0x3FB4]  }
0x3d: {  	_ =	shalt  }
0x3e: {  	_ =	shalt  }
0x3f: {  	_ =	shalt  }
0x40: {  	_ =	shalt  }
0x41: {  	_ =	shalt  }
0x42: {  	_ =	shalt  }
0x43: {  	_ =	shalt  }
0x44: {  	_ =	shalt  }
0x45: {  	_ =	shalt  }
0x46: {  	_ =	shalt  }
0x47: {  	_ =	shalt  }
0x48: {  	_ =	shalt  }
0x49: {  	_ =	shalt  }
0x4a: {  	_ =	shalt  }
0x4b: {  	_ =	shalt  }
0x4c: {  	_ =	shalt  }
0x4d: {  	_ =	shalt  }
0x4e: {  	_ =	shalt  }
0x4f: {  	_ =	shalt  }
0x50: {  	_ =	shalt  }
0x51: {  	_ =	shalt  }
0x52: {  	_ =	shalt  }
0x53: {  	_ =	shalt  }
0x54: {  	_ =	shalt  }
0x55: {  	_ =	shalt  }
0x56: {  	_ =	shalt  }
0x57: {  	_ =	shalt  }
0x58: {  	_ =	shalt  }
0x59: {  	_ =	shalt  }
0x5a: {  	_ =	shalt  }
0x5b: {  	_ =	shalt  }
0x5c: {  	_ =	shalt  }
0x5d: {  	_ =	shalt  }
0x5e: {  	_ =	shalt  }
0x5f: {  	_ =	shalt  }
0x60: {  	_ =	shalt  }
0x61: {  	_ =	shalt  }
0x62: {  	_ =	shalt  }
0x63: {  	_ =	shalt  }
0x64: {  	_ =	shalt  }
0x65: {  	_ =	shalt  }
0x66: {  	_ =	shalt  }
0x67: {  	_ =	shalt  }
0x68: {  	_ =	shalt  }
0x69: {  	_ =	shalt  }
0x6a: {  	_ =	shalt  }
0x6b: {  	_ =	shalt  }
0x6c: {  	_ =	shalt  }
0x6d: {  	_ =	shalt  }
0x6e: {  	_ =	shalt  }
0x6f: {  	_ =	shalt  }
0x70: {  	_ =	shalt  }
0x71: {  	_ =	shalt  }
0x72: {  	_ =	shalt  }
0x73: {  	_ =	shalt  }
0x74: {  	_ =	shalt  }
0x75: {  	_ =	shalt  }
0x76: {  	_ =	shalt  }
0x77: {  	_ =	shalt  }
0x78: {  	_ =	shalt  }
0x79: {  	_ =	shalt  }
0x7a: {  	_ =	shalt  }
0x7b: {  	_ =	shalt  }
0x7c: {  	_ =	shalt  }
0x7d: {  	_ =	shalt  }
0x7e: {  	_ =	shalt  }
0x7f: {  	_ =	shalt  }
0x80: {  	_ =	shalt  }
0x81: {  	_ =	shalt  }
0x82: {  	_ =	shalt  }
0x83: {  	_ =	shalt  }
0x84: {  	_ =	shalt  }
0x85: {  	_ =	shalt  }
0x86: {  	_ =	shalt  }
0x87: {  	_ =	shalt  }
.Lfunc_end0:
.L_simem_size_0:
called_computation.3_lowered:
.L_overlay_start_0:
0x88: {  	s2 =	sld [smem:$0x3FD9]  }
0x89: {  	s3 =	sld [smem:$0x3FFE];
	_ =	sdelay $0x1  }
0x8a: {  	s1 =	srdreg.scid  }
0x8b: {  	s0 =	sand.u32 $0x1, s1  }
0x8c: {  	s17 =	sshll.u32 s0, $0xA;
	s2 =	sadd.s32 s3, s2  }
0x8d: {  	s2 =	sadd.s32 s2, s17  }
0x8e: {  	[smem:$0x3FC0] =	sst s2  }
0x8f: {  	_ = 	snop  }
0x90: {  	s2 =	sld [smem:$0x3FD0];
	(tm) =	ssettm $0x1  }
0x91: {  	s18 =	sld [smem:$0x3FFB];
	_ =	sdelay $0x3  }
0x92: {  	_ =	strace s18  }
0x93: {  	s3 =	sld [smem:$0x3FFC];
	_ =	sdelay $0x3  }
0x94: {  	_ =	strace s3  }
0x95: {  	s3 =	sld [smem:$0x3FFD];
	_ =	sdelay $0x3  }
0x96: {  	_ =	strace s3  }
0x97: {  	_ =	strace $0x8FFFFFFF  }
0x98: {  	s19 =	sld [smem:$0x3FDB];
	_ =	sdelay $0x1  }
0x99: {  	s4 =	simm.s32 $_scs_section_size  }
0x9a: {  	s5 =	simm.s32 $_size__tile_overlayer_lowered;
	s6 =	simm.s32 $_tile_overlayer_lowered  }
0x9b: {  	s22 =	simm.s32 $0x1BFF;
	s21 =	sshll.u32 s6, $0x1;
	s3 =	sadd.s32 s4, s19  }
0x9c: {  	s7 =	simm.s32 $0x0;
	s20 =	sshll.u32 s5, $0x1;
	s5 =	sadd.s32 s21, s3  }
0x9d: {  	[timem:s7], [sflag:s22] =	dma.local [hbm:s5], s20  }
0x9e: {  	_ =	swait.ge [sflag:s22], s20  }
0x9f: {  	s4 =	ssub.s32 $0x0, s20;
	[sflag:s22] =	ssyncset.done $0x0  }
0xa0: {  	[sflag:s22] =	ssyncadd.s32 s4;
	_ =	sdelay $0x1  }
0xa1: {  	s23 =	simm.s32 $0x1B8B  }
0xa2: {  	_ =	swait.ge [sflag:s23], $0x1  }
0xa3: {  	[sflag:s23] =	ssyncset.done $0x0  }
0xa4: {  	s25 =	simm.s32 $0x1B8E;
	s24 =	sld [smem:$0x3FFE];
	[sflag:s23] =	ssyncadd.s32 $0xFFFFFFFF  }
0xa5: {  	s26 =	simm.s32 $execute0_lowered;
	[smem:$0x3FD2] =	sst s25  }
0xa6: {  	s5 =	sshll.u32 s26, $0x1;
	_ =	strace $0x8000004F;
	[dreg:$0x1] =	wrdreg $0xFFFFFFFF  }
0xa7: {  	s28 =	simm.s32 $_size_execute0_lowered;
	s3 =	sadd.s32 s3, s5;
	[dreg:$0x0] =	wrdreg $0x0  }
0xa8: {  	s5 =	sshll.u32 s28, $0x1;
	[dreg:$0x2] =	wrdreg s3  }
0xa9: {  	[dreg:$0x3] =	wrdreg s5  }
0xaa: {  	[dreg:$0x4] =	wrdreg $0xC0  }
0xab: {  	_ =	task [dreg:s7], $0x5FFFF  }
0xac: {  	[dreg:$0x1] =	wrdreg $0xFFFFFFFF  }
0xad: {  	[dreg:$0x0] =	wrdreg $0x60  }
0xae: {  	[dreg:$0x2] =	wrdreg s2  }
0xaf: {  	[dreg:$0x3] =	wrdreg s24  }
0xb0: {  	[dreg:$0x4] =	wrdreg $0x120400  }
0xb1: {  	[dreg:$0x5] =	wrdreg $0x84000  }
0xb2: {  	[dreg:$0x6] =	wrdreg $0x9  }
0xb3: {  	_ =	task.clear_ibuf [dreg:s7], $0x7FFFF;
	_ =	strace $0x9000004F  }
0xb4: {  	s29 =	simm.s32 $0x9;
	_ =	strace $0x80000051  }
0xb5: {  	_ =	swait.ge [sflag:s29], $0x1  }
0xb6: {  	[sflag:s29] =	ssyncadd.s32 $0xFFFFFFFF  }
0xb7: {  	_ =	strace $0x90000051  }
0xb8: {  	_ =	sfence  }
0xb9: {  	s30 =	sld [smem:$0x0];
	_ =	sdelay $0x2  }
0xba: {  	s31 =	sshll.u32 s1, $0xD;
	s1 =	sshrl.u32 s1, $0x2  }
0xbb: {  	s3 =	sand.u32 $0x4000, s31;
	s1 =	sadd.s32 s1, s30  }
0xbc: {  	s0 =	sor.u32 s3, s0;
	s1 =	sshll.u32 s1, $0x11  }
0xbd: {  	s0 =	sor.u32 s1, s0  }
0xbe: {  	s0 =	sadd.s32 $0x8F2B, s0  }
0xbf: {  	[sflag:s0] =	ssyncadd.remote.s32 $0x1  }
0xc0: {  	_ =	sfence.sel $0xFFFF  }
0xc1: {  	[dreg:$0x0] =	wrdreg $0xFFFFFFFF;
	(pc) =	sbr.abs _section_cstart, $3  }
0xc2: {  	[dreg:$0x1] =	wrdreg $0xFFFFFFFF  }
0xc3: {  	_ =	task.clear_ibuf [dreg:s7], $0x2FFFF;
	_ =	strace $0x9FFFFFFF  }
0xc4: {  	(tm) =	ssettm $0x7FFFFFFF  }
0xc5: {  	_ =	shalt  }
tec
execute0_lowered:
.L_overlay_start_1:
0x0: {  	(tag) =	ssettag $0x1  }
0x1: {  	s0 =	rddreg [dreg:$0x0]  }
0x2: {  	s1 =	rddreg [dreg:$0x1]  }
0x3: {  	s2 =	rddreg [dreg:$0x2]  }
0x4: {  	s3 =	rddreg [dreg:$0x3];
	s5 =	srdreg.scid  }
0x5: {  	s12 =	stileid.u32;
	s4 =	simm.s32 $0x0;
	s28 =	simm.s32 $0x280  }
0x6: {  	s30 =	simm.s32 $0x380;
	s31 =	simm.s32 $0x1;
	s8 =	smul.u32 $0xA000, s12  }
0x7: {  	s7 =	sand.u32 $0x1, s5;
	[smem:$0x7FF] =	sst s4;
	s11 =	smul.u32 $0x9C40, s12  }
0x8: {  	s5 =	sadd.s32 $0xCA00, s1;
	s6 =	sadd.s32 $0x2200, s1;
	s25 =	smul.u32 $0xA0, s12  }
0x9: {  	s10 =	sadd.s32 $0x64C00, s1;
	s26 =	sshll.u32 s12, $0x6;
	s12 =	smul.u32 $0xA00, s12  }
0xa: {  	s9 =	smul.u32 $0xA0000, s7;
	_ =	strace $0x80000050;
	[dreg:$0x9] =	wrdreg s10  }
0xb: {  	s23 =	ssub.s32 $0x2, s7;
	s7 =	smul.u32 $0x9C400, s7;
	s21 =	sor.u32 $0x1C0D, s26  }
0xc: {  	s10 =	simm.s32 $0x4400;
	s24 =	sshrl.u32 s23, $0x1;
	s29 =	sadd.s32 s11, s3  }
0xd: {  	s13 =	sor.u32 $0x10, s12;
	s14 =	sadd.s32 s6, s12;
	s16 =	sor.u32 $0x20, s12  }
0xe: {  	s18 =	sor.u32 $0x4, s25;
	s19 =	sor.u32 $0x5, s25;
	[dreg:$0xb] =	wrdreg s21  }
0xf: {  	s20 =	sor.u32 $0x30, s12;
	s22 =	sor.u32 $0x6, s25;
	[dreg:$0xe] =	wrdreg s14  }
0x10: {  	s9 =	sadd.s32 s8, s9;
	s8 =	sadd.s32 s8, s2;
	[dreg:$0x5] =	wrdreg s18  }
0x11: {  	s7 =	sadd.s32 s11, s7;
	s11 =	sadd.s32 s5, s12;
	[dreg:$0x6] =	wrdreg s19  }
0x12: {  	s15 =	sadd.s32 s5, s13;
	s17 =	sadd.s32 s5, s16;
	[dreg:$0x7] =	wrdreg s22  }
0x13: {  	s22 =	simm.s32 $0xD;
	s29 =	sshrl.u32 s29, $0x3;
	[dreg:$0xa] =	wrdreg s8  }
0x14: {  	s12 =	simm.s32 $0x4;
	s14 =	simm.s32 $0x6;
	[dreg:$0xd] =	wrdreg s11  }
0x15: {  	s18 =	simm.s32 $0x8;
	s19 =	simm.s32 $0xB;
	[dreg:$0xf] =	wrdreg s15  }
0x16: {  	s9 =	sshrl.u32 s9, $0x3;
	s7 =	sshrl.u32 s7, $0x3;
	[dreg:$0x11] =	wrdreg s17  }
0x17: {  	[dreg:$0x17] =	wrdreg s29;
	s8 =	simm.s32 $0x3;
	s11 =	simm.s32 $0x5  }
0x18: {  	s15 =	simm.s32 $0x9;
	s17 =	simm.s32 $0xA;
	s0 =	sadd.s32 s0, s7  }
0x19: {  	s1 =	sadd.s32 s9, s1;
	s7 =	sadd.s32 s6, s16;
	[dreg:$0xc] =	wrdreg s0  }
0x1a: {  	s9 =	ssub.s32 s23, s24;
	s23 =	sadd.s32 s5, s20;
	[dreg:$0x12] =	wrdreg s7  }
0x1b: {  	s24 =	sor.u32 $0x7, s25;
	s16 =	simm.s32 $0x7;
	[dreg:$0x13] =	wrdreg s23  }
0x1c: {  	s0 =	sadd.s32 s6, s13;
	s7 =	sadd.s32 s6, s20;
	[dreg:$0x8] =	wrdreg s24  }
0x1d: {  	s25 =	sadd.s32 $0x16A00, s1;
	s26 =	smax.u32 s9, $0x1;
	[dreg:$0x10] =	wrdreg s0  }
0x1e: {  	s23 =	simm.s32 $0x80;
	s1 =	simm.s32 $0x2;
	[dreg:$0x14] =	wrdreg s7  }
0x1f: {  	s13 =	simm.s32 $0x6400;
	s20 =	simm.s32 $0xC;
	[dreg:$0x15] =	wrdreg s25  }
0x20: {  	s24 =	simm.s32 $0x0;
	[dreg:$0x16] =	wrdreg s26;
	s0 =	simm.s32 $0x400  }
0x21: {  	s7 =	simm.s32 $0x2400;
	s25 =	simm.s32 $0x100;
	s26 =	simm.s32 $0x180  }
.LBB2_1:
0x22: {  	[dreg:$0x18] =	wrdreg s24  }
0x23: {  	s9 =	rddreg [dreg:$0xa]  }
0x24: {  	s29 =	rddreg [dreg:$0x9];
	s9 =	sshrl.u32 s9, $0x3  }
0x25: {  	[dreg:$0x19] =	wrdreg s9  }
0x26: {  	[spmem:s9], [sflag:s21] =	dma.local [hbm:s29], $0x1400  }
0x27: {  	_ =	swait.ge [sflag:s22], $0x1400  }
0x28: {  	[sflag:s22] =	ssyncset.done $0x0;
	s24 =	rddreg [dreg:$0xc]  }
0x29: {  	s29 =	rddreg [dreg:$0x17];
	[sflag:s22] =	ssyncadd.s32 $0xFFFFEC00  }
0x2a: {  	[spmem:s29], [sflag:s21] =	dma.local [hbm:s24], $0x1388  }
0x2b: {  	_ =	swait.ge [sflag:s22], $0x1388  }
0x2c: {  	[sflag:s22] =	ssyncset.done $0x0  }
0x2d: {  	[sflag:s22] =	ssyncadd.s32 $0xFFFFEC78  }
0x2e: {  	[bflag:$0x0] =	sbarrier.arrive $0xFFFF  }
0x2f: {  	s29 =	rddreg [dreg:$0xd]  }
0x30: {  	[tilespmem:s4], [sflag:$0x1] =	stream.linear.gather [hbm4b:s29+s4], $0x80, $0x38;
	[tilespmem:$0x1C040] =	vst v63  }
0x31: {  	s21 =	rddreg [dreg:$0xe]  }
0x32: {  	[tilespmem:s23], [sflag:$0x1] =	stream.linear.gather [hbm4b:s21+s4], $0x80, $0x38;
	[tilespmem:$0x1C040] =	vst v63  }
0x33: {  	s22 =	rddreg [dreg:$0xf]  }
0x34: {  	[tilespmem:s25], [sflag:$0x2] =	stream.linear.gather [hbm4b:s22+s4], $0x80, $0x38;
	[tilespmem:$0x1C040] =	vst v63  }
0x35: {  	s29 =	rddreg [dreg:$0x10]  }
0x36: {  	[tilespmem:s26], [sflag:$0x2] =	stream.linear.gather [hbm4b:s29+s4], $0x80, $0x38;
	[tilespmem:$0x1C040] =	vst v63  }
0x37: {  	s21 =	rddreg [dreg:$0x11];
	s22 =	simm.s32 $0x200  }
0x38: {  	[tilespmem:s22], [sflag:$0x3] =	stream.linear.gather [hbm4b:s21+s4], $0x80, $0x38;
	[tilespmem:$0x1C040] =	vst v63  }
0x39: {  	s29 =	rddreg [dreg:$0x12]  }
0x3a: {  	[tilespmem:s28], [sflag:$0x3] =	stream.linear.gather [hbm4b:s29+s4], $0x80, $0x38;
	[tilespmem:$0x1C040] =	vst v63  }
0x3b: {  	s24 =	simm.s32 $0x300;
	s21 =	rddreg [dreg:$0x13]  }
0x3c: {  	[tilespmem:s24], [sflag:$0x4] =	stream.linear.gather [hbm4b:s21+s4], $0x80, $0x38;
	[tilespmem:$0x1C040] =	vst v63  }
0x3d: {  	s29 =	rddreg [dreg:$0x14]  }
0x3e: {  	[tilespmem:s30], [sflag:$0x4] =	stream.linear.gather [hbm4b:s29+s4], $0x80, $0x38;
	[tilespmem:$0x1C040] =	vst v63  }
0x3f: {  	_ =	swait.ge [sflag:s31], $0x80  }
0x40: {  	[sflag:s31] =	ssyncset.done $0x0  }
0x41: {  	[sflag:s31] =	ssyncadd.s32 $0xFFFFFF80  }
0x42: {  	_ =	swait.ge [sflag:s31], $0x80  }
0x43: {  	[sflag:s31] =	ssyncset.done $0x0  }
0x44: {  	[sflag:s31] =	ssyncadd.s32 $0xFFFFFF80  }
0x45: {  	[tilespmem:s0], [sflag:$0x5] =	stream.indirect.gather [spmem:s3], $0x40, s4, s23, $0xb8;
	[tilespmem:$0x1C040] =	vst v63  }
0x46: {  	_ =	swait.ge [sflag:s1], $0x80  }
0x47: {  	[sflag:s1] =	ssyncset.done $0x0  }
0x48: {  	[sflag:s1] =	ssyncadd.s32 $0xFFFFFF80  }
0x49: {  	_ =	swait.ge [sflag:s1], $0x80  }
0x4a: {  	[sflag:s1] =	ssyncset.done $0x0  }
0x4b: {  	[sflag:s1] =	ssyncadd.s32 $0xFFFFFF80  }
0x4c: {  	[tilespmem:s7], [sflag:$0x6] =	stream.indirect.gather [spmem:s3], $0x40, s25, s23, $0xb8;
	[tilespmem:$0x1C040] =	vst v63  }
0x4d: {  	_ =	swait.ge [sflag:s8], $0x80  }
0x4e: {  	[sflag:s8] =	ssyncset.done $0x0  }
0x4f: {  	[sflag:s8] =	ssyncadd.s32 $0xFFFFFF80  }
0x50: {  	_ =	swait.ge [sflag:s8], $0x80  }
0x51: {  	[sflag:s8] =	ssyncset.done $0x0  }
0x52: {  	[sflag:s8] =	ssyncadd.s32 $0xFFFFFF80  }
0x53: {  	[tilespmem:s10], [sflag:$0x7] =	stream.indirect.gather [spmem:s3], $0x40, s22, s23, $0xb8;
	[tilespmem:$0x1C040] =	vst v63  }
0x54: {  	_ =	swait.ge [sflag:s11], $0x2000  }
0x55: {  	[sflag:s11] =	ssyncset.done $0x0  }
0x56: {  	[sflag:s11] =	ssyncadd.s32 $0xFFFFE000  }
0x57: {  	[spmem:s2] =	stream.indirect.scatter.add.f32 [tilespmem:s0], [sflag:$0x9], $0x40, s23, s23, $0xb8;
	[tilespmem:$0x1C040] =	vst v63  }
0x58: {  	_ =	swait.ge [sflag:s12], $0x80  }
0x59: {  	[sflag:s12] =	ssyncset.done $0x0  }
0x5a: {  	[sflag:s12] =	ssyncadd.s32 $0xFFFFFF80  }
0x5b: {  	_ =	swait.ge [sflag:s12], $0x80  }
0x5c: {  	[sflag:s12] =	ssyncset.done $0x0  }
0x5d: {  	[sflag:s12] =	ssyncadd.s32 $0xFFFFFF80  }
0x5e: {  	[tilespmem:s13], [sflag:$0x8] =	stream.indirect.gather [spmem:s3], $0x40, s24, s23, $0xb8;
	[tilespmem:$0x1C040] =	vst v63  }
0x5f: {  	_ =	swait.ge [sflag:s14], $0x2000  }
0x60: {  	[sflag:s14] =	ssyncset.done $0x0  }
0x61: {  	[sflag:s14] =	ssyncadd.s32 $0xFFFFE000  }
0x62: {  	[spmem:s2] =	stream.indirect.scatter.add.f32 [tilespmem:s7], [sflag:$0xA], $0x40, s26, s23, $0xb8;
	[tilespmem:$0x1C040] =	vst v63  }
0x63: {  	_ =	swait.ge [sflag:s15], $0x2000  }
0x64: {  	s29 =	smin.u32 s4, $0x9B;
	s21 =	rddreg [dreg:$0x5]  }
0x65: {  	s9 =	sadd.s32 s29, s21  }
0x66: {  	[sflag:s15] =	ssyncset.done $0x0;
	s9 =	sshll.u32 s9, $0x4  }
0x67: {  	[sflag:s15] =	ssyncadd.s32 $0xFFFFE000;
	s29 =	sadd.s32 s5, s9  }
0x68: {  	[tilespmem:s4], [sflag:$0x1] =	stream.linear.gather [hbm4b:s29+s4], $0x80, $0x38;
	[tilespmem:$0x1C040] =	vst v63  }
0x69: {  	s9 =	sadd.s32 s6, s9  }
0x6a: {  	[tilespmem:s23], [sflag:$0x1] =	stream.linear.gather [hbm4b:s9+s4], $0x80, $0x38;
	[tilespmem:$0x1C040] =	vst v63  }
0x6b: {  	_ =	swait.ge [sflag:s16], $0x2000  }
0x6c: {  	[sflag:s16] =	ssyncset.done $0x0  }
0x6d: {  	[sflag:s16] =	ssyncadd.s32 $0xFFFFE000  }
0x6e: {  	[spmem:s2] =	stream.indirect.scatter.add.f32 [tilespmem:s10], [sflag:$0xB], $0x40, s28, s23, $0xb8;
	[tilespmem:$0x1C040] =	vst v63  }
0x6f: {  	_ =	swait.ge [sflag:s17], $0x2000  }
0x70: {  	s29 =	smin.u32 s4, $0x9A;
	s21 =	rddreg [dreg:$0x6]  }
0x71: {  	s9 =	sadd.s32 s29, s21  }
0x72: {  	[sflag:s17] =	ssyncset.done $0x0;
	s9 =	sshll.u32 s9, $0x4  }
0x73: {  	[sflag:s17] =	ssyncadd.s32 $0xFFFFE000;
	s29 =	sadd.s32 s5, s9  }
0x74: {  	[tilespmem:s25], [sflag:$0x2] =	stream.linear.gather [hbm4b:s29+s4], $0x80, $0x38;
	[tilespmem:$0x1C040] =	vst v63  }
0x75: {  	s9 =	sadd.s32 s6, s9  }
0x76: {  	[tilespmem:s26], [sflag:$0x2] =	stream.linear.gather [hbm4b:s9+s4], $0x80, $0x38;
	[tilespmem:$0x1C040] =	vst v63  }
0x77: {  	_ =	swait.ge [sflag:s18], $0x2000  }
0x78: {  	[sflag:s18] =	ssyncset.done $0x0  }
0x79: {  	[sflag:s18] =	ssyncadd.s32 $0xFFFFE000  }
0x7a: {  	[spmem:s2] =	stream.indirect.scatter.add.f32 [tilespmem:s13], [sflag:$0xC], $0x40, s30, s23, $0xb8;
	[tilespmem:$0x1C040] =	vst v63  }
0x7b: {  	_ =	swait.ge [sflag:s19], $0x2000  }
0x7c: {  	s29 =	smin.u32 s4, $0x99;
	s21 =	rddreg [dreg:$0x7]  }
0x7d: {  	s9 =	sadd.s32 s29, s21  }
0x7e: {  	[sflag:s19] =	ssyncset.done $0x0;
	s9 =	sshll.u32 s9, $0x4  }
0x7f: {  	[sflag:s19] =	ssyncadd.s32 $0xFFFFE000;
	s29 =	sadd.s32 s5, s9  }
0x80: {  	[tilespmem:s22], [sflag:$0x3] =	stream.linear.gather [hbm4b:s29+s4], $0x80, $0x38;
	[tilespmem:$0x1C040] =	vst v63  }
0x81: {  	s9 =	sadd.s32 s6, s9  }
0x82: {  	[tilespmem:s28], [sflag:$0x3] =	stream.linear.gather [hbm4b:s9+s4], $0x80, $0x38;
	[tilespmem:$0x1C040] =	vst v63  }
0x83: {  	_ =	swait.ge [sflag:s31], $0x80  }
0x84: {  	[sflag:s31] =	ssyncset.done $0x0  }
0x85: {  	[sflag:s31] =	ssyncadd.s32 $0xFFFFFF80  }
0x86: {  	_ =	swait.ge [sflag:s31], $0x80  }
0x87: {  	[sflag:s31] =	ssyncset.done $0x0  }
0x88: {  	[sflag:s31] =	ssyncadd.s32 $0xFFFFFF80  }
0x89: {  	[tilespmem:s0], [sflag:$0x5] =	stream.indirect.gather [spmem:s3], $0x40, s4, s23, $0xb8;
	[tilespmem:$0x1C040] =	vst v63  }
0x8a: {  	_ =	swait.ge [sflag:s20], $0x2000  }
0x8b: {  	s28 =	smin.u32 s4, $0x98;
	s22 =	rddreg [dreg:$0x8]  }
0x8c: {  	s9 =	sadd.s32 s28, s22  }
0x8d: {  	[sflag:s20] =	ssyncset.done $0x0;
	s9 =	sshll.u32 s9, $0x4  }
0x8e: {  	[sflag:s20] =	ssyncadd.s32 $0xFFFFE000;
	s29 =	sadd.s32 s5, s9  }
0x8f: {  	[tilespmem:s24], [sflag:$0x4] =	stream.linear.gather [hbm4b:s29+s4], $0x80, $0x38;
	[tilespmem:$0x1C040] =	vst v63  }
0x90: {  	s9 =	sadd.s32 s6, s9  }
0x91: {  	[tilespmem:s30], [sflag:$0x4] =	stream.linear.gather [hbm4b:s9+s4], $0x80, $0x38;
	[tilespmem:$0x1C040] =	vst v63  }
0x92: {  	_ =	swait.ge [sflag:s1], $0x80  }
0x93: {  	[sflag:s1] =	ssyncset.done $0x0  }
0x94: {  	[sflag:s1] =	ssyncadd.s32 $0xFFFFFF80  }
0x95: {  	_ =	swait.ge [sflag:s1], $0x80  }
0x96: {  	[sflag:s1] =	ssyncset.done $0x0  }
0x97: {  	[sflag:s1] =	ssyncadd.s32 $0xFFFFFF80  }
0x98: {  	[tilespmem:s7], [sflag:$0x6] =	stream.indirect.gather [spmem:s3], $0x40, s25, s23, $0xb8;
	[tilespmem:$0x1C040] =	vst v63  }
0x99: {  	_ =	swait.ge [sflag:s8], $0x80  }
0x9a: {  	[sflag:s8] =	ssyncset.done $0x0  }
0x9b: {  	[sflag:s8] =	ssyncadd.s32 $0xFFFFFF80  }
0x9c: {  	_ =	swait.ge [sflag:s8], $0x80  }
0x9d: {  	[sflag:s8] =	ssyncset.done $0x0  }
0x9e: {  	s9 =	simm.s32 $0x4;
	[sflag:s8] =	ssyncadd.s32 $0xFFFFFF80  }
.LBB2_2:
0x9f: {  	s28 =	simm.s32 $0x200  }
0xa0: {  	[tilespmem:s10], [sflag:$0x7] =	stream.indirect.gather [spmem:s3], $0x40, s28, s23, $0xb8;
	[tilespmem:$0x1C040] =	vst v63  }
0xa1: {  	_ =	swait.ge [sflag:s11], $0x2000  }
0xa2: {  	[sflag:s11] =	ssyncset.done $0x0  }
0xa3: {  	[sflag:s11] =	ssyncadd.s32 $0xFFFFE000  }
0xa4: {  	[spmem:s2] =	stream.indirect.scatter.add.f32 [tilespmem:s0], [sflag:$0x9], $0x40, s23, s23, $0xb8;
	[tilespmem:$0x1C040] =	vst v63  }
0xa5: {  	_ =	swait.ge [sflag:s12], $0x80  }
0xa6: {  	[sflag:s12] =	ssyncset.done $0x0  }
0xa7: {  	[sflag:s12] =	ssyncadd.s32 $0xFFFFFF80  }
0xa8: {  	_ =	swait.ge [sflag:s12], $0x80  }
0xa9: {  	[sflag:s12] =	ssyncset.done $0x0  }
0xaa: {  	[sflag:s12] =	ssyncadd.s32 $0xFFFFFF80  }
0xab: {  	[tilespmem:s13], [sflag:$0x8] =	stream.indirect.gather [spmem:s3], $0x40, s24, s23, $0xb8;
	[tilespmem:$0x1C040] =	vst v63  }
0xac: {  	_ =	swait.ge [sflag:s14], $0x2000  }
0xad: {  	[sflag:s14] =	ssyncset.done $0x0  }
0xae: {  	[sflag:s14] =	ssyncadd.s32 $0xFFFFE000  }
0xaf: {  	[spmem:s2] =	stream.indirect.scatter.add.f32 [tilespmem:s7], [sflag:$0xA], $0x40, s26, s23, $0xb8;
	[tilespmem:$0x1C040] =	vst v63  }
0xb0: {  	s21 =	smov.u32 s9;
	_ =	swait.ge [sflag:s15], $0x2000  }
0xb1: {  	s24 =	smin.u32 s21, $0x9B;
	s22 =	rddreg [dreg:$0x5]  }
0xb2: {  	s22 =	sadd.s32 s24, s22  }
0xb3: {  	[sflag:s15] =	ssyncset.done $0x0;
	s22 =	sshll.u32 s22, $0x4  }
0xb4: {  	[sflag:s15] =	ssyncadd.s32 $0xFFFFE000;
	s24 =	sadd.s32 s5, s22  }
0xb5: {  	[tilespmem:s4], [sflag:$0x1] =	stream.linear.gather [hbm4b:s24+s4], $0x80, $0x38;
	[tilespmem:$0x1C040] =	vst v63  }
0xb6: {  	s22 =	sadd.s32 s6, s22  }
0xb7: {  	[tilespmem:s23], [sflag:$0x1] =	stream.linear.gather [hbm4b:s22+s4], $0x80, $0x38;
	[tilespmem:$0x1C040] =	vst v63  }
0xb8: {  	_ =	swait.ge [sflag:s16], $0x2000  }
0xb9: {  	[sflag:s16] =	ssyncset.done $0x0  }
0xba: {  	s29 =	simm.s32 $0x280;
	[sflag:s16] =	ssyncadd.s32 $0xFFFFE000  }
0xbb: {  	[spmem:s2] =	stream.indirect.scatter.add.f32 [tilespmem:s10], [sflag:$0xB], $0x40, s29, s23, $0xb8;
	[tilespmem:$0x1C040] =	vst v63  }
0xbc: {  	_ =	swait.ge [sflag:s17], $0x2000  }
0xbd: {  	s24 =	smin.u32 s21, $0x9A;
	s22 =	rddreg [dreg:$0x6]  }
0xbe: {  	s22 =	sadd.s32 s24, s22  }
0xbf: {  	[sflag:s17] =	ssyncset.done $0x0;
	s22 =	sshll.u32 s22, $0x4  }
0xc0: {  	[sflag:s17] =	ssyncadd.s32 $0xFFFFE000;
	s24 =	sadd.s32 s5, s22  }
0xc1: {  	[tilespmem:s25], [sflag:$0x2] =	stream.linear.gather [hbm4b:s24+s4], $0x80, $0x38;
	[tilespmem:$0x1C040] =	vst v63  }
0xc2: {  	s22 =	sadd.s32 s6, s22  }
0xc3: {  	[tilespmem:s26], [sflag:$0x2] =	stream.linear.gather [hbm4b:s22+s4], $0x80, $0x38;
	[tilespmem:$0x1C040] =	vst v63  }
0xc4: {  	_ =	swait.ge [sflag:s18], $0x2000  }
0xc5: {  	[sflag:s18] =	ssyncset.done $0x0  }
0xc6: {  	[sflag:s18] =	ssyncadd.s32 $0xFFFFE000  }
0xc7: {  	[spmem:s2] =	stream.indirect.scatter.add.f32 [tilespmem:s13], [sflag:$0xC], $0x40, s30, s23, $0xb8;
	[tilespmem:$0x1C040] =	vst v63  }
0xc8: {  	_ =	swait.ge [sflag:s19], $0x2000  }
0xc9: {  	s24 =	smin.u32 s21, $0x99;
	s22 =	rddreg [dreg:$0x7]  }
0xca: {  	s22 =	sadd.s32 s24, s22  }
0xcb: {  	[sflag:s19] =	ssyncset.done $0x0;
	s22 =	sshll.u32 s22, $0x4  }
0xcc: {  	[sflag:s19] =	ssyncadd.s32 $0xFFFFE000;
	s24 =	sadd.s32 s5, s22  }
0xcd: {  	[tilespmem:s28], [sflag:$0x3] =	stream.linear.gather [hbm4b:s24+s4], $0x80, $0x38;
	[tilespmem:$0x1C040] =	vst v63  }
0xce: {  	s22 =	sadd.s32 s6, s22;
	s28 =	simm.s32 $0x280  }
0xcf: {  	[tilespmem:s28], [sflag:$0x3] =	stream.linear.gather [hbm4b:s22+s4], $0x80, $0x38;
	[tilespmem:$0x1C040] =	vst v63  }
0xd0: {  	_ =	swait.ge [sflag:s31], $0x80  }
0xd1: {  	[sflag:s31] =	ssyncset.done $0x0  }
0xd2: {  	[sflag:s31] =	ssyncadd.s32 $0xFFFFFF80  }
0xd3: {  	_ =	swait.ge [sflag:s31], $0x80  }
0xd4: {  	[sflag:s31] =	ssyncset.done $0x0  }
0xd5: {  	[sflag:s31] =	ssyncadd.s32 $0xFFFFFF80  }
0xd6: {  	[tilespmem:s0], [sflag:$0x5] =	stream.indirect.gather [spmem:s3], $0x40, s4, s23, $0xb8;
	[tilespmem:$0x1C040] =	vst v63  }
0xd7: {  	_ =	swait.ge [sflag:s20], $0x2000  }
0xd8: {  	s21 =	smin.u32 s21, $0x98;
	s22 =	rddreg [dreg:$0x8]  }
0xd9: {  	s21 =	sadd.s32 s21, s22  }
0xda: {  	[sflag:s20] =	ssyncset.done $0x0;
	s21 =	sshll.u32 s21, $0x4  }
0xdb: {  	s24 =	simm.s32 $0x300;
	[sflag:s20] =	ssyncadd.s32 $0xFFFFE000;
	s22 =	sadd.s32 s5, s21  }
0xdc: {  	[tilespmem:s24], [sflag:$0x4] =	stream.linear.gather [hbm4b:s22+s4], $0x80, $0x38;
	[tilespmem:$0x1C040] =	vst v63  }
0xdd: {  	s21 =	sadd.s32 s6, s21  }
0xde: {  	[tilespmem:s30], [sflag:$0x4] =	stream.linear.gather [hbm4b:s21+s4], $0x80, $0x38;
	[tilespmem:$0x1C040] =	vst v63  }
0xdf: {  	_ =	swait.ge [sflag:s1], $0x80  }
0xe0: {  	[sflag:s1] =	ssyncset.done $0x0  }
0xe1: {  	[sflag:s1] =	ssyncadd.s32 $0xFFFFFF80  }
0xe2: {  	_ =	swait.ge [sflag:s1], $0x80  }
0xe3: {  	[sflag:s1] =	ssyncset.done $0x0  }
0xe4: {  	[sflag:s1] =	ssyncadd.s32 $0xFFFFFF80  }
0xe5: {  	[tilespmem:s7], [sflag:$0x6] =	stream.indirect.gather [spmem:s3], $0x40, s25, s23, $0xb8;
	[tilespmem:$0x1C040] =	vst v63  }
0xe6: {  	p0 =	sne.s32 s9, $0x9C;
	_ =	swait.ge [sflag:s8], $0x80  }
.Ltmp0:
0xe7: {  	[sflag:s8] =	ssyncset.done $0x0;
	(pc) =	sbr.rel @p0 .LBB2_2-.Ltmp0, $4  }
0xe8: {  	[sflag:s8] =	ssyncadd.s32 $0xFFFFFF80  }
0xe9: {  	_ =	swait.ge [sflag:s8], $0x80  }
0xea: {  	[sflag:s8] =	ssyncset.done $0x0  }
0xeb: {  	s9 =	sadd.s32 $0x4, s9;
	s29 =	simm.s32 $0x200;
	[sflag:s8] =	ssyncadd.s32 $0xFFFFFF80  }
0xec: {  	[tilespmem:s10], [sflag:$0x7] =	stream.indirect.gather [spmem:s3], $0x40, s29, s23, $0xb8;
	[tilespmem:$0x1C040] =	vst v63  }
0xed: {  	_ =	swait.ge [sflag:s11], $0x2000  }
0xee: {  	[sflag:s11] =	ssyncset.done $0x0  }
0xef: {  	[sflag:s11] =	ssyncadd.s32 $0xFFFFE000  }
0xf0: {  	_ =	swait.ge [sflag:s14], $0x2000  }
0xf1: {  	[sflag:s14] =	ssyncset.done $0x0  }
0xf2: {  	[sflag:s14] =	ssyncadd.s32 $0xFFFFE000  }
0xf3: {  	_ =	swait.ge [sflag:s16], $0x2000  }
0xf4: {  	[sflag:s16] =	ssyncset.done $0x0  }
0xf5: {  	[sflag:s16] =	ssyncadd.s32 $0xFFFFE000  }
0xf6: {  	_ =	swait.ge [sflag:s12], $0x80  }
0xf7: {  	[sflag:s12] =	ssyncset.done $0x0  }
0xf8: {  	[sflag:s12] =	ssyncadd.s32 $0xFFFFFF80  }
0xf9: {  	_ =	swait.ge [sflag:s12], $0x80  }
0xfa: {  	[sflag:s12] =	ssyncset.done $0x0  }
0xfb: {  	[sflag:s12] =	ssyncadd.s32 $0xFFFFFF80  }
0xfc: {  	[bflag:$0x0] =	sbarrier.arrive $0xFFFF  }
0xfd: {  	s21 =	rddreg [dreg:$0xb]  }
0xfe: {  	s9 =	rddreg [dreg:$0x15]  }
0xff: {  	s22 =	rddreg [dreg:$0x19]  }
0x100: {  	[hbm:s9], [sflag:s21] =	dma.local [spmem:s22], $0x1400  }
0x101: {  	s22 =	simm.s32 $0xD  }
0x102: {  	_ =	swait.ge [sflag:s22], $0x1400  }
0x103: {  	s24 =	rddreg [dreg:$0x18]  }
0x104: {  	s29 =	rddreg [dreg:$0x16];
	s24 =	sadd.s32 $0x1, s24  }
0x105: {  	p0 =	sne.s32 s24, s29  }
.Ltmp1:
0x106: {  	_ = 	snop;
	(pc) =	sbr.rel @p0 .LBB2_1-.Ltmp1, $3  }
0x107: {  	_ =	sdelay $0x1  }
0x108: {  	[sflag:s22] =	ssyncset.done $0x0  }
0x109: {  	[sflag:s22] =	ssyncadd.s32 $0xFFFFEC00  }
0x10a: {  	_ =	sfence.sel $0x180000  }
0x10b: {  	[bflag:$0x0] =	sbarrier.arrive $0xFFFF  }
0x10c: {  	_ =	strace $0x90000050  }
0x10d: {  	s0 =	stileid.u32;
	[bflag:$0x2] =	sbarrier.arrive $0xFFFF  }
0x10e: {  	p0 =	sne.s32 s0, $0x0;
	s0 =	rddreg [dreg:$0x4]  }
0x10f: {  	s0 =	sadd.s32 @!p0 $0x100000, s0  }
0x110: {  	[sflag:s0] =	ssyncadd.tile.s32 @!p0 $0x1;
	_ =	shalt  }
.Lfunc_end2:
_tile_overlayer_lowered:
.L_overlay_start_2:
0x111: {  	(tag) =	ssettag $0x2  }
0x112: {  	s0 =	rddreg [dreg:$0x0];
	s2 =	stileid.u32  }
0x113: {  	s1 =	rddreg [dreg:$0x1];
	p0 =	sne.s32 s2, $0x0  }
0x114: {  	s3 =	rddreg [dreg:$0x2];
	[bflag:$0x3] =	sbarrier.arrive $0xFFFF;
	s2 =	simm.s32 @!p0 $0x1C0D  }
0x115: {  	[timem:s3], [sflag:s2] =	dma.local @!p0 [hbm:s0], s1  }
0x116: {  	s0 =	simm.s32 @!p0 $0xD  }
0x117: {  	_ =	swait.ge @!p0 [sflag:s0], s1  }
0x118: {  	s1 =	ssub.s32 @!p0 $0x0, s1;
	[sflag:s0] =	ssyncset.done @!p0 $0x0  }
0x119: {  	[sflag:s0] =	ssyncadd.s32 @!p0 s1  }
0x11a: {  	[bflag:$0x3] =	sbarrier.arrive $0xFFFF  }
0x11b: {  	_ =	shalt  }

</sc_bundles>
